<compile_context>
chip_gen: v7x
topology: tpu7x:2x2x1
jax: 0.10.2.dev20260603
libtpu: 0.0.44.dev20260713+nightly
codegen_flags: <defaults>
</compile_context>

<pallas_src>
import functools

import jax
import jax.numpy as jnp
from jax import lax
from jax.experimental import pallas as pl
from jax.experimental.pallas import tpu as pltpu
from jax.experimental.pallas import tpu_sc as plsc

N = 10000
E = 320000
D = 128
ED = 16
H = 128

NPAD = 10240
NB = 1024
EB = 6400

NC = 2
NS = 16
NW = NC * NS
EPW = E // NW
CHA = 80
NCHA = EPW // CHA
CHC = 200
NCHC = EPW // CHC
RPT = NPAD // NS
_MESH = plsc.VectorSubcoreMesh(core_axis_name="c", subcore_axis_name="s")


def _zero_rows(buf, rows, width):
    zero16 = jnp.zeros((16,), jnp.float32)

    def body(i, _):
        for j in range(width // 16):
            buf[i, pl.ds(j * 16, 16)] = zero16
        return _

    lax.fori_loop(0, rows, body, None)


_SC_PARAMS = pltpu.CompilerParams(needs_layout_passes=False)


HALF = 64


def _build_sc_aggregate(with_deg: bool):
    nidx = HALF if with_deg else NCHA
    out_type = [jax.ShapeDtypeStruct((NC, NPAD, H), jnp.float32)]
    scratch = [
        pltpu.VMEM((nidx * CHA,), jnp.int32),
        pltpu.VMEM((nidx, CHA), jnp.int32),
        pltpu.VMEM((CHA, H), jnp.float32),
        pltpu.VMEM((CHA, H), jnp.float32),
        pltpu.VMEM_SHARED((NPAD, H), jnp.float32),
        pltpu.SemaphoreType.DMA,
        pltpu.SemaphoreType.DMA,
        pltpu.SemaphoreType.DMA,
        pltpu.SemaphoreType.DMA,
    ]
    if with_deg:
        out_type.append(jax.ShapeDtypeStruct((NW, NPAD), jnp.float32))
        scratch.insert(4, pltpu.VMEM((NPAD,), jnp.float32))

    def body(table, src_hbm, dst3d_hbm, *refs):
        if with_deg:
            (out_agg, out_deg, src_all, dst_all, rows0, rows1, deg_v, acc,
             g0, g1, s0, s1) = refs
        else:
            (out_agg, src_all, dst_all, rows0, rows1, acc, g0, g1, s0,
             s1) = refs
        c = lax.axis_index("c")
        s = lax.axis_index("s")
        wid = c * NS + s
        ones16 = jnp.ones((16,), jnp.float32)
        zero16 = jnp.zeros((16,), jnp.float32)

        pltpu.sync_copy(src_hbm.at[pl.ds(wid * EPW, nidx * CHA)], src_all)
        if with_deg:
            pltpu.sync_copy(dst3d_hbm.at[wid, pl.ds(0, HALF)], dst_all)
        else:
            pltpu.sync_copy(dst3d_hbm.at[wid], dst_all)

        _zero_rows(rows0, CHA, H)
        for k in range(RPT // CHA):
            pltpu.sync_copy(rows0, acc.at[pl.ds(s * RPT + k * CHA, CHA)])
        if with_deg:
            def zdeg(i, _):
                deg_v[pl.ds(i * 16, 16)] = zero16
                return _

            lax.fori_loop(0, NPAD // 16, zdeg, None)
        plsc.subcore_barrier()

        def gather(i, boff, rows_v, sem):
            pltpu.async_copy(
                table.at[src_all.at[pl.ds((i - boff) * CHA, CHA)]],
                rows_v, sem)

        def wait_gather(i, boff, rows_v, sem):
            pltpu.make_async_copy(
                table.at[src_all.at[pl.ds((i - boff) * CHA, CHA)]],
                rows_v, sem).wait()

        def scatter(i, boff, rows_v, sem):
            pltpu.async_copy(rows_v, acc.at[dst_all.at[i - boff]], sem,
                             add=True)
            if with_deg:
                for j in range(CHA // 16):
                    idx = dst_all[i - boff, pl.ds(j * 16, 16)]
                    plsc.addupdate_scatter(deg_v, [idx], ones16)

        def wait_scatter(i, boff, rows_v, sem):
            pltpu.make_async_copy(rows_v, acc.at[dst_all.at[i - boff]],
                                  sem).wait()

        def make_pair(boff):
            def pair(k, _):
                i = 2 * k
                wait_gather(i, boff, rows0, g0)
                scatter(i, boff, rows0, s0)
                wait_gather(i + 1, boff, rows1, g1)
                scatter(i + 1, boff, rows1, s1)
                wait_scatter(i, boff, rows0, s0)
                gather(i + 2, boff, rows0, g0)
                wait_scatter(i + 1, boff, rows1, s1)
                gather(i + 3, boff, rows1, g1)
                return _

            return pair

        gather(0, 0, rows0, g0)
        gather(1, 0, rows1, g1)

        if with_deg:
            lax.fori_loop(0, (HALF - 2) // 2, make_pair(0), None)
            i = HALF - 2
            wait_gather(i, 0, rows0, g0)
            scatter(i, 0, rows0, s0)
            wait_gather(i + 1, 0, rows1, g1)
            scatter(i + 1, 0, rows1, s1)
            pltpu.sync_copy(
                src_hbm.at[pl.ds(wid * EPW + HALF * CHA,
                                 (NCHA - HALF) * CHA)],
                src_all.at[pl.ds(0, (NCHA - HALF) * CHA)])
            pltpu.sync_copy(dst3d_hbm.at[wid, pl.ds(HALF, NCHA - HALF)],
                            dst_all.at[pl.ds(0, NCHA - HALF)])
            wait_scatter(i, 0, rows0, s0)
            gather(i + 2, HALF, rows0, g0)
            wait_scatter(i + 1, 0, rows1, s1)
            gather(i + 3, HALF, rows1, g1)
            base_pair = HALF // 2
            lax.fori_loop(base_pair, (NCHA - 3) // 2, make_pair(HALF), None)
            boff = HALF
        else:
            lax.fori_loop(0, (NCHA - 3) // 2, make_pair(0), None)
            boff = 0

        i = NCHA - 3
        wait_gather(i, boff, rows0, g0)
        scatter(i, boff, rows0, s0)
        wait_gather(i + 1, boff, rows1, g1)
        scatter(i + 1, boff, rows1, s1)
        wait_scatter(i, boff, rows0, s0)
        gather(i + 2, boff, rows0, g0)
        wait_gather(i + 2, boff, rows0, g0)
        scatter(i + 2, boff, rows0, s0)
        wait_scatter(i + 1, boff, rows1, s1)
        wait_scatter(i + 2, boff, rows0, s0)
        plsc.subcore_barrier()

        r0 = s * RPT
        for k in range(RPT // CHA):
            pltpu.sync_copy(acc.at[pl.ds(r0 + k * CHA, CHA)], rows0)
            pltpu.sync_copy(rows0, out_agg.at[c, pl.ds(r0 + k * CHA, CHA)])
        if with_deg:
            pltpu.sync_copy(deg_v, out_deg.at[wid])

    return pl.kernel(body, out_type=tuple(out_type), mesh=_MESH,
                     scratch_types=scratch, compiler_params=_SC_PARAMS)


_sc_aggregate_deg = _build_sc_aggregate(True)
_sc_aggregate = _build_sc_aggregate(False)


@functools.partial(
    pl.kernel,
    out_type=jax.ShapeDtypeStruct((E // 2, H), jnp.int32),
    mesh=_MESH,
    scratch_types=[
        pltpu.VMEM((EPW,), jnp.int32),
        pltpu.VMEM((EPW,), jnp.int32),
        pltpu.VMEM((CHC, H // 2), jnp.int32),
        pltpu.VMEM((CHC, H // 2), jnp.int32),
        pltpu.VMEM((CHC, H // 2), jnp.int32),
        pltpu.VMEM((CHC, H // 2), jnp.int32),
        pltpu.VMEM((CHC // 2, H), jnp.int32),
        pltpu.VMEM((CHC // 2, H), jnp.int32),
        pltpu.SemaphoreType.DMA,
        pltpu.SemaphoreType.DMA,
        pltpu.SemaphoreType.DMA,
        pltpu.SemaphoreType.DMA,
    ],
    compiler_params=pltpu.CompilerParams(needs_layout_passes=False,
                                         use_tc_tiling_on_sc=False),
)
def _sc_edge_combine(ps_hbm, pd_hbm, src_hbm, dst_hbm, out_g,
                     src_all, dst_all, bufa0, bufa1, bufb0, bufb1,
                     wb0, wb1, g0, g1, w0, w1):
    c = lax.axis_index("c")
    s = lax.axis_index("s")
    wid = c * NS + s
    base = wid * EPW
    pltpu.sync_copy(src_hbm.at[pl.ds(base, EPW)], src_all)
    pltpu.sync_copy(dst_hbm.at[pl.ds(base, EPW)], dst_all)

    def gathers(i, buf_a, buf_b, sem):
        sl = pl.ds(i * CHC, CHC)
        pltpu.async_copy(ps_hbm.at[src_all.at[sl]], buf_a, sem)
        pltpu.async_copy(pd_hbm.at[dst_all.at[sl]], buf_b, sem)

    def wait_gathers(i, buf_a, buf_b, sem):
        sl = pl.ds(i * CHC, CHC)
        pltpu.make_async_copy(ps_hbm.at[src_all.at[sl]], buf_a, sem).wait()
        pltpu.make_async_copy(pd_hbm.at[dst_all.at[sl]], buf_b, sem).wait()

    def add_and_write(i, buf_a, buf_b, wbuf, sem):
        def add_row(r2, _):
            for e in range(2):
                for j in range(H // 32):
                    sl = pl.ds(j * 16, 16)
                    a = plsc.bitcast(buf_a[2 * r2 + e, sl], jnp.bfloat16)
                    bv = plsc.bitcast(buf_b[2 * r2 + e, sl], jnp.bfloat16)
                    wbuf[r2, pl.ds(e * 64 + j * 16, 16)] = plsc.bitcast(
                        a + bv, jnp.int32)
            return _

        lax.fori_loop(0, CHC // 2, add_row, None)
        pltpu.async_copy(
            wbuf, out_g.at[pl.ds((base + i * CHC) // 2, CHC // 2)], sem)

    def wait_write(i, wbuf, sem):
        pltpu.make_async_copy(
            wbuf, out_g.at[pl.ds((base + i * CHC) // 2, CHC // 2)],
            sem).wait()

    gathers(0, bufa0, bufb0, g0)
    gathers(1, bufa1, bufb1, g1)

    def pair(k, _):
        i = 2 * k
        wait_gathers(i, bufa0, bufb0, g0)
        add_and_write(i, bufa0, bufb0, wb0, w0)
        wait_gathers(i + 1, bufa1, bufb1, g1)
        add_and_write(i + 1, bufa1, bufb1, wb1, w1)
        wait_write(i, wb0, w0)
        gathers(i + 2, bufa0, bufb0, g0)
        wait_write(i + 1, wb1, w1)
        gathers(i + 3, bufa1, bufb1, g1)
        return _

    lax.fori_loop(0, NCHC // 2 - 1, pair, None)
    i = NCHC - 2
    wait_gathers(i, bufa0, bufb0, g0)
    add_and_write(i, bufa0, bufb0, wb0, w0)
    wait_gathers(i + 1, bufa1, bufb1, g1)
    add_and_write(i + 1, bufa1, bufb1, wb1, w1)
    wait_write(i, wb0, w0)
    wait_write(i + 1, wb1, w1)


def _tc_two_matmul(x, wa, wb):

    def body(x_ref, wa_ref, wb_ref, oa_ref, ob_ref):
        xv = x_ref[...]
        oa_ref[...] = jnp.dot(xv, wa_ref[...], preferred_element_type=jnp.float32)
        ob_ref[...] = jnp.dot(xv, wb_ref[...], preferred_element_type=jnp.float32)

    return pl.pallas_call(
        body,
        grid=(NPAD // NB,),
        in_specs=[
            pl.BlockSpec((NB, D), lambda i: (i, 0)),
            pl.BlockSpec((D, H), lambda i: (0, 0)),
            pl.BlockSpec((D, H), lambda i: (0, 0)),
        ],
        out_specs=[
            pl.BlockSpec((NB, H), lambda i: (i, 0)),
            pl.BlockSpec((NB, H), lambda i: (i, 0)),
        ],
        out_shape=[
            jax.ShapeDtypeStruct((NPAD, H), jnp.float32),
            jax.ShapeDtypeStruct((NPAD, H), jnp.float32),
        ],
    )(x, wa, wb)


def _tc_sage_update(xs, parts, degp, b, wa, wb, act: bool, pack: bool = False):

    def body(xs_ref, p_ref, dp_ref, b_ref, wa_ref, wb_ref, oa_ref, ob_ref):
        deg = jnp.sum(dp_ref[...], axis=0)
        rdeg = 1.0 / jnp.maximum(deg, 1.0)
        psum = p_ref[0] + p_ref[1]
        h = xs_ref[...] + psum * rdeg[:, None] + b_ref[...]
        if act:
            h = jnp.maximum(h, 0.0)
        ma = jnp.dot(h, wa_ref[...], preferred_element_type=jnp.float32)
        mb = jnp.dot(h, wb_ref[...], preferred_element_type=jnp.float32)
        if pack:
            ua = lax.bitcast_convert_type(ma, jnp.uint32) + jnp.uint32(0x8000)
            ub = lax.bitcast_convert_type(mb, jnp.uint32) + jnp.uint32(0x8000)
            pa = (ua[:, :64] >> 16) | (ua[:, 64:] & jnp.uint32(0xFFFF0000))
            pb = (ub[:, :64] >> 16) | (ub[:, 64:] & jnp.uint32(0xFFFF0000))
            oa_ref[...] = lax.bitcast_convert_type(
                jnp.concatenate([pa[:NB // 2], pa[NB // 2:]], axis=1),
                jnp.int32)
            ob_ref[...] = lax.bitcast_convert_type(
                jnp.concatenate([pb[:NB // 2], pb[NB // 2:]], axis=1),
                jnp.int32)
        else:
            oa_ref[...] = ma
            ob_ref[...] = mb

    return pl.pallas_call(
        body,
        grid=(NPAD // NB,),
        in_specs=[
            pl.BlockSpec((NB, H), lambda i: (i, 0)),
            pl.BlockSpec((NC, NB, H), lambda i: (0, i, 0)),
            pl.BlockSpec((NW, NB), lambda i: (0, i)),
            pl.BlockSpec((1, H), lambda i: (0, 0)),
            pl.BlockSpec((H, H), lambda i: (0, 0)),
            pl.BlockSpec((H, H), lambda i: (0, 0)),
        ],
        out_specs=[
            pl.BlockSpec((NB // 2 if pack else NB, H), lambda i: (i, 0)),
            pl.BlockSpec((NB // 2 if pack else NB, H), lambda i: (i, 0)),
        ],
        out_shape=[
            jax.ShapeDtypeStruct((NPAD // 2 if pack else NPAD, H),
                                 jnp.int32 if pack else jnp.float32),
            jax.ShapeDtypeStruct((NPAD // 2 if pack else NPAD, H),
                                 jnp.int32 if pack else jnp.float32),
        ],
    )(xs, parts, degp, b, wa, wb)


def _tc_edge_mlp(g, efp, wc, bm1, wm2, bm2, wm3, bm3):

    def body(g_ref, ef_ref, wc_ref, b1_ref, w2_ref, b2_ref, w3_ref, b3_ref,
             out_ref):
        gu = lax.bitcast_convert_type(g_ref[...], jnp.uint32)
        outs = []
        for e in range(2):
            ge = gu[:, e * 64:(e + 1) * 64]
            glo = lax.bitcast_convert_type(ge << 16, jnp.float32)
            ghi = lax.bitcast_convert_type(ge & jnp.uint32(0xFFFF0000),
                                           jnp.float32)
            gf = jnp.concatenate([glo, ghi], axis=1)
            efe = ef_ref[:, e * ED:(e + 1) * ED]
            z1 = gf + jnp.dot(efe, wc_ref[...],
                              preferred_element_type=jnp.float32)
            z1 = jnp.maximum(z1 + b1_ref[...], 0.0)
            z2 = jnp.dot(z1, w2_ref[...], preferred_element_type=jnp.float32)
            z2 = jnp.maximum(z2 + b2_ref[...], 0.0)
            outs.append(jnp.dot(z2, w3_ref[...],
                                preferred_element_type=jnp.float32)
                        + b3_ref[...])
        out_ref[...] = jnp.concatenate(outs, axis=1)

    return pl.pallas_call(
        body,
        grid=(E // EB,),
        in_specs=[
            pl.BlockSpec((EB // 2, H), lambda i: (i, 0)),
            pl.BlockSpec((EB // 2, 2 * ED), lambda i: (i, 0)),
            pl.BlockSpec((ED, H), lambda i: (0, 0)),
            pl.BlockSpec((1, H), lambda i: (0, 0)),
            pl.BlockSpec((H, H // 2), lambda i: (0, 0)),
            pl.BlockSpec((1, H // 2), lambda i: (0, 0)),
            pl.BlockSpec((H // 2, 1), lambda i: (0, 0)),
            pl.BlockSpec((1, 1), lambda i: (0, 0)),
        ],
        out_specs=pl.BlockSpec((EB // 2, 2), lambda i: (i, 0)),
        out_shape=jax.ShapeDtypeStruct((E // 2, 2), jnp.float32),
    )(g, efp, wc, bm1, wm2, bm2, wm3, bm3)


def kernel(node_features, edge_index, edge_features,
           W_self1, W_neigh1, b1, W_self2, W_neigh2, b2,
           Wm1, bm1, Wm2, bm2, Wm3, bm3):
    src = edge_index[0]
    dst = edge_index[1]
    dst3d = dst.reshape(NW, NCHA, CHA)
    x = jnp.concatenate(
        [node_features, jnp.zeros((NPAD - N, D), jnp.float32)], axis=0)

    xs1, xw1 = _tc_two_matmul(x, W_self1, W_neigh1)
    p1, degp = _sc_aggregate_deg(xw1, src, dst3d)
    hs2, hw2 = _tc_sage_update(xs1, p1, degp, b1.reshape(1, H),
                               W_self2, W_neigh2, act=True)

    (p2,) = _sc_aggregate(hw2, src, dst3d)
    ps, pd = _tc_sage_update(hs2, p2, degp, b2.reshape(1, H),
                             Wm1[:H], Wm1[H:2 * H], act=False, pack=True)

    def _packed_row(n):
        return (n & -1024) | ((n & 511) << 1) | ((n >> 9) & 1)

    g = _sc_edge_combine(ps.reshape(NPAD, H // 2), pd.reshape(NPAD, H // 2),
                         _packed_row(src), _packed_row(dst))
    logits = _tc_edge_mlp(g, edge_features.reshape(E // 2, 2 * ED),
                          Wm1[2 * H:], bm1.reshape(1, H),
                          Wm2, bm2.reshape(1, H // 2), Wm3,
                          bm3.reshape(1, 1))
    return logits.reshape(E)

# --- scband reference (transcript-rebuilt; emitter-appended) ---
"""Pipeline reference for scband-gnnmodel-70282844831970 (READ-ONLY COPY).

The authoritative reference and input builder live on the scoring server;
editing this copy changes nothing except your own understanding.
"""

import jax, jax.numpy as jnp
import numpy as np

N = 10000
E = 320000
D = 128
ED = 16
H = 128


def setup_inputs(seed: int = 0) -> dict:
    key = jax.random.key(seed)
    ks = jax.random.split(key, 16)
    s = 0.05
    inp = {}
    inp["node_features"] = jax.random.normal(ks[0], (N, D), dtype=jnp.float32)
    inp["edge_index"] = jax.random.randint(ks[1], (2, E), 0, N)
    inp["edge_features"] = jax.random.normal(ks[2], (E, ED), dtype=jnp.float32)
    # GraphSAGE encoder layer 1 params (self + neighbor linear)
    inp["W_self1"] = jax.random.normal(ks[3], (D, H), dtype=jnp.float32) * s
    inp["W_neigh1"] = jax.random.normal(ks[4], (D, H), dtype=jnp.float32) * s
    inp["b1"] = jnp.zeros((H,), dtype=jnp.float32)
    # GraphSAGE encoder layer 2 params
    inp["W_self2"] = jax.random.normal(ks[5], (H, H), dtype=jnp.float32) * s
    inp["W_neigh2"] = jax.random.normal(ks[6], (H, H), dtype=jnp.float32) * s
    inp["b2"] = jnp.zeros((H,), dtype=jnp.float32)
    # Edge classifier MLP params: (2H+ED -> H -> H//2 -> 1)
    inp["Wm1"] = jax.random.normal(ks[7], (2 * H + ED, H), dtype=jnp.float32) * s
    inp["bm1"] = jnp.zeros((H,), dtype=jnp.float32)
    inp["Wm2"] = jax.random.normal(ks[8], (H, H // 2), dtype=jnp.float32) * s
    inp["bm2"] = jnp.zeros((H // 2,), dtype=jnp.float32)
    inp["Wm3"] = jax.random.normal(ks[9], (H // 2, 1), dtype=jnp.float32) * s
    inp["bm3"] = jnp.zeros((1,), dtype=jnp.float32)
    return inp


def reference(node_features, edge_index, edge_features,
              W_self1, W_neigh1, b1, W_self2, W_neigh2, b2,
              Wm1, bm1, Wm2, bm2, Wm3, bm3):
    src = edge_index[0]
    dst = edge_index[1]

    def sage_layer(x, Ws, Wn, b, act):
        # mean aggregation of neighbor messages (src -> dst)
        msgs = jnp.take(x, src, axis=0)
        agg = jax.ops.segment_sum(msgs, dst, num_segments=N)
        deg = jax.ops.segment_sum(jnp.ones((E,), dtype=x.dtype), dst, num_segments=N)
        agg = agg / jnp.maximum(deg, 1.0)[:, None]
        out = x @ Ws + agg @ Wn + b
        if act:
            out = jax.nn.relu(out)
        # dropout is identity in eval mode
        return out

    h = sage_layer(node_features, W_self1, W_neigh1, b1, True)
    node_emb = sage_layer(h, W_self2, W_neigh2, b2, False)

    src_emb = jnp.take(node_emb, src, axis=0)
    dst_emb = jnp.take(node_emb, dst, axis=0)
    z = jnp.concatenate([src_emb, dst_emb, edge_features], axis=1)
    z = jax.nn.relu(z @ Wm1 + bm1)
    z = jax.nn.relu(z @ Wm2 + bm2)
    logits = (z @ Wm3 + bm3).squeeze(-1)
    return logits

if __name__ == "__main__":
    import jax
    _d = setup_inputs()
    print(jax.jit(kernel)(*tuple(_d.values())))

</pallas_src>

<mosaic_0001>
#map = affine_map<(d0, d1) -> (0, 0)>
#map1 = affine_map<(d0, d1) -> (0)>
#map2 = affine_map<(d0, d1) -> (0, 0, 0)>
module attributes {stable_mosaic.version = 14 : i64} {
  func.func @body(%arg0: i32, %arg1: i32, %arg2: memref<10240x128xf32, #tpu.memory_space<hbm>>, %arg3: memref<320000xi32, #tpu.memory_space<hbm>>, %arg4: memref<32x125x80xi32, #tpu.memory_space<hbm>>, %arg5: memref<2x10240x128xf32, #tpu.memory_space<hbm>>, %arg6: memref<32x10240xf32, #tpu.memory_space<hbm>>, %arg7: memref<5120xi32, #tpu.memory_space<vmem>>, %arg8: memref<64x80xi32, #tpu.memory_space<vmem>>, %arg9: memref<80x128xf32, #tpu.memory_space<vmem>>, %arg10: memref<80x128xf32, #tpu.memory_space<vmem>>, %arg11: memref<10240xf32, #tpu.memory_space<vmem>>, %arg12: memref<10240x128xf32, #tpu.memory_space<vmem_shared>>, %arg13: memref<!tpu.dma_semaphore, #tpu.memory_space<semaphore_mem>>, %arg14: memref<!tpu.dma_semaphore, #tpu.memory_space<semaphore_mem>>, %arg15: memref<!tpu.dma_semaphore, #tpu.memory_space<semaphore_mem>>, %arg16: memref<!tpu.dma_semaphore, #tpu.memory_space<semaphore_mem>>) attributes {dimension_semantics = [#tpu.dimension_semantics<core_parallel>, #tpu.dimension_semantics<subcore_parallel>], iteration_bounds = array<i64: 2, 16>, scalar_prefetch = 0 : i64, scratch_operands = 10 : i64, tpu.core_type = #tpu.core_type<sc_vector_subcore>, window_params = [{transform_indices = #map}, {transform_indices = #map1}, {transform_indices = #map2}, {transform_indices = #map2}, {transform_indices = #map}]} {
    %mul3A = arith.constant 16 : i32
    %mul3A_0 = arith.muli %arg0, %mul3A : i32
    %add3A = arith.addi %mul3A_0, %arg1 : i32
    %broadcast_in_dim3A = arith.constant 1.000000e+00 : f32
    %broadcast_in_dim3A_1 = vector.broadcast %broadcast_in_dim3A : f32 to vector<16xf32>
    %broadcast_in_dim3A_2 = arith.constant 0.000000e+00 : f32
    %broadcast_in_dim3A_3 = vector.broadcast %broadcast_in_dim3A_2 : f32 to vector<16xf32>
    %mul3A_4 = arith.constant 10000 : i32
    %mul3A_5 = arith.muli %add3A, %mul3A_4 : i32
    "tpu.region"() ({
      %run_scoped3A = tpu.sem_alloc : memref<!tpu.dma_semaphore, #tpu.memory_space<semaphore_mem>>
      %dma_start3A_315 = tpu.memref_slice %arg3[%mul3A_5] : memref<320000xi32, #tpu.memory_space<hbm>> -> memref<5120xi32, #tpu.memory_space<hbm>>
      %dma_start3A_316 = tpu.memref_slice %arg3[%mul3A_5] : memref<320000xi32, #tpu.memory_space<hbm>> -> memref<5120xi32, #tpu.memory_space<hbm>>
      tpu.enqueue_dma source(%dma_start3A_316 : memref<5120xi32, #tpu.memory_space<hbm>>) target(%arg7 : memref<5120xi32, #tpu.memory_space<vmem>>) target_semaphore(%run_scoped3A : memref<!tpu.dma_semaphore, #tpu.memory_space<semaphore_mem>>)
      %dma_wait3A_317 = tpu.memref_slice %arg3[%mul3A_5] : memref<320000xi32, #tpu.memory_space<hbm>> -> memref<5120xi32, #tpu.memory_space<hbm>>
      %dma_wait3A_318 = tpu.memref_slice %arg3[%mul3A_5] : memref<320000xi32, #tpu.memory_space<hbm>> -> memref<5120xi32, #tpu.memory_space<hbm>>
      tpu.wait_dma2 semaphore(%run_scoped3A : memref<!tpu.dma_semaphore, #tpu.memory_space<semaphore_mem>>) src(%dma_wait3A_318 : memref<5120xi32, #tpu.memory_space<hbm>>) dst(%arg7 : memref<5120xi32, #tpu.memory_space<vmem>>)
      tpu.yield
    }) : () -> ()
    "tpu.region"() ({
      %run_scoped3A = tpu.sem_alloc : memref<!tpu.dma_semaphore, #tpu.memory_space<semaphore_mem>>
      %dma_start3A_315 = arith.constant 0 : i32
      %dma_start3A_316 = arith.constant 0 : i32
      %dma_start3A_317 = tpu.memref_slice %arg4[%add3A, %dma_start3A_315, %dma_start3A_316] : memref<32x125x80xi32, #tpu.memory_space<hbm>> -> memref<1x64x80xi32, #tpu.memory_space<hbm>>
      %dma_start3A_318 = tpu.memref_squeeze %dma_start3A_317 : memref<1x64x80xi32, #tpu.memory_space<hbm>> -> memref<64x80xi32, #tpu.memory_space<hbm>>
      %dma_start3A_319 = arith.constant 0 : i32
      %dma_start3A_320 = arith.constant 0 : i32
      %dma_start3A_321 = tpu.memref_slice %arg4[%add3A, %dma_start3A_319, %dma_start3A_320] : memref<32x125x80xi32, #tpu.memory_space<hbm>> -> memref<1x64x80xi32, #tpu.memory_space<hbm>>
      %dma_start3A_322 = tpu.memref_squeeze %dma_start3A_321 : memref<1x64x80xi32, #tpu.memory_space<hbm>> -> memref<64x80xi32, #tpu.memory_space<hbm>>
      tpu.enqueue_dma source(%dma_start3A_322 : memref<64x80xi32, #tpu.memory_space<hbm>>) target(%arg8 : memref<64x80xi32, #tpu.memory_space<vmem>>) target_semaphore(%run_scoped3A : memref<!tpu.dma_semaphore, #tpu.memory_space<semaphore_mem>>)
      %dma_wait3A_323 = arith.constant 0 : i32
      %dma_wait3A_324 = arith.constant 0 : i32
      %dma_wait3A_325 = tpu.memref_slice %arg4[%add3A, %dma_wait3A_323, %dma_wait3A_324] : memref<32x125x80xi32, #tpu.memory_space<hbm>> -> memref<1x64x80xi32, #tpu.memory_space<hbm>>
      %dma_wait3A_326 = tpu.memref_squeeze %dma_wait3A_325 : memref<1x64x80xi32, #tpu.memory_space<hbm>> -> memref<64x80xi32, #tpu.memory_space<hbm>>
      %dma_wait3A_327 = arith.constant 0 : i32
      %dma_wait3A_328 = arith.constant 0 : i32
      %dma_wait3A_329 = tpu.memref_slice %arg4[%add3A, %dma_wait3A_327, %dma_wait3A_328] : memref<32x125x80xi32, #tpu.memory_space<hbm>> -> memref<1x64x80xi32, #tpu.memory_space<hbm>>
      %dma_wait3A_330 = tpu.memref_squeeze %dma_wait3A_329 : memref<1x64x80xi32, #tpu.memory_space<hbm>> -> memref<64x80xi32, #tpu.memory_space<hbm>>
      tpu.wait_dma2 semaphore(%run_scoped3A : memref<!tpu.dma_semaphore, #tpu.memory_space<semaphore_mem>>) src(%dma_wait3A_330 : memref<64x80xi32, #tpu.memory_space<hbm>>) dst(%arg8 : memref<64x80xi32, #tpu.memory_space<vmem>>)
      tpu.yield
    }) : () -> ()
    %broadcast_in_dim3A_6 = arith.constant 0.000000e+00 : f32
    %broadcast_in_dim3A_7 = vector.broadcast %broadcast_in_dim3A_6 : f32 to vector<16xf32>
    %scan3A = arith.constant 0 : i32
    %scan3A_8 = arith.constant 80 : i32
    %scan3A_9 = arith.addi %scan3A, %scan3A_8 : i32
    %scan3A_10 = arith.constant 1 : i32
    scf.for %scan3A_315 = %scan3A to %scan3A_9 step %scan3A_10  : i32 {
      %swap3A = arith.index_cast %scan3A_315 : i32 to index
      %swap3A_316 = arith.constant 0 : index
      %swap3A_317 = tpu.vector_load %arg9[%swap3A, %swap3A_316] {strides = array<i32>} : memref<80x128xf32, #tpu.memory_space<vmem>>, vector<16xf32>,
      tpu.vector_store %arg9[%swap3A, %swap3A_316], %broadcast_in_dim3A_7 {strides = array<i32>} : memref<80x128xf32, #tpu.memory_space<vmem>>, vector<16xf32>,
      %swap3A_318 = arith.index_cast %scan3A_315 : i32 to index
      %swap3A_319 = arith.constant 16 : index
      %swap3A_320 = tpu.vector_load %arg9[%swap3A_318, %swap3A_319] {strides = array<i32>} : memref<80x128xf32, #tpu.memory_space<vmem>>, vector<16xf32>,
      tpu.vector_store %arg9[%swap3A_318, %swap3A_319], %broadcast_in_dim3A_7 {strides = array<i32>} : memref<80x128xf32, #tpu.memory_space<vmem>>, vector<16xf32>,
      %swap3A_321 = arith.index_cast %scan3A_315 : i32 to index
      %swap3A_322 = arith.constant 32 : index
      %swap3A_323 = tpu.vector_load %arg9[%swap3A_321, %swap3A_322] {strides = array<i32>} : memref<80x128xf32, #tpu.memory_space<vmem>>, vector<16xf32>,
      tpu.vector_store %arg9[%swap3A_321, %swap3A_322], %broadcast_in_dim3A_7 {strides = array<i32>} : memref<80x128xf32, #tpu.memory_space<vmem>>, vector<16xf32>,
      %swap3A_324 = arith.index_cast %scan3A_315 : i32 to index
      %swap3A_325 = arith.constant 48 : index
      %swap3A_326 = tpu.vector_load %arg9[%swap3A_324, %swap3A_325] {strides = array<i32>} : memref<80x128xf32, #tpu.memory_space<vmem>>, vector<16xf32>,
      tpu.vector_store %arg9[%swap3A_324, %swap3A_325], %broadcast_in_dim3A_7 {strides = array<i32>} : memref<80x128xf32, #tpu.memory_space<vmem>>, vector<16xf32>,
      %swap3A_327 = arith.index_cast %scan3A_315 : i32 to index
      %swap3A_328 = arith.constant 64 : index
      %swap3A_329 = tpu.vector_load %arg9[%swap3A_327, %swap3A_328] {strides = array<i32>} : memref<80x128xf32, #tpu.memory_space<vmem>>, vector<16xf32>,
      tpu.vector_store %arg9[%swap3A_327, %swap3A_328], %broadcast_in_dim3A_7 {strides = array<i32>} : memref<80x128xf32, #tpu.memory_space<vmem>>, vector<16xf32>,
      %swap3A_330 = arith.index_cast %scan3A_315 : i32 to index
      %swap3A_331 = arith.constant 80 : index
      %swap3A_332 = tpu.vector_load %arg9[%swap3A_330, %swap3A_331] {strides = array<i32>} : memref<80x128xf32, #tpu.memory_space<vmem>>, vector<16xf32>,
      tpu.vector_store %arg9[%swap3A_330, %swap3A_331], %broadcast_in_dim3A_7 {strides = array<i32>} : memref<80x128xf32, #tpu.memory_space<vmem>>, vector<16xf32>,
      %swap3A_333 = arith.index_cast %scan3A_315 : i32 to index
      %swap3A_334 = arith.constant 96 : index
      %swap3A_335 = tpu.vector_load %arg9[%swap3A_333, %swap3A_334] {strides = array<i32>} : memref<80x128xf32, #tpu.memory_space<vmem>>, vector<16xf32>,
      tpu.vector_store %arg9[%swap3A_333, %swap3A_334], %broadcast_in_dim3A_7 {strides = array<i32>} : memref<80x128xf32, #tpu.memory_space<vmem>>, vector<16xf32>,
      %swap3A_336 = arith.index_cast %scan3A_315 : i32 to index
      %swap3A_337 = arith.constant 112 : index
      %swap3A_338 = tpu.vector_load %arg9[%swap3A_336, %swap3A_337] {strides = array<i32>} : memref<80x128xf32, #tpu.memory_space<vmem>>, vector<16xf32>,
      tpu.vector_store %arg9[%swap3A_336, %swap3A_337], %broadcast_in_dim3A_7 {strides = array<i32>} : memref<80x128xf32, #tpu.memory_space<vmem>>, vector<16xf32>,
    }
    %scan3A_11 = arith.constant 80 : i32
    %mul3A_12 = arith.constant 640 : i32
    %mul3A_13 = arith.muli %arg1, %mul3A_12 : i32
    %add3A_14 = arith.constant 0 : i32
    %add3A_15 = arith.addi %mul3A_13, %add3A_14 : i32
    "tpu.region"() ({
      %run_scoped3A = tpu.sem_alloc : memref<!tpu.dma_semaphore, #tpu.memory_space<semaphore_mem>>
      %dma_start3A_315 = arith.constant 0 : i32
      %dma_start3A_316 = tpu.memref_slice %arg12[%add3A_15, %dma_start3A_315] : memref<10240x128xf32, #tpu.memory_space<vmem_shared>> -> memref<80x128xf32, #tpu.memory_space<vmem_shared>>
      %dma_start3A_317 = arith.constant 0 : i32
      %dma_start3A_318 = tpu.memref_slice %arg12[%add3A_15, %dma_start3A_317] : memref<10240x128xf32, #tpu.memory_space<vmem_shared>> -> memref<80x128xf32, #tpu.memory_space<vmem_shared>>
      tpu.enqueue_dma source(%arg9 : memref<80x128xf32, #tpu.memory_space<vmem>>) target(%dma_start3A_318 : memref<80x128xf32, #tpu.memory_space<vmem_shared>>) target_semaphore(%run_scoped3A : memref<!tpu.dma_semaphore, #tpu.memory_space<semaphore_mem>>)
      %dma_wait3A_319 = arith.constant 0 : i32
      %dma_wait3A_320 = tpu.memref_slice %arg12[%add3A_15, %dma_wait3A_319] : memref<10240x128xf32, #tpu.memory_space<vmem_shared>> -> memref<80x128xf32, #tpu.memory_space<vmem_shared>>
      %dma_wait3A_321 = arith.constant 0 : i32
      %dma_wait3A_322 = tpu.memref_slice %arg12[%add3A_15, %dma_wait3A_321] : memref<10240x128xf32, #tpu.memory_space<vmem_shared>> -> memref<80x128xf32, #tpu.memory_space<vmem_shared>>
      tpu.wait_dma2 semaphore(%run_scoped3A : memref<!tpu.dma_semaphore, #tpu.memory_space<semaphore_mem>>) src(%arg9 : memref<80x128xf32, #tpu.memory_space<vmem>>) dst(%dma_wait3A_322 : memref<80x128xf32, #tpu.memory_space<vmem_shared>>)
      tpu.yield
    }) : () -> ()
    %mul3A_16 = arith.constant 640 : i32
    %mul3A_17 = arith.muli %arg1, %mul3A_16 : i32
    %add3A_18 = arith.constant 80 : i32
    %add3A_19 = arith.addi %mul3A_17, %add3A_18 : i32
    "tpu.region"() ({
      %run_scoped3A = tpu.sem_alloc : memref<!tpu.dma_semaphore, #tpu.memory_space<semaphore_mem>>
      %dma_start3A_315 = arith.constant 0 : i32
      %dma_start3A_316 = tpu.memref_slice %arg12[%add3A_19, %dma_start3A_315] : memref<10240x128xf32, #tpu.memory_space<vmem_shared>> -> memref<80x128xf32, #tpu.memory_space<vmem_shared>>
      %dma_start3A_317 = arith.constant 0 : i32
      %dma_start3A_318 = tpu.memref_slice %arg12[%add3A_19, %dma_start3A_317] : memref<10240x128xf32, #tpu.memory_space<vmem_shared>> -> memref<80x128xf32, #tpu.memory_space<vmem_shared>>
      tpu.enqueue_dma source(%arg9 : memref<80x128xf32, #tpu.memory_space<vmem>>) target(%dma_start3A_318 : memref<80x128xf32, #tpu.memory_space<vmem_shared>>) target_semaphore(%run_scoped3A : memref<!tpu.dma_semaphore, #tpu.memory_space<semaphore_mem>>)
      %dma_wait3A_319 = arith.constant 0 : i32
      %dma_wait3A_320 = tpu.memref_slice %arg12[%add3A_19, %dma_wait3A_319] : memref<10240x128xf32, #tpu.memory_space<vmem_shared>> -> memref<80x128xf32, #tpu.memory_space<vmem_shared>>
      %dma_wait3A_321 = arith.constant 0 : i32
      %dma_wait3A_322 = tpu.memref_slice %arg12[%add3A_19, %dma_wait3A_321] : memref<10240x128xf32, #tpu.memory_space<vmem_shared>> -> memref<80x128xf32, #tpu.memory_space<vmem_shared>>
      tpu.wait_dma2 semaphore(%run_scoped3A : memref<!tpu.dma_semaphore, #tpu.memory_space<semaphore_mem>>) src(%arg9 : memref<80x128xf32, #tpu.memory_space<vmem>>) dst(%dma_wait3A_322 : memref<80x128xf32, #tpu.memory_space<vmem_shared>>)
      tpu.yield
    }) : () -> ()
    %mul3A_20 = arith.constant 640 : i32
    %mul3A_21 = arith.muli %arg1, %mul3A_20 : i32
    %add3A_22 = arith.constant 160 : i32
    %add3A_23 = arith.addi %mul3A_21, %add3A_22 : i32
    "tpu.region"() ({
      %run_scoped3A = tpu.sem_alloc : memref<!tpu.dma_semaphore, #tpu.memory_space<semaphore_mem>>
      %dma_start3A_315 = arith.constant 0 : i32
      %dma_start3A_316 = tpu.memref_slice %arg12[%add3A_23, %dma_start3A_315] : memref<10240x128xf32, #tpu.memory_space<vmem_shared>> -> memref<80x128xf32, #tpu.memory_space<vmem_shared>>
      %dma_start3A_317 = arith.constant 0 : i32
      %dma_start3A_318 = tpu.memref_slice %arg12[%add3A_23, %dma_start3A_317] : memref<10240x128xf32, #tpu.memory_space<vmem_shared>> -> memref<80x128xf32, #tpu.memory_space<vmem_shared>>
      tpu.enqueue_dma source(%arg9 : memref<80x128xf32, #tpu.memory_space<vmem>>) target(%dma_start3A_318 : memref<80x128xf32, #tpu.memory_space<vmem_shared>>) target_semaphore(%run_scoped3A : memref<!tpu.dma_semaphore, #tpu.memory_space<semaphore_mem>>)
      %dma_wait3A_319 = arith.constant 0 : i32
      %dma_wait3A_320 = tpu.memref_slice %arg12[%add3A_23, %dma_wait3A_319] : memref<10240x128xf32, #tpu.memory_space<vmem_shared>> -> memref<80x128xf32, #tpu.memory_space<vmem_shared>>
      %dma_wait3A_321 = arith.constant 0 : i32
      %dma_wait3A_322 = tpu.memref_slice %arg12[%add3A_23, %dma_wait3A_321] : memref<10240x128xf32, #tpu.memory_space<vmem_shared>> -> memref<80x128xf32, #tpu.memory_space<vmem_shared>>
      tpu.wait_dma2 semaphore(%run_scoped3A : memref<!tpu.dma_semaphore, #tpu.memory_space<semaphore_mem>>) src(%arg9 : memref<80x128xf32, #tpu.memory_space<vmem>>) dst(%dma_wait3A_322 : memref<80x128xf32, #tpu.memory_space<vmem_shared>>)
      tpu.yield
    }) : () -> ()
    %mul3A_24 = arith.constant 640 : i32
    %mul3A_25 = arith.muli %arg1, %mul3A_24 : i32
    %add3A_26 = arith.constant 240 : i32
    %add3A_27 = arith.addi %mul3A_25, %add3A_26 : i32
    "tpu.region"() ({
      %run_scoped3A = tpu.sem_alloc : memref<!tpu.dma_semaphore, #tpu.memory_space<semaphore_mem>>
      %dma_start3A_315 = arith.constant 0 : i32
      %dma_start3A_316 = tpu.memref_slice %arg12[%add3A_27, %dma_start3A_315] : memref<10240x128xf32, #tpu.memory_space<vmem_shared>> -> memref<80x128xf32, #tpu.memory_space<vmem_shared>>
      %dma_start3A_317 = arith.constant 0 : i32
      %dma_start3A_318 = tpu.memref_slice %arg12[%add3A_27, %dma_start3A_317] : memref<10240x128xf32, #tpu.memory_space<vmem_shared>> -> memref<80x128xf32, #tpu.memory_space<vmem_shared>>
      tpu.enqueue_dma source(%arg9 : memref<80x128xf32, #tpu.memory_space<vmem>>) target(%dma_start3A_318 : memref<80x128xf32, #tpu.memory_space<vmem_shared>>) target_semaphore(%run_scoped3A : memref<!tpu.dma_semaphore, #tpu.memory_space<semaphore_mem>>)
      %dma_wait3A_319 = arith.constant 0 : i32
      %dma_wait3A_320 = tpu.memref_slice %arg12[%add3A_27, %dma_wait3A_319] : memref<10240x128xf32, #tpu.memory_space<vmem_shared>> -> memref<80x128xf32, #tpu.memory_space<vmem_shared>>
      %dma_wait3A_321 = arith.constant 0 : i32
      %dma_wait3A_322 = tpu.memref_slice %arg12[%add3A_27, %dma_wait3A_321] : memref<10240x128xf32, #tpu.memory_space<vmem_shared>> -> memref<80x128xf32, #tpu.memory_space<vmem_shared>>
      tpu.wait_dma2 semaphore(%run_scoped3A : memref<!tpu.dma_semaphore, #tpu.memory_space<semaphore_mem>>) src(%arg9 : memref<80x128xf32, #tpu.memory_space<vmem>>) dst(%dma_wait3A_322 : memref<80x128xf32, #tpu.memory_space<vmem_shared>>)
      tpu.yield
    }) : () -> ()
    %mul3A_28 = arith.constant 640 : i32
    %mul3A_29 = arith.muli %arg1, %mul3A_28 : i32
    %add3A_30 = arith.constant 320 : i32
    %add3A_31 = arith.addi %mul3A_29, %add3A_30 : i32
    "tpu.region"() ({
      %run_scoped3A = tpu.sem_alloc : memref<!tpu.dma_semaphore, #tpu.memory_space<semaphore_mem>>
      %dma_start3A_315 = arith.constant 0 : i32
      %dma_start3A_316 = tpu.memref_slice %arg12[%add3A_31, %dma_start3A_315] : memref<10240x128xf32, #tpu.memory_space<vmem_shared>> -> memref<80x128xf32, #tpu.memory_space<vmem_shared>>
      %dma_start3A_317 = arith.constant 0 : i32
      %dma_start3A_318 = tpu.memref_slice %arg12[%add3A_31, %dma_start3A_317] : memref<10240x128xf32, #tpu.memory_space<vmem_shared>> -> memref<80x128xf32, #tpu.memory_space<vmem_shared>>
      tpu.enqueue_dma source(%arg9 : memref<80x128xf32, #tpu.memory_space<vmem>>) target(%dma_start3A_318 : memref<80x128xf32, #tpu.memory_space<vmem_shared>>) target_semaphore(%run_scoped3A : memref<!tpu.dma_semaphore, #tpu.memory_space<semaphore_mem>>)
      %dma_wait3A_319 = arith.constant 0 : i32
      %dma_wait3A_320 = tpu.memref_slice %arg12[%add3A_31, %dma_wait3A_319] : memref<10240x128xf32, #tpu.memory_space<vmem_shared>> -> memref<80x128xf32, #tpu.memory_space<vmem_shared>>
      %dma_wait3A_321 = arith.constant 0 : i32
      %dma_wait3A_322 = tpu.memref_slice %arg12[%add3A_31, %dma_wait3A_321] : memref<10240x128xf32, #tpu.memory_space<vmem_shared>> -> memref<80x128xf32, #tpu.memory_space<vmem_shared>>
      tpu.wait_dma2 semaphore(%run_scoped3A : memref<!tpu.dma_semaphore, #tpu.memory_space<semaphore_mem>>) src(%arg9 : memref<80x128xf32, #tpu.memory_space<vmem>>) dst(%dma_wait3A_322 : memref<80x128xf32, #tpu.memory_space<vmem_shared>>)
      tpu.yield
    }) : () -> ()
    %mul3A_32 = arith.constant 640 : i32
    %mul3A_33 = arith.muli %arg1, %mul3A_32 : i32
    %add3A_34 = arith.constant 400 : i32
    %add3A_35 = arith.addi %mul3A_33, %add3A_34 : i32
    "tpu.region"() ({
      %run_scoped3A = tpu.sem_alloc : memref<!tpu.dma_semaphore, #tpu.memory_space<semaphore_mem>>
      %dma_start3A_315 = arith.constant 0 : i32
      %dma_start3A_316 = tpu.memref_slice %arg12[%add3A_35, %dma_start3A_315] : memref<10240x128xf32, #tpu.memory_space<vmem_shared>> -> memref<80x128xf32, #tpu.memory_space<vmem_shared>>
      %dma_start3A_317 = arith.constant 0 : i32
      %dma_start3A_318 = tpu.memref_slice %arg12[%add3A_35, %dma_start3A_317] : memref<10240x128xf32, #tpu.memory_space<vmem_shared>> -> memref<80x128xf32, #tpu.memory_space<vmem_shared>>
      tpu.enqueue_dma source(%arg9 : memref<80x128xf32, #tpu.memory_space<vmem>>) target(%dma_start3A_318 : memref<80x128xf32, #tpu.memory_space<vmem_shared>>) target_semaphore(%run_scoped3A : memref<!tpu.dma_semaphore, #tpu.memory_space<semaphore_mem>>)
      %dma_wait3A_319 = arith.constant 0 : i32
      %dma_wait3A_320 = tpu.memref_slice %arg12[%add3A_35, %dma_wait3A_319] : memref<10240x128xf32, #tpu.memory_space<vmem_shared>> -> memref<80x128xf32, #tpu.memory_space<vmem_shared>>
      %dma_wait3A_321 = arith.constant 0 : i32
      %dma_wait3A_322 = tpu.memref_slice %arg12[%add3A_35, %dma_wait3A_321] : memref<10240x128xf32, #tpu.memory_space<vmem_shared>> -> memref<80x128xf32, #tpu.memory_space<vmem_shared>>
      tpu.wait_dma2 semaphore(%run_scoped3A : memref<!tpu.dma_semaphore, #tpu.memory_space<semaphore_mem>>) src(%arg9 : memref<80x128xf32, #tpu.memory_space<vmem>>) dst(%dma_wait3A_322 : memref<80x128xf32, #tpu.memory_space<vmem_shared>>)
      tpu.yield
    }) : () -> ()
    %mul3A_36 = arith.constant 640 : i32
    %mul3A_37 = arith.muli %arg1, %mul3A_36 : i32
    %add3A_38 = arith.constant 480 : i32
    %add3A_39 = arith.addi %mul3A_37, %add3A_38 : i32
    "tpu.region"() ({
      %run_scoped3A = tpu.sem_alloc : memref<!tpu.dma_semaphore, #tpu.memory_space<semaphore_mem>>
      %dma_start3A_315 = arith.constant 0 : i32
      %dma_start3A_316 = tpu.memref_slice %arg12[%add3A_39, %dma_start3A_315] : memref<10240x128xf32, #tpu.memory_space<vmem_shared>> -> memref<80x128xf32, #tpu.memory_space<vmem_shared>>
      %dma_start3A_317 = arith.constant 0 : i32
      %dma_start3A_318 = tpu.memref_slice %arg12[%add3A_39, %dma_start3A_317] : memref<10240x128xf32, #tpu.memory_space<vmem_shared>> -> memref<80x128xf32, #tpu.memory_space<vmem_shared>>
      tpu.enqueue_dma source(%arg9 : memref<80x128xf32, #tpu.memory_space<vmem>>) target(%dma_start3A_318 : memref<80x128xf32, #tpu.memory_space<vmem_shared>>) target_semaphore(%run_scoped3A : memref<!tpu.dma_semaphore, #tpu.memory_space<semaphore_mem>>)
      %dma_wait3A_319 = arith.constant 0 : i32
      %dma_wait3A_320 = tpu.memref_slice %arg12[%add3A_39, %dma_wait3A_319] : memref<10240x128xf32, #tpu.memory_space<vmem_shared>> -> memref<80x128xf32, #tpu.memory_space<vmem_shared>>
      %dma_wait3A_321 = arith.constant 0 : i32
      %dma_wait3A_322 = tpu.memref_slice %arg12[%add3A_39, %dma_wait3A_321] : memref<10240x128xf32, #tpu.memory_space<vmem_shared>> -> memref<80x128xf32, #tpu.memory_space<vmem_shared>>
      tpu.wait_dma2 semaphore(%run_scoped3A : memref<!tpu.dma_semaphore, #tpu.memory_space<semaphore_mem>>) src(%arg9 : memref<80x128xf32, #tpu.memory_space<vmem>>) dst(%dma_wait3A_322 : memref<80x128xf32, #tpu.memory_space<vmem_shared>>)
      tpu.yield
    }) : () -> ()
    %mul3A_40 = arith.constant 640 : i32
    %mul3A_41 = arith.muli %arg1, %mul3A_40 : i32
    %add3A_42 = arith.constant 560 : i32
    %add3A_43 = arith.addi %mul3A_41, %add3A_42 : i32
    "tpu.region"() ({
      %run_scoped3A = tpu.sem_alloc : memref<!tpu.dma_semaphore, #tpu.memory_space<semaphore_mem>>
      %dma_start3A_315 = arith.constant 0 : i32
      %dma_start3A_316 = tpu.memref_slice %arg12[%add3A_43, %dma_start3A_315] : memref<10240x128xf32, #tpu.memory_space<vmem_shared>> -> memref<80x128xf32, #tpu.memory_space<vmem_shared>>
      %dma_start3A_317 = arith.constant 0 : i32
      %dma_start3A_318 = tpu.memref_slice %arg12[%add3A_43, %dma_start3A_317] : memref<10240x128xf32, #tpu.memory_space<vmem_shared>> -> memref<80x128xf32, #tpu.memory_space<vmem_shared>>
      tpu.enqueue_dma source(%arg9 : memref<80x128xf32, #tpu.memory_space<vmem>>) target(%dma_start3A_318 : memref<80x128xf32, #tpu.memory_space<vmem_shared>>) target_semaphore(%run_scoped3A : memref<!tpu.dma_semaphore, #tpu.memory_space<semaphore_mem>>)
      %dma_wait3A_319 = arith.constant 0 : i32
      %dma_wait3A_320 = tpu.memref_slice %arg12[%add3A_43, %dma_wait3A_319] : memref<10240x128xf32, #tpu.memory_space<vmem_shared>> -> memref<80x128xf32, #tpu.memory_space<vmem_shared>>
      %dma_wait3A_321 = arith.constant 0 : i32
      %dma_wait3A_322 = tpu.memref_slice %arg12[%add3A_43, %dma_wait3A_321] : memref<10240x128xf32, #tpu.memory_space<vmem_shared>> -> memref<80x128xf32, #tpu.memory_space<vmem_shared>>
      tpu.wait_dma2 semaphore(%run_scoped3A : memref<!tpu.dma_semaphore, #tpu.memory_space<semaphore_mem>>) src(%arg9 : memref<80x128xf32, #tpu.memory_space<vmem>>) dst(%dma_wait3A_322 : memref<80x128xf32, #tpu.memory_space<vmem_shared>>)
      tpu.yield
    }) : () -> ()
    %scan3A_44 = arith.constant 0 : i32
    %scan3A_45 = arith.constant 640 : i32
    %scan3A_46 = arith.addi %scan3A_44, %scan3A_45 : i32
    %scan3A_47 = arith.constant 1 : i32
    scf.for %scan3A_315 = %scan3A_44 to %scan3A_46 step %scan3A_47  : i32 {
      %mul3A_316 = arith.constant 16 : i32
      %mul3A_317 = arith.muli %scan3A_315, %mul3A_316 : i32
      %swap3A = arith.index_cast %mul3A_317 : i32 to index
      %swap3A_318 = tpu.vector_load %arg11[%swap3A] {strides = array<i32>} : memref<10240xf32, #tpu.memory_space<vmem>>, vector<16xf32>,
      tpu.vector_store %arg11[%swap3A], %broadcast_in_dim3A_3 {strides = array<i32>} : memref<10240xf32, #tpu.memory_space<vmem>>, vector<16xf32>,
    }
    %scan3A_48 = arith.constant 640 : i32
    %barrier3A = arith.constant 0 : index
    tpu.barrier barrier_id(%barrier3A)
    %dma_start3A = arith.constant 0 : i32
    %dma_start3A_49 = tpu.memref_slice %arg7[%dma_start3A] : memref<5120xi32, #tpu.memory_space<vmem>> -> memref<80xi32, #tpu.memory_space<vmem>>
    %dma_start3A_50 = arith.constant 0 : i32
    %dma_start3A_51 = arith.constant 0 : i32
    %dma_start3A_52 = tpu.memref_slice %arg2[%dma_start3A_50, %dma_start3A_51] : memref<10240x128xf32, #tpu.memory_space<hbm>> -> memref<10240x128xf32, #tpu.memory_space<hbm>>
    tpu.enqueue_indirect_dma source(%dma_start3A_52 : memref<10240x128xf32, #tpu.memory_space<hbm>>) target(%arg9 : memref<80x128xf32, #tpu.memory_space<vmem>>) offsets(%dma_start3A_49 : memref<80xi32, #tpu.memory_space<vmem>>) semaphore(%arg13 : memref<!tpu.dma_semaphore, #tpu.memory_space<semaphore_mem>>)
    %dma_start3A_53 = arith.constant 80 : i32
    %dma_start3A_54 = tpu.memref_slice %arg7[%dma_start3A_53] : memref<5120xi32, #tpu.memory_space<vmem>> -> memref<80xi32, #tpu.memory_space<vmem>>
    %dma_start3A_55 = arith.constant 0 : i32
    %dma_start3A_56 = arith.constant 0 : i32
    %dma_start3A_57 = tpu.memref_slice %arg2[%dma_start3A_55, %dma_start3A_56] : memref<10240x128xf32, #tpu.memory_space<hbm>> -> memref<10240x128xf32, #tpu.memory_space<hbm>>
    tpu.enqueue_indirect_dma source(%dma_start3A_57 : memref<10240x128xf32, #tpu.memory_space<hbm>>) target(%arg10 : memref<80x128xf32, #tpu.memory_space<vmem>>) offsets(%dma_start3A_54 : memref<80xi32, #tpu.memory_space<vmem>>) semaphore(%arg14 : memref<!tpu.dma_semaphore, #tpu.memory_space<semaphore_mem>>)
    %scan3A_58 = arith.constant 0 : i32
    %scan3A_59 = arith.constant 31 : i32
    %scan3A_60 = arith.addi %scan3A_58, %scan3A_59 : i32
    %scan3A_61 = arith.constant 1 : i32
    scf.for %scan3A_315 = %scan3A_58 to %scan3A_60 step %scan3A_61  : i32 {
      %mul3A_316 = arith.constant 2 : i32
      %mul3A_317 = arith.muli %mul3A_316, %scan3A_315 : i32
      %sub3A = arith.constant 0 : i32
      %sub3A_318 = arith.subi %mul3A_317, %sub3A : i32
      %mul3A_319 = arith.constant 80 : i32
      %mul3A_320 = arith.muli %sub3A_318, %mul3A_319 : i32
      %dma_wait3A_321 = tpu.memref_slice %arg7[%mul3A_320] : memref<5120xi32, #tpu.memory_space<vmem>> -> memref<80xi32, #tpu.memory_space<vmem>>
      %dma_wait3A_322 = arith.constant 0 : i32
      %dma_wait3A_323 = arith.constant 0 : i32
      %dma_wait3A_324 = tpu.memref_slice %arg2[%dma_wait3A_322, %dma_wait3A_323] : memref<10240x128xf32, #tpu.memory_space<hbm>> -> memref<10240x128xf32, #tpu.memory_space<hbm>>
      tpu.wait_indirect_dma semaphore(%arg13 : memref<!tpu.dma_semaphore, #tpu.memory_space<semaphore_mem>>) src(%dma_wait3A_324 : memref<10240x128xf32, #tpu.memory_space<hbm>>) dst(%arg9 : memref<80x128xf32, #tpu.memory_space<vmem>>)
      %sub3A_325 = arith.constant 0 : i32
      %sub3A_326 = arith.subi %mul3A_317, %sub3A_325 : i32
      %dma_start3A_327 = arith.constant 0 : i32
      %dma_start3A_328 = tpu.memref_slice %arg8[%sub3A_326, %dma_start3A_327] : memref<64x80xi32, #tpu.memory_space<vmem>> -> memref<1x80xi32, #tpu.memory_space<vmem>>
      %dma_start3A_329 = tpu.memref_squeeze %dma_start3A_328 : memref<1x80xi32, #tpu.memory_space<vmem>> -> memref<80xi32, #tpu.memory_space<vmem>>
      %dma_start3A_330 = arith.constant 0 : i32
      %dma_start3A_331 = arith.constant 0 : i32
      %dma_start3A_332 = tpu.memref_slice %arg12[%dma_start3A_330, %dma_start3A_331] : memref<10240x128xf32, #tpu.memory_space<vmem_shared>> -> memref<10240x128xf32, #tpu.memory_space<vmem_shared>>
      tpu.enqueue_indirect_dma source(%arg9 : memref<80x128xf32, #tpu.memory_space<vmem>>) target(%dma_start3A_332 : memref<10240x128xf32, #tpu.memory_space<vmem_shared>>) offsets(%dma_start3A_329 : memref<80xi32, #tpu.memory_space<vmem>>) semaphore(%arg15 : memref<!tpu.dma_semaphore, #tpu.memory_space<semaphore_mem>>) {add = true}
      %sub3A_333 = arith.constant 0 : i32
      %sub3A_334 = arith.subi %mul3A_317, %sub3A_333 : i32
      %get3A_335 = arith.index_cast %sub3A_334 : i32 to index
      %get3A_336 = arith.constant 0 : index
      %get3A_337 = tpu.vector_load %arg8[%get3A_335, %get3A_336] {strides = array<i32>} : memref<64x80xi32, #tpu.memory_space<vmem>>, vector<16xi32>,
      tpu.vector_store_idx %arg11[%get3A_337], %broadcast_in_dim3A_1 {add = true} : memref<10240xf32, #tpu.memory_space<vmem>>[vector<16xi32>], vector<16xf32>,
      %sub3A_338 = arith.constant 0 : i32
      %sub3A_339 = arith.subi %mul3A_317, %sub3A_338 : i32
      %get3A_340 = arith.index_cast %sub3A_339 : i32 to index
      %get3A_341 = arith.constant 16 : index
      %get3A_342 = tpu.vector_load %arg8[%get3A_340, %get3A_341] {strides = array<i32>} : memref<64x80xi32, #tpu.memory_space<vmem>>, vector<16xi32>,
      tpu.vector_store_idx %arg11[%get3A_342], %broadcast_in_dim3A_1 {add = true} : memref<10240xf32, #tpu.memory_space<vmem>>[vector<16xi32>], vector<16xf32>,
      %sub3A_343 = arith.constant 0 : i32
      %sub3A_344 = arith.subi %mul3A_317, %sub3A_343 : i32
      %get3A_345 = arith.index_cast %sub3A_344 : i32 to index
      %get3A_346 = arith.constant 32 : index
      %get3A_347 = tpu.vector_load %arg8[%get3A_345, %get3A_346] {strides = array<i32>} : memref<64x80xi32, #tpu.memory_space<vmem>>, vector<16xi32>,
      tpu.vector_store_idx %arg11[%get3A_347], %broadcast_in_dim3A_1 {add = true} : memref<10240xf32, #tpu.memory_space<vmem>>[vector<16xi32>], vector<16xf32>,
      %sub3A_348 = arith.constant 0 : i32
      %sub3A_349 = arith.subi %mul3A_317, %sub3A_348 : i32
      %get3A_350 = arith.index_cast %sub3A_349 : i32 to index
      %get3A_351 = arith.constant 48 : index
      %get3A_352 = tpu.vector_load %arg8[%get3A_350, %get3A_351] {strides = array<i32>} : memref<64x80xi32, #tpu.memory_space<vmem>>, vector<16xi32>,
      tpu.vector_store_idx %arg11[%get3A_352], %broadcast_in_dim3A_1 {add = true} : memref<10240xf32, #tpu.memory_space<vmem>>[vector<16xi32>], vector<16xf32>,
      %sub3A_353 = arith.constant 0 : i32
      %sub3A_354 = arith.subi %mul3A_317, %sub3A_353 : i32
      %get3A_355 = arith.index_cast %sub3A_354 : i32 to index
      %get3A_356 = arith.constant 64 : index
      %get3A_357 = tpu.vector_load %arg8[%get3A_355, %get3A_356] {strides = array<i32>} : memref<64x80xi32, #tpu.memory_space<vmem>>, vector<16xi32>,
      tpu.vector_store_idx %arg11[%get3A_357], %broadcast_in_dim3A_1 {add = true} : memref<10240xf32, #tpu.memory_space<vmem>>[vector<16xi32>], vector<16xf32>,
      %add3A_358 = arith.constant 1 : i32
      %add3A_359 = arith.addi %mul3A_317, %add3A_358 : i32
      %sub3A_360 = arith.constant 0 : i32
      %sub3A_361 = arith.subi %add3A_359, %sub3A_360 : i32
      %mul3A_362 = arith.constant 80 : i32
      %mul3A_363 = arith.muli %sub3A_361, %mul3A_362 : i32
      %dma_wait3A_364 = tpu.memref_slice %arg7[%mul3A_363] : memref<5120xi32, #tpu.memory_space<vmem>> -> memref<80xi32, #tpu.memory_space<vmem>>
      %dma_wait3A_365 = arith.constant 0 : i32
      %dma_wait3A_366 = arith.constant 0 : i32
      %dma_wait3A_367 = tpu.memref_slice %arg2[%dma_wait3A_365, %dma_wait3A_366] : memref<10240x128xf32, #tpu.memory_space<hbm>> -> memref<10240x128xf32, #tpu.memory_space<hbm>>
      tpu.wait_indirect_dma semaphore(%arg14 : memref<!tpu.dma_semaphore, #tpu.memory_space<semaphore_mem>>) src(%dma_wait3A_367 : memref<10240x128xf32, #tpu.memory_space<hbm>>) dst(%arg10 : memref<80x128xf32, #tpu.memory_space<vmem>>)
      %add3A_368 = arith.constant 1 : i32
      %add3A_369 = arith.addi %mul3A_317, %add3A_368 : i32
      %sub3A_370 = arith.constant 0 : i32
      %sub3A_371 = arith.subi %add3A_369, %sub3A_370 : i32
      %dma_start3A_372 = arith.constant 0 : i32
      %dma_start3A_373 = tpu.memref_slice %arg8[%sub3A_371, %dma_start3A_372] : memref<64x80xi32, #tpu.memory_space<vmem>> -> memref<1x80xi32, #tpu.memory_space<vmem>>
      %dma_start3A_374 = tpu.memref_squeeze %dma_start3A_373 : memref<1x80xi32, #tpu.memory_space<vmem>> -> memref<80xi32, #tpu.memory_space<vmem>>
      %dma_start3A_375 = arith.constant 0 : i32
      %dma_start3A_376 = arith.constant 0 : i32
      %dma_start3A_377 = tpu.memref_slice %arg12[%dma_start3A_375, %dma_start3A_376] : memref<10240x128xf32, #tpu.memory_space<vmem_shared>> -> memref<10240x128xf32, #tpu.memory_space<vmem_shared>>
      tpu.enqueue_indirect_dma source(%arg10 : memref<80x128xf32, #tpu.memory_space<vmem>>) target(%dma_start3A_377 : memref<10240x128xf32, #tpu.memory_space<vmem_shared>>) offsets(%dma_start3A_374 : memref<80xi32, #tpu.memory_space<vmem>>) semaphore(%arg16 : memref<!tpu.dma_semaphore, #tpu.memory_space<semaphore_mem>>) {add = true}
      %sub3A_378 = arith.constant 0 : i32
      %sub3A_379 = arith.subi %add3A_369, %sub3A_378 : i32
      %get3A_380 = arith.index_cast %sub3A_379 : i32 to index
      %get3A_381 = arith.constant 0 : index
      %get3A_382 = tpu.vector_load %arg8[%get3A_380, %get3A_381] {strides = array<i32>} : memref<64x80xi32, #tpu.memory_space<vmem>>, vector<16xi32>,
      tpu.vector_store_idx %arg11[%get3A_382], %broadcast_in_dim3A_1 {add = true} : memref<10240xf32, #tpu.memory_space<vmem>>[vector<16xi32>], vector<16xf32>,
      %sub3A_383 = arith.constant 0 : i32
      %sub3A_384 = arith.subi %add3A_369, %sub3A_383 : i32
      %get3A_385 = arith.index_cast %sub3A_384 : i32 to index
      %get3A_386 = arith.constant 16 : index
      %get3A_387 = tpu.vector_load %arg8[%get3A_385, %get3A_386] {strides = array<i32>} : memref<64x80xi32, #tpu.memory_space<vmem>>, vector<16xi32>,
      tpu.vector_store_idx %arg11[%get3A_387], %broadcast_in_dim3A_1 {add = true} : memref<10240xf32, #tpu.memory_space<vmem>>[vector<16xi32>], vector<16xf32>,
      %sub3A_388 = arith.constant 0 : i32
      %sub3A_389 = arith.subi %add3A_369, %sub3A_388 : i32
      %get3A_390 = arith.index_cast %sub3A_389 : i32 to index
      %get3A_391 = arith.constant 32 : index
      %get3A_392 = tpu.vector_load %arg8[%get3A_390, %get3A_391] {strides = array<i32>} : memref<64x80xi32, #tpu.memory_space<vmem>>, vector<16xi32>,
      tpu.vector_store_idx %arg11[%get3A_392], %broadcast_in_dim3A_1 {add = true} : memref<10240xf32, #tpu.memory_space<vmem>>[vector<16xi32>], vector<16xf32>,
      %sub3A_393 = arith.constant 0 : i32
      %sub3A_394 = arith.subi %add3A_369, %sub3A_393 : i32
      %get3A_395 = arith.index_cast %sub3A_394 : i32 to index
      %get3A_396 = arith.constant 48 : index
      %get3A_397 = tpu.vector_load %arg8[%get3A_395, %get3A_396] {strides = array<i32>} : memref<64x80xi32, #tpu.memory_space<vmem>>, vector<16xi32>,
      tpu.vector_store_idx %arg11[%get3A_397], %broadcast_in_dim3A_1 {add = true} : memref<10240xf32, #tpu.memory_space<vmem>>[vector<16xi32>], vector<16xf32>,
      %sub3A_398 = arith.constant 0 : i32
      %sub3A_399 = arith.subi %add3A_369, %sub3A_398 : i32
      %get3A_400 = arith.index_cast %sub3A_399 : i32 to index
      %get3A_401 = arith.constant 64 : index
      %get3A_402 = tpu.vector_load %arg8[%get3A_400, %get3A_401] {strides = array<i32>} : memref<64x80xi32, #tpu.memory_space<vmem>>, vector<16xi32>,
      tpu.vector_store_idx %arg11[%get3A_402], %broadcast_in_dim3A_1 {add = true} : memref<10240xf32, #tpu.memory_space<vmem>>[vector<16xi32>], vector<16xf32>,
      %sub3A_403 = arith.constant 0 : i32
      %sub3A_404 = arith.subi %mul3A_317, %sub3A_403 : i32
      %dma_wait3A_405 = arith.constant 0 : i32
      %dma_wait3A_406 = tpu.memref_slice %arg8[%sub3A_404, %dma_wait3A_405] : memref<64x80xi32, #tpu.memory_space<vmem>> -> memref<1x80xi32, #tpu.memory_space<vmem>>
      %dma_wait3A_407 = tpu.memref_squeeze %dma_wait3A_406 : memref<1x80xi32, #tpu.memory_space<vmem>> -> memref<80xi32, #tpu.memory_space<vmem>>
      %dma_wait3A_408 = arith.constant 0 : i32
      %dma_wait3A_409 = arith.constant 0 : i32
      %dma_wait3A_410 = tpu.memref_slice %arg12[%dma_wait3A_408, %dma_wait3A_409] : memref<10240x128xf32, #tpu.memory_space<vmem_shared>> -> memref<10240x128xf32, #tpu.memory_space<vmem_shared>>
      tpu.wait_indirect_dma semaphore(%arg15 : memref<!tpu.dma_semaphore, #tpu.memory_space<semaphore_mem>>) src(%arg9 : memref<80x128xf32, #tpu.memory_space<vmem>>) dst(%dma_wait3A_410 : memref<10240x128xf32, #tpu.memory_space<vmem_shared>>)
      %add3A_411 = arith.constant 2 : i32
      %add3A_412 = arith.addi %mul3A_317, %add3A_411 : i32
      %sub3A_413 = arith.constant 0 : i32
      %sub3A_414 = arith.subi %add3A_412, %sub3A_413 : i32
      %mul3A_415 = arith.constant 80 : i32
      %mul3A_416 = arith.muli %sub3A_414, %mul3A_415 : i32
      %dma_start3A_417 = tpu.memref_slice %arg7[%mul3A_416] : memref<5120xi32, #tpu.memory_space<vmem>> -> memref<80xi32, #tpu.memory_space<vmem>>
      %dma_start3A_418 = arith.constant 0 : i32
      %dma_start3A_419 = arith.constant 0 : i32
      %dma_start3A_420 = tpu.memref_slice %arg2[%dma_start3A_418, %dma_start3A_419] : memref<10240x128xf32, #tpu.memory_space<hbm>> -> memref<10240x128xf32, #tpu.memory_space<hbm>>
      tpu.enqueue_indirect_dma source(%dma_start3A_420 : memref<10240x128xf32, #tpu.memory_space<hbm>>) target(%arg9 : memref<80x128xf32, #tpu.memory_space<vmem>>) offsets(%dma_start3A_417 : memref<80xi32, #tpu.memory_space<vmem>>) semaphore(%arg13 : memref<!tpu.dma_semaphore, #tpu.memory_space<semaphore_mem>>)
      %add3A_421 = arith.constant 1 : i32
      %add3A_422 = arith.addi %mul3A_317, %add3A_421 : i32
      %sub3A_423 = arith.constant 0 : i32
      %sub3A_424 = arith.subi %add3A_422, %sub3A_423 : i32
      %dma_wait3A_425 = arith.constant 0 : i32
      %dma_wait3A_426 = tpu.memref_slice %arg8[%sub3A_424, %dma_wait3A_425] : memref<64x80xi32, #tpu.memory_space<vmem>> -> memref<1x80xi32, #tpu.memory_space<vmem>>
      %dma_wait3A_427 = tpu.memref_squeeze %dma_wait3A_426 : memref<1x80xi32, #tpu.memory_space<vmem>> -> memref<80xi32, #tpu.memory_space<vmem>>
      %dma_wait3A_428 = arith.constant 0 : i32
      %dma_wait3A_429 = arith.constant 0 : i32
      %dma_wait3A_430 = tpu.memref_slice %arg12[%dma_wait3A_428, %dma_wait3A_429] : memref<10240x128xf32, #tpu.memory_space<vmem_shared>> -> memref<10240x128xf32, #tpu.memory_space<vmem_shared>>
      tpu.wait_indirect_dma semaphore(%arg16 : memref<!tpu.dma_semaphore, #tpu.memory_space<semaphore_mem>>) src(%arg10 : memref<80x128xf32, #tpu.memory_space<vmem>>) dst(%dma_wait3A_430 : memref<10240x128xf32, #tpu.memory_space<vmem_shared>>)
      %add3A_431 = arith.constant 3 : i32
      %add3A_432 = arith.addi %mul3A_317, %add3A_431 : i32
      %sub3A_433 = arith.constant 0 : i32
      %sub3A_434 = arith.subi %add3A_432, %sub3A_433 : i32
      %mul3A_435 = arith.constant 80 : i32
      %mul3A_436 = arith.muli %sub3A_434, %mul3A_435 : i32
      %dma_start3A_437 = tpu.memref_slice %arg7[%mul3A_436] : memref<5120xi32, #tpu.memory_space<vmem>> -> memref<80xi32, #tpu.memory_space<vmem>>
      %dma_start3A_438 = arith.constant 0 : i32
      %dma_start3A_439 = arith.constant 0 : i32
      %dma_start3A_440 = tpu.memref_slice %arg2[%dma_start3A_438, %dma_start3A_439] : memref<10240x128xf32, #tpu.memory_space<hbm>> -> memref<10240x128xf32, #tpu.memory_space<hbm>>
      tpu.enqueue_indirect_dma source(%dma_start3A_440 : memref<10240x128xf32, #tpu.memory_space<hbm>>) target(%arg10 : memref<80x128xf32, #tpu.memory_space<vmem>>) offsets(%dma_start3A_437 : memref<80xi32, #tpu.memory_space<vmem>>) semaphore(%arg14 : memref<!tpu.dma_semaphore, #tpu.memory_space<semaphore_mem>>)
    }
    %scan3A_62 = arith.constant 31 : i32
    %dma_wait3A = arith.constant 4960 : i32
    %dma_wait3A_63 = tpu.memref_slice %arg7[%dma_wait3A] : memref<5120xi32, #tpu.memory_space<vmem>> -> memref<80xi32, #tpu.memory_space<vmem>>
    %dma_wait3A_64 = arith.constant 0 : i32
    %dma_wait3A_65 = arith.constant 0 : i32
    %dma_wait3A_66 = tpu.memref_slice %arg2[%dma_wait3A_64, %dma_wait3A_65] : memref<10240x128xf32, #tpu.memory_space<hbm>> -> memref<10240x128xf32, #tpu.memory_space<hbm>>
    tpu.wait_indirect_dma semaphore(%arg13 : memref<!tpu.dma_semaphore, #tpu.memory_space<semaphore_mem>>) src(%dma_wait3A_66 : memref<10240x128xf32, #tpu.memory_space<hbm>>) dst(%arg9 : memref<80x128xf32, #tpu.memory_space<vmem>>)
    %dma_start3A_67 = arith.constant 62 : i32
    %dma_start3A_68 = arith.constant 0 : i32
    %dma_start3A_69 = tpu.memref_slice %arg8[%dma_start3A_67, %dma_start3A_68] : memref<64x80xi32, #tpu.memory_space<vmem>> -> memref<1x80xi32, #tpu.memory_space<vmem>>
    %dma_start3A_70 = tpu.memref_squeeze %dma_start3A_69 : memref<1x80xi32, #tpu.memory_space<vmem>> -> memref<80xi32, #tpu.memory_space<vmem>>
    %dma_start3A_71 = arith.constant 0 : i32
    %dma_start3A_72 = arith.constant 0 : i32
    %dma_start3A_73 = tpu.memref_slice %arg12[%dma_start3A_71, %dma_start3A_72] : memref<10240x128xf32, #tpu.memory_space<vmem_shared>> -> memref<10240x128xf32, #tpu.memory_space<vmem_shared>>
    tpu.enqueue_indirect_dma source(%arg9 : memref<80x128xf32, #tpu.memory_space<vmem>>) target(%dma_start3A_73 : memref<10240x128xf32, #tpu.memory_space<vmem_shared>>) offsets(%dma_start3A_70 : memref<80xi32, #tpu.memory_space<vmem>>) semaphore(%arg15 : memref<!tpu.dma_semaphore, #tpu.memory_space<semaphore_mem>>) {add = true}
    %get3A = arith.constant 62 : i32
    %get3A_74 = arith.index_cast %get3A : i32 to index
    %get3A_75 = arith.constant 0 : index
    %get3A_76 = tpu.vector_load %arg8[%get3A_74, %get3A_75] {strides = array<i32>} : memref<64x80xi32, #tpu.memory_space<vmem>>, vector<16xi32>,
    tpu.vector_store_idx %arg11[%get3A_76], %broadcast_in_dim3A_1 {add = true} : memref<10240xf32, #tpu.memory_space<vmem>>[vector<16xi32>], vector<16xf32>,
    %get3A_77 = arith.constant 62 : i32
    %get3A_78 = arith.index_cast %get3A_77 : i32 to index
    %get3A_79 = arith.constant 16 : index
    %get3A_80 = tpu.vector_load %arg8[%get3A_78, %get3A_79] {strides = array<i32>} : memref<64x80xi32, #tpu.memory_space<vmem>>, vector<16xi32>,
    tpu.vector_store_idx %arg11[%get3A_80], %broadcast_in_dim3A_1 {add = true} : memref<10240xf32, #tpu.memory_space<vmem>>[vector<16xi32>], vector<16xf32>,
    %get3A_81 = arith.constant 62 : i32
    %get3A_82 = arith.index_cast %get3A_81 : i32 to index
    %get3A_83 = arith.constant 32 : index
    %get3A_84 = tpu.vector_load %arg8[%get3A_82, %get3A_83] {strides = array<i32>} : memref<64x80xi32, #tpu.memory_space<vmem>>, vector<16xi32>,
    tpu.vector_store_idx %arg11[%get3A_84], %broadcast_in_dim3A_1 {add = true} : memref<10240xf32, #tpu.memory_space<vmem>>[vector<16xi32>], vector<16xf32>,
    %get3A_85 = arith.constant 62 : i32
    %get3A_86 = arith.index_cast %get3A_85 : i32 to index
    %get3A_87 = arith.constant 48 : index
    %get3A_88 = tpu.vector_load %arg8[%get3A_86, %get3A_87] {strides = array<i32>} : memref<64x80xi32, #tpu.memory_space<vmem>>, vector<16xi32>,
    tpu.vector_store_idx %arg11[%get3A_88], %broadcast_in_dim3A_1 {add = true} : memref<10240xf32, #tpu.memory_space<vmem>>[vector<16xi32>], vector<16xf32>,
    %get3A_89 = arith.constant 62 : i32
    %get3A_90 = arith.index_cast %get3A_89 : i32 to index
    %get3A_91 = arith.constant 64 : index
    %get3A_92 = tpu.vector_load %arg8[%get3A_90, %get3A_91] {strides = array<i32>} : memref<64x80xi32, #tpu.memory_space<vmem>>, vector<16xi32>,
    tpu.vector_store_idx %arg11[%get3A_92], %broadcast_in_dim3A_1 {add = true} : memref<10240xf32, #tpu.memory_space<vmem>>[vector<16xi32>], vector<16xf32>,
    %dma_wait3A_93 = arith.constant 5040 : i32
    %dma_wait3A_94 = tpu.memref_slice %arg7[%dma_wait3A_93] : memref<5120xi32, #tpu.memory_space<vmem>> -> memref<80xi32, #tpu.memory_space<vmem>>
    %dma_wait3A_95 = arith.constant 0 : i32
    %dma_wait3A_96 = arith.constant 0 : i32
    %dma_wait3A_97 = tpu.memref_slice %arg2[%dma_wait3A_95, %dma_wait3A_96] : memref<10240x128xf32, #tpu.memory_space<hbm>> -> memref<10240x128xf32, #tpu.memory_space<hbm>>
    tpu.wait_indirect_dma semaphore(%arg14 : memref<!tpu.dma_semaphore, #tpu.memory_space<semaphore_mem>>) src(%dma_wait3A_97 : memref<10240x128xf32, #tpu.memory_space<hbm>>) dst(%arg10 : memref<80x128xf32, #tpu.memory_space<vmem>>)
    %dma_start3A_98 = arith.constant 63 : i32
    %dma_start3A_99 = arith.constant 0 : i32
    %dma_start3A_100 = tpu.memref_slice %arg8[%dma_start3A_98, %dma_start3A_99] : memref<64x80xi32, #tpu.memory_space<vmem>> -> memref<1x80xi32, #tpu.memory_space<vmem>>
    %dma_start3A_101 = tpu.memref_squeeze %dma_start3A_100 : memref<1x80xi32, #tpu.memory_space<vmem>> -> memref<80xi32, #tpu.memory_space<vmem>>
    %dma_start3A_102 = arith.constant 0 : i32
    %dma_start3A_103 = arith.constant 0 : i32
    %dma_start3A_104 = tpu.memref_slice %arg12[%dma_start3A_102, %dma_start3A_103] : memref<10240x128xf32, #tpu.memory_space<vmem_shared>> -> memref<10240x128xf32, #tpu.memory_space<vmem_shared>>
    tpu.enqueue_indirect_dma source(%arg10 : memref<80x128xf32, #tpu.memory_space<vmem>>) target(%dma_start3A_104 : memref<10240x128xf32, #tpu.memory_space<vmem_shared>>) offsets(%dma_start3A_101 : memref<80xi32, #tpu.memory_space<vmem>>) semaphore(%arg16 : memref<!tpu.dma_semaphore, #tpu.memory_space<semaphore_mem>>) {add = true}
    %get3A_105 = arith.constant 63 : i32
    %get3A_106 = arith.index_cast %get3A_105 : i32 to index
    %get3A_107 = arith.constant 0 : index
    %get3A_108 = tpu.vector_load %arg8[%get3A_106, %get3A_107] {strides = array<i32>} : memref<64x80xi32, #tpu.memory_space<vmem>>, vector<16xi32>,
    tpu.vector_store_idx %arg11[%get3A_108], %broadcast_in_dim3A_1 {add = true} : memref<10240xf32, #tpu.memory_space<vmem>>[vector<16xi32>], vector<16xf32>,
    %get3A_109 = arith.constant 63 : i32
    %get3A_110 = arith.index_cast %get3A_109 : i32 to index
    %get3A_111 = arith.constant 16 : index
    %get3A_112 = tpu.vector_load %arg8[%get3A_110, %get3A_111] {strides = array<i32>} : memref<64x80xi32, #tpu.memory_space<vmem>>, vector<16xi32>,
    tpu.vector_store_idx %arg11[%get3A_112], %broadcast_in_dim3A_1 {add = true} : memref<10240xf32, #tpu.memory_space<vmem>>[vector<16xi32>], vector<16xf32>,
    %get3A_113 = arith.constant 63 : i32
    %get3A_114 = arith.index_cast %get3A_113 : i32 to index
    %get3A_115 = arith.constant 32 : index
    %get3A_116 = tpu.vector_load %arg8[%get3A_114, %get3A_115] {strides = array<i32>} : memref<64x80xi32, #tpu.memory_space<vmem>>, vector<16xi32>,
    tpu.vector_store_idx %arg11[%get3A_116], %broadcast_in_dim3A_1 {add = true} : memref<10240xf32, #tpu.memory_space<vmem>>[vector<16xi32>], vector<16xf32>,
    %get3A_117 = arith.constant 63 : i32
    %get3A_118 = arith.index_cast %get3A_117 : i32 to index
    %get3A_119 = arith.constant 48 : index
    %get3A_120 = tpu.vector_load %arg8[%get3A_118, %get3A_119] {strides = array<i32>} : memref<64x80xi32, #tpu.memory_space<vmem>>, vector<16xi32>,
    tpu.vector_store_idx %arg11[%get3A_120], %broadcast_in_dim3A_1 {add = true} : memref<10240xf32, #tpu.memory_space<vmem>>[vector<16xi32>], vector<16xf32>,
    %get3A_121 = arith.constant 63 : i32
    %get3A_122 = arith.index_cast %get3A_121 : i32 to index
    %get3A_123 = arith.constant 64 : index
    %get3A_124 = tpu.vector_load %arg8[%get3A_122, %get3A_123] {strides = array<i32>} : memref<64x80xi32, #tpu.memory_space<vmem>>, vector<16xi32>,
    tpu.vector_store_idx %arg11[%get3A_124], %broadcast_in_dim3A_1 {add = true} : memref<10240xf32, #tpu.memory_space<vmem>>[vector<16xi32>], vector<16xf32>,
    %mul3A_125 = arith.constant 10000 : i32
    %mul3A_126 = arith.muli %add3A, %mul3A_125 : i32
    %add3A_127 = arith.constant 5120 : i32
    %add3A_128 = arith.addi %mul3A_126, %add3A_127 : i32
    "tpu.region"() ({
      %run_scoped3A = tpu.sem_alloc : memref<!tpu.dma_semaphore, #tpu.memory_space<semaphore_mem>>
      %dma_start3A_315 = arith.constant 0 : i32
      %dma_start3A_316 = tpu.memref_slice %arg7[%dma_start3A_315] : memref<5120xi32, #tpu.memory_space<vmem>> -> memref<4880xi32, #tpu.memory_space<vmem>>
      %dma_start3A_317 = tpu.memref_slice %arg3[%add3A_128] : memref<320000xi32, #tpu.memory_space<hbm>> -> memref<4880xi32, #tpu.memory_space<hbm>>
      %dma_start3A_318 = arith.constant 0 : i32
      %dma_start3A_319 = tpu.memref_slice %arg7[%dma_start3A_318] : memref<5120xi32, #tpu.memory_space<vmem>> -> memref<4880xi32, #tpu.memory_space<vmem>>
      %dma_start3A_320 = tpu.memref_slice %arg3[%add3A_128] : memref<320000xi32, #tpu.memory_space<hbm>> -> memref<4880xi32, #tpu.memory_space<hbm>>
      tpu.enqueue_dma source(%dma_start3A_320 : memref<4880xi32, #tpu.memory_space<hbm>>) target(%dma_start3A_319 : memref<4880xi32, #tpu.memory_space<vmem>>) target_semaphore(%run_scoped3A : memref<!tpu.dma_semaphore, #tpu.memory_space<semaphore_mem>>)
      %dma_wait3A_321 = arith.constant 0 : i32
      %dma_wait3A_322 = tpu.memref_slice %arg7[%dma_wait3A_321] : memref<5120xi32, #tpu.memory_space<vmem>> -> memref<4880xi32, #tpu.memory_space<vmem>>
      %dma_wait3A_323 = tpu.memref_slice %arg3[%add3A_128] : memref<320000xi32, #tpu.memory_space<hbm>> -> memref<4880xi32, #tpu.memory_space<hbm>>
      %dma_wait3A_324 = arith.constant 0 : i32
      %dma_wait3A_325 = tpu.memref_slice %arg7[%dma_wait3A_324] : memref<5120xi32, #tpu.memory_space<vmem>> -> memref<4880xi32, #tpu.memory_space<vmem>>
      %dma_wait3A_326 = tpu.memref_slice %arg3[%add3A_128] : memref<320000xi32, #tpu.memory_space<hbm>> -> memref<4880xi32, #tpu.memory_space<hbm>>
      tpu.wait_dma2 semaphore(%run_scoped3A : memref<!tpu.dma_semaphore, #tpu.memory_space<semaphore_mem>>) src(%dma_wait3A_326 : memref<4880xi32, #tpu.memory_space<hbm>>) dst(%dma_wait3A_325 : memref<4880xi32, #tpu.memory_space<vmem>>)
      tpu.yield
    }) : () -> ()
    "tpu.region"() ({
      %run_scoped3A = tpu.sem_alloc : memref<!tpu.dma_semaphore, #tpu.memory_space<semaphore_mem>>
      %dma_start3A_315 = arith.constant 0 : i32
      %dma_start3A_316 = arith.constant 0 : i32
      %dma_start3A_317 = tpu.memref_slice %arg8[%dma_start3A_315, %dma_start3A_316] : memref<64x80xi32, #tpu.memory_space<vmem>> -> memref<61x80xi32, #tpu.memory_space<vmem>>
      %dma_start3A_318 = arith.constant 64 : i32
      %dma_start3A_319 = arith.constant 0 : i32
      %dma_start3A_320 = tpu.memref_slice %arg4[%add3A, %dma_start3A_318, %dma_start3A_319] : memref<32x125x80xi32, #tpu.memory_space<hbm>> -> memref<1x61x80xi32, #tpu.memory_space<hbm>>
      %dma_start3A_321 = tpu.memref_squeeze %dma_start3A_320 : memref<1x61x80xi32, #tpu.memory_space<hbm>> -> memref<61x80xi32, #tpu.memory_space<hbm>>
      %dma_start3A_322 = arith.constant 0 : i32
      %dma_start3A_323 = arith.constant 0 : i32
      %dma_start3A_324 = tpu.memref_slice %arg8[%dma_start3A_322, %dma_start3A_323] : memref<64x80xi32, #tpu.memory_space<vmem>> -> memref<61x80xi32, #tpu.memory_space<vmem>>
      %dma_start3A_325 = arith.constant 64 : i32
      %dma_start3A_326 = arith.constant 0 : i32
      %dma_start3A_327 = tpu.memref_slice %arg4[%add3A, %dma_start3A_325, %dma_start3A_326] : memref<32x125x80xi32, #tpu.memory_space<hbm>> -> memref<1x61x80xi32, #tpu.memory_space<hbm>>
      %dma_start3A_328 = tpu.memref_squeeze %dma_start3A_327 : memref<1x61x80xi32, #tpu.memory_space<hbm>> -> memref<61x80xi32, #tpu.memory_space<hbm>>
      tpu.enqueue_dma source(%dma_start3A_328 : memref<61x80xi32, #tpu.memory_space<hbm>>) target(%dma_start3A_324 : memref<61x80xi32, #tpu.memory_space<vmem>>) target_semaphore(%run_scoped3A : memref<!tpu.dma_semaphore, #tpu.memory_space<semaphore_mem>>)
      %dma_wait3A_329 = arith.constant 0 : i32
      %dma_wait3A_330 = arith.constant 0 : i32
      %dma_wait3A_331 = tpu.memref_slice %arg8[%dma_wait3A_329, %dma_wait3A_330] : memref<64x80xi32, #tpu.memory_space<vmem>> -> memref<61x80xi32, #tpu.memory_space<vmem>>
      %dma_wait3A_332 = arith.constant 64 : i32
      %dma_wait3A_333 = arith.constant 0 : i32
      %dma_wait3A_334 = tpu.memref_slice %arg4[%add3A, %dma_wait3A_332, %dma_wait3A_333] : memref<32x125x80xi32, #tpu.memory_space<hbm>> -> memref<1x61x80xi32, #tpu.memory_space<hbm>>
      %dma_wait3A_335 = tpu.memref_squeeze %dma_wait3A_334 : memref<1x61x80xi32, #tpu.memory_space<hbm>> -> memref<61x80xi32, #tpu.memory_space<hbm>>
      %dma_wait3A_336 = arith.constant 0 : i32
      %dma_wait3A_337 = arith.constant 0 : i32
      %dma_wait3A_338 = tpu.memref_slice %arg8[%dma_wait3A_336, %dma_wait3A_337] : memref<64x80xi32, #tpu.memory_space<vmem>> -> memref<61x80xi32, #tpu.memory_space<vmem>>
      %dma_wait3A_339 = arith.constant 64 : i32
      %dma_wait3A_340 = arith.constant 0 : i32
      %dma_wait3A_341 = tpu.memref_slice %arg4[%add3A, %dma_wait3A_339, %dma_wait3A_340] : memref<32x125x80xi32, #tpu.memory_space<hbm>> -> memref<1x61x80xi32, #tpu.memory_space<hbm>>
      %dma_wait3A_342 = tpu.memref_squeeze %dma_wait3A_341 : memref<1x61x80xi32, #tpu.memory_space<hbm>> -> memref<61x80xi32, #tpu.memory_space<hbm>>
      tpu.wait_dma2 semaphore(%run_scoped3A : memref<!tpu.dma_semaphore, #tpu.memory_space<semaphore_mem>>) src(%dma_wait3A_342 : memref<61x80xi32, #tpu.memory_space<hbm>>) dst(%dma_wait3A_338 : memref<61x80xi32, #tpu.memory_space<vmem>>)
      tpu.yield
    }) : () -> ()
    %dma_wait3A_129 = arith.constant 62 : i32
    %dma_wait3A_130 = arith.constant 0 : i32
    %dma_wait3A_131 = tpu.memref_slice %arg8[%dma_wait3A_129, %dma_wait3A_130] : memref<64x80xi32, #tpu.memory_space<vmem>> -> memref<1x80xi32, #tpu.memory_space<vmem>>
    %dma_wait3A_132 = tpu.memref_squeeze %dma_wait3A_131 : memref<1x80xi32, #tpu.memory_space<vmem>> -> memref<80xi32, #tpu.memory_space<vmem>>
    %dma_wait3A_133 = arith.constant 0 : i32
    %dma_wait3A_134 = arith.constant 0 : i32
    %dma_wait3A_135 = tpu.memref_slice %arg12[%dma_wait3A_133, %dma_wait3A_134] : memref<10240x128xf32, #tpu.memory_space<vmem_shared>> -> memref<10240x128xf32, #tpu.memory_space<vmem_shared>>
    tpu.wait_indirect_dma semaphore(%arg15 : memref<!tpu.dma_semaphore, #tpu.memory_space<semaphore_mem>>) src(%arg9 : memref<80x128xf32, #tpu.memory_space<vmem>>) dst(%dma_wait3A_135 : memref<10240x128xf32, #tpu.memory_space<vmem_shared>>)
    %dma_start3A_136 = arith.constant 0 : i32
    %dma_start3A_137 = tpu.memref_slice %arg7[%dma_start3A_136] : memref<5120xi32, #tpu.memory_space<vmem>> -> memref<80xi32, #tpu.memory_space<vmem>>
    %dma_start3A_138 = arith.constant 0 : i32
    %dma_start3A_139 = arith.constant 0 : i32
    %dma_start3A_140 = tpu.memref_slice %arg2[%dma_start3A_138, %dma_start3A_139] : memref<10240x128xf32, #tpu.memory_space<hbm>> -> memref<10240x128xf32, #tpu.memory_space<hbm>>
    tpu.enqueue_indirect_dma source(%dma_start3A_140 : memref<10240x128xf32, #tpu.memory_space<hbm>>) target(%arg9 : memref<80x128xf32, #tpu.memory_space<vmem>>) offsets(%dma_start3A_137 : memref<80xi32, #tpu.memory_space<vmem>>) semaphore(%arg13 : memref<!tpu.dma_semaphore, #tpu.memory_space<semaphore_mem>>)
    %dma_wait3A_141 = arith.constant 63 : i32
    %dma_wait3A_142 = arith.constant 0 : i32
    %dma_wait3A_143 = tpu.memref_slice %arg8[%dma_wait3A_141, %dma_wait3A_142] : memref<64x80xi32, #tpu.memory_space<vmem>> -> memref<1x80xi32, #tpu.memory_space<vmem>>
    %dma_wait3A_144 = tpu.memref_squeeze %dma_wait3A_143 : memref<1x80xi32, #tpu.memory_space<vmem>> -> memref<80xi32, #tpu.memory_space<vmem>>
    %dma_wait3A_145 = arith.constant 0 : i32
    %dma_wait3A_146 = arith.constant 0 : i32
    %dma_wait3A_147 = tpu.memref_slice %arg12[%dma_wait3A_145, %dma_wait3A_146] : memref<10240x128xf32, #tpu.memory_space<vmem_shared>> -> memref<10240x128xf32, #tpu.memory_space<vmem_shared>>
    tpu.wait_indirect_dma semaphore(%arg16 : memref<!tpu.dma_semaphore, #tpu.memory_space<semaphore_mem>>) src(%arg10 : memref<80x128xf32, #tpu.memory_space<vmem>>) dst(%dma_wait3A_147 : memref<10240x128xf32, #tpu.memory_space<vmem_shared>>)
    %dma_start3A_148 = arith.constant 80 : i32
    %dma_start3A_149 = tpu.memref_slice %arg7[%dma_start3A_148] : memref<5120xi32, #tpu.memory_space<vmem>> -> memref<80xi32, #tpu.memory_space<vmem>>
    %dma_start3A_150 = arith.constant 0 : i32
    %dma_start3A_151 = arith.constant 0 : i32
    %dma_start3A_152 = tpu.memref_slice %arg2[%dma_start3A_150, %dma_start3A_151] : memref<10240x128xf32, #tpu.memory_space<hbm>> -> memref<10240x128xf32, #tpu.memory_space<hbm>>
    tpu.enqueue_indirect_dma source(%dma_start3A_152 : memref<10240x128xf32, #tpu.memory_space<hbm>>) target(%arg10 : memref<80x128xf32, #tpu.memory_space<vmem>>) offsets(%dma_start3A_149 : memref<80xi32, #tpu.memory_space<vmem>>) semaphore(%arg14 : memref<!tpu.dma_semaphore, #tpu.memory_space<semaphore_mem>>)
    %scan3A_153 = arith.constant 32 : i32
    %scan3A_154 = arith.constant 29 : i32
    %scan3A_155 = arith.addi %scan3A_153, %scan3A_154 : i32
    %scan3A_156 = arith.constant 1 : i32
    scf.for %scan3A_315 = %scan3A_153 to %scan3A_155 step %scan3A_156  : i32 {
      %mul3A_316 = arith.constant 2 : i32
      %mul3A_317 = arith.muli %mul3A_316, %scan3A_315 : i32
      %sub3A = arith.constant 64 : i32
      %sub3A_318 = arith.subi %mul3A_317, %sub3A : i32
      %mul3A_319 = arith.constant 80 : i32
      %mul3A_320 = arith.muli %sub3A_318, %mul3A_319 : i32
      %dma_wait3A_321 = tpu.memref_slice %arg7[%mul3A_320] : memref<5120xi32, #tpu.memory_space<vmem>> -> memref<80xi32, #tpu.memory_space<vmem>>
      %dma_wait3A_322 = arith.constant 0 : i32
      %dma_wait3A_323 = arith.constant 0 : i32
      %dma_wait3A_324 = tpu.memref_slice %arg2[%dma_wait3A_322, %dma_wait3A_323] : memref<10240x128xf32, #tpu.memory_space<hbm>> -> memref<10240x128xf32, #tpu.memory_space<hbm>>
      tpu.wait_indirect_dma semaphore(%arg13 : memref<!tpu.dma_semaphore, #tpu.memory_space<semaphore_mem>>) src(%dma_wait3A_324 : memref<10240x128xf32, #tpu.memory_space<hbm>>) dst(%arg9 : memref<80x128xf32, #tpu.memory_space<vmem>>)
      %sub3A_325 = arith.constant 64 : i32
      %sub3A_326 = arith.subi %mul3A_317, %sub3A_325 : i32
      %dma_start3A_327 = arith.constant 0 : i32
      %dma_start3A_328 = tpu.memref_slice %arg8[%sub3A_326, %dma_start3A_327] : memref<64x80xi32, #tpu.memory_space<vmem>> -> memref<1x80xi32, #tpu.memory_space<vmem>>
      %dma_start3A_329 = tpu.memref_squeeze %dma_start3A_328 : memref<1x80xi32, #tpu.memory_space<vmem>> -> memref<80xi32, #tpu.memory_space<vmem>>
      %dma_start3A_330 = arith.constant 0 : i32
      %dma_start3A_331 = arith.constant 0 : i32
      %dma_start3A_332 = tpu.memref_slice %arg12[%dma_start3A_330, %dma_start3A_331] : memref<10240x128xf32, #tpu.memory_space<vmem_shared>> -> memref<10240x128xf32, #tpu.memory_space<vmem_shared>>
      tpu.enqueue_indirect_dma source(%arg9 : memref<80x128xf32, #tpu.memory_space<vmem>>) target(%dma_start3A_332 : memref<10240x128xf32, #tpu.memory_space<vmem_shared>>) offsets(%dma_start3A_329 : memref<80xi32, #tpu.memory_space<vmem>>) semaphore(%arg15 : memref<!tpu.dma_semaphore, #tpu.memory_space<semaphore_mem>>) {add = true}
      %sub3A_333 = arith.constant 64 : i32
      %sub3A_334 = arith.subi %mul3A_317, %sub3A_333 : i32
      %get3A_335 = arith.index_cast %sub3A_334 : i32 to index
      %get3A_336 = arith.constant 0 : index
      %get3A_337 = tpu.vector_load %arg8[%get3A_335, %get3A_336] {strides = array<i32>} : memref<64x80xi32, #tpu.memory_space<vmem>>, vector<16xi32>,
      tpu.vector_store_idx %arg11[%get3A_337], %broadcast_in_dim3A_1 {add = true} : memref<10240xf32, #tpu.memory_space<vmem>>[vector<16xi32>], vector<16xf32>,
      %sub3A_338 = arith.constant 64 : i32
      %sub3A_339 = arith.subi %mul3A_317, %sub3A_338 : i32
      %get3A_340 = arith.index_cast %sub3A_339 : i32 to index
      %get3A_341 = arith.constant 16 : index
      %get3A_342 = tpu.vector_load %arg8[%get3A_340, %get3A_341] {strides = array<i32>} : memref<64x80xi32, #tpu.memory_space<vmem>>, vector<16xi32>,
      tpu.vector_store_idx %arg11[%get3A_342], %broadcast_in_dim3A_1 {add = true} : memref<10240xf32, #tpu.memory_space<vmem>>[vector<16xi32>], vector<16xf32>,
      %sub3A_343 = arith.constant 64 : i32
      %sub3A_344 = arith.subi %mul3A_317, %sub3A_343 : i32
      %get3A_345 = arith.index_cast %sub3A_344 : i32 to index
      %get3A_346 = arith.constant 32 : index
      %get3A_347 = tpu.vector_load %arg8[%get3A_345, %get3A_346] {strides = array<i32>} : memref<64x80xi32, #tpu.memory_space<vmem>>, vector<16xi32>,
      tpu.vector_store_idx %arg11[%get3A_347], %broadcast_in_dim3A_1 {add = true} : memref<10240xf32, #tpu.memory_space<vmem>>[vector<16xi32>], vector<16xf32>,
      %sub3A_348 = arith.constant 64 : i32
      %sub3A_349 = arith.subi %mul3A_317, %sub3A_348 : i32
      %get3A_350 = arith.index_cast %sub3A_349 : i32 to index
      %get3A_351 = arith.constant 48 : index
      %get3A_352 = tpu.vector_load %arg8[%get3A_350, %get3A_351] {strides = array<i32>} : memref<64x80xi32, #tpu.memory_space<vmem>>, vector<16xi32>,
      tpu.vector_store_idx %arg11[%get3A_352], %broadcast_in_dim3A_1 {add = true} : memref<10240xf32, #tpu.memory_space<vmem>>[vector<16xi32>], vector<16xf32>,
      %sub3A_353 = arith.constant 64 : i32
      %sub3A_354 = arith.subi %mul3A_317, %sub3A_353 : i32
      %get3A_355 = arith.index_cast %sub3A_354 : i32 to index
      %get3A_356 = arith.constant 64 : index
      %get3A_357 = tpu.vector_load %arg8[%get3A_355, %get3A_356] {strides = array<i32>} : memref<64x80xi32, #tpu.memory_space<vmem>>, vector<16xi32>,
      tpu.vector_store_idx %arg11[%get3A_357], %broadcast_in_dim3A_1 {add = true} : memref<10240xf32, #tpu.memory_space<vmem>>[vector<16xi32>], vector<16xf32>,
      %add3A_358 = arith.constant 1 : i32
      %add3A_359 = arith.addi %mul3A_317, %add3A_358 : i32
      %sub3A_360 = arith.constant 64 : i32
      %sub3A_361 = arith.subi %add3A_359, %sub3A_360 : i32
      %mul3A_362 = arith.constant 80 : i32
      %mul3A_363 = arith.muli %sub3A_361, %mul3A_362 : i32
      %dma_wait3A_364 = tpu.memref_slice %arg7[%mul3A_363] : memref<5120xi32, #tpu.memory_space<vmem>> -> memref<80xi32, #tpu.memory_space<vmem>>
      %dma_wait3A_365 = arith.constant 0 : i32
      %dma_wait3A_366 = arith.constant 0 : i32
      %dma_wait3A_367 = tpu.memref_slice %arg2[%dma_wait3A_365, %dma_wait3A_366] : memref<10240x128xf32, #tpu.memory_space<hbm>> -> memref<10240x128xf32, #tpu.memory_space<hbm>>
      tpu.wait_indirect_dma semaphore(%arg14 : memref<!tpu.dma_semaphore, #tpu.memory_space<semaphore_mem>>) src(%dma_wait3A_367 : memref<10240x128xf32, #tpu.memory_space<hbm>>) dst(%arg10 : memref<80x128xf32, #tpu.memory_space<vmem>>)
      %add3A_368 = arith.constant 1 : i32
      %add3A_369 = arith.addi %mul3A_317, %add3A_368 : i32
      %sub3A_370 = arith.constant 64 : i32
      %sub3A_371 = arith.subi %add3A_369, %sub3A_370 : i32
      %dma_start3A_372 = arith.constant 0 : i32
      %dma_start3A_373 = tpu.memref_slice %arg8[%sub3A_371, %dma_start3A_372] : memref<64x80xi32, #tpu.memory_space<vmem>> -> memref<1x80xi32, #tpu.memory_space<vmem>>
      %dma_start3A_374 = tpu.memref_squeeze %dma_start3A_373 : memref<1x80xi32, #tpu.memory_space<vmem>> -> memref<80xi32, #tpu.memory_space<vmem>>
      %dma_start3A_375 = arith.constant 0 : i32
      %dma_start3A_376 = arith.constant 0 : i32
      %dma_start3A_377 = tpu.memref_slice %arg12[%dma_start3A_375, %dma_start3A_376] : memref<10240x128xf32, #tpu.memory_space<vmem_shared>> -> memref<10240x128xf32, #tpu.memory_space<vmem_shared>>
      tpu.enqueue_indirect_dma source(%arg10 : memref<80x128xf32, #tpu.memory_space<vmem>>) target(%dma_start3A_377 : memref<10240x128xf32, #tpu.memory_space<vmem_shared>>) offsets(%dma_start3A_374 : memref<80xi32, #tpu.memory_space<vmem>>) semaphore(%arg16 : memref<!tpu.dma_semaphore, #tpu.memory_space<semaphore_mem>>) {add = true}
      %sub3A_378 = arith.constant 64 : i32
      %sub3A_379 = arith.subi %add3A_369, %sub3A_378 : i32
      %get3A_380 = arith.index_cast %sub3A_379 : i32 to index
      %get3A_381 = arith.constant 0 : index
      %get3A_382 = tpu.vector_load %arg8[%get3A_380, %get3A_381] {strides = array<i32>} : memref<64x80xi32, #tpu.memory_space<vmem>>, vector<16xi32>,
      tpu.vector_store_idx %arg11[%get3A_382], %broadcast_in_dim3A_1 {add = true} : memref<10240xf32, #tpu.memory_space<vmem>>[vector<16xi32>], vector<16xf32>,
      %sub3A_383 = arith.constant 64 : i32
      %sub3A_384 = arith.subi %add3A_369, %sub3A_383 : i32
      %get3A_385 = arith.index_cast %sub3A_384 : i32 to index
      %get3A_386 = arith.constant 16 : index
      %get3A_387 = tpu.vector_load %arg8[%get3A_385, %get3A_386] {strides = array<i32>} : memref<64x80xi32, #tpu.memory_space<vmem>>, vector<16xi32>,
      tpu.vector_store_idx %arg11[%get3A_387], %broadcast_in_dim3A_1 {add = true} : memref<10240xf32, #tpu.memory_space<vmem>>[vector<16xi32>], vector<16xf32>,
      %sub3A_388 = arith.constant 64 : i32
      %sub3A_389 = arith.subi %add3A_369, %sub3A_388 : i32
      %get3A_390 = arith.index_cast %sub3A_389 : i32 to index
      %get3A_391 = arith.constant 32 : index
      %get3A_392 = tpu.vector_load %arg8[%get3A_390, %get3A_391] {strides = array<i32>} : memref<64x80xi32, #tpu.memory_space<vmem>>, vector<16xi32>,
      tpu.vector_store_idx %arg11[%get3A_392], %broadcast_in_dim3A_1 {add = true} : memref<10240xf32, #tpu.memory_space<vmem>>[vector<16xi32>], vector<16xf32>,
      %sub3A_393 = arith.constant 64 : i32
      %sub3A_394 = arith.subi %add3A_369, %sub3A_393 : i32
      %get3A_395 = arith.index_cast %sub3A_394 : i32 to index
      %get3A_396 = arith.constant 48 : index
      %get3A_397 = tpu.vector_load %arg8[%get3A_395, %get3A_396] {strides = array<i32>} : memref<64x80xi32, #tpu.memory_space<vmem>>, vector<16xi32>,
      tpu.vector_store_idx %arg11[%get3A_397], %broadcast_in_dim3A_1 {add = true} : memref<10240xf32, #tpu.memory_space<vmem>>[vector<16xi32>], vector<16xf32>,
      %sub3A_398 = arith.constant 64 : i32
      %sub3A_399 = arith.subi %add3A_369, %sub3A_398 : i32
      %get3A_400 = arith.index_cast %sub3A_399 : i32 to index
      %get3A_401 = arith.constant 64 : index
      %get3A_402 = tpu.vector_load %arg8[%get3A_400, %get3A_401] {strides = array<i32>} : memref<64x80xi32, #tpu.memory_space<vmem>>, vector<16xi32>,
      tpu.vector_store_idx %arg11[%get3A_402], %broadcast_in_dim3A_1 {add = true} : memref<10240xf32, #tpu.memory_space<vmem>>[vector<16xi32>], vector<16xf32>,
      %sub3A_403 = arith.constant 64 : i32
      %sub3A_404 = arith.subi %mul3A_317, %sub3A_403 : i32
      %dma_wait3A_405 = arith.constant 0 : i32
      %dma_wait3A_406 = tpu.memref_slice %arg8[%sub3A_404, %dma_wait3A_405] : memref<64x80xi32, #tpu.memory_space<vmem>> -> memref<1x80xi32, #tpu.memory_space<vmem>>
      %dma_wait3A_407 = tpu.memref_squeeze %dma_wait3A_406 : memref<1x80xi32, #tpu.memory_space<vmem>> -> memref<80xi32, #tpu.memory_space<vmem>>
      %dma_wait3A_408 = arith.constant 0 : i32
      %dma_wait3A_409 = arith.constant 0 : i32
      %dma_wait3A_410 = tpu.memref_slice %arg12[%dma_wait3A_408, %dma_wait3A_409] : memref<10240x128xf32, #tpu.memory_space<vmem_shared>> -> memref<10240x128xf32, #tpu.memory_space<vmem_shared>>
      tpu.wait_indirect_dma semaphore(%arg15 : memref<!tpu.dma_semaphore, #tpu.memory_space<semaphore_mem>>) src(%arg9 : memref<80x128xf32, #tpu.memory_space<vmem>>) dst(%dma_wait3A_410 : memref<10240x128xf32, #tpu.memory_space<vmem_shared>>)
      %add3A_411 = arith.constant 2 : i32
      %add3A_412 = arith.addi %mul3A_317, %add3A_411 : i32
      %sub3A_413 = arith.constant 64 : i32
      %sub3A_414 = arith.subi %add3A_412, %sub3A_413 : i32
      %mul3A_415 = arith.constant 80 : i32
      %mul3A_416 = arith.muli %sub3A_414, %mul3A_415 : i32
      %dma_start3A_417 = tpu.memref_slice %arg7[%mul3A_416] : memref<5120xi32, #tpu.memory_space<vmem>> -> memref<80xi32, #tpu.memory_space<vmem>>
      %dma_start3A_418 = arith.constant 0 : i32
      %dma_start3A_419 = arith.constant 0 : i32
      %dma_start3A_420 = tpu.memref_slice %arg2[%dma_start3A_418, %dma_start3A_419] : memref<10240x128xf32, #tpu.memory_space<hbm>> -> memref<10240x128xf32, #tpu.memory_space<hbm>>
      tpu.enqueue_indirect_dma source(%dma_start3A_420 : memref<10240x128xf32, #tpu.memory_space<hbm>>) target(%arg9 : memref<80x128xf32, #tpu.memory_space<vmem>>) offsets(%dma_start3A_417 : memref<80xi32, #tpu.memory_space<vmem>>) semaphore(%arg13 : memref<!tpu.dma_semaphore, #tpu.memory_space<semaphore_mem>>)
      %add3A_421 = arith.constant 1 : i32
      %add3A_422 = arith.addi %mul3A_317, %add3A_421 : i32
      %sub3A_423 = arith.constant 64 : i32
      %sub3A_424 = arith.subi %add3A_422, %sub3A_423 : i32
      %dma_wait3A_425 = arith.constant 0 : i32
      %dma_wait3A_426 = tpu.memref_slice %arg8[%sub3A_424, %dma_wait3A_425] : memref<64x80xi32, #tpu.memory_space<vmem>> -> memref<1x80xi32, #tpu.memory_space<vmem>>
      %dma_wait3A_427 = tpu.memref_squeeze %dma_wait3A_426 : memref<1x80xi32, #tpu.memory_space<vmem>> -> memref<80xi32, #tpu.memory_space<vmem>>
      %dma_wait3A_428 = arith.constant 0 : i32
      %dma_wait3A_429 = arith.constant 0 : i32
      %dma_wait3A_430 = tpu.memref_slice %arg12[%dma_wait3A_428, %dma_wait3A_429] : memref<10240x128xf32, #tpu.memory_space<vmem_shared>> -> memref<10240x128xf32, #tpu.memory_space<vmem_shared>>
      tpu.wait_indirect_dma semaphore(%arg16 : memref<!tpu.dma_semaphore, #tpu.memory_space<semaphore_mem>>) src(%arg10 : memref<80x128xf32, #tpu.memory_space<vmem>>) dst(%dma_wait3A_430 : memref<10240x128xf32, #tpu.memory_space<vmem_shared>>)
      %add3A_431 = arith.constant 3 : i32
      %add3A_432 = arith.addi %mul3A_317, %add3A_431 : i32
      %sub3A_433 = arith.constant 64 : i32
      %sub3A_434 = arith.subi %add3A_432, %sub3A_433 : i32
      %mul3A_435 = arith.constant 80 : i32
      %mul3A_436 = arith.muli %sub3A_434, %mul3A_435 : i32
      %dma_start3A_437 = tpu.memref_slice %arg7[%mul3A_436] : memref<5120xi32, #tpu.memory_space<vmem>> -> memref<80xi32, #tpu.memory_space<vmem>>
      %dma_start3A_438 = arith.constant 0 : i32
      %dma_start3A_439 = arith.constant 0 : i32
      %dma_start3A_440 = tpu.memref_slice %arg2[%dma_start3A_438, %dma_start3A_439] : memref<10240x128xf32, #tpu.memory_space<hbm>> -> memref<10240x128xf32, #tpu.memory_space<hbm>>
      tpu.enqueue_indirect_dma source(%dma_start3A_440 : memref<10240x128xf32, #tpu.memory_space<hbm>>) target(%arg10 : memref<80x128xf32, #tpu.memory_space<vmem>>) offsets(%dma_start3A_437 : memref<80xi32, #tpu.memory_space<vmem>>) semaphore(%arg14 : memref<!tpu.dma_semaphore, #tpu.memory_space<semaphore_mem>>)
    }
    %scan3A_157 = arith.constant 29 : i32
    %dma_wait3A_158 = arith.constant 4640 : i32
    %dma_wait3A_159 = tpu.memref_slice %arg7[%dma_wait3A_158] : memref<5120xi32, #tpu.memory_space<vmem>> -> memref<80xi32, #tpu.memory_space<vmem>>
    %dma_wait3A_160 = arith.constant 0 : i32
    %dma_wait3A_161 = arith.constant 0 : i32
    %dma_wait3A_162 = tpu.memref_slice %arg2[%dma_wait3A_160, %dma_wait3A_161] : memref<10240x128xf32, #tpu.memory_space<hbm>> -> memref<10240x128xf32, #tpu.memory_space<hbm>>
    tpu.wait_indirect_dma semaphore(%arg13 : memref<!tpu.dma_semaphore, #tpu.memory_space<semaphore_mem>>) src(%dma_wait3A_162 : memref<10240x128xf32, #tpu.memory_space<hbm>>) dst(%arg9 : memref<80x128xf32, #tpu.memory_space<vmem>>)
    %dma_start3A_163 = arith.constant 58 : i32
    %dma_start3A_164 = arith.constant 0 : i32
    %dma_start3A_165 = tpu.memref_slice %arg8[%dma_start3A_163, %dma_start3A_164] : memref<64x80xi32, #tpu.memory_space<vmem>> -> memref<1x80xi32, #tpu.memory_space<vmem>>
    %dma_start3A_166 = tpu.memref_squeeze %dma_start3A_165 : memref<1x80xi32, #tpu.memory_space<vmem>> -> memref<80xi32, #tpu.memory_space<vmem>>
    %dma_start3A_167 = arith.constant 0 : i32
    %dma_start3A_168 = arith.constant 0 : i32
    %dma_start3A_169 = tpu.memref_slice %arg12[%dma_start3A_167, %dma_start3A_168] : memref<10240x128xf32, #tpu.memory_space<vmem_shared>> -> memref<10240x128xf32, #tpu.memory_space<vmem_shared>>
    tpu.enqueue_indirect_dma source(%arg9 : memref<80x128xf32, #tpu.memory_space<vmem>>) target(%dma_start3A_169 : memref<10240x128xf32, #tpu.memory_space<vmem_shared>>) offsets(%dma_start3A_166 : memref<80xi32, #tpu.memory_space<vmem>>) semaphore(%arg15 : memref<!tpu.dma_semaphore, #tpu.memory_space<semaphore_mem>>) {add = true}
    %get3A_170 = arith.constant 58 : i32
    %get3A_171 = arith.index_cast %get3A_170 : i32 to index
    %get3A_172 = arith.constant 0 : index
    %get3A_173 = tpu.vector_load %arg8[%get3A_171, %get3A_172] {strides = array<i32>} : memref<64x80xi32, #tpu.memory_space<vmem>>, vector<16xi32>,
    tpu.vector_store_idx %arg11[%get3A_173], %broadcast_in_dim3A_1 {add = true} : memref<10240xf32, #tpu.memory_space<vmem>>[vector<16xi32>], vector<16xf32>,
    %get3A_174 = arith.constant 58 : i32
    %get3A_175 = arith.index_cast %get3A_174 : i32 to index
    %get3A_176 = arith.constant 16 : index
    %get3A_177 = tpu.vector_load %arg8[%get3A_175, %get3A_176] {strides = array<i32>} : memref<64x80xi32, #tpu.memory_space<vmem>>, vector<16xi32>,
    tpu.vector_store_idx %arg11[%get3A_177], %broadcast_in_dim3A_1 {add = true} : memref<10240xf32, #tpu.memory_space<vmem>>[vector<16xi32>], vector<16xf32>,
    %get3A_178 = arith.constant 58 : i32
    %get3A_179 = arith.index_cast %get3A_178 : i32 to index
    %get3A_180 = arith.constant 32 : index
    %get3A_181 = tpu.vector_load %arg8[%get3A_179, %get3A_180] {strides = array<i32>} : memref<64x80xi32, #tpu.memory_space<vmem>>, vector<16xi32>,
    tpu.vector_store_idx %arg11[%get3A_181], %broadcast_in_dim3A_1 {add = true} : memref<10240xf32, #tpu.memory_space<vmem>>[vector<16xi32>], vector<16xf32>,
    %get3A_182 = arith.constant 58 : i32
    %get3A_183 = arith.index_cast %get3A_182 : i32 to index
    %get3A_184 = arith.constant 48 : index
    %get3A_185 = tpu.vector_load %arg8[%get3A_183, %get3A_184] {strides = array<i32>} : memref<64x80xi32, #tpu.memory_space<vmem>>, vector<16xi32>,
    tpu.vector_store_idx %arg11[%get3A_185], %broadcast_in_dim3A_1 {add = true} : memref<10240xf32, #tpu.memory_space<vmem>>[vector<16xi32>], vector<16xf32>,
    %get3A_186 = arith.constant 58 : i32
    %get3A_187 = arith.index_cast %get3A_186 : i32 to index
    %get3A_188 = arith.constant 64 : index
    %get3A_189 = tpu.vector_load %arg8[%get3A_187, %get3A_188] {strides = array<i32>} : memref<64x80xi32, #tpu.memory_space<vmem>>, vector<16xi32>,
    tpu.vector_store_idx %arg11[%get3A_189], %broadcast_in_dim3A_1 {add = true} : memref<10240xf32, #tpu.memory_space<vmem>>[vector<16xi32>], vector<16xf32>,
    %dma_wait3A_190 = arith.constant 4720 : i32
    %dma_wait3A_191 = tpu.memref_slice %arg7[%dma_wait3A_190] : memref<5120xi32, #tpu.memory_space<vmem>> -> memref<80xi32, #tpu.memory_space<vmem>>
    %dma_wait3A_192 = arith.constant 0 : i32
    %dma_wait3A_193 = arith.constant 0 : i32
    %dma_wait3A_194 = tpu.memref_slice %arg2[%dma_wait3A_192, %dma_wait3A_193] : memref<10240x128xf32, #tpu.memory_space<hbm>> -> memref<10240x128xf32, #tpu.memory_space<hbm>>
    tpu.wait_indirect_dma semaphore(%arg14 : memref<!tpu.dma_semaphore, #tpu.memory_space<semaphore_mem>>) src(%dma_wait3A_194 : memref<10240x128xf32, #tpu.memory_space<hbm>>) dst(%arg10 : memref<80x128xf32, #tpu.memory_space<vmem>>)
    %dma_start3A_195 = arith.constant 59 : i32
    %dma_start3A_196 = arith.constant 0 : i32
    %dma_start3A_197 = tpu.memref_slice %arg8[%dma_start3A_195, %dma_start3A_196] : memref<64x80xi32, #tpu.memory_space<vmem>> -> memref<1x80xi32, #tpu.memory_space<vmem>>
    %dma_start3A_198 = tpu.memref_squeeze %dma_start3A_197 : memref<1x80xi32, #tpu.memory_space<vmem>> -> memref<80xi32, #tpu.memory_space<vmem>>
    %dma_start3A_199 = arith.constant 0 : i32
    %dma_start3A_200 = arith.constant 0 : i32
    %dma_start3A_201 = tpu.memref_slice %arg12[%dma_start3A_199, %dma_start3A_200] : memref<10240x128xf32, #tpu.memory_space<vmem_shared>> -> memref<10240x128xf32, #tpu.memory_space<vmem_shared>>
    tpu.enqueue_indirect_dma source(%arg10 : memref<80x128xf32, #tpu.memory_space<vmem>>) target(%dma_start3A_201 : memref<10240x128xf32, #tpu.memory_space<vmem_shared>>) offsets(%dma_start3A_198 : memref<80xi32, #tpu.memory_space<vmem>>) semaphore(%arg16 : memref<!tpu.dma_semaphore, #tpu.memory_space<semaphore_mem>>) {add = true}
    %get3A_202 = arith.constant 59 : i32
    %get3A_203 = arith.index_cast %get3A_202 : i32 to index
    %get3A_204 = arith.constant 0 : index
    %get3A_205 = tpu.vector_load %arg8[%get3A_203, %get3A_204] {strides = array<i32>} : memref<64x80xi32, #tpu.memory_space<vmem>>, vector<16xi32>,
    tpu.vector_store_idx %arg11[%get3A_205], %broadcast_in_dim3A_1 {add = true} : memref<10240xf32, #tpu.memory_space<vmem>>[vector<16xi32>], vector<16xf32>,
    %get3A_206 = arith.constant 59 : i32
    %get3A_207 = arith.index_cast %get3A_206 : i32 to index
    %get3A_208 = arith.constant 16 : index
    %get3A_209 = tpu.vector_load %arg8[%get3A_207, %get3A_208] {strides = array<i32>} : memref<64x80xi32, #tpu.memory_space<vmem>>, vector<16xi32>,
    tpu.vector_store_idx %arg11[%get3A_209], %broadcast_in_dim3A_1 {add = true} : memref<10240xf32, #tpu.memory_space<vmem>>[vector<16xi32>], vector<16xf32>,
    %get3A_210 = arith.constant 59 : i32
    %get3A_211 = arith.index_cast %get3A_210 : i32 to index
    %get3A_212 = arith.constant 32 : index
    %get3A_213 = tpu.vector_load %arg8[%get3A_211, %get3A_212] {strides = array<i32>} : memref<64x80xi32, #tpu.memory_space<vmem>>, vector<16xi32>,
    tpu.vector_store_idx %arg11[%get3A_213], %broadcast_in_dim3A_1 {add = true} : memref<10240xf32, #tpu.memory_space<vmem>>[vector<16xi32>], vector<16xf32>,
    %get3A_214 = arith.constant 59 : i32
    %get3A_215 = arith.index_cast %get3A_214 : i32 to index
    %get3A_216 = arith.constant 48 : index
    %get3A_217 = tpu.vector_load %arg8[%get3A_215, %get3A_216] {strides = array<i32>} : memref<64x80xi32, #tpu.memory_space<vmem>>, vector<16xi32>,
    tpu.vector_store_idx %arg11[%get3A_217], %broadcast_in_dim3A_1 {add = true} : memref<10240xf32, #tpu.memory_space<vmem>>[vector<16xi32>], vector<16xf32>,
    %get3A_218 = arith.constant 59 : i32
    %get3A_219 = arith.index_cast %get3A_218 : i32 to index
    %get3A_220 = arith.constant 64 : index
    %get3A_221 = tpu.vector_load %arg8[%get3A_219, %get3A_220] {strides = array<i32>} : memref<64x80xi32, #tpu.memory_space<vmem>>, vector<16xi32>,
    tpu.vector_store_idx %arg11[%get3A_221], %broadcast_in_dim3A_1 {add = true} : memref<10240xf32, #tpu.memory_space<vmem>>[vector<16xi32>], vector<16xf32>,
    %dma_wait3A_222 = arith.constant 58 : i32
    %dma_wait3A_223 = arith.constant 0 : i32
    %dma_wait3A_224 = tpu.memref_slice %arg8[%dma_wait3A_222, %dma_wait3A_223] : memref<64x80xi32, #tpu.memory_space<vmem>> -> memref<1x80xi32, #tpu.memory_space<vmem>>
    %dma_wait3A_225 = tpu.memref_squeeze %dma_wait3A_224 : memref<1x80xi32, #tpu.memory_space<vmem>> -> memref<80xi32, #tpu.memory_space<vmem>>
    %dma_wait3A_226 = arith.constant 0 : i32
    %dma_wait3A_227 = arith.constant 0 : i32
    %dma_wait3A_228 = tpu.memref_slice %arg12[%dma_wait3A_226, %dma_wait3A_227] : memref<10240x128xf32, #tpu.memory_space<vmem_shared>> -> memref<10240x128xf32, #tpu.memory_space<vmem_shared>>
    tpu.wait_indirect_dma semaphore(%arg15 : memref<!tpu.dma_semaphore, #tpu.memory_space<semaphore_mem>>) src(%arg9 : memref<80x128xf32, #tpu.memory_space<vmem>>) dst(%dma_wait3A_228 : memref<10240x128xf32, #tpu.memory_space<vmem_shared>>)
    %dma_start3A_229 = arith.constant 4800 : i32
    %dma_start3A_230 = tpu.memref_slice %arg7[%dma_start3A_229] : memref<5120xi32, #tpu.memory_space<vmem>> -> memref<80xi32, #tpu.memory_space<vmem>>
    %dma_start3A_231 = arith.constant 0 : i32
    %dma_start3A_232 = arith.constant 0 : i32
    %dma_start3A_233 = tpu.memref_slice %arg2[%dma_start3A_231, %dma_start3A_232] : memref<10240x128xf32, #tpu.memory_space<hbm>> -> memref<10240x128xf32, #tpu.memory_space<hbm>>
    tpu.enqueue_indirect_dma source(%dma_start3A_233 : memref<10240x128xf32, #tpu.memory_space<hbm>>) target(%arg9 : memref<80x128xf32, #tpu.memory_space<vmem>>) offsets(%dma_start3A_230 : memref<80xi32, #tpu.memory_space<vmem>>) semaphore(%arg13 : memref<!tpu.dma_semaphore, #tpu.memory_space<semaphore_mem>>)
    %dma_wait3A_234 = arith.constant 4800 : i32
    %dma_wait3A_235 = tpu.memref_slice %arg7[%dma_wait3A_234] : memref<5120xi32, #tpu.memory_space<vmem>> -> memref<80xi32, #tpu.memory_space<vmem>>
    %dma_wait3A_236 = arith.constant 0 : i32
    %dma_wait3A_237 = arith.constant 0 : i32
    %dma_wait3A_238 = tpu.memref_slice %arg2[%dma_wait3A_236, %dma_wait3A_237] : memref<10240x128xf32, #tpu.memory_space<hbm>> -> memref<10240x128xf32, #tpu.memory_space<hbm>>
    tpu.wait_indirect_dma semaphore(%arg13 : memref<!tpu.dma_semaphore, #tpu.memory_space<semaphore_mem>>) src(%dma_wait3A_238 : memref<10240x128xf32, #tpu.memory_space<hbm>>) dst(%arg9 : memref<80x128xf32, #tpu.memory_space<vmem>>)
    %dma_start3A_239 = arith.constant 60 : i32
    %dma_start3A_240 = arith.constant 0 : i32
    %dma_start3A_241 = tpu.memref_slice %arg8[%dma_start3A_239, %dma_start3A_240] : memref<64x80xi32, #tpu.memory_space<vmem>> -> memref<1x80xi32, #tpu.memory_space<vmem>>
    %dma_start3A_242 = tpu.memref_squeeze %dma_start3A_241 : memref<1x80xi32, #tpu.memory_space<vmem>> -> memref<80xi32, #tpu.memory_space<vmem>>
    %dma_start3A_243 = arith.constant 0 : i32
    %dma_start3A_244 = arith.constant 0 : i32
    %dma_start3A_245 = tpu.memref_slice %arg12[%dma_start3A_243, %dma_start3A_244] : memref<10240x128xf32, #tpu.memory_space<vmem_shared>> -> memref<10240x128xf32, #tpu.memory_space<vmem_shared>>
    tpu.enqueue_indirect_dma source(%arg9 : memref<80x128xf32, #tpu.memory_space<vmem>>) target(%dma_start3A_245 : memref<10240x128xf32, #tpu.memory_space<vmem_shared>>) offsets(%dma_start3A_242 : memref<80xi32, #tpu.memory_space<vmem>>) semaphore(%arg15 : memref<!tpu.dma_semaphore, #tpu.memory_space<semaphore_mem>>) {add = true}
    %get3A_246 = arith.constant 60 : i32
    %get3A_247 = arith.index_cast %get3A_246 : i32 to index
    %get3A_248 = arith.constant 0 : index
    %get3A_249 = tpu.vector_load %arg8[%get3A_247, %get3A_248] {strides = array<i32>} : memref<64x80xi32, #tpu.memory_space<vmem>>, vector<16xi32>,
    tpu.vector_store_idx %arg11[%get3A_249], %broadcast_in_dim3A_1 {add = true} : memref<10240xf32, #tpu.memory_space<vmem>>[vector<16xi32>], vector<16xf32>,
    %get3A_250 = arith.constant 60 : i32
    %get3A_251 = arith.index_cast %get3A_250 : i32 to index
    %get3A_252 = arith.constant 16 : index
    %get3A_253 = tpu.vector_load %arg8[%get3A_251, %get3A_252] {strides = array<i32>} : memref<64x80xi32, #tpu.memory_space<vmem>>, vector<16xi32>,
    tpu.vector_store_idx %arg11[%get3A_253], %broadcast_in_dim3A_1 {add = true} : memref<10240xf32, #tpu.memory_space<vmem>>[vector<16xi32>], vector<16xf32>,
    %get3A_254 = arith.constant 60 : i32
    %get3A_255 = arith.index_cast %get3A_254 : i32 to index
    %get3A_256 = arith.constant 32 : index
    %get3A_257 = tpu.vector_load %arg8[%get3A_255, %get3A_256] {strides = array<i32>} : memref<64x80xi32, #tpu.memory_space<vmem>>, vector<16xi32>,
    tpu.vector_store_idx %arg11[%get3A_257], %broadcast_in_dim3A_1 {add = true} : memref<10240xf32, #tpu.memory_space<vmem>>[vector<16xi32>], vector<16xf32>,
    %get3A_258 = arith.constant 60 : i32
    %get3A_259 = arith.index_cast %get3A_258 : i32 to index
    %get3A_260 = arith.constant 48 : index
    %get3A_261 = tpu.vector_load %arg8[%get3A_259, %get3A_260] {strides = array<i32>} : memref<64x80xi32, #tpu.memory_space<vmem>>, vector<16xi32>,
    tpu.vector_store_idx %arg11[%get3A_261], %broadcast_in_dim3A_1 {add = true} : memref<10240xf32, #tpu.memory_space<vmem>>[vector<16xi32>], vector<16xf32>,
    %get3A_262 = arith.constant 60 : i32
    %get3A_263 = arith.index_cast %get3A_262 : i32 to index
    %get3A_264 = arith.constant 64 : index
    %get3A_265 = tpu.vector_load %arg8[%get3A_263, %get3A_264] {strides = array<i32>} : memref<64x80xi32, #tpu.memory_space<vmem>>, vector<16xi32>,
    tpu.vector_store_idx %arg11[%get3A_265], %broadcast_in_dim3A_1 {add = true} : memref<10240xf32, #tpu.memory_space<vmem>>[vector<16xi32>], vector<16xf32>,
    %dma_wait3A_266 = arith.constant 59 : i32
    %dma_wait3A_267 = arith.constant 0 : i32
    %dma_wait3A_268 = tpu.memref_slice %arg8[%dma_wait3A_266, %dma_wait3A_267] : memref<64x80xi32, #tpu.memory_space<vmem>> -> memref<1x80xi32, #tpu.memory_space<vmem>>
    %dma_wait3A_269 = tpu.memref_squeeze %dma_wait3A_268 : memref<1x80xi32, #tpu.memory_space<vmem>> -> memref<80xi32, #tpu.memory_space<vmem>>
    %dma_wait3A_270 = arith.constant 0 : i32
    %dma_wait3A_271 = arith.constant 0 : i32
    %dma_wait3A_272 = tpu.memref_slice %arg12[%dma_wait3A_270, %dma_wait3A_271] : memref<10240x128xf32, #tpu.memory_space<vmem_shared>> -> memref<10240x128xf32, #tpu.memory_space<vmem_shared>>
    tpu.wait_indirect_dma semaphore(%arg16 : memref<!tpu.dma_semaphore, #tpu.memory_space<semaphore_mem>>) src(%arg10 : memref<80x128xf32, #tpu.memory_space<vmem>>) dst(%dma_wait3A_272 : memref<10240x128xf32, #tpu.memory_space<vmem_shared>>)
    %dma_wait3A_273 = arith.constant 60 : i32
    %dma_wait3A_274 = arith.constant 0 : i32
    %dma_wait3A_275 = tpu.memref_slice %arg8[%dma_wait3A_273, %dma_wait3A_274] : memref<64x80xi32, #tpu.memory_space<vmem>> -> memref<1x80xi32, #tpu.memory_space<vmem>>
    %dma_wait3A_276 = tpu.memref_squeeze %dma_wait3A_275 : memref<1x80xi32, #tpu.memory_space<vmem>> -> memref<80xi32, #tpu.memory_space<vmem>>
    %dma_wait3A_277 = arith.constant 0 : i32
    %dma_wait3A_278 = arith.constant 0 : i32
    %dma_wait3A_279 = tpu.memref_slice %arg12[%dma_wait3A_277, %dma_wait3A_278] : memref<10240x128xf32, #tpu.memory_space<vmem_shared>> -> memref<10240x128xf32, #tpu.memory_space<vmem_shared>>
    tpu.wait_indirect_dma semaphore(%arg15 : memref<!tpu.dma_semaphore, #tpu.memory_space<semaphore_mem>>) src(%arg9 : memref<80x128xf32, #tpu.memory_space<vmem>>) dst(%dma_wait3A_279 : memref<10240x128xf32, #tpu.memory_space<vmem_shared>>)
    %barrier3A_280 = arith.constant 0 : index
    tpu.barrier barrier_id(%barrier3A_280)
    %mul3A_281 = arith.constant 640 : i32
    %mul3A_282 = arith.muli %arg1, %mul3A_281 : i32
    %add3A_283 = arith.constant 0 : i32
    %add3A_284 = arith.addi %mul3A_282, %add3A_283 : i32
    "tpu.region"() ({
      %run_scoped3A = tpu.sem_alloc : memref<!tpu.dma_semaphore, #tpu.memory_space<semaphore_mem>>
      %dma_start3A_315 = arith.constant 0 : i32
      %dma_start3A_316 = tpu.memref_slice %arg12[%add3A_284, %dma_start3A_315] : memref<10240x128xf32, #tpu.memory_space<vmem_shared>> -> memref<80x128xf32, #tpu.memory_space<vmem_shared>>
      %dma_start3A_317 = arith.constant 0 : i32
      %dma_start3A_318 = tpu.memref_slice %arg12[%add3A_284, %dma_start3A_317] : memref<10240x128xf32, #tpu.memory_space<vmem_shared>> -> memref<80x128xf32, #tpu.memory_space<vmem_shared>>
      tpu.enqueue_dma source(%dma_start3A_318 : memref<80x128xf32, #tpu.memory_space<vmem_shared>>) target(%arg9 : memref<80x128xf32, #tpu.memory_space<vmem>>) target_semaphore(%run_scoped3A : memref<!tpu.dma_semaphore, #tpu.memory_space<semaphore_mem>>)
      %dma_wait3A_319 = arith.constant 0 : i32
      %dma_wait3A_320 = tpu.memref_slice %arg12[%add3A_284, %dma_wait3A_319] : memref<10240x128xf32, #tpu.memory_space<vmem_shared>> -> memref<80x128xf32, #tpu.memory_space<vmem_shared>>
      %dma_wait3A_321 = arith.constant 0 : i32
      %dma_wait3A_322 = tpu.memref_slice %arg12[%add3A_284, %dma_wait3A_321] : memref<10240x128xf32, #tpu.memory_space<vmem_shared>> -> memref<80x128xf32, #tpu.memory_space<vmem_shared>>
      tpu.wait_dma2 semaphore(%run_scoped3A : memref<!tpu.dma_semaphore, #tpu.memory_space<semaphore_mem>>) src(%dma_wait3A_322 : memref<80x128xf32, #tpu.memory_space<vmem_shared>>) dst(%arg9 : memref<80x128xf32, #tpu.memory_space<vmem>>)
      tpu.yield
    }) : () -> ()
    %add3A_285 = arith.constant 0 : i32
    %add3A_286 = arith.addi %mul3A_282, %add3A_285 : i32
    "tpu.region"() ({
      %run_scoped3A = tpu.sem_alloc : memref<!tpu.dma_semaphore, #tpu.memory_space<semaphore_mem>>
      %dma_start3A_315 = arith.constant 0 : i32
      %dma_start3A_316 = tpu.memref_slice %arg5[%arg0, %add3A_286, %dma_start3A_315] : memref<2x10240x128xf32, #tpu.memory_space<hbm>> -> memref<1x80x128xf32, #tpu.memory_space<hbm>>
      %dma_start3A_317 = tpu.memref_squeeze %dma_start3A_316 : memref<1x80x128xf32, #tpu.memory_space<hbm>> -> memref<80x128xf32, #tpu.memory_space<hbm>>
      %dma_start3A_318 = arith.constant 0 : i32
      %dma_start3A_319 = tpu.memref_slice %arg5[%arg0, %add3A_286, %dma_start3A_318] : memref<2x10240x128xf32, #tpu.memory_space<hbm>> -> memref<1x80x128xf32, #tpu.memory_space<hbm>>
      %dma_start3A_320 = tpu.memref_squeeze %dma_start3A_319 : memref<1x80x128xf32, #tpu.memory_space<hbm>> -> memref<80x128xf32, #tpu.memory_space<hbm>>
      tpu.enqueue_dma source(%arg9 : memref<80x128xf32, #tpu.memory_space<vmem>>) target(%dma_start3A_320 : memref<80x128xf32, #tpu.memory_space<hbm>>) target_semaphore(%run_scoped3A : memref<!tpu.dma_semaphore, #tpu.memory_space<semaphore_mem>>)
      %dma_wait3A_321 = arith.constant 0 : i32
      %dma_wait3A_322 = tpu.memref_slice %arg5[%arg0, %add3A_286, %dma_wait3A_321] : memref<2x10240x128xf32, #tpu.memory_space<hbm>> -> memref<1x80x128xf32, #tpu.memory_space<hbm>>
      %dma_wait3A_323 = tpu.memref_squeeze %dma_wait3A_322 : memref<1x80x128xf32, #tpu.memory_space<hbm>> -> memref<80x128xf32, #tpu.memory_space<hbm>>
      %dma_wait3A_324 = arith.constant 0 : i32
      %dma_wait3A_325 = tpu.memref_slice %arg5[%arg0, %add3A_286, %dma_wait3A_324] : memref<2x10240x128xf32, #tpu.memory_space<hbm>> -> memref<1x80x128xf32, #tpu.memory_space<hbm>>
      %dma_wait3A_326 = tpu.memref_squeeze %dma_wait3A_325 : memref<1x80x128xf32, #tpu.memory_space<hbm>> -> memref<80x128xf32, #tpu.memory_space<hbm>>
      tpu.wait_dma2 semaphore(%run_scoped3A : memref<!tpu.dma_semaphore, #tpu.memory_space<semaphore_mem>>) src(%arg9 : memref<80x128xf32, #tpu.memory_space<vmem>>) dst(%dma_wait3A_326 : memref<80x128xf32, #tpu.memory_space<hbm>>)
      tpu.yield
    }) : () -> ()
    %add3A_287 = arith.constant 80 : i32
    %add3A_288 = arith.addi %mul3A_282, %add3A_287 : i32
    "tpu.region"() ({
      %run_scoped3A = tpu.sem_alloc : memref<!tpu.dma_semaphore, #tpu.memory_space<semaphore_mem>>
      %dma_start3A_315 = arith.constant 0 : i32
      %dma_start3A_316 = tpu.memref_slice %arg12[%add3A_288, %dma_start3A_315] : memref<10240x128xf32, #tpu.memory_space<vmem_shared>> -> memref<80x128xf32, #tpu.memory_space<vmem_shared>>
      %dma_start3A_317 = arith.constant 0 : i32
      %dma_start3A_318 = tpu.memref_slice %arg12[%add3A_288, %dma_start3A_317] : memref<10240x128xf32, #tpu.memory_space<vmem_shared>> -> memref<80x128xf32, #tpu.memory_space<vmem_shared>>
      tpu.enqueue_dma source(%dma_start3A_318 : memref<80x128xf32, #tpu.memory_space<vmem_shared>>) target(%arg9 : memref<80x128xf32, #tpu.memory_space<vmem>>) target_semaphore(%run_scoped3A : memref<!tpu.dma_semaphore, #tpu.memory_space<semaphore_mem>>)
      %dma_wait3A_319 = arith.constant 0 : i32
      %dma_wait3A_320 = tpu.memref_slice %arg12[%add3A_288, %dma_wait3A_319] : memref<10240x128xf32, #tpu.memory_space<vmem_shared>> -> memref<80x128xf32, #tpu.memory_space<vmem_shared>>
      %dma_wait3A_321 = arith.constant 0 : i32
      %dma_wait3A_322 = tpu.memref_slice %arg12[%add3A_288, %dma_wait3A_321] : memref<10240x128xf32, #tpu.memory_space<vmem_shared>> -> memref<80x128xf32, #tpu.memory_space<vmem_shared>>
      tpu.wait_dma2 semaphore(%run_scoped3A : memref<!tpu.dma_semaphore, #tpu.memory_space<semaphore_mem>>) src(%dma_wait3A_322 : memref<80x128xf32, #tpu.memory_space<vmem_shared>>) dst(%arg9 : memref<80x128xf32, #tpu.memory_space<vmem>>)
      tpu.yield
    }) : () -> ()
    %add3A_289 = arith.constant 80 : i32
    %add3A_290 = arith.addi %mul3A_282, %add3A_289 : i32
    "tpu.region"() ({
      %run_scoped3A = tpu.sem_alloc : memref<!tpu.dma_semaphore, #tpu.memory_space<semaphore_mem>>
      %dma_start3A_315 = arith.constant 0 : i32
      %dma_start3A_316 = tpu.memref_slice %arg5[%arg0, %add3A_290, %dma_start3A_315] : memref<2x10240x128xf32, #tpu.memory_space<hbm>> -> memref<1x80x128xf32, #tpu.memory_space<hbm>>
      %dma_start3A_317 = tpu.memref_squeeze %dma_start3A_316 : memref<1x80x128xf32, #tpu.memory_space<hbm>> -> memref<80x128xf32, #tpu.memory_space<hbm>>
      %dma_start3A_318 = arith.constant 0 : i32
      %dma_start3A_319 = tpu.memref_slice %arg5[%arg0, %add3A_290, %dma_start3A_318] : memref<2x10240x128xf32, #tpu.memory_space<hbm>> -> memref<1x80x128xf32, #tpu.memory_space<hbm>>
      %dma_start3A_320 = tpu.memref_squeeze %dma_start3A_319 : memref<1x80x128xf32, #tpu.memory_space<hbm>> -> memref<80x128xf32, #tpu.memory_space<hbm>>
      tpu.enqueue_dma source(%arg9 : memref<80x128xf32, #tpu.memory_space<vmem>>) target(%dma_start3A_320 : memref<80x128xf32, #tpu.memory_space<hbm>>) target_semaphore(%run_scoped3A : memref<!tpu.dma_semaphore, #tpu.memory_space<semaphore_mem>>)
      %dma_wait3A_321 = arith.constant 0 : i32
      %dma_wait3A_322 = tpu.memref_slice %arg5[%arg0, %add3A_290, %dma_wait3A_321] : memref<2x10240x128xf32, #tpu.memory_space<hbm>> -> memref<1x80x128xf32, #tpu.memory_space<hbm>>
      %dma_wait3A_323 = tpu.memref_squeeze %dma_wait3A_322 : memref<1x80x128xf32, #tpu.memory_space<hbm>> -> memref<80x128xf32, #tpu.memory_space<hbm>>
      %dma_wait3A_324 = arith.constant 0 : i32
      %dma_wait3A_325 = tpu.memref_slice %arg5[%arg0, %add3A_290, %dma_wait3A_324] : memref<2x10240x128xf32, #tpu.memory_space<hbm>> -> memref<1x80x128xf32, #tpu.memory_space<hbm>>
      %dma_wait3A_326 = tpu.memref_squeeze %dma_wait3A_325 : memref<1x80x128xf32, #tpu.memory_space<hbm>> -> memref<80x128xf32, #tpu.memory_space<hbm>>
      tpu.wait_dma2 semaphore(%run_scoped3A : memref<!tpu.dma_semaphore, #tpu.memory_space<semaphore_mem>>) src(%arg9 : memref<80x128xf32, #tpu.memory_space<vmem>>) dst(%dma_wait3A_326 : memref<80x128xf32, #tpu.memory_space<hbm>>)
      tpu.yield
    }) : () -> ()
    %add3A_291 = arith.constant 160 : i32
    %add3A_292 = arith.addi %mul3A_282, %add3A_291 : i32
    "tpu.region"() ({
      %run_scoped3A = tpu.sem_alloc : memref<!tpu.dma_semaphore, #tpu.memory_space<semaphore_mem>>
      %dma_start3A_315 = arith.constant 0 : i32
      %dma_start3A_316 = tpu.memref_slice %arg12[%add3A_292, %dma_start3A_315] : memref<10240x128xf32, #tpu.memory_space<vmem_shared>> -> memref<80x128xf32, #tpu.memory_space<vmem_shared>>
      %dma_start3A_317 = arith.constant 0 : i32
      %dma_start3A_318 = tpu.memref_slice %arg12[%add3A_292, %dma_start3A_317] : memref<10240x128xf32, #tpu.memory_space<vmem_shared>> -> memref<80x128xf32, #tpu.memory_space<vmem_shared>>
      tpu.enqueue_dma source(%dma_start3A_318 : memref<80x128xf32, #tpu.memory_space<vmem_shared>>) target(%arg9 : memref<80x128xf32, #tpu.memory_space<vmem>>) target_semaphore(%run_scoped3A : memref<!tpu.dma_semaphore, #tpu.memory_space<semaphore_mem>>)
      %dma_wait3A_319 = arith.constant 0 : i32
      %dma_wait3A_320 = tpu.memref_slice %arg12[%add3A_292, %dma_wait3A_319] : memref<10240x128xf32, #tpu.memory_space<vmem_shared>> -> memref<80x128xf32, #tpu.memory_space<vmem_shared>>
      %dma_wait3A_321 = arith.constant 0 : i32
      %dma_wait3A_322 = tpu.memref_slice %arg12[%add3A_292, %dma_wait3A_321] : memref<10240x128xf32, #tpu.memory_space<vmem_shared>> -> memref<80x128xf32, #tpu.memory_space<vmem_shared>>
      tpu.wait_dma2 semaphore(%run_scoped3A : memref<!tpu.dma_semaphore, #tpu.memory_space<semaphore_mem>>) src(%dma_wait3A_322 : memref<80x128xf32, #tpu.memory_space<vmem_shared>>) dst(%arg9 : memref<80x128xf32, #tpu.memory_space<vmem>>)
      tpu.yield
    }) : () -> ()
    %add3A_293 = arith.constant 160 : i32
    %add3A_294 = arith.addi %mul3A_282, %add3A_293 : i32
    "tpu.region"() ({
      %run_scoped3A = tpu.sem_alloc : memref<!tpu.dma_semaphore, #tpu.memory_space<semaphore_mem>>
      %dma_start3A_315 = arith.constant 0 : i32
      %dma_start3A_316 = tpu.memref_slice %arg5[%arg0, %add3A_294, %dma_start3A_315] : memref<2x10240x128xf32, #tpu.memory_space<hbm>> -> memref<1x80x128xf32, #tpu.memory_space<hbm>>
      %dma_start3A_317 = tpu.memref_squeeze %dma_start3A_316 : memref<1x80x128xf32, #tpu.memory_space<hbm>> -> memref<80x128xf32, #tpu.memory_space<hbm>>
      %dma_start3A_318 = arith.constant 0 : i32
      %dma_start3A_319 = tpu.memref_slice %arg5[%arg0, %add3A_294, %dma_start3A_318] : memref<2x10240x128xf32, #tpu.memory_space<hbm>> -> memref<1x80x128xf32, #tpu.memory_space<hbm>>
      %dma_start3A_320 = tpu.memref_squeeze %dma_start3A_319 : memref<1x80x128xf32, #tpu.memory_space<hbm>> -> memref<80x128xf32, #tpu.memory_space<hbm>>
      tpu.enqueue_dma source(%arg9 : memref<80x128xf32, #tpu.memory_space<vmem>>) target(%dma_start3A_320 : memref<80x128xf32, #tpu.memory_space<hbm>>) target_semaphore(%run_scoped3A : memref<!tpu.dma_semaphore, #tpu.memory_space<semaphore_mem>>)
      %dma_wait3A_321 = arith.constant 0 : i32
      %dma_wait3A_322 = tpu.memref_slice %arg5[%arg0, %add3A_294, %dma_wait3A_321] : memref<2x10240x128xf32, #tpu.memory_space<hbm>> -> memref<1x80x128xf32, #tpu.memory_space<hbm>>
      %dma_wait3A_323 = tpu.memref_squeeze %dma_wait3A_322 : memref<1x80x128xf32, #tpu.memory_space<hbm>> -> memref<80x128xf32, #tpu.memory_space<hbm>>
      %dma_wait3A_324 = arith.constant 0 : i32
      %dma_wait3A_325 = tpu.memref_slice %arg5[%arg0, %add3A_294, %dma_wait3A_324] : memref<2x10240x128xf32, #tpu.memory_space<hbm>> -> memref<1x80x128xf32, #tpu.memory_space<hbm>>
      %dma_wait3A_326 = tpu.memref_squeeze %dma_wait3A_325 : memref<1x80x128xf32, #tpu.memory_space<hbm>> -> memref<80x128xf32, #tpu.memory_space<hbm>>
      tpu.wait_dma2 semaphore(%run_scoped3A : memref<!tpu.dma_semaphore, #tpu.memory_space<semaphore_mem>>) src(%arg9 : memref<80x128xf32, #tpu.memory_space<vmem>>) dst(%dma_wait3A_326 : memref<80x128xf32, #tpu.memory_space<hbm>>)
      tpu.yield
    }) : () -> ()
    %add3A_295 = arith.constant 240 : i32
    %add3A_296 = arith.addi %mul3A_282, %add3A_295 : i32
    "tpu.region"() ({
      %run_scoped3A = tpu.sem_alloc : memref<!tpu.dma_semaphore, #tpu.memory_space<semaphore_mem>>
      %dma_start3A_315 = arith.constant 0 : i32
      %dma_start3A_316 = tpu.memref_slice %arg12[%add3A_296, %dma_start3A_315] : memref<10240x128xf32, #tpu.memory_space<vmem_shared>> -> memref<80x128xf32, #tpu.memory_space<vmem_shared>>
      %dma_start3A_317 = arith.constant 0 : i32
      %dma_start3A_318 = tpu.memref_slice %arg12[%add3A_296, %dma_start3A_317] : memref<10240x128xf32, #tpu.memory_space<vmem_shared>> -> memref<80x128xf32, #tpu.memory_space<vmem_shared>>
      tpu.enqueue_dma source(%dma_start3A_318 : memref<80x128xf32, #tpu.memory_space<vmem_shared>>) target(%arg9 : memref<80x128xf32, #tpu.memory_space<vmem>>) target_semaphore(%run_scoped3A : memref<!tpu.dma_semaphore, #tpu.memory_space<semaphore_mem>>)
      %dma_wait3A_319 = arith.constant 0 : i32
      %dma_wait3A_320 = tpu.memref_slice %arg12[%add3A_296, %dma_wait3A_319] : memref<10240x128xf32, #tpu.memory_space<vmem_shared>> -> memref<80x128xf32, #tpu.memory_space<vmem_shared>>
      %dma_wait3A_321 = arith.constant 0 : i32
      %dma_wait3A_322 = tpu.memref_slice %arg12[%add3A_296, %dma_wait3A_321] : memref<10240x128xf32, #tpu.memory_space<vmem_shared>> -> memref<80x128xf32, #tpu.memory_space<vmem_shared>>
      tpu.wait_dma2 semaphore(%run_scoped3A : memref<!tpu.dma_semaphore, #tpu.memory_space<semaphore_mem>>) src(%dma_wait3A_322 : memref<80x128xf32, #tpu.memory_space<vmem_shared>>) dst(%arg9 : memref<80x128xf32, #tpu.memory_space<vmem>>)
      tpu.yield
    }) : () -> ()
    %add3A_297 = arith.constant 240 : i32
    %add3A_298 = arith.addi %mul3A_282, %add3A_297 : i32
    "tpu.region"() ({
      %run_scoped3A = tpu.sem_alloc : memref<!tpu.dma_semaphore, #tpu.memory_space<semaphore_mem>>
      %dma_start3A_315 = arith.constant 0 : i32
      %dma_start3A_316 = tpu.memref_slice %arg5[%arg0, %add3A_298, %dma_start3A_315] : memref<2x10240x128xf32, #tpu.memory_space<hbm>> -> memref<1x80x128xf32, #tpu.memory_space<hbm>>
      %dma_start3A_317 = tpu.memref_squeeze %dma_start3A_316 : memref<1x80x128xf32, #tpu.memory_space<hbm>> -> memref<80x128xf32, #tpu.memory_space<hbm>>
      %dma_start3A_318 = arith.constant 0 : i32
      %dma_start3A_319 = tpu.memref_slice %arg5[%arg0, %add3A_298, %dma_start3A_318] : memref<2x10240x128xf32, #tpu.memory_space<hbm>> -> memref<1x80x128xf32, #tpu.memory_space<hbm>>
      %dma_start3A_320 = tpu.memref_squeeze %dma_start3A_319 : memref<1x80x128xf32, #tpu.memory_space<hbm>> -> memref<80x128xf32, #tpu.memory_space<hbm>>
      tpu.enqueue_dma source(%arg9 : memref<80x128xf32, #tpu.memory_space<vmem>>) target(%dma_start3A_320 : memref<80x128xf32, #tpu.memory_space<hbm>>) target_semaphore(%run_scoped3A : memref<!tpu.dma_semaphore, #tpu.memory_space<semaphore_mem>>)
      %dma_wait3A_321 = arith.constant 0 : i32
      %dma_wait3A_322 = tpu.memref_slice %arg5[%arg0, %add3A_298, %dma_wait3A_321] : memref<2x10240x128xf32, #tpu.memory_space<hbm>> -> memref<1x80x128xf32, #tpu.memory_space<hbm>>
      %dma_wait3A_323 = tpu.memref_squeeze %dma_wait3A_322 : memref<1x80x128xf32, #tpu.memory_space<hbm>> -> memref<80x128xf32, #tpu.memory_space<hbm>>
      %dma_wait3A_324 = arith.constant 0 : i32
      %dma_wait3A_325 = tpu.memref_slice %arg5[%arg0, %add3A_298, %dma_wait3A_324] : memref<2x10240x128xf32, #tpu.memory_space<hbm>> -> memref<1x80x128xf32, #tpu.memory_space<hbm>>
      %dma_wait3A_326 = tpu.memref_squeeze %dma_wait3A_325 : memref<1x80x128xf32, #tpu.memory_space<hbm>> -> memref<80x128xf32, #tpu.memory_space<hbm>>
      tpu.wait_dma2 semaphore(%run_scoped3A : memref<!tpu.dma_semaphore, #tpu.memory_space<semaphore_mem>>) src(%arg9 : memref<80x128xf32, #tpu.memory_space<vmem>>) dst(%dma_wait3A_326 : memref<80x128xf32, #tpu.memory_space<hbm>>)
      tpu.yield
    }) : () -> ()
    %add3A_299 = arith.constant 320 : i32
    %add3A_300 = arith.addi %mul3A_282, %add3A_299 : i32
    "tpu.region"() ({
      %run_scoped3A = tpu.sem_alloc : memref<!tpu.dma_semaphore, #tpu.memory_space<semaphore_mem>>
      %dma_start3A_315 = arith.constant 0 : i32
      %dma_start3A_316 = tpu.memref_slice %arg12[%add3A_300, %dma_start3A_315] : memref<10240x128xf32, #tpu.memory_space<vmem_shared>> -> memref<80x128xf32, #tpu.memory_space<vmem_shared>>
      %dma_start3A_317 = arith.constant 0 : i32
      %dma_start3A_318 = tpu.memref_slice %arg12[%add3A_300, %dma_start3A_317] : memref<10240x128xf32, #tpu.memory_space<vmem_shared>> -> memref<80x128xf32, #tpu.memory_space<vmem_shared>>
      tpu.enqueue_dma source(%dma_start3A_318 : memref<80x128xf32, #tpu.memory_space<vmem_shared>>) target(%arg9 : memref<80x128xf32, #tpu.memory_space<vmem>>) target_semaphore(%run_scoped3A : memref<!tpu.dma_semaphore, #tpu.memory_space<semaphore_mem>>)
      %dma_wait3A_319 = arith.constant 0 : i32
      %dma_wait3A_320 = tpu.memref_slice %arg12[%add3A_300, %dma_wait3A_319] : memref<10240x128xf32, #tpu.memory_space<vmem_shared>> -> memref<80x128xf32, #tpu.memory_space<vmem_shared>>
      %dma_wait3A_321 = arith.constant 0 : i32
      %dma_wait3A_322 = tpu.memref_slice %arg12[%add3A_300, %dma_wait3A_321] : memref<10240x128xf32, #tpu.memory_space<vmem_shared>> -> memref<80x128xf32, #tpu.memory_space<vmem_shared>>
      tpu.wait_dma2 semaphore(%run_scoped3A : memref<!tpu.dma_semaphore, #tpu.memory_space<semaphore_mem>>) src(%dma_wait3A_322 : memref<80x128xf32, #tpu.memory_space<vmem_shared>>) dst(%arg9 : memref<80x128xf32, #tpu.memory_space<vmem>>)
      tpu.yield
    }) : () -> ()
    %add3A_301 = arith.constant 320 : i32
    %add3A_302 = arith.addi %mul3A_282, %add3A_301 : i32
    "tpu.region"() ({
      %run_scoped3A = tpu.sem_alloc : memref<!tpu.dma_semaphore, #tpu.memory_space<semaphore_mem>>
      %dma_start3A_315 = arith.constant 0 : i32
      %dma_start3A_316 = tpu.memref_slice %arg5[%arg0, %add3A_302, %dma_start3A_315] : memref<2x10240x128xf32, #tpu.memory_space<hbm>> -> memref<1x80x128xf32, #tpu.memory_space<hbm>>
      %dma_start3A_317 = tpu.memref_squeeze %dma_start3A_316 : memref<1x80x128xf32, #tpu.memory_space<hbm>> -> memref<80x128xf32, #tpu.memory_space<hbm>>
      %dma_start3A_318 = arith.constant 0 : i32
      %dma_start3A_319 = tpu.memref_slice %arg5[%arg0, %add3A_302, %dma_start3A_318] : memref<2x10240x128xf32, #tpu.memory_space<hbm>> -> memref<1x80x128xf32, #tpu.memory_space<hbm>>
      %dma_start3A_320 = tpu.memref_squeeze %dma_start3A_319 : memref<1x80x128xf32, #tpu.memory_space<hbm>> -> memref<80x128xf32, #tpu.memory_space<hbm>>
      tpu.enqueue_dma source(%arg9 : memref<80x128xf32, #tpu.memory_space<vmem>>) target(%dma_start3A_320 : memref<80x128xf32, #tpu.memory_space<hbm>>) target_semaphore(%run_scoped3A : memref<!tpu.dma_semaphore, #tpu.memory_space<semaphore_mem>>)
      %dma_wait3A_321 = arith.constant 0 : i32
      %dma_wait3A_322 = tpu.memref_slice %arg5[%arg0, %add3A_302, %dma_wait3A_321] : memref<2x10240x128xf32, #tpu.memory_space<hbm>> -> memref<1x80x128xf32, #tpu.memory_space<hbm>>
      %dma_wait3A_323 = tpu.memref_squeeze %dma_wait3A_322 : memref<1x80x128xf32, #tpu.memory_space<hbm>> -> memref<80x128xf32, #tpu.memory_space<hbm>>
      %dma_wait3A_324 = arith.constant 0 : i32
      %dma_wait3A_325 = tpu.memref_slice %arg5[%arg0, %add3A_302, %dma_wait3A_324] : memref<2x10240x128xf32, #tpu.memory_space<hbm>> -> memref<1x80x128xf32, #tpu.memory_space<hbm>>
      %dma_wait3A_326 = tpu.memref_squeeze %dma_wait3A_325 : memref<1x80x128xf32, #tpu.memory_space<hbm>> -> memref<80x128xf32, #tpu.memory_space<hbm>>
      tpu.wait_dma2 semaphore(%run_scoped3A : memref<!tpu.dma_semaphore, #tpu.memory_space<semaphore_mem>>) src(%arg9 : memref<80x128xf32, #tpu.memory_space<vmem>>) dst(%dma_wait3A_326 : memref<80x128xf32, #tpu.memory_space<hbm>>)
      tpu.yield
    }) : () -> ()
    %add3A_303 = arith.constant 400 : i32
    %add3A_304 = arith.addi %mul3A_282, %add3A_303 : i32
    "tpu.region"() ({
      %run_scoped3A = tpu.sem_alloc : memref<!tpu.dma_semaphore, #tpu.memory_space<semaphore_mem>>
      %dma_start3A_315 = arith.constant 0 : i32
      %dma_start3A_316 = tpu.memref_slice %arg12[%add3A_304, %dma_start3A_315] : memref<10240x128xf32, #tpu.memory_space<vmem_shared>> -> memref<80x128xf32, #tpu.memory_space<vmem_shared>>
      %dma_start3A_317 = arith.constant 0 : i32
      %dma_start3A_318 = tpu.memref_slice %arg12[%add3A_304, %dma_start3A_317] : memref<10240x128xf32, #tpu.memory_space<vmem_shared>> -> memref<80x128xf32, #tpu.memory_space<vmem_shared>>
      tpu.enqueue_dma source(%dma_start3A_318 : memref<80x128xf32, #tpu.memory_space<vmem_shared>>) target(%arg9 : memref<80x128xf32, #tpu.memory_space<vmem>>) target_semaphore(%run_scoped3A : memref<!tpu.dma_semaphore, #tpu.memory_space<semaphore_mem>>)
      %dma_wait3A_319 = arith.constant 0 : i32
      %dma_wait3A_320 = tpu.memref_slice %arg12[%add3A_304, %dma_wait3A_319] : memref<10240x128xf32, #tpu.memory_space<vmem_shared>> -> memref<80x128xf32, #tpu.memory_space<vmem_shared>>
      %dma_wait3A_321 = arith.constant 0 : i32
      %dma_wait3A_322 = tpu.memref_slice %arg12[%add3A_304, %dma_wait3A_321] : memref<10240x128xf32, #tpu.memory_space<vmem_shared>> -> memref<80x128xf32, #tpu.memory_space<vmem_shared>>
      tpu.wait_dma2 semaphore(%run_scoped3A : memref<!tpu.dma_semaphore, #tpu.memory_space<semaphore_mem>>) src(%dma_wait3A_322 : memref<80x128xf32, #tpu.memory_space<vmem_shared>>) dst(%arg9 : memref<80x128xf32, #tpu.memory_space<vmem>>)
      tpu.yield
    }) : () -> ()
    %add3A_305 = arith.constant 400 : i32
    %add3A_306 = arith.addi %mul3A_282, %add3A_305 : i32
    "tpu.region"() ({
      %run_scoped3A = tpu.sem_alloc : memref<!tpu.dma_semaphore, #tpu.memory_space<semaphore_mem>>
      %dma_start3A_315 = arith.constant 0 : i32
      %dma_start3A_316 = tpu.memref_slice %arg5[%arg0, %add3A_306, %dma_start3A_315] : memref<2x10240x128xf32, #tpu.memory_space<hbm>> -> memref<1x80x128xf32, #tpu.memory_space<hbm>>
      %dma_start3A_317 = tpu.memref_squeeze %dma_start3A_316 : memref<1x80x128xf32, #tpu.memory_space<hbm>> -> memref<80x128xf32, #tpu.memory_space<hbm>>
      %dma_start3A_318 = arith.constant 0 : i32
      %dma_start3A_319 = tpu.memref_slice %arg5[%arg0, %add3A_306, %dma_start3A_318] : memref<2x10240x128xf32, #tpu.memory_space<hbm>> -> memref<1x80x128xf32, #tpu.memory_space<hbm>>
      %dma_start3A_320 = tpu.memref_squeeze %dma_start3A_319 : memref<1x80x128xf32, #tpu.memory_space<hbm>> -> memref<80x128xf32, #tpu.memory_space<hbm>>
      tpu.enqueue_dma source(%arg9 : memref<80x128xf32, #tpu.memory_space<vmem>>) target(%dma_start3A_320 : memref<80x128xf32, #tpu.memory_space<hbm>>) target_semaphore(%run_scoped3A : memref<!tpu.dma_semaphore, #tpu.memory_space<semaphore_mem>>)
      %dma_wait3A_321 = arith.constant 0 : i32
      %dma_wait3A_322 = tpu.memref_slice %arg5[%arg0, %add3A_306, %dma_wait3A_321] : memref<2x10240x128xf32, #tpu.memory_space<hbm>> -> memref<1x80x128xf32, #tpu.memory_space<hbm>>
      %dma_wait3A_323 = tpu.memref_squeeze %dma_wait3A_322 : memref<1x80x128xf32, #tpu.memory_space<hbm>> -> memref<80x128xf32, #tpu.memory_space<hbm>>
      %dma_wait3A_324 = arith.constant 0 : i32
      %dma_wait3A_325 = tpu.memref_slice %arg5[%arg0, %add3A_306, %dma_wait3A_324] : memref<2x10240x128xf32, #tpu.memory_space<hbm>> -> memref<1x80x128xf32, #tpu.memory_space<hbm>>
      %dma_wait3A_326 = tpu.memref_squeeze %dma_wait3A_325 : memref<1x80x128xf32, #tpu.memory_space<hbm>> -> memref<80x128xf32, #tpu.memory_space<hbm>>
      tpu.wait_dma2 semaphore(%run_scoped3A : memref<!tpu.dma_semaphore, #tpu.memory_space<semaphore_mem>>) src(%arg9 : memref<80x128xf32, #tpu.memory_space<vmem>>) dst(%dma_wait3A_326 : memref<80x128xf32, #tpu.memory_space<hbm>>)
      tpu.yield
    }) : () -> ()
    %add3A_307 = arith.constant 480 : i32
    %add3A_308 = arith.addi %mul3A_282, %add3A_307 : i32
    "tpu.region"() ({
      %run_scoped3A = tpu.sem_alloc : memref<!tpu.dma_semaphore, #tpu.memory_space<semaphore_mem>>
      %dma_start3A_315 = arith.constant 0 : i32
      %dma_start3A_316 = tpu.memref_slice %arg12[%add3A_308, %dma_start3A_315] : memref<10240x128xf32, #tpu.memory_space<vmem_shared>> -> memref<80x128xf32, #tpu.memory_space<vmem_shared>>
      %dma_start3A_317 = arith.constant 0 : i32
      %dma_start3A_318 = tpu.memref_slice %arg12[%add3A_308, %dma_start3A_317] : memref<10240x128xf32, #tpu.memory_space<vmem_shared>> -> memref<80x128xf32, #tpu.memory_space<vmem_shared>>
      tpu.enqueue_dma source(%dma_start3A_318 : memref<80x128xf32, #tpu.memory_space<vmem_shared>>) target(%arg9 : memref<80x128xf32, #tpu.memory_space<vmem>>) target_semaphore(%run_scoped3A : memref<!tpu.dma_semaphore, #tpu.memory_space<semaphore_mem>>)
      %dma_wait3A_319 = arith.constant 0 : i32
      %dma_wait3A_320 = tpu.memref_slice %arg12[%add3A_308, %dma_wait3A_319] : memref<10240x128xf32, #tpu.memory_space<vmem_shared>> -> memref<80x128xf32, #tpu.memory_space<vmem_shared>>
      %dma_wait3A_321 = arith.constant 0 : i32
      %dma_wait3A_322 = tpu.memref_slice %arg12[%add3A_308, %dma_wait3A_321] : memref<10240x128xf32, #tpu.memory_space<vmem_shared>> -> memref<80x128xf32, #tpu.memory_space<vmem_shared>>
      tpu.wait_dma2 semaphore(%run_scoped3A : memref<!tpu.dma_semaphore, #tpu.memory_space<semaphore_mem>>) src(%dma_wait3A_322 : memref<80x128xf32, #tpu.memory_space<vmem_shared>>) dst(%arg9 : memref<80x128xf32, #tpu.memory_space<vmem>>)
      tpu.yield
    }) : () -> ()
    %add3A_309 = arith.constant 480 : i32
    %add3A_310 = arith.addi %mul3A_282, %add3A_309 : i32
    "tpu.region"() ({
      %run_scoped3A = tpu.sem_alloc : memref<!tpu.dma_semaphore, #tpu.memory_space<semaphore_mem>>
      %dma_start3A_315 = arith.constant 0 : i32
      %dma_start3A_316 = tpu.memref_slice %arg5[%arg0, %add3A_310, %dma_start3A_315] : memref<2x10240x128xf32, #tpu.memory_space<hbm>> -> memref<1x80x128xf32, #tpu.memory_space<hbm>>
      %dma_start3A_317 = tpu.memref_squeeze %dma_start3A_316 : memref<1x80x128xf32, #tpu.memory_space<hbm>> -> memref<80x128xf32, #tpu.memory_space<hbm>>
      %dma_start3A_318 = arith.constant 0 : i32
      %dma_start3A_319 = tpu.memref_slice %arg5[%arg0, %add3A_310, %dma_start3A_318] : memref<2x10240x128xf32, #tpu.memory_space<hbm>> -> memref<1x80x128xf32, #tpu.memory_space<hbm>>
      %dma_start3A_320 = tpu.memref_squeeze %dma_start3A_319 : memref<1x80x128xf32, #tpu.memory_space<hbm>> -> memref<80x128xf32, #tpu.memory_space<hbm>>
      tpu.enqueue_dma source(%arg9 : memref<80x128xf32, #tpu.memory_space<vmem>>) target(%dma_start3A_320 : memref<80x128xf32, #tpu.memory_space<hbm>>) target_semaphore(%run_scoped3A : memref<!tpu.dma_semaphore, #tpu.memory_space<semaphore_mem>>)
      %dma_wait3A_321 = arith.constant 0 : i32
      %dma_wait3A_322 = tpu.memref_slice %arg5[%arg0, %add3A_310, %dma_wait3A_321] : memref<2x10240x128xf32, #tpu.memory_space<hbm>> -> memref<1x80x128xf32, #tpu.memory_space<hbm>>
      %dma_wait3A_323 = tpu.memref_squeeze %dma_wait3A_322 : memref<1x80x128xf32, #tpu.memory_space<hbm>> -> memref<80x128xf32, #tpu.memory_space<hbm>>
      %dma_wait3A_324 = arith.constant 0 : i32
      %dma_wait3A_325 = tpu.memref_slice %arg5[%arg0, %add3A_310, %dma_wait3A_324] : memref<2x10240x128xf32, #tpu.memory_space<hbm>> -> memref<1x80x128xf32, #tpu.memory_space<hbm>>
      %dma_wait3A_326 = tpu.memref_squeeze %dma_wait3A_325 : memref<1x80x128xf32, #tpu.memory_space<hbm>> -> memref<80x128xf32, #tpu.memory_space<hbm>>
      tpu.wait_dma2 semaphore(%run_scoped3A : memref<!tpu.dma_semaphore, #tpu.memory_space<semaphore_mem>>) src(%arg9 : memref<80x128xf32, #tpu.memory_space<vmem>>) dst(%dma_wait3A_326 : memref<80x128xf32, #tpu.memory_space<hbm>>)
      tpu.yield
    }) : () -> ()
    %add3A_311 = arith.constant 560 : i32
    %add3A_312 = arith.addi %mul3A_282, %add3A_311 : i32
    "tpu.region"() ({
      %run_scoped3A = tpu.sem_alloc : memref<!tpu.dma_semaphore, #tpu.memory_space<semaphore_mem>>
      %dma_start3A_315 = arith.constant 0 : i32
      %dma_start3A_316 = tpu.memref_slice %arg12[%add3A_312, %dma_start3A_315] : memref<10240x128xf32, #tpu.memory_space<vmem_shared>> -> memref<80x128xf32, #tpu.memory_space<vmem_shared>>
      %dma_start3A_317 = arith.constant 0 : i32
      %dma_start3A_318 = tpu.memref_slice %arg12[%add3A_312, %dma_start3A_317] : memref<10240x128xf32, #tpu.memory_space<vmem_shared>> -> memref<80x128xf32, #tpu.memory_space<vmem_shared>>
      tpu.enqueue_dma source(%dma_start3A_318 : memref<80x128xf32, #tpu.memory_space<vmem_shared>>) target(%arg9 : memref<80x128xf32, #tpu.memory_space<vmem>>) target_semaphore(%run_scoped3A : memref<!tpu.dma_semaphore, #tpu.memory_space<semaphore_mem>>)
      %dma_wait3A_319 = arith.constant 0 : i32
      %dma_wait3A_320 = tpu.memref_slice %arg12[%add3A_312, %dma_wait3A_319] : memref<10240x128xf32, #tpu.memory_space<vmem_shared>> -> memref<80x128xf32, #tpu.memory_space<vmem_shared>>
      %dma_wait3A_321 = arith.constant 0 : i32
      %dma_wait3A_322 = tpu.memref_slice %arg12[%add3A_312, %dma_wait3A_321] : memref<10240x128xf32, #tpu.memory_space<vmem_shared>> -> memref<80x128xf32, #tpu.memory_space<vmem_shared>>
      tpu.wait_dma2 semaphore(%run_scoped3A : memref<!tpu.dma_semaphore, #tpu.memory_space<semaphore_mem>>) src(%dma_wait3A_322 : memref<80x128xf32, #tpu.memory_space<vmem_shared>>) dst(%arg9 : memref<80x128xf32, #tpu.memory_space<vmem>>)
      tpu.yield
    }) : () -> ()
    %add3A_313 = arith.constant 560 : i32
    %add3A_314 = arith.addi %mul3A_282, %add3A_313 : i32
    "tpu.region"() ({
      %run_scoped3A = tpu.sem_alloc : memref<!tpu.dma_semaphore, #tpu.memory_space<semaphore_mem>>
      %dma_start3A_315 = arith.constant 0 : i32
      %dma_start3A_316 = tpu.memref_slice %arg5[%arg0, %add3A_314, %dma_start3A_315] : memref<2x10240x128xf32, #tpu.memory_space<hbm>> -> memref<1x80x128xf32, #tpu.memory_space<hbm>>
      %dma_start3A_317 = tpu.memref_squeeze %dma_start3A_316 : memref<1x80x128xf32, #tpu.memory_space<hbm>> -> memref<80x128xf32, #tpu.memory_space<hbm>>
      %dma_start3A_318 = arith.constant 0 : i32
      %dma_start3A_319 = tpu.memref_slice %arg5[%arg0, %add3A_314, %dma_start3A_318] : memref<2x10240x128xf32, #tpu.memory_space<hbm>> -> memref<1x80x128xf32, #tpu.memory_space<hbm>>
      %dma_start3A_320 = tpu.memref_squeeze %dma_start3A_319 : memref<1x80x128xf32, #tpu.memory_space<hbm>> -> memref<80x128xf32, #tpu.memory_space<hbm>>
      tpu.enqueue_dma source(%arg9 : memref<80x128xf32, #tpu.memory_space<vmem>>) target(%dma_start3A_320 : memref<80x128xf32, #tpu.memory_space<hbm>>) target_semaphore(%run_scoped3A : memref<!tpu.dma_semaphore, #tpu.memory_space<semaphore_mem>>)
      %dma_wait3A_321 = arith.constant 0 : i32
      %dma_wait3A_322 = tpu.memref_slice %arg5[%arg0, %add3A_314, %dma_wait3A_321] : memref<2x10240x128xf32, #tpu.memory_space<hbm>> -> memref<1x80x128xf32, #tpu.memory_space<hbm>>
      %dma_wait3A_323 = tpu.memref_squeeze %dma_wait3A_322 : memref<1x80x128xf32, #tpu.memory_space<hbm>> -> memref<80x128xf32, #tpu.memory_space<hbm>>
      %dma_wait3A_324 = arith.constant 0 : i32
      %dma_wait3A_325 = tpu.memref_slice %arg5[%arg0, %add3A_314, %dma_wait3A_324] : memref<2x10240x128xf32, #tpu.memory_space<hbm>> -> memref<1x80x128xf32, #tpu.memory_space<hbm>>
      %dma_wait3A_326 = tpu.memref_squeeze %dma_wait3A_325 : memref<1x80x128xf32, #tpu.memory_space<hbm>> -> memref<80x128xf32, #tpu.memory_space<hbm>>
      tpu.wait_dma2 semaphore(%run_scoped3A : memref<!tpu.dma_semaphore, #tpu.memory_space<semaphore_mem>>) src(%arg9 : memref<80x128xf32, #tpu.memory_space<vmem>>) dst(%dma_wait3A_326 : memref<80x128xf32, #tpu.memory_space<hbm>>)
      tpu.yield
    }) : () -> ()
    "tpu.region"() ({
      %run_scoped3A = tpu.sem_alloc : memref<!tpu.dma_semaphore, #tpu.memory_space<semaphore_mem>>
      %dma_start3A_315 = arith.constant 0 : i32
      %dma_start3A_316 = tpu.memref_slice %arg6[%add3A, %dma_start3A_315] : memref<32x10240xf32, #tpu.memory_space<hbm>> -> memref<1x10240xf32, #tpu.memory_space<hbm>>
      %dma_start3A_317 = tpu.memref_squeeze %dma_start3A_316 : memref<1x10240xf32, #tpu.memory_space<hbm>> -> memref<10240xf32, #tpu.memory_space<hbm>>
      %dma_start3A_318 = arith.constant 0 : i32
      %dma_start3A_319 = tpu.memref_slice %arg6[%add3A, %dma_start3A_318] : memref<32x10240xf32, #tpu.memory_space<hbm>> -> memref<1x10240xf32, #tpu.memory_space<hbm>>
      %dma_start3A_320 = tpu.memref_squeeze %dma_start3A_319 : memref<1x10240xf32, #tpu.memory_space<hbm>> -> memref<10240xf32, #tpu.memory_space<hbm>>
      tpu.enqueue_dma source(%arg11 : memref<10240xf32, #tpu.memory_space<vmem>>) target(%dma_start3A_320 : memref<10240xf32, #tpu.memory_space<hbm>>) target_semaphore(%run_scoped3A : memref<!tpu.dma_semaphore, #tpu.memory_space<semaphore_mem>>)
      %dma_wait3A_321 = arith.constant 0 : i32
      %dma_wait3A_322 = tpu.memref_slice %arg6[%add3A, %dma_wait3A_321] : memref<32x10240xf32, #tpu.memory_space<hbm>> -> memref<1x10240xf32, #tpu.memory_space<hbm>>
      %dma_wait3A_323 = tpu.memref_squeeze %dma_wait3A_322 : memref<1x10240xf32, #tpu.memory_space<hbm>> -> memref<10240xf32, #tpu.memory_space<hbm>>
      %dma_wait3A_324 = arith.constant 0 : i32
      %dma_wait3A_325 = tpu.memref_slice %arg6[%add3A, %dma_wait3A_324] : memref<32x10240xf32, #tpu.memory_space<hbm>> -> memref<1x10240xf32, #tpu.memory_space<hbm>>
      %dma_wait3A_326 = tpu.memref_squeeze %dma_wait3A_325 : memref<1x10240xf32, #tpu.memory_space<hbm>> -> memref<10240xf32, #tpu.memory_space<hbm>>
      tpu.wait_dma2 semaphore(%run_scoped3A : memref<!tpu.dma_semaphore, #tpu.memory_space<semaphore_mem>>) src(%arg11 : memref<10240xf32, #tpu.memory_space<vmem>>) dst(%dma_wait3A_326 : memref<10240xf32, #tpu.memory_space<hbm>>)
      tpu.yield
    }) : () -> ()
    return
  }
}

#map = affine_map<(d0, d1) -> (0, 0)>
#map1 = affine_map<(d0, d1) -> (0)>
module attributes {stable_mosaic.version = 14 : i64} {
  func.func @_sc_edge_combine(%arg0: i32, %arg1: i32, %arg2: memref<10240x64xi32, #tpu.memory_space<hbm>>, %arg3: memref<10240x64xi32, #tpu.memory_space<hbm>>, %arg4: memref<320000xi32, #tpu.memory_space<hbm>>, %arg5: memref<320000xi32, #tpu.memory_space<hbm>>, %arg6: memref<160000x128xi32, #tpu.memory_space<hbm>>, %arg7: memref<10000xi32, #tpu.memory_space<vmem>>, %arg8: memref<10000xi32, #tpu.memory_space<vmem>>, %arg9: memref<200x64xi32, #tpu.memory_space<vmem>>, %arg10: memref<200x64xi32, #tpu.memory_space<vmem>>, %arg11: memref<200x64xi32, #tpu.memory_space<vmem>>, %arg12: memref<200x64xi32, #tpu.memory_space<vmem>>, %arg13: memref<100x128xi32, #tpu.memory_space<vmem>>, %arg14: memref<100x128xi32, #tpu.memory_space<vmem>>, %arg15: memref<!tpu.dma_semaphore, #tpu.memory_space<semaphore_mem>>, %arg16: memref<!tpu.dma_semaphore, #tpu.memory_space<semaphore_mem>>, %arg17: memref<!tpu.dma_semaphore, #tpu.memory_space<semaphore_mem>>, %arg18: memref<!tpu.dma_semaphore, #tpu.memory_space<semaphore_mem>>) attributes {dimension_semantics = [#tpu.dimension_semantics<core_parallel>, #tpu.dimension_semantics<subcore_parallel>], iteration_bounds = array<i64: 2, 16>, scalar_prefetch = 0 : i64, scratch_operands = 12 : i64, tpu.core_type = #tpu.core_type<sc_vector_subcore>, window_params = [{transform_indices = #map}, {transform_indices = #map}, {transform_indices = #map1}, {transform_indices = #map1}, {transform_indices = #map}]} {
    %mul3A = arith.constant 16 : i32
    %mul3A_0 = arith.muli %arg0, %mul3A : i32
    %add3A = arith.addi %mul3A_0, %arg1 : i32
    %mul3A_1 = arith.constant 10000 : i32
    %mul3A_2 = arith.muli %add3A, %mul3A_1 : i32
    "tpu.region"() ({
      %run_scoped3A = tpu.sem_alloc : memref<!tpu.dma_semaphore, #tpu.memory_space<semaphore_mem>>
      %dma_start3A_167 = tpu.memref_slice %arg4[%mul3A_2] : memref<320000xi32, #tpu.memory_space<hbm>> -> memref<10000xi32, #tpu.memory_space<hbm>>
      %dma_start3A_168 = tpu.memref_slice %arg4[%mul3A_2] : memref<320000xi32, #tpu.memory_space<hbm>> -> memref<10000xi32, #tpu.memory_space<hbm>>
      tpu.enqueue_dma source(%dma_start3A_168 : memref<10000xi32, #tpu.memory_space<hbm>>) target(%arg7 : memref<10000xi32, #tpu.memory_space<vmem>>) target_semaphore(%run_scoped3A : memref<!tpu.dma_semaphore, #tpu.memory_space<semaphore_mem>>)
      %dma_wait3A_169 = tpu.memref_slice %arg4[%mul3A_2] : memref<320000xi32, #tpu.memory_space<hbm>> -> memref<10000xi32, #tpu.memory_space<hbm>>
      %dma_wait3A_170 = tpu.memref_slice %arg4[%mul3A_2] : memref<320000xi32, #tpu.memory_space<hbm>> -> memref<10000xi32, #tpu.memory_space<hbm>>
      tpu.wait_dma2 semaphore(%run_scoped3A : memref<!tpu.dma_semaphore, #tpu.memory_space<semaphore_mem>>) src(%dma_wait3A_170 : memref<10000xi32, #tpu.memory_space<hbm>>) dst(%arg7 : memref<10000xi32, #tpu.memory_space<vmem>>)
      tpu.yield
    }) : () -> ()
    "tpu.region"() ({
      %run_scoped3A = tpu.sem_alloc : memref<!tpu.dma_semaphore, #tpu.memory_space<semaphore_mem>>
      %dma_start3A_167 = tpu.memref_slice %arg5[%mul3A_2] : memref<320000xi32, #tpu.memory_space<hbm>> -> memref<10000xi32, #tpu.memory_space<hbm>>
      %dma_start3A_168 = tpu.memref_slice %arg5[%mul3A_2] : memref<320000xi32, #tpu.memory_space<hbm>> -> memref<10000xi32, #tpu.memory_space<hbm>>
      tpu.enqueue_dma source(%dma_start3A_168 : memref<10000xi32, #tpu.memory_space<hbm>>) target(%arg8 : memref<10000xi32, #tpu.memory_space<vmem>>) target_semaphore(%run_scoped3A : memref<!tpu.dma_semaphore, #tpu.memory_space<semaphore_mem>>)
      %dma_wait3A_169 = tpu.memref_slice %arg5[%mul3A_2] : memref<320000xi32, #tpu.memory_space<hbm>> -> memref<10000xi32, #tpu.memory_space<hbm>>
      %dma_wait3A_170 = tpu.memref_slice %arg5[%mul3A_2] : memref<320000xi32, #tpu.memory_space<hbm>> -> memref<10000xi32, #tpu.memory_space<hbm>>
      tpu.wait_dma2 semaphore(%run_scoped3A : memref<!tpu.dma_semaphore, #tpu.memory_space<semaphore_mem>>) src(%dma_wait3A_170 : memref<10000xi32, #tpu.memory_space<hbm>>) dst(%arg8 : memref<10000xi32, #tpu.memory_space<vmem>>)
      tpu.yield
    }) : () -> ()
    %dma_start3A = arith.constant 0 : i32
    %dma_start3A_3 = tpu.memref_slice %arg7[%dma_start3A] : memref<10000xi32, #tpu.memory_space<vmem>> -> memref<200xi32, #tpu.memory_space<vmem>>
    %dma_start3A_4 = arith.constant 0 : i32
    %dma_start3A_5 = arith.constant 0 : i32
    %dma_start3A_6 = tpu.memref_slice %arg2[%dma_start3A_4, %dma_start3A_5] : memref<10240x64xi32, #tpu.memory_space<hbm>> -> memref<10240x64xi32, #tpu.memory_space<hbm>>
    tpu.enqueue_indirect_dma source(%dma_start3A_6 : memref<10240x64xi32, #tpu.memory_space<hbm>>) target(%arg9 : memref<200x64xi32, #tpu.memory_space<vmem>>) offsets(%dma_start3A_3 : memref<200xi32, #tpu.memory_space<vmem>>) semaphore(%arg15 : memref<!tpu.dma_semaphore, #tpu.memory_space<semaphore_mem>>)
    %dma_start3A_7 = arith.constant 0 : i32
    %dma_start3A_8 = tpu.memref_slice %arg8[%dma_start3A_7] : memref<10000xi32, #tpu.memory_space<vmem>> -> memref<200xi32, #tpu.memory_space<vmem>>
    %dma_start3A_9 = arith.constant 0 : i32
    %dma_start3A_10 = arith.constant 0 : i32
    %dma_start3A_11 = tpu.memref_slice %arg3[%dma_start3A_9, %dma_start3A_10] : memref<10240x64xi32, #tpu.memory_space<hbm>> -> memref<10240x64xi32, #tpu.memory_space<hbm>>
    tpu.enqueue_indirect_dma source(%dma_start3A_11 : memref<10240x64xi32, #tpu.memory_space<hbm>>) target(%arg11 : memref<200x64xi32, #tpu.memory_space<vmem>>) offsets(%dma_start3A_8 : memref<200xi32, #tpu.memory_space<vmem>>) semaphore(%arg15 : memref<!tpu.dma_semaphore, #tpu.memory_space<semaphore_mem>>)
    %dma_start3A_12 = arith.constant 200 : i32
    %dma_start3A_13 = tpu.memref_slice %arg7[%dma_start3A_12] : memref<10000xi32, #tpu.memory_space<vmem>> -> memref<200xi32, #tpu.memory_space<vmem>>
    %dma_start3A_14 = arith.constant 0 : i32
    %dma_start3A_15 = arith.constant 0 : i32
    %dma_start3A_16 = tpu.memref_slice %arg2[%dma_start3A_14, %dma_start3A_15] : memref<10240x64xi32, #tpu.memory_space<hbm>> -> memref<10240x64xi32, #tpu.memory_space<hbm>>
    tpu.enqueue_indirect_dma source(%dma_start3A_16 : memref<10240x64xi32, #tpu.memory_space<hbm>>) target(%arg10 : memref<200x64xi32, #tpu.memory_space<vmem>>) offsets(%dma_start3A_13 : memref<200xi32, #tpu.memory_space<vmem>>) semaphore(%arg16 : memref<!tpu.dma_semaphore, #tpu.memory_space<semaphore_mem>>)
    %dma_start3A_17 = arith.constant 200 : i32
    %dma_start3A_18 = tpu.memref_slice %arg8[%dma_start3A_17] : memref<10000xi32, #tpu.memory_space<vmem>> -> memref<200xi32, #tpu.memory_space<vmem>>
    %dma_start3A_19 = arith.constant 0 : i32
    %dma_start3A_20 = arith.constant 0 : i32
    %dma_start3A_21 = tpu.memref_slice %arg3[%dma_start3A_19, %dma_start3A_20] : memref<10240x64xi32, #tpu.memory_space<hbm>> -> memref<10240x64xi32, #tpu.memory_space<hbm>>
    tpu.enqueue_indirect_dma source(%dma_start3A_21 : memref<10240x64xi32, #tpu.memory_space<hbm>>) target(%arg12 : memref<200x64xi32, #tpu.memory_space<vmem>>) offsets(%dma_start3A_18 : memref<200xi32, #tpu.memory_space<vmem>>) semaphore(%arg16 : memref<!tpu.dma_semaphore, #tpu.memory_space<semaphore_mem>>)
    %scan3A = arith.constant 0 : i32
    %scan3A_22 = arith.constant 24 : i32
    %scan3A_23 = arith.addi %scan3A, %scan3A_22 : i32
    %scan3A_24 = arith.constant 1 : i32
    scf.for %scan3A_167 = %scan3A to %scan3A_23 step %scan3A_24  : i32 {
      %mul3A_168 = arith.constant 2 : i32
      %mul3A_169 = arith.muli %mul3A_168, %scan3A_167 : i32
      %mul3A_170 = arith.constant 200 : i32
      %mul3A_171 = arith.muli %mul3A_169, %mul3A_170 : i32
      %dma_wait3A_172 = tpu.memref_slice %arg7[%mul3A_171] : memref<10000xi32, #tpu.memory_space<vmem>> -> memref<200xi32, #tpu.memory_space<vmem>>
      %dma_wait3A_173 = arith.constant 0 : i32
      %dma_wait3A_174 = arith.constant 0 : i32
      %dma_wait3A_175 = tpu.memref_slice %arg2[%dma_wait3A_173, %dma_wait3A_174] : memref<10240x64xi32, #tpu.memory_space<hbm>> -> memref<10240x64xi32, #tpu.memory_space<hbm>>
      tpu.wait_indirect_dma semaphore(%arg15 : memref<!tpu.dma_semaphore, #tpu.memory_space<semaphore_mem>>) src(%dma_wait3A_175 : memref<10240x64xi32, #tpu.memory_space<hbm>>) dst(%arg9 : memref<200x64xi32, #tpu.memory_space<vmem>>)
      %dma_wait3A_176 = tpu.memref_slice %arg8[%mul3A_171] : memref<10000xi32, #tpu.memory_space<vmem>> -> memref<200xi32, #tpu.memory_space<vmem>>
      %dma_wait3A_177 = arith.constant 0 : i32
      %dma_wait3A_178 = arith.constant 0 : i32
      %dma_wait3A_179 = tpu.memref_slice %arg3[%dma_wait3A_177, %dma_wait3A_178] : memref<10240x64xi32, #tpu.memory_space<hbm>> -> memref<10240x64xi32, #tpu.memory_space<hbm>>
      tpu.wait_indirect_dma semaphore(%arg15 : memref<!tpu.dma_semaphore, #tpu.memory_space<semaphore_mem>>) src(%dma_wait3A_179 : memref<10240x64xi32, #tpu.memory_space<hbm>>) dst(%arg11 : memref<200x64xi32, #tpu.memory_space<vmem>>)
      %scan3A_180 = arith.constant 0 : i32
      %scan3A_181 = arith.constant 100 : i32
      %scan3A_182 = arith.addi %scan3A_180, %scan3A_181 : i32
      %scan3A_183 = arith.constant 1 : i32
      scf.for %scan3A_354 = %scan3A_180 to %scan3A_182 step %scan3A_183  : i32 {
        %mul3A_355 = arith.constant 2 : i32
        %mul3A_356 = arith.muli %mul3A_355, %scan3A_354 : i32
        %add3A_357 = arith.constant 0 : i32
        %add3A_358 = arith.addi %mul3A_356, %add3A_357 : i32
        %get3A = arith.index_cast %add3A_358 : i32 to index
        %get3A_359 = arith.constant 0 : index
        %get3A_360 = tpu.vector_load %arg9[%get3A, %get3A_359] {strides = array<i32>} : memref<200x64xi32, #tpu.memory_space<vmem>>, vector<16xi32>,
        %bitcast3A = vector.bitcast %get3A_360 : vector<16xi32> to vector<32xbf16>
        %mul3A_361 = arith.constant 2 : i32
        %mul3A_362 = arith.muli %mul3A_361, %scan3A_354 : i32
        %add3A_363 = arith.constant 0 : i32
        %add3A_364 = arith.addi %mul3A_362, %add3A_363 : i32
        %get3A_365 = arith.index_cast %add3A_364 : i32 to index
        %get3A_366 = arith.constant 0 : index
        %get3A_367 = tpu.vector_load %arg11[%get3A_365, %get3A_366] {strides = array<i32>} : memref<200x64xi32, #tpu.memory_space<vmem>>, vector<16xi32>,
        %bitcast3A_368 = vector.bitcast %get3A_367 : vector<16xi32> to vector<32xbf16>
        %add3A_369 = arith.addf %bitcast3A, %bitcast3A_368 : vector<32xbf16>
        %bitcast3A_370 = vector.bitcast %add3A_369 : vector<32xbf16> to vector<16xi32>
        %swap3A = arith.index_cast %scan3A_354 : i32 to index
        %swap3A_371 = arith.constant 0 : index
        %swap3A_372 = tpu.vector_load %arg13[%swap3A, %swap3A_371] {strides = array<i32>} : memref<100x128xi32, #tpu.memory_space<vmem>>, vector<16xi32>,
        tpu.vector_store %arg13[%swap3A, %swap3A_371], %bitcast3A_370 {strides = array<i32>} : memref<100x128xi32, #tpu.memory_space<vmem>>, vector<16xi32>,
        %mul3A_373 = arith.constant 2 : i32
        %mul3A_374 = arith.muli %mul3A_373, %scan3A_354 : i32
        %add3A_375 = arith.constant 0 : i32
        %add3A_376 = arith.addi %mul3A_374, %add3A_375 : i32
        %get3A_377 = arith.index_cast %add3A_376 : i32 to index
        %get3A_378 = arith.constant 16 : index
        %get3A_379 = tpu.vector_load %arg9[%get3A_377, %get3A_378] {strides = array<i32>} : memref<200x64xi32, #tpu.memory_space<vmem>>, vector<16xi32>,
        %bitcast3A_380 = vector.bitcast %get3A_379 : vector<16xi32> to vector<32xbf16>
        %mul3A_381 = arith.constant 2 : i32
        %mul3A_382 = arith.muli %mul3A_381, %scan3A_354 : i32
        %add3A_383 = arith.constant 0 : i32
        %add3A_384 = arith.addi %mul3A_382, %add3A_383 : i32
        %get3A_385 = arith.index_cast %add3A_384 : i32 to index
        %get3A_386 = arith.constant 16 : index
        %get3A_387 = tpu.vector_load %arg11[%get3A_385, %get3A_386] {strides = array<i32>} : memref<200x64xi32, #tpu.memory_space<vmem>>, vector<16xi32>,
        %bitcast3A_388 = vector.bitcast %get3A_387 : vector<16xi32> to vector<32xbf16>
        %add3A_389 = arith.addf %bitcast3A_380, %bitcast3A_388 : vector<32xbf16>
        %bitcast3A_390 = vector.bitcast %add3A_389 : vector<32xbf16> to vector<16xi32>
        %swap3A_391 = arith.index_cast %scan3A_354 : i32 to index
        %swap3A_392 = arith.constant 16 : index
        %swap3A_393 = tpu.vector_load %arg13[%swap3A_391, %swap3A_392] {strides = array<i32>} : memref<100x128xi32, #tpu.memory_space<vmem>>, vector<16xi32>,
        tpu.vector_store %arg13[%swap3A_391, %swap3A_392], %bitcast3A_390 {strides = array<i32>} : memref<100x128xi32, #tpu.memory_space<vmem>>, vector<16xi32>,
        %mul3A_394 = arith.constant 2 : i32
        %mul3A_395 = arith.muli %mul3A_394, %scan3A_354 : i32
        %add3A_396 = arith.constant 0 : i32
        %add3A_397 = arith.addi %mul3A_395, %add3A_396 : i32
        %get3A_398 = arith.index_cast %add3A_397 : i32 to index
        %get3A_399 = arith.constant 32 : index
        %get3A_400 = tpu.vector_load %arg9[%get3A_398, %get3A_399] {strides = array<i32>} : memref<200x64xi32, #tpu.memory_space<vmem>>, vector<16xi32>,
        %bitcast3A_401 = vector.bitcast %get3A_400 : vector<16xi32> to vector<32xbf16>
        %mul3A_402 = arith.constant 2 : i32
        %mul3A_403 = arith.muli %mul3A_402, %scan3A_354 : i32
        %add3A_404 = arith.constant 0 : i32
        %add3A_405 = arith.addi %mul3A_403, %add3A_404 : i32
        %get3A_406 = arith.index_cast %add3A_405 : i32 to index
        %get3A_407 = arith.constant 32 : index
        %get3A_408 = tpu.vector_load %arg11[%get3A_406, %get3A_407] {strides = array<i32>} : memref<200x64xi32, #tpu.memory_space<vmem>>, vector<16xi32>,
        %bitcast3A_409 = vector.bitcast %get3A_408 : vector<16xi32> to vector<32xbf16>
        %add3A_410 = arith.addf %bitcast3A_401, %bitcast3A_409 : vector<32xbf16>
        %bitcast3A_411 = vector.bitcast %add3A_410 : vector<32xbf16> to vector<16xi32>
        %swap3A_412 = arith.index_cast %scan3A_354 : i32 to index
        %swap3A_413 = arith.constant 32 : index
        %swap3A_414 = tpu.vector_load %arg13[%swap3A_412, %swap3A_413] {strides = array<i32>} : memref<100x128xi32, #tpu.memory_space<vmem>>, vector<16xi32>,
        tpu.vector_store %arg13[%swap3A_412, %swap3A_413], %bitcast3A_411 {strides = array<i32>} : memref<100x128xi32, #tpu.memory_space<vmem>>, vector<16xi32>,
        %mul3A_415 = arith.constant 2 : i32
        %mul3A_416 = arith.muli %mul3A_415, %scan3A_354 : i32
        %add3A_417 = arith.constant 0 : i32
        %add3A_418 = arith.addi %mul3A_416, %add3A_417 : i32
        %get3A_419 = arith.index_cast %add3A_418 : i32 to index
        %get3A_420 = arith.constant 48 : index
        %get3A_421 = tpu.vector_load %arg9[%get3A_419, %get3A_420] {strides = array<i32>} : memref<200x64xi32, #tpu.memory_space<vmem>>, vector<16xi32>,
        %bitcast3A_422 = vector.bitcast %get3A_421 : vector<16xi32> to vector<32xbf16>
        %mul3A_423 = arith.constant 2 : i32
        %mul3A_424 = arith.muli %mul3A_423, %scan3A_354 : i32
        %add3A_425 = arith.constant 0 : i32
        %add3A_426 = arith.addi %mul3A_424, %add3A_425 : i32
        %get3A_427 = arith.index_cast %add3A_426 : i32 to index
        %get3A_428 = arith.constant 48 : index
        %get3A_429 = tpu.vector_load %arg11[%get3A_427, %get3A_428] {strides = array<i32>} : memref<200x64xi32, #tpu.memory_space<vmem>>, vector<16xi32>,
        %bitcast3A_430 = vector.bitcast %get3A_429 : vector<16xi32> to vector<32xbf16>
        %add3A_431 = arith.addf %bitcast3A_422, %bitcast3A_430 : vector<32xbf16>
        %bitcast3A_432 = vector.bitcast %add3A_431 : vector<32xbf16> to vector<16xi32>
        %swap3A_433 = arith.index_cast %scan3A_354 : i32 to index
        %swap3A_434 = arith.constant 48 : index
        %swap3A_435 = tpu.vector_load %arg13[%swap3A_433, %swap3A_434] {strides = array<i32>} : memref<100x128xi32, #tpu.memory_space<vmem>>, vector<16xi32>,
        tpu.vector_store %arg13[%swap3A_433, %swap3A_434], %bitcast3A_432 {strides = array<i32>} : memref<100x128xi32, #tpu.memory_space<vmem>>, vector<16xi32>,
        %mul3A_436 = arith.constant 2 : i32
        %mul3A_437 = arith.muli %mul3A_436, %scan3A_354 : i32
        %add3A_438 = arith.constant 1 : i32
        %add3A_439 = arith.addi %mul3A_437, %add3A_438 : i32
        %get3A_440 = arith.index_cast %add3A_439 : i32 to index
        %get3A_441 = arith.constant 0 : index
        %get3A_442 = tpu.vector_load %arg9[%get3A_440, %get3A_441] {strides = array<i32>} : memref<200x64xi32, #tpu.memory_space<vmem>>, vector<16xi32>,
        %bitcast3A_443 = vector.bitcast %get3A_442 : vector<16xi32> to vector<32xbf16>
        %mul3A_444 = arith.constant 2 : i32
        %mul3A_445 = arith.muli %mul3A_444, %scan3A_354 : i32
        %add3A_446 = arith.constant 1 : i32
        %add3A_447 = arith.addi %mul3A_445, %add3A_446 : i32
        %get3A_448 = arith.index_cast %add3A_447 : i32 to index
        %get3A_449 = arith.constant 0 : index
        %get3A_450 = tpu.vector_load %arg11[%get3A_448, %get3A_449] {strides = array<i32>} : memref<200x64xi32, #tpu.memory_space<vmem>>, vector<16xi32>,
        %bitcast3A_451 = vector.bitcast %get3A_450 : vector<16xi32> to vector<32xbf16>
        %add3A_452 = arith.addf %bitcast3A_443, %bitcast3A_451 : vector<32xbf16>
        %bitcast3A_453 = vector.bitcast %add3A_452 : vector<32xbf16> to vector<16xi32>
        %swap3A_454 = arith.index_cast %scan3A_354 : i32 to index
        %swap3A_455 = arith.constant 64 : index
        %swap3A_456 = tpu.vector_load %arg13[%swap3A_454, %swap3A_455] {strides = array<i32>} : memref<100x128xi32, #tpu.memory_space<vmem>>, vector<16xi32>,
        tpu.vector_store %arg13[%swap3A_454, %swap3A_455], %bitcast3A_453 {strides = array<i32>} : memref<100x128xi32, #tpu.memory_space<vmem>>, vector<16xi32>,
        %mul3A_457 = arith.constant 2 : i32
        %mul3A_458 = arith.muli %mul3A_457, %scan3A_354 : i32
        %add3A_459 = arith.constant 1 : i32
        %add3A_460 = arith.addi %mul3A_458, %add3A_459 : i32
        %get3A_461 = arith.index_cast %add3A_460 : i32 to index
        %get3A_462 = arith.constant 16 : index
        %get3A_463 = tpu.vector_load %arg9[%get3A_461, %get3A_462] {strides = array<i32>} : memref<200x64xi32, #tpu.memory_space<vmem>>, vector<16xi32>,
        %bitcast3A_464 = vector.bitcast %get3A_463 : vector<16xi32> to vector<32xbf16>
        %mul3A_465 = arith.constant 2 : i32
        %mul3A_466 = arith.muli %mul3A_465, %scan3A_354 : i32
        %add3A_467 = arith.constant 1 : i32
        %add3A_468 = arith.addi %mul3A_466, %add3A_467 : i32
        %get3A_469 = arith.index_cast %add3A_468 : i32 to index
        %get3A_470 = arith.constant 16 : index
        %get3A_471 = tpu.vector_load %arg11[%get3A_469, %get3A_470] {strides = array<i32>} : memref<200x64xi32, #tpu.memory_space<vmem>>, vector<16xi32>,
        %bitcast3A_472 = vector.bitcast %get3A_471 : vector<16xi32> to vector<32xbf16>
        %add3A_473 = arith.addf %bitcast3A_464, %bitcast3A_472 : vector<32xbf16>
        %bitcast3A_474 = vector.bitcast %add3A_473 : vector<32xbf16> to vector<16xi32>
        %swap3A_475 = arith.index_cast %scan3A_354 : i32 to index
        %swap3A_476 = arith.constant 80 : index
        %swap3A_477 = tpu.vector_load %arg13[%swap3A_475, %swap3A_476] {strides = array<i32>} : memref<100x128xi32, #tpu.memory_space<vmem>>, vector<16xi32>,
        tpu.vector_store %arg13[%swap3A_475, %swap3A_476], %bitcast3A_474 {strides = array<i32>} : memref<100x128xi32, #tpu.memory_space<vmem>>, vector<16xi32>,
        %mul3A_478 = arith.constant 2 : i32
        %mul3A_479 = arith.muli %mul3A_478, %scan3A_354 : i32
        %add3A_480 = arith.constant 1 : i32
        %add3A_481 = arith.addi %mul3A_479, %add3A_480 : i32
        %get3A_482 = arith.index_cast %add3A_481 : i32 to index
        %get3A_483 = arith.constant 32 : index
        %get3A_484 = tpu.vector_load %arg9[%get3A_482, %get3A_483] {strides = array<i32>} : memref<200x64xi32, #tpu.memory_space<vmem>>, vector<16xi32>,
        %bitcast3A_485 = vector.bitcast %get3A_484 : vector<16xi32> to vector<32xbf16>
        %mul3A_486 = arith.constant 2 : i32
        %mul3A_487 = arith.muli %mul3A_486, %scan3A_354 : i32
        %add3A_488 = arith.constant 1 : i32
        %add3A_489 = arith.addi %mul3A_487, %add3A_488 : i32
        %get3A_490 = arith.index_cast %add3A_489 : i32 to index
        %get3A_491 = arith.constant 32 : index
        %get3A_492 = tpu.vector_load %arg11[%get3A_490, %get3A_491] {strides = array<i32>} : memref<200x64xi32, #tpu.memory_space<vmem>>, vector<16xi32>,
        %bitcast3A_493 = vector.bitcast %get3A_492 : vector<16xi32> to vector<32xbf16>
        %add3A_494 = arith.addf %bitcast3A_485, %bitcast3A_493 : vector<32xbf16>
        %bitcast3A_495 = vector.bitcast %add3A_494 : vector<32xbf16> to vector<16xi32>
        %swap3A_496 = arith.index_cast %scan3A_354 : i32 to index
        %swap3A_497 = arith.constant 96 : index
        %swap3A_498 = tpu.vector_load %arg13[%swap3A_496, %swap3A_497] {strides = array<i32>} : memref<100x128xi32, #tpu.memory_space<vmem>>, vector<16xi32>,
        tpu.vector_store %arg13[%swap3A_496, %swap3A_497], %bitcast3A_495 {strides = array<i32>} : memref<100x128xi32, #tpu.memory_space<vmem>>, vector<16xi32>,
        %mul3A_499 = arith.constant 2 : i32
        %mul3A_500 = arith.muli %mul3A_499, %scan3A_354 : i32
        %add3A_501 = arith.constant 1 : i32
        %add3A_502 = arith.addi %mul3A_500, %add3A_501 : i32
        %get3A_503 = arith.index_cast %add3A_502 : i32 to index
        %get3A_504 = arith.constant 48 : index
        %get3A_505 = tpu.vector_load %arg9[%get3A_503, %get3A_504] {strides = array<i32>} : memref<200x64xi32, #tpu.memory_space<vmem>>, vector<16xi32>,
        %bitcast3A_506 = vector.bitcast %get3A_505 : vector<16xi32> to vector<32xbf16>
        %mul3A_507 = arith.constant 2 : i32
        %mul3A_508 = arith.muli %mul3A_507, %scan3A_354 : i32
        %add3A_509 = arith.constant 1 : i32
        %add3A_510 = arith.addi %mul3A_508, %add3A_509 : i32
        %get3A_511 = arith.index_cast %add3A_510 : i32 to index
        %get3A_512 = arith.constant 48 : index
        %get3A_513 = tpu.vector_load %arg11[%get3A_511, %get3A_512] {strides = array<i32>} : memref<200x64xi32, #tpu.memory_space<vmem>>, vector<16xi32>,
        %bitcast3A_514 = vector.bitcast %get3A_513 : vector<16xi32> to vector<32xbf16>
        %add3A_515 = arith.addf %bitcast3A_506, %bitcast3A_514 : vector<32xbf16>
        %bitcast3A_516 = vector.bitcast %add3A_515 : vector<32xbf16> to vector<16xi32>
        %swap3A_517 = arith.index_cast %scan3A_354 : i32 to index
        %swap3A_518 = arith.constant 112 : index
        %swap3A_519 = tpu.vector_load %arg13[%swap3A_517, %swap3A_518] {strides = array<i32>} : memref<100x128xi32, #tpu.memory_space<vmem>>, vector<16xi32>,
        tpu.vector_store %arg13[%swap3A_517, %swap3A_518], %bitcast3A_516 {strides = array<i32>} : memref<100x128xi32, #tpu.memory_space<vmem>>, vector<16xi32>,
      }
      %scan3A_184 = arith.constant 100 : i32
      %mul3A_185 = arith.constant 200 : i32
      %mul3A_186 = arith.muli %mul3A_169, %mul3A_185 : i32
      %add3A_187 = arith.addi %mul3A_2, %mul3A_186 : i32
      %jit3A_188 = arith.constant 2 : i32
      %div3A_189 = arith.divsi %add3A_187, %jit3A_188 : i32
      %sign3A_190 = arith.constant 0 : i32
      %sign3A_191 = arith.cmpi sgt, %add3A_187, %sign3A_190 : i32
      %sign3A_192 = arith.extui %sign3A_191 : i1 to i32
      %sign3A_193 = arith.constant 0 : i32
      %sign3A_194 = arith.cmpi slt, %add3A_187, %sign3A_193 : i32
      %sign3A_195 = arith.extui %sign3A_194 : i1 to i32
      %sign3A_196 = arith.subi %sign3A_192, %sign3A_195 : i32
      %sign3A_197 = arith.constant 0 : i32
      %sign3A_198 = arith.cmpi sgt, %jit3A_188, %sign3A_197 : i32
      %sign3A_199 = arith.extui %sign3A_198 : i1 to i32
      %sign3A_200 = arith.constant 0 : i32
      %sign3A_201 = arith.cmpi slt, %jit3A_188, %sign3A_200 : i32
      %sign3A_202 = arith.extui %sign3A_201 : i1 to i32
      %sign3A_203 = arith.subi %sign3A_199, %sign3A_202 : i32
      %ne3A_204 = arith.cmpi ne, %sign3A_196, %sign3A_203 : i32
      %rem3A_205 = arith.remsi %add3A_187, %jit3A_188 : i32
      %ne3A_206 = arith.constant 0 : i32
      %ne3A_207 = arith.cmpi ne, %rem3A_205, %ne3A_206 : i32
      %and3A_208 = arith.andi %ne3A_204, %ne3A_207 : i1
      %sub3A_209 = arith.constant 1 : i32
      %sub3A_210 = arith.subi %div3A_189, %sub3A_209 : i32
      %select_n3A_211 = arith.select %and3A_208, %sub3A_210, %div3A_189 : i32
      %dma_start3A_212 = arith.constant 0 : i32
      %dma_start3A_213 = tpu.memref_slice %arg6[%select_n3A_211, %dma_start3A_212] : memref<160000x128xi32, #tpu.memory_space<hbm>> -> memref<100x128xi32, #tpu.memory_space<hbm>>
      %dma_start3A_214 = arith.constant 0 : i32
      %dma_start3A_215 = tpu.memref_slice %arg6[%select_n3A_211, %dma_start3A_214] : memref<160000x128xi32, #tpu.memory_space<hbm>> -> memref<100x128xi32, #tpu.memory_space<hbm>>
      tpu.enqueue_dma source(%arg13 : memref<100x128xi32, #tpu.memory_space<vmem>>) target(%dma_start3A_215 : memref<100x128xi32, #tpu.memory_space<hbm>>) target_semaphore(%arg17 : memref<!tpu.dma_semaphore, #tpu.memory_space<semaphore_mem>>)
      %add3A_216 = arith.constant 1 : i32
      %add3A_217 = arith.addi %mul3A_169, %add3A_216 : i32
      %mul3A_218 = arith.constant 200 : i32
      %mul3A_219 = arith.muli %add3A_217, %mul3A_218 : i32
      %dma_wait3A_220 = tpu.memref_slice %arg7[%mul3A_219] : memref<10000xi32, #tpu.memory_space<vmem>> -> memref<200xi32, #tpu.memory_space<vmem>>
      %dma_wait3A_221 = arith.constant 0 : i32
      %dma_wait3A_222 = arith.constant 0 : i32
      %dma_wait3A_223 = tpu.memref_slice %arg2[%dma_wait3A_221, %dma_wait3A_222] : memref<10240x64xi32, #tpu.memory_space<hbm>> -> memref<10240x64xi32, #tpu.memory_space<hbm>>
      tpu.wait_indirect_dma semaphore(%arg16 : memref<!tpu.dma_semaphore, #tpu.memory_space<semaphore_mem>>) src(%dma_wait3A_223 : memref<10240x64xi32, #tpu.memory_space<hbm>>) dst(%arg10 : memref<200x64xi32, #tpu.memory_space<vmem>>)
      %dma_wait3A_224 = tpu.memref_slice %arg8[%mul3A_219] : memref<10000xi32, #tpu.memory_space<vmem>> -> memref<200xi32, #tpu.memory_space<vmem>>
      %dma_wait3A_225 = arith.constant 0 : i32
      %dma_wait3A_226 = arith.constant 0 : i32
      %dma_wait3A_227 = tpu.memref_slice %arg3[%dma_wait3A_225, %dma_wait3A_226] : memref<10240x64xi32, #tpu.memory_space<hbm>> -> memref<10240x64xi32, #tpu.memory_space<hbm>>
      tpu.wait_indirect_dma semaphore(%arg16 : memref<!tpu.dma_semaphore, #tpu.memory_space<semaphore_mem>>) src(%dma_wait3A_227 : memref<10240x64xi32, #tpu.memory_space<hbm>>) dst(%arg12 : memref<200x64xi32, #tpu.memory_space<vmem>>)
      %add3A_228 = arith.constant 1 : i32
      %add3A_229 = arith.addi %mul3A_169, %add3A_228 : i32
      %scan3A_230 = arith.constant 0 : i32
      %scan3A_231 = arith.constant 100 : i32
      %scan3A_232 = arith.addi %scan3A_230, %scan3A_231 : i32
      %scan3A_233 = arith.constant 1 : i32
      scf.for %scan3A_354 = %scan3A_230 to %scan3A_232 step %scan3A_233  : i32 {
        %mul3A_355 = arith.constant 2 : i32
        %mul3A_356 = arith.muli %mul3A_355, %scan3A_354 : i32
        %add3A_357 = arith.constant 0 : i32
        %add3A_358 = arith.addi %mul3A_356, %add3A_357 : i32
        %get3A = arith.index_cast %add3A_358 : i32 to index
        %get3A_359 = arith.constant 0 : index
        %get3A_360 = tpu.vector_load %arg10[%get3A, %get3A_359] {strides = array<i32>} : memref<200x64xi32, #tpu.memory_space<vmem>>, vector<16xi32>,
        %bitcast3A = vector.bitcast %get3A_360 : vector<16xi32> to vector<32xbf16>
        %mul3A_361 = arith.constant 2 : i32
        %mul3A_362 = arith.muli %mul3A_361, %scan3A_354 : i32
        %add3A_363 = arith.constant 0 : i32
        %add3A_364 = arith.addi %mul3A_362, %add3A_363 : i32
        %get3A_365 = arith.index_cast %add3A_364 : i32 to index
        %get3A_366 = arith.constant 0 : index
        %get3A_367 = tpu.vector_load %arg12[%get3A_365, %get3A_366] {strides = array<i32>} : memref<200x64xi32, #tpu.memory_space<vmem>>, vector<16xi32>,
        %bitcast3A_368 = vector.bitcast %get3A_367 : vector<16xi32> to vector<32xbf16>
        %add3A_369 = arith.addf %bitcast3A, %bitcast3A_368 : vector<32xbf16>
        %bitcast3A_370 = vector.bitcast %add3A_369 : vector<32xbf16> to vector<16xi32>
        %swap3A = arith.index_cast %scan3A_354 : i32 to index
        %swap3A_371 = arith.constant 0 : index
        %swap3A_372 = tpu.vector_load %arg14[%swap3A, %swap3A_371] {strides = array<i32>} : memref<100x128xi32, #tpu.memory_space<vmem>>, vector<16xi32>,
        tpu.vector_store %arg14[%swap3A, %swap3A_371], %bitcast3A_370 {strides = array<i32>} : memref<100x128xi32, #tpu.memory_space<vmem>>, vector<16xi32>,
        %mul3A_373 = arith.constant 2 : i32
        %mul3A_374 = arith.muli %mul3A_373, %scan3A_354 : i32
        %add3A_375 = arith.constant 0 : i32
        %add3A_376 = arith.addi %mul3A_374, %add3A_375 : i32
        %get3A_377 = arith.index_cast %add3A_376 : i32 to index
        %get3A_378 = arith.constant 16 : index
        %get3A_379 = tpu.vector_load %arg10[%get3A_377, %get3A_378] {strides = array<i32>} : memref<200x64xi32, #tpu.memory_space<vmem>>, vector<16xi32>,
        %bitcast3A_380 = vector.bitcast %get3A_379 : vector<16xi32> to vector<32xbf16>
        %mul3A_381 = arith.constant 2 : i32
        %mul3A_382 = arith.muli %mul3A_381, %scan3A_354 : i32
        %add3A_383 = arith.constant 0 : i32
        %add3A_384 = arith.addi %mul3A_382, %add3A_383 : i32
        %get3A_385 = arith.index_cast %add3A_384 : i32 to index
        %get3A_386 = arith.constant 16 : index
        %get3A_387 = tpu.vector_load %arg12[%get3A_385, %get3A_386] {strides = array<i32>} : memref<200x64xi32, #tpu.memory_space<vmem>>, vector<16xi32>,
        %bitcast3A_388 = vector.bitcast %get3A_387 : vector<16xi32> to vector<32xbf16>
        %add3A_389 = arith.addf %bitcast3A_380, %bitcast3A_388 : vector<32xbf16>
        %bitcast3A_390 = vector.bitcast %add3A_389 : vector<32xbf16> to vector<16xi32>
        %swap3A_391 = arith.index_cast %scan3A_354 : i32 to index
        %swap3A_392 = arith.constant 16 : index
        %swap3A_393 = tpu.vector_load %arg14[%swap3A_391, %swap3A_392] {strides = array<i32>} : memref<100x128xi32, #tpu.memory_space<vmem>>, vector<16xi32>,
        tpu.vector_store %arg14[%swap3A_391, %swap3A_392], %bitcast3A_390 {strides = array<i32>} : memref<100x128xi32, #tpu.memory_space<vmem>>, vector<16xi32>,
        %mul3A_394 = arith.constant 2 : i32
        %mul3A_395 = arith.muli %mul3A_394, %scan3A_354 : i32
        %add3A_396 = arith.constant 0 : i32
        %add3A_397 = arith.addi %mul3A_395, %add3A_396 : i32
        %get3A_398 = arith.index_cast %add3A_397 : i32 to index
        %get3A_399 = arith.constant 32 : index
        %get3A_400 = tpu.vector_load %arg10[%get3A_398, %get3A_399] {strides = array<i32>} : memref<200x64xi32, #tpu.memory_space<vmem>>, vector<16xi32>,
        %bitcast3A_401 = vector.bitcast %get3A_400 : vector<16xi32> to vector<32xbf16>
        %mul3A_402 = arith.constant 2 : i32
        %mul3A_403 = arith.muli %mul3A_402, %scan3A_354 : i32
        %add3A_404 = arith.constant 0 : i32
        %add3A_405 = arith.addi %mul3A_403, %add3A_404 : i32
        %get3A_406 = arith.index_cast %add3A_405 : i32 to index
        %get3A_407 = arith.constant 32 : index
        %get3A_408 = tpu.vector_load %arg12[%get3A_406, %get3A_407] {strides = array<i32>} : memref<200x64xi32, #tpu.memory_space<vmem>>, vector<16xi32>,
        %bitcast3A_409 = vector.bitcast %get3A_408 : vector<16xi32> to vector<32xbf16>
        %add3A_410 = arith.addf %bitcast3A_401, %bitcast3A_409 : vector<32xbf16>
        %bitcast3A_411 = vector.bitcast %add3A_410 : vector<32xbf16> to vector<16xi32>
        %swap3A_412 = arith.index_cast %scan3A_354 : i32 to index
        %swap3A_413 = arith.constant 32 : index
        %swap3A_414 = tpu.vector_load %arg14[%swap3A_412, %swap3A_413] {strides = array<i32>} : memref<100x128xi32, #tpu.memory_space<vmem>>, vector<16xi32>,
        tpu.vector_store %arg14[%swap3A_412, %swap3A_413], %bitcast3A_411 {strides = array<i32>} : memref<100x128xi32, #tpu.memory_space<vmem>>, vector<16xi32>,
        %mul3A_415 = arith.constant 2 : i32
        %mul3A_416 = arith.muli %mul3A_415, %scan3A_354 : i32
        %add3A_417 = arith.constant 0 : i32
        %add3A_418 = arith.addi %mul3A_416, %add3A_417 : i32
        %get3A_419 = arith.index_cast %add3A_418 : i32 to index
        %get3A_420 = arith.constant 48 : index
        %get3A_421 = tpu.vector_load %arg10[%get3A_419, %get3A_420] {strides = array<i32>} : memref<200x64xi32, #tpu.memory_space<vmem>>, vector<16xi32>,
        %bitcast3A_422 = vector.bitcast %get3A_421 : vector<16xi32> to vector<32xbf16>
        %mul3A_423 = arith.constant 2 : i32
        %mul3A_424 = arith.muli %mul3A_423, %scan3A_354 : i32
        %add3A_425 = arith.constant 0 : i32
        %add3A_426 = arith.addi %mul3A_424, %add3A_425 : i32
        %get3A_427 = arith.index_cast %add3A_426 : i32 to index
        %get3A_428 = arith.constant 48 : index
        %get3A_429 = tpu.vector_load %arg12[%get3A_427, %get3A_428] {strides = array<i32>} : memref<200x64xi32, #tpu.memory_space<vmem>>, vector<16xi32>,
        %bitcast3A_430 = vector.bitcast %get3A_429 : vector<16xi32> to vector<32xbf16>
        %add3A_431 = arith.addf %bitcast3A_422, %bitcast3A_430 : vector<32xbf16>
        %bitcast3A_432 = vector.bitcast %add3A_431 : vector<32xbf16> to vector<16xi32>
        %swap3A_433 = arith.index_cast %scan3A_354 : i32 to index
        %swap3A_434 = arith.constant 48 : index
        %swap3A_435 = tpu.vector_load %arg14[%swap3A_433, %swap3A_434] {strides = array<i32>} : memref<100x128xi32, #tpu.memory_space<vmem>>, vector<16xi32>,
        tpu.vector_store %arg14[%swap3A_433, %swap3A_434], %bitcast3A_432 {strides = array<i32>} : memref<100x128xi32, #tpu.memory_space<vmem>>, vector<16xi32>,
        %mul3A_436 = arith.constant 2 : i32
        %mul3A_437 = arith.muli %mul3A_436, %scan3A_354 : i32
        %add3A_438 = arith.constant 1 : i32
        %add3A_439 = arith.addi %mul3A_437, %add3A_438 : i32
        %get3A_440 = arith.index_cast %add3A_439 : i32 to index
        %get3A_441 = arith.constant 0 : index
        %get3A_442 = tpu.vector_load %arg10[%get3A_440, %get3A_441] {strides = array<i32>} : memref<200x64xi32, #tpu.memory_space<vmem>>, vector<16xi32>,
        %bitcast3A_443 = vector.bitcast %get3A_442 : vector<16xi32> to vector<32xbf16>
        %mul3A_444 = arith.constant 2 : i32
        %mul3A_445 = arith.muli %mul3A_444, %scan3A_354 : i32
        %add3A_446 = arith.constant 1 : i32
        %add3A_447 = arith.addi %mul3A_445, %add3A_446 : i32
        %get3A_448 = arith.index_cast %add3A_447 : i32 to index
        %get3A_449 = arith.constant 0 : index
        %get3A_450 = tpu.vector_load %arg12[%get3A_448, %get3A_449] {strides = array<i32>} : memref<200x64xi32, #tpu.memory_space<vmem>>, vector<16xi32>,
        %bitcast3A_451 = vector.bitcast %get3A_450 : vector<16xi32> to vector<32xbf16>
        %add3A_452 = arith.addf %bitcast3A_443, %bitcast3A_451 : vector<32xbf16>
        %bitcast3A_453 = vector.bitcast %add3A_452 : vector<32xbf16> to vector<16xi32>
        %swap3A_454 = arith.index_cast %scan3A_354 : i32 to index
        %swap3A_455 = arith.constant 64 : index
        %swap3A_456 = tpu.vector_load %arg14[%swap3A_454, %swap3A_455] {strides = array<i32>} : memref<100x128xi32, #tpu.memory_space<vmem>>, vector<16xi32>,
        tpu.vector_store %arg14[%swap3A_454, %swap3A_455], %bitcast3A_453 {strides = array<i32>} : memref<100x128xi32, #tpu.memory_space<vmem>>, vector<16xi32>,
        %mul3A_457 = arith.constant 2 : i32
        %mul3A_458 = arith.muli %mul3A_457, %scan3A_354 : i32
        %add3A_459 = arith.constant 1 : i32
        %add3A_460 = arith.addi %mul3A_458, %add3A_459 : i32
        %get3A_461 = arith.index_cast %add3A_460 : i32 to index
        %get3A_462 = arith.constant 16 : index
        %get3A_463 = tpu.vector_load %arg10[%get3A_461, %get3A_462] {strides = array<i32>} : memref<200x64xi32, #tpu.memory_space<vmem>>, vector<16xi32>,
        %bitcast3A_464 = vector.bitcast %get3A_463 : vector<16xi32> to vector<32xbf16>
        %mul3A_465 = arith.constant 2 : i32
        %mul3A_466 = arith.muli %mul3A_465, %scan3A_354 : i32
        %add3A_467 = arith.constant 1 : i32
        %add3A_468 = arith.addi %mul3A_466, %add3A_467 : i32
        %get3A_469 = arith.index_cast %add3A_468 : i32 to index
        %get3A_470 = arith.constant 16 : index
        %get3A_471 = tpu.vector_load %arg12[%get3A_469, %get3A_470] {strides = array<i32>} : memref<200x64xi32, #tpu.memory_space<vmem>>, vector<16xi32>,
        %bitcast3A_472 = vector.bitcast %get3A_471 : vector<16xi32> to vector<32xbf16>
        %add3A_473 = arith.addf %bitcast3A_464, %bitcast3A_472 : vector<32xbf16>
        %bitcast3A_474 = vector.bitcast %add3A_473 : vector<32xbf16> to vector<16xi32>
        %swap3A_475 = arith.index_cast %scan3A_354 : i32 to index
        %swap3A_476 = arith.constant 80 : index
        %swap3A_477 = tpu.vector_load %arg14[%swap3A_475, %swap3A_476] {strides = array<i32>} : memref<100x128xi32, #tpu.memory_space<vmem>>, vector<16xi32>,
        tpu.vector_store %arg14[%swap3A_475, %swap3A_476], %bitcast3A_474 {strides = array<i32>} : memref<100x128xi32, #tpu.memory_space<vmem>>, vector<16xi32>,
        %mul3A_478 = arith.constant 2 : i32
        %mul3A_479 = arith.muli %mul3A_478, %scan3A_354 : i32
        %add3A_480 = arith.constant 1 : i32
        %add3A_481 = arith.addi %mul3A_479, %add3A_480 : i32
        %get3A_482 = arith.index_cast %add3A_481 : i32 to index
        %get3A_483 = arith.constant 32 : index
        %get3A_484 = tpu.vector_load %arg10[%get3A_482, %get3A_483] {strides = array<i32>} : memref<200x64xi32, #tpu.memory_space<vmem>>, vector<16xi32>,
        %bitcast3A_485 = vector.bitcast %get3A_484 : vector<16xi32> to vector<32xbf16>
        %mul3A_486 = arith.constant 2 : i32
        %mul3A_487 = arith.muli %mul3A_486, %scan3A_354 : i32
        %add3A_488 = arith.constant 1 : i32
        %add3A_489 = arith.addi %mul3A_487, %add3A_488 : i32
        %get3A_490 = arith.index_cast %add3A_489 : i32 to index
        %get3A_491 = arith.constant 32 : index
        %get3A_492 = tpu.vector_load %arg12[%get3A_490, %get3A_491] {strides = array<i32>} : memref<200x64xi32, #tpu.memory_space<vmem>>, vector<16xi32>,
        %bitcast3A_493 = vector.bitcast %get3A_492 : vector<16xi32> to vector<32xbf16>
        %add3A_494 = arith.addf %bitcast3A_485, %bitcast3A_493 : vector<32xbf16>
        %bitcast3A_495 = vector.bitcast %add3A_494 : vector<32xbf16> to vector<16xi32>
        %swap3A_496 = arith.index_cast %scan3A_354 : i32 to index
        %swap3A_497 = arith.constant 96 : index
        %swap3A_498 = tpu.vector_load %arg14[%swap3A_496, %swap3A_497] {strides = array<i32>} : memref<100x128xi32, #tpu.memory_space<vmem>>, vector<16xi32>,
        tpu.vector_store %arg14[%swap3A_496, %swap3A_497], %bitcast3A_495 {strides = array<i32>} : memref<100x128xi32, #tpu.memory_space<vmem>>, vector<16xi32>,
        %mul3A_499 = arith.constant 2 : i32
        %mul3A_500 = arith.muli %mul3A_499, %scan3A_354 : i32
        %add3A_501 = arith.constant 1 : i32
        %add3A_502 = arith.addi %mul3A_500, %add3A_501 : i32
        %get3A_503 = arith.index_cast %add3A_502 : i32 to index
        %get3A_504 = arith.constant 48 : index
        %get3A_505 = tpu.vector_load %arg10[%get3A_503, %get3A_504] {strides = array<i32>} : memref<200x64xi32, #tpu.memory_space<vmem>>, vector<16xi32>,
        %bitcast3A_506 = vector.bitcast %get3A_505 : vector<16xi32> to vector<32xbf16>
        %mul3A_507 = arith.constant 2 : i32
        %mul3A_508 = arith.muli %mul3A_507, %scan3A_354 : i32
        %add3A_509 = arith.constant 1 : i32
        %add3A_510 = arith.addi %mul3A_508, %add3A_509 : i32
        %get3A_511 = arith.index_cast %add3A_510 : i32 to index
        %get3A_512 = arith.constant 48 : index
        %get3A_513 = tpu.vector_load %arg12[%get3A_511, %get3A_512] {strides = array<i32>} : memref<200x64xi32, #tpu.memory_space<vmem>>, vector<16xi32>,
        %bitcast3A_514 = vector.bitcast %get3A_513 : vector<16xi32> to vector<32xbf16>
        %add3A_515 = arith.addf %bitcast3A_506, %bitcast3A_514 : vector<32xbf16>
        %bitcast3A_516 = vector.bitcast %add3A_515 : vector<32xbf16> to vector<16xi32>
        %swap3A_517 = arith.index_cast %scan3A_354 : i32 to index
        %swap3A_518 = arith.constant 112 : index
        %swap3A_519 = tpu.vector_load %arg14[%swap3A_517, %swap3A_518] {strides = array<i32>} : memref<100x128xi32, #tpu.memory_space<vmem>>, vector<16xi32>,
        tpu.vector_store %arg14[%swap3A_517, %swap3A_518], %bitcast3A_516 {strides = array<i32>} : memref<100x128xi32, #tpu.memory_space<vmem>>, vector<16xi32>,
      }
      %scan3A_234 = arith.constant 100 : i32
      %mul3A_235 = arith.constant 200 : i32
      %mul3A_236 = arith.muli %add3A_229, %mul3A_235 : i32
      %add3A_237 = arith.addi %mul3A_2, %mul3A_236 : i32
      %jit3A_238 = arith.constant 2 : i32
      %div3A_239 = arith.divsi %add3A_237, %jit3A_238 : i32
      %sign3A_240 = arith.constant 0 : i32
      %sign3A_241 = arith.cmpi sgt, %add3A_237, %sign3A_240 : i32
      %sign3A_242 = arith.extui %sign3A_241 : i1 to i32
      %sign3A_243 = arith.constant 0 : i32
      %sign3A_244 = arith.cmpi slt, %add3A_237, %sign3A_243 : i32
      %sign3A_245 = arith.extui %sign3A_244 : i1 to i32
      %sign3A_246 = arith.subi %sign3A_242, %sign3A_245 : i32
      %sign3A_247 = arith.constant 0 : i32
      %sign3A_248 = arith.cmpi sgt, %jit3A_238, %sign3A_247 : i32
      %sign3A_249 = arith.extui %sign3A_248 : i1 to i32
      %sign3A_250 = arith.constant 0 : i32
      %sign3A_251 = arith.cmpi slt, %jit3A_238, %sign3A_250 : i32
      %sign3A_252 = arith.extui %sign3A_251 : i1 to i32
      %sign3A_253 = arith.subi %sign3A_249, %sign3A_252 : i32
      %ne3A_254 = arith.cmpi ne, %sign3A_246, %sign3A_253 : i32
      %rem3A_255 = arith.remsi %add3A_237, %jit3A_238 : i32
      %ne3A_256 = arith.constant 0 : i32
      %ne3A_257 = arith.cmpi ne, %rem3A_255, %ne3A_256 : i32
      %and3A_258 = arith.andi %ne3A_254, %ne3A_257 : i1
      %sub3A_259 = arith.constant 1 : i32
      %sub3A_260 = arith.subi %div3A_239, %sub3A_259 : i32
      %select_n3A_261 = arith.select %and3A_258, %sub3A_260, %div3A_239 : i32
      %dma_start3A_262 = arith.constant 0 : i32
      %dma_start3A_263 = tpu.memref_slice %arg6[%select_n3A_261, %dma_start3A_262] : memref<160000x128xi32, #tpu.memory_space<hbm>> -> memref<100x128xi32, #tpu.memory_space<hbm>>
      %dma_start3A_264 = arith.constant 0 : i32
      %dma_start3A_265 = tpu.memref_slice %arg6[%select_n3A_261, %dma_start3A_264] : memref<160000x128xi32, #tpu.memory_space<hbm>> -> memref<100x128xi32, #tpu.memory_space<hbm>>
      tpu.enqueue_dma source(%arg14 : memref<100x128xi32, #tpu.memory_space<vmem>>) target(%dma_start3A_265 : memref<100x128xi32, #tpu.memory_space<hbm>>) target_semaphore(%arg18 : memref<!tpu.dma_semaphore, #tpu.memory_space<semaphore_mem>>)
      %mul3A_266 = arith.constant 200 : i32
      %mul3A_267 = arith.muli %mul3A_169, %mul3A_266 : i32
      %add3A_268 = arith.addi %mul3A_2, %mul3A_267 : i32
      %jit3A_269 = arith.constant 2 : i32
      %div3A_270 = arith.divsi %add3A_268, %jit3A_269 : i32
      %sign3A_271 = arith.constant 0 : i32
      %sign3A_272 = arith.cmpi sgt, %add3A_268, %sign3A_271 : i32
      %sign3A_273 = arith.extui %sign3A_272 : i1 to i32
      %sign3A_274 = arith.constant 0 : i32
      %sign3A_275 = arith.cmpi slt, %add3A_268, %sign3A_274 : i32
      %sign3A_276 = arith.extui %sign3A_275 : i1 to i32
      %sign3A_277 = arith.subi %sign3A_273, %sign3A_276 : i32
      %sign3A_278 = arith.constant 0 : i32
      %sign3A_279 = arith.cmpi sgt, %jit3A_269, %sign3A_278 : i32
      %sign3A_280 = arith.extui %sign3A_279 : i1 to i32
      %sign3A_281 = arith.constant 0 : i32
      %sign3A_282 = arith.cmpi slt, %jit3A_269, %sign3A_281 : i32
      %sign3A_283 = arith.extui %sign3A_282 : i1 to i32
      %sign3A_284 = arith.subi %sign3A_280, %sign3A_283 : i32
      %ne3A_285 = arith.cmpi ne, %sign3A_277, %sign3A_284 : i32
      %rem3A_286 = arith.remsi %add3A_268, %jit3A_269 : i32
      %ne3A_287 = arith.constant 0 : i32
      %ne3A_288 = arith.cmpi ne, %rem3A_286, %ne3A_287 : i32
      %and3A_289 = arith.andi %ne3A_285, %ne3A_288 : i1
      %sub3A_290 = arith.constant 1 : i32
      %sub3A_291 = arith.subi %div3A_270, %sub3A_290 : i32
      %select_n3A_292 = arith.select %and3A_289, %sub3A_291, %div3A_270 : i32
      %dma_wait3A_293 = arith.constant 0 : i32
      %dma_wait3A_294 = tpu.memref_slice %arg6[%select_n3A_292, %dma_wait3A_293] : memref<160000x128xi32, #tpu.memory_space<hbm>> -> memref<100x128xi32, #tpu.memory_space<hbm>>
      %dma_wait3A_295 = arith.constant 0 : i32
      %dma_wait3A_296 = tpu.memref_slice %arg6[%select_n3A_292, %dma_wait3A_295] : memref<160000x128xi32, #tpu.memory_space<hbm>> -> memref<100x128xi32, #tpu.memory_space<hbm>>
      tpu.wait_dma2 semaphore(%arg17 : memref<!tpu.dma_semaphore, #tpu.memory_space<semaphore_mem>>) src(%arg13 : memref<100x128xi32, #tpu.memory_space<vmem>>) dst(%dma_wait3A_296 : memref<100x128xi32, #tpu.memory_space<hbm>>)
      %add3A_297 = arith.constant 2 : i32
      %add3A_298 = arith.addi %mul3A_169, %add3A_297 : i32
      %mul3A_299 = arith.constant 200 : i32
      %mul3A_300 = arith.muli %add3A_298, %mul3A_299 : i32
      %dma_start3A_301 = tpu.memref_slice %arg7[%mul3A_300] : memref<10000xi32, #tpu.memory_space<vmem>> -> memref<200xi32, #tpu.memory_space<vmem>>
      %dma_start3A_302 = arith.constant 0 : i32
      %dma_start3A_303 = arith.constant 0 : i32
      %dma_start3A_304 = tpu.memref_slice %arg2[%dma_start3A_302, %dma_start3A_303] : memref<10240x64xi32, #tpu.memory_space<hbm>> -> memref<10240x64xi32, #tpu.memory_space<hbm>>
      tpu.enqueue_indirect_dma source(%dma_start3A_304 : memref<10240x64xi32, #tpu.memory_space<hbm>>) target(%arg9 : memref<200x64xi32, #tpu.memory_space<vmem>>) offsets(%dma_start3A_301 : memref<200xi32, #tpu.memory_space<vmem>>) semaphore(%arg15 : memref<!tpu.dma_semaphore, #tpu.memory_space<semaphore_mem>>)
      %dma_start3A_305 = tpu.memref_slice %arg8[%mul3A_300] : memref<10000xi32, #tpu.memory_space<vmem>> -> memref<200xi32, #tpu.memory_space<vmem>>
      %dma_start3A_306 = arith.constant 0 : i32
      %dma_start3A_307 = arith.constant 0 : i32
      %dma_start3A_308 = tpu.memref_slice %arg3[%dma_start3A_306, %dma_start3A_307] : memref<10240x64xi32, #tpu.memory_space<hbm>> -> memref<10240x64xi32, #tpu.memory_space<hbm>>
      tpu.enqueue_indirect_dma source(%dma_start3A_308 : memref<10240x64xi32, #tpu.memory_space<hbm>>) target(%arg11 : memref<200x64xi32, #tpu.memory_space<vmem>>) offsets(%dma_start3A_305 : memref<200xi32, #tpu.memory_space<vmem>>) semaphore(%arg15 : memref<!tpu.dma_semaphore, #tpu.memory_space<semaphore_mem>>)
      %add3A_309 = arith.constant 1 : i32
      %add3A_310 = arith.addi %mul3A_169, %add3A_309 : i32
      %mul3A_311 = arith.constant 200 : i32
      %mul3A_312 = arith.muli %add3A_310, %mul3A_311 : i32
      %add3A_313 = arith.addi %mul3A_2, %mul3A_312 : i32
      %jit3A_314 = arith.constant 2 : i32
      %div3A_315 = arith.divsi %add3A_313, %jit3A_314 : i32
      %sign3A_316 = arith.constant 0 : i32
      %sign3A_317 = arith.cmpi sgt, %add3A_313, %sign3A_316 : i32
      %sign3A_318 = arith.extui %sign3A_317 : i1 to i32
      %sign3A_319 = arith.constant 0 : i32
      %sign3A_320 = arith.cmpi slt, %add3A_313, %sign3A_319 : i32
      %sign3A_321 = arith.extui %sign3A_320 : i1 to i32
      %sign3A_322 = arith.subi %sign3A_318, %sign3A_321 : i32
      %sign3A_323 = arith.constant 0 : i32
      %sign3A_324 = arith.cmpi sgt, %jit3A_314, %sign3A_323 : i32
      %sign3A_325 = arith.extui %sign3A_324 : i1 to i32
      %sign3A_326 = arith.constant 0 : i32
      %sign3A_327 = arith.cmpi slt, %jit3A_314, %sign3A_326 : i32
      %sign3A_328 = arith.extui %sign3A_327 : i1 to i32
      %sign3A_329 = arith.subi %sign3A_325, %sign3A_328 : i32
      %ne3A_330 = arith.cmpi ne, %sign3A_322, %sign3A_329 : i32
      %rem3A_331 = arith.remsi %add3A_313, %jit3A_314 : i32
      %ne3A_332 = arith.constant 0 : i32
      %ne3A_333 = arith.cmpi ne, %rem3A_331, %ne3A_332 : i32
      %and3A_334 = arith.andi %ne3A_330, %ne3A_333 : i1
      %sub3A_335 = arith.constant 1 : i32
      %sub3A_336 = arith.subi %div3A_315, %sub3A_335 : i32
      %select_n3A_337 = arith.select %and3A_334, %sub3A_336, %div3A_315 : i32
      %dma_wait3A_338 = arith.constant 0 : i32
      %dma_wait3A_339 = tpu.memref_slice %arg6[%select_n3A_337, %dma_wait3A_338] : memref<160000x128xi32, #tpu.memory_space<hbm>> -> memref<100x128xi32, #tpu.memory_space<hbm>>
      %dma_wait3A_340 = arith.constant 0 : i32
      %dma_wait3A_341 = tpu.memref_slice %arg6[%select_n3A_337, %dma_wait3A_340] : memref<160000x128xi32, #tpu.memory_space<hbm>> -> memref<100x128xi32, #tpu.memory_space<hbm>>
      tpu.wait_dma2 semaphore(%arg18 : memref<!tpu.dma_semaphore, #tpu.memory_space<semaphore_mem>>) src(%arg14 : memref<100x128xi32, #tpu.memory_space<vmem>>) dst(%dma_wait3A_341 : memref<100x128xi32, #tpu.memory_space<hbm>>)
      %add3A_342 = arith.constant 3 : i32
      %add3A_343 = arith.addi %mul3A_169, %add3A_342 : i32
      %mul3A_344 = arith.constant 200 : i32
      %mul3A_345 = arith.muli %add3A_343, %mul3A_344 : i32
      %dma_start3A_346 = tpu.memref_slice %arg7[%mul3A_345] : memref<10000xi32, #tpu.memory_space<vmem>> -> memref<200xi32, #tpu.memory_space<vmem>>
      %dma_start3A_347 = arith.constant 0 : i32
      %dma_start3A_348 = arith.constant 0 : i32
      %dma_start3A_349 = tpu.memref_slice %arg2[%dma_start3A_347, %dma_start3A_348] : memref<10240x64xi32, #tpu.memory_space<hbm>> -> memref<10240x64xi32, #tpu.memory_space<hbm>>
      tpu.enqueue_indirect_dma source(%dma_start3A_349 : memref<10240x64xi32, #tpu.memory_space<hbm>>) target(%arg10 : memref<200x64xi32, #tpu.memory_space<vmem>>) offsets(%dma_start3A_346 : memref<200xi32, #tpu.memory_space<vmem>>) semaphore(%arg16 : memref<!tpu.dma_semaphore, #tpu.memory_space<semaphore_mem>>)
      %dma_start3A_350 = tpu.memref_slice %arg8[%mul3A_345] : memref<10000xi32, #tpu.memory_space<vmem>> -> memref<200xi32, #tpu.memory_space<vmem>>
      %dma_start3A_351 = arith.constant 0 : i32
      %dma_start3A_352 = arith.constant 0 : i32
      %dma_start3A_353 = tpu.memref_slice %arg3[%dma_start3A_351, %dma_start3A_352] : memref<10240x64xi32, #tpu.memory_space<hbm>> -> memref<10240x64xi32, #tpu.memory_space<hbm>>
      tpu.enqueue_indirect_dma source(%dma_start3A_353 : memref<10240x64xi32, #tpu.memory_space<hbm>>) target(%arg12 : memref<200x64xi32, #tpu.memory_space<vmem>>) offsets(%dma_start3A_350 : memref<200xi32, #tpu.memory_space<vmem>>) semaphore(%arg16 : memref<!tpu.dma_semaphore, #tpu.memory_space<semaphore_mem>>)
    }
    %scan3A_25 = arith.constant 24 : i32
    %dma_wait3A = arith.constant 9600 : i32
    %dma_wait3A_26 = tpu.memref_slice %arg7[%dma_wait3A] : memref<10000xi32, #tpu.memory_space<vmem>> -> memref<200xi32, #tpu.memory_space<vmem>>
    %dma_wait3A_27 = arith.constant 0 : i32
    %dma_wait3A_28 = arith.constant 0 : i32
    %dma_wait3A_29 = tpu.memref_slice %arg2[%dma_wait3A_27, %dma_wait3A_28] : memref<10240x64xi32, #tpu.memory_space<hbm>> -> memref<10240x64xi32, #tpu.memory_space<hbm>>
    tpu.wait_indirect_dma semaphore(%arg15 : memref<!tpu.dma_semaphore, #tpu.memory_space<semaphore_mem>>) src(%dma_wait3A_29 : memref<10240x64xi32, #tpu.memory_space<hbm>>) dst(%arg9 : memref<200x64xi32, #tpu.memory_space<vmem>>)
    %dma_wait3A_30 = arith.constant 9600 : i32
    %dma_wait3A_31 = tpu.memref_slice %arg8[%dma_wait3A_30] : memref<10000xi32, #tpu.memory_space<vmem>> -> memref<200xi32, #tpu.memory_space<vmem>>
    %dma_wait3A_32 = arith.constant 0 : i32
    %dma_wait3A_33 = arith.constant 0 : i32
    %dma_wait3A_34 = tpu.memref_slice %arg3[%dma_wait3A_32, %dma_wait3A_33] : memref<10240x64xi32, #tpu.memory_space<hbm>> -> memref<10240x64xi32, #tpu.memory_space<hbm>>
    tpu.wait_indirect_dma semaphore(%arg15 : memref<!tpu.dma_semaphore, #tpu.memory_space<semaphore_mem>>) src(%dma_wait3A_34 : memref<10240x64xi32, #tpu.memory_space<hbm>>) dst(%arg11 : memref<200x64xi32, #tpu.memory_space<vmem>>)
    %scan3A_35 = arith.constant 0 : i32
    %scan3A_36 = arith.constant 100 : i32
    %scan3A_37 = arith.addi %scan3A_35, %scan3A_36 : i32
    %scan3A_38 = arith.constant 1 : i32
    scf.for %scan3A_167 = %scan3A_35 to %scan3A_37 step %scan3A_38  : i32 {
      %mul3A_168 = arith.constant 2 : i32
      %mul3A_169 = arith.muli %mul3A_168, %scan3A_167 : i32
      %add3A_170 = arith.constant 0 : i32
      %add3A_171 = arith.addi %mul3A_169, %add3A_170 : i32
      %get3A = arith.index_cast %add3A_171 : i32 to index
      %get3A_172 = arith.constant 0 : index
      %get3A_173 = tpu.vector_load %arg9[%get3A, %get3A_172] {strides = array<i32>} : memref<200x64xi32, #tpu.memory_space<vmem>>, vector<16xi32>,
      %bitcast3A = vector.bitcast %get3A_173 : vector<16xi32> to vector<32xbf16>
      %mul3A_174 = arith.constant 2 : i32
      %mul3A_175 = arith.muli %mul3A_174, %scan3A_167 : i32
      %add3A_176 = arith.constant 0 : i32
      %add3A_177 = arith.addi %mul3A_175, %add3A_176 : i32
      %get3A_178 = arith.index_cast %add3A_177 : i32 to index
      %get3A_179 = arith.constant 0 : index
      %get3A_180 = tpu.vector_load %arg11[%get3A_178, %get3A_179] {strides = array<i32>} : memref<200x64xi32, #tpu.memory_space<vmem>>, vector<16xi32>,
      %bitcast3A_181 = vector.bitcast %get3A_180 : vector<16xi32> to vector<32xbf16>
      %add3A_182 = arith.addf %bitcast3A, %bitcast3A_181 : vector<32xbf16>
      %bitcast3A_183 = vector.bitcast %add3A_182 : vector<32xbf16> to vector<16xi32>
      %swap3A = arith.index_cast %scan3A_167 : i32 to index
      %swap3A_184 = arith.constant 0 : index
      %swap3A_185 = tpu.vector_load %arg13[%swap3A, %swap3A_184] {strides = array<i32>} : memref<100x128xi32, #tpu.memory_space<vmem>>, vector<16xi32>,
      tpu.vector_store %arg13[%swap3A, %swap3A_184], %bitcast3A_183 {strides = array<i32>} : memref<100x128xi32, #tpu.memory_space<vmem>>, vector<16xi32>,
      %mul3A_186 = arith.constant 2 : i32
      %mul3A_187 = arith.muli %mul3A_186, %scan3A_167 : i32
      %add3A_188 = arith.constant 0 : i32
      %add3A_189 = arith.addi %mul3A_187, %add3A_188 : i32
      %get3A_190 = arith.index_cast %add3A_189 : i32 to index
      %get3A_191 = arith.constant 16 : index
      %get3A_192 = tpu.vector_load %arg9[%get3A_190, %get3A_191] {strides = array<i32>} : memref<200x64xi32, #tpu.memory_space<vmem>>, vector<16xi32>,
      %bitcast3A_193 = vector.bitcast %get3A_192 : vector<16xi32> to vector<32xbf16>
      %mul3A_194 = arith.constant 2 : i32
      %mul3A_195 = arith.muli %mul3A_194, %scan3A_167 : i32
      %add3A_196 = arith.constant 0 : i32
      %add3A_197 = arith.addi %mul3A_195, %add3A_196 : i32
      %get3A_198 = arith.index_cast %add3A_197 : i32 to index
      %get3A_199 = arith.constant 16 : index
      %get3A_200 = tpu.vector_load %arg11[%get3A_198, %get3A_199] {strides = array<i32>} : memref<200x64xi32, #tpu.memory_space<vmem>>, vector<16xi32>,
      %bitcast3A_201 = vector.bitcast %get3A_200 : vector<16xi32> to vector<32xbf16>
      %add3A_202 = arith.addf %bitcast3A_193, %bitcast3A_201 : vector<32xbf16>
      %bitcast3A_203 = vector.bitcast %add3A_202 : vector<32xbf16> to vector<16xi32>
      %swap3A_204 = arith.index_cast %scan3A_167 : i32 to index
      %swap3A_205 = arith.constant 16 : index
      %swap3A_206 = tpu.vector_load %arg13[%swap3A_204, %swap3A_205] {strides = array<i32>} : memref<100x128xi32, #tpu.memory_space<vmem>>, vector<16xi32>,
      tpu.vector_store %arg13[%swap3A_204, %swap3A_205], %bitcast3A_203 {strides = array<i32>} : memref<100x128xi32, #tpu.memory_space<vmem>>, vector<16xi32>,
      %mul3A_207 = arith.constant 2 : i32
      %mul3A_208 = arith.muli %mul3A_207, %scan3A_167 : i32
      %add3A_209 = arith.constant 0 : i32
      %add3A_210 = arith.addi %mul3A_208, %add3A_209 : i32
      %get3A_211 = arith.index_cast %add3A_210 : i32 to index
      %get3A_212 = arith.constant 32 : index
      %get3A_213 = tpu.vector_load %arg9[%get3A_211, %get3A_212] {strides = array<i32>} : memref<200x64xi32, #tpu.memory_space<vmem>>, vector<16xi32>,
      %bitcast3A_214 = vector.bitcast %get3A_213 : vector<16xi32> to vector<32xbf16>
      %mul3A_215 = arith.constant 2 : i32
      %mul3A_216 = arith.muli %mul3A_215, %scan3A_167 : i32
      %add3A_217 = arith.constant 0 : i32
      %add3A_218 = arith.addi %mul3A_216, %add3A_217 : i32
      %get3A_219 = arith.index_cast %add3A_218 : i32 to index
      %get3A_220 = arith.constant 32 : index
      %get3A_221 = tpu.vector_load %arg11[%get3A_219, %get3A_220] {strides = array<i32>} : memref<200x64xi32, #tpu.memory_space<vmem>>, vector<16xi32>,
      %bitcast3A_222 = vector.bitcast %get3A_221 : vector<16xi32> to vector<32xbf16>
      %add3A_223 = arith.addf %bitcast3A_214, %bitcast3A_222 : vector<32xbf16>
      %bitcast3A_224 = vector.bitcast %add3A_223 : vector<32xbf16> to vector<16xi32>
      %swap3A_225 = arith.index_cast %scan3A_167 : i32 to index
      %swap3A_226 = arith.constant 32 : index
      %swap3A_227 = tpu.vector_load %arg13[%swap3A_225, %swap3A_226] {strides = array<i32>} : memref<100x128xi32, #tpu.memory_space<vmem>>, vector<16xi32>,
      tpu.vector_store %arg13[%swap3A_225, %swap3A_226], %bitcast3A_224 {strides = array<i32>} : memref<100x128xi32, #tpu.memory_space<vmem>>, vector<16xi32>,
      %mul3A_228 = arith.constant 2 : i32
      %mul3A_229 = arith.muli %mul3A_228, %scan3A_167 : i32
      %add3A_230 = arith.constant 0 : i32
      %add3A_231 = arith.addi %mul3A_229, %add3A_230 : i32
      %get3A_232 = arith.index_cast %add3A_231 : i32 to index
      %get3A_233 = arith.constant 48 : index
      %get3A_234 = tpu.vector_load %arg9[%get3A_232, %get3A_233] {strides = array<i32>} : memref<200x64xi32, #tpu.memory_space<vmem>>, vector<16xi32>,
      %bitcast3A_235 = vector.bitcast %get3A_234 : vector<16xi32> to vector<32xbf16>
      %mul3A_236 = arith.constant 2 : i32
      %mul3A_237 = arith.muli %mul3A_236, %scan3A_167 : i32
      %add3A_238 = arith.constant 0 : i32
      %add3A_239 = arith.addi %mul3A_237, %add3A_238 : i32
      %get3A_240 = arith.index_cast %add3A_239 : i32 to index
      %get3A_241 = arith.constant 48 : index
      %get3A_242 = tpu.vector_load %arg11[%get3A_240, %get3A_241] {strides = array<i32>} : memref<200x64xi32, #tpu.memory_space<vmem>>, vector<16xi32>,
      %bitcast3A_243 = vector.bitcast %get3A_242 : vector<16xi32> to vector<32xbf16>
      %add3A_244 = arith.addf %bitcast3A_235, %bitcast3A_243 : vector<32xbf16>
      %bitcast3A_245 = vector.bitcast %add3A_244 : vector<32xbf16> to vector<16xi32>
      %swap3A_246 = arith.index_cast %scan3A_167 : i32 to index
      %swap3A_247 = arith.constant 48 : index
      %swap3A_248 = tpu.vector_load %arg13[%swap3A_246, %swap3A_247] {strides = array<i32>} : memref<100x128xi32, #tpu.memory_space<vmem>>, vector<16xi32>,
      tpu.vector_store %arg13[%swap3A_246, %swap3A_247], %bitcast3A_245 {strides = array<i32>} : memref<100x128xi32, #tpu.memory_space<vmem>>, vector<16xi32>,
      %mul3A_249 = arith.constant 2 : i32
      %mul3A_250 = arith.muli %mul3A_249, %scan3A_167 : i32
      %add3A_251 = arith.constant 1 : i32
      %add3A_252 = arith.addi %mul3A_250, %add3A_251 : i32
      %get3A_253 = arith.index_cast %add3A_252 : i32 to index
      %get3A_254 = arith.constant 0 : index
      %get3A_255 = tpu.vector_load %arg9[%get3A_253, %get3A_254] {strides = array<i32>} : memref<200x64xi32, #tpu.memory_space<vmem>>, vector<16xi32>,
      %bitcast3A_256 = vector.bitcast %get3A_255 : vector<16xi32> to vector<32xbf16>
      %mul3A_257 = arith.constant 2 : i32
      %mul3A_258 = arith.muli %mul3A_257, %scan3A_167 : i32
      %add3A_259 = arith.constant 1 : i32
      %add3A_260 = arith.addi %mul3A_258, %add3A_259 : i32
      %get3A_261 = arith.index_cast %add3A_260 : i32 to index
      %get3A_262 = arith.constant 0 : index
      %get3A_263 = tpu.vector_load %arg11[%get3A_261, %get3A_262] {strides = array<i32>} : memref<200x64xi32, #tpu.memory_space<vmem>>, vector<16xi32>,
      %bitcast3A_264 = vector.bitcast %get3A_263 : vector<16xi32> to vector<32xbf16>
      %add3A_265 = arith.addf %bitcast3A_256, %bitcast3A_264 : vector<32xbf16>
      %bitcast3A_266 = vector.bitcast %add3A_265 : vector<32xbf16> to vector<16xi32>
      %swap3A_267 = arith.index_cast %scan3A_167 : i32 to index
      %swap3A_268 = arith.constant 64 : index
      %swap3A_269 = tpu.vector_load %arg13[%swap3A_267, %swap3A_268] {strides = array<i32>} : memref<100x128xi32, #tpu.memory_space<vmem>>, vector<16xi32>,
      tpu.vector_store %arg13[%swap3A_267, %swap3A_268], %bitcast3A_266 {strides = array<i32>} : memref<100x128xi32, #tpu.memory_space<vmem>>, vector<16xi32>,
      %mul3A_270 = arith.constant 2 : i32
      %mul3A_271 = arith.muli %mul3A_270, %scan3A_167 : i32
      %add3A_272 = arith.constant 1 : i32
      %add3A_273 = arith.addi %mul3A_271, %add3A_272 : i32
      %get3A_274 = arith.index_cast %add3A_273 : i32 to index
      %get3A_275 = arith.constant 16 : index
      %get3A_276 = tpu.vector_load %arg9[%get3A_274, %get3A_275] {strides = array<i32>} : memref<200x64xi32, #tpu.memory_space<vmem>>, vector<16xi32>,
      %bitcast3A_277 = vector.bitcast %get3A_276 : vector<16xi32> to vector<32xbf16>
      %mul3A_278 = arith.constant 2 : i32
      %mul3A_279 = arith.muli %mul3A_278, %scan3A_167 : i32
      %add3A_280 = arith.constant 1 : i32
      %add3A_281 = arith.addi %mul3A_279, %add3A_280 : i32
      %get3A_282 = arith.index_cast %add3A_281 : i32 to index
      %get3A_283 = arith.constant 16 : index
      %get3A_284 = tpu.vector_load %arg11[%get3A_282, %get3A_283] {strides = array<i32>} : memref<200x64xi32, #tpu.memory_space<vmem>>, vector<16xi32>,
      %bitcast3A_285 = vector.bitcast %get3A_284 : vector<16xi32> to vector<32xbf16>
      %add3A_286 = arith.addf %bitcast3A_277, %bitcast3A_285 : vector<32xbf16>
      %bitcast3A_287 = vector.bitcast %add3A_286 : vector<32xbf16> to vector<16xi32>
      %swap3A_288 = arith.index_cast %scan3A_167 : i32 to index
      %swap3A_289 = arith.constant 80 : index
      %swap3A_290 = tpu.vector_load %arg13[%swap3A_288, %swap3A_289] {strides = array<i32>} : memref<100x128xi32, #tpu.memory_space<vmem>>, vector<16xi32>,
      tpu.vector_store %arg13[%swap3A_288, %swap3A_289], %bitcast3A_287 {strides = array<i32>} : memref<100x128xi32, #tpu.memory_space<vmem>>, vector<16xi32>,
      %mul3A_291 = arith.constant 2 : i32
      %mul3A_292 = arith.muli %mul3A_291, %scan3A_167 : i32
      %add3A_293 = arith.constant 1 : i32
      %add3A_294 = arith.addi %mul3A_292, %add3A_293 : i32
      %get3A_295 = arith.index_cast %add3A_294 : i32 to index
      %get3A_296 = arith.constant 32 : index
      %get3A_297 = tpu.vector_load %arg9[%get3A_295, %get3A_296] {strides = array<i32>} : memref<200x64xi32, #tpu.memory_space<vmem>>, vector<16xi32>,
      %bitcast3A_298 = vector.bitcast %get3A_297 : vector<16xi32> to vector<32xbf16>
      %mul3A_299 = arith.constant 2 : i32
      %mul3A_300 = arith.muli %mul3A_299, %scan3A_167 : i32
      %add3A_301 = arith.constant 1 : i32
      %add3A_302 = arith.addi %mul3A_300, %add3A_301 : i32
      %get3A_303 = arith.index_cast %add3A_302 : i32 to index
      %get3A_304 = arith.constant 32 : index
      %get3A_305 = tpu.vector_load %arg11[%get3A_303, %get3A_304] {strides = array<i32>} : memref<200x64xi32, #tpu.memory_space<vmem>>, vector<16xi32>,
      %bitcast3A_306 = vector.bitcast %get3A_305 : vector<16xi32> to vector<32xbf16>
      %add3A_307 = arith.addf %bitcast3A_298, %bitcast3A_306 : vector<32xbf16>
      %bitcast3A_308 = vector.bitcast %add3A_307 : vector<32xbf16> to vector<16xi32>
      %swap3A_309 = arith.index_cast %scan3A_167 : i32 to index
      %swap3A_310 = arith.constant 96 : index
      %swap3A_311 = tpu.vector_load %arg13[%swap3A_309, %swap3A_310] {strides = array<i32>} : memref<100x128xi32, #tpu.memory_space<vmem>>, vector<16xi32>,
      tpu.vector_store %arg13[%swap3A_309, %swap3A_310], %bitcast3A_308 {strides = array<i32>} : memref<100x128xi32, #tpu.memory_space<vmem>>, vector<16xi32>,
      %mul3A_312 = arith.constant 2 : i32
      %mul3A_313 = arith.muli %mul3A_312, %scan3A_167 : i32
      %add3A_314 = arith.constant 1 : i32
      %add3A_315 = arith.addi %mul3A_313, %add3A_314 : i32
      %get3A_316 = arith.index_cast %add3A_315 : i32 to index
      %get3A_317 = arith.constant 48 : index
      %get3A_318 = tpu.vector_load %arg9[%get3A_316, %get3A_317] {strides = array<i32>} : memref<200x64xi32, #tpu.memory_space<vmem>>, vector<16xi32>,
      %bitcast3A_319 = vector.bitcast %get3A_318 : vector<16xi32> to vector<32xbf16>
      %mul3A_320 = arith.constant 2 : i32
      %mul3A_321 = arith.muli %mul3A_320, %scan3A_167 : i32
      %add3A_322 = arith.constant 1 : i32
      %add3A_323 = arith.addi %mul3A_321, %add3A_322 : i32
      %get3A_324 = arith.index_cast %add3A_323 : i32 to index
      %get3A_325 = arith.constant 48 : index
      %get3A_326 = tpu.vector_load %arg11[%get3A_324, %get3A_325] {strides = array<i32>} : memref<200x64xi32, #tpu.memory_space<vmem>>, vector<16xi32>,
      %bitcast3A_327 = vector.bitcast %get3A_326 : vector<16xi32> to vector<32xbf16>
      %add3A_328 = arith.addf %bitcast3A_319, %bitcast3A_327 : vector<32xbf16>
      %bitcast3A_329 = vector.bitcast %add3A_328 : vector<32xbf16> to vector<16xi32>
      %swap3A_330 = arith.index_cast %scan3A_167 : i32 to index
      %swap3A_331 = arith.constant 112 : index
      %swap3A_332 = tpu.vector_load %arg13[%swap3A_330, %swap3A_331] {strides = array<i32>} : memref<100x128xi32, #tpu.memory_space<vmem>>, vector<16xi32>,
      tpu.vector_store %arg13[%swap3A_330, %swap3A_331], %bitcast3A_329 {strides = array<i32>} : memref<100x128xi32, #tpu.memory_space<vmem>>, vector<16xi32>,
    }
    %scan3A_39 = arith.constant 100 : i32
    %add3A_40 = arith.constant 9600 : i32
    %add3A_41 = arith.addi %mul3A_2, %add3A_40 : i32
    %jit3A = arith.constant 2 : i32
    %div3A = arith.divsi %add3A_41, %jit3A : i32
    %sign3A = arith.constant 0 : i32
    %sign3A_42 = arith.cmpi sgt, %add3A_41, %sign3A : i32
    %sign3A_43 = arith.extui %sign3A_42 : i1 to i32
    %sign3A_44 = arith.constant 0 : i32
    %sign3A_45 = arith.cmpi slt, %add3A_41, %sign3A_44 : i32
    %sign3A_46 = arith.extui %sign3A_45 : i1 to i32
    %sign3A_47 = arith.subi %sign3A_43, %sign3A_46 : i32
    %sign3A_48 = arith.constant 0 : i32
    %sign3A_49 = arith.cmpi sgt, %jit3A, %sign3A_48 : i32
    %sign3A_50 = arith.extui %sign3A_49 : i1 to i32
    %sign3A_51 = arith.constant 0 : i32
    %sign3A_52 = arith.cmpi slt, %jit3A, %sign3A_51 : i32
    %sign3A_53 = arith.extui %sign3A_52 : i1 to i32
    %sign3A_54 = arith.subi %sign3A_50, %sign3A_53 : i32
    %ne3A = arith.cmpi ne, %sign3A_47, %sign3A_54 : i32
    %rem3A = arith.remsi %add3A_41, %jit3A : i32
    %ne3A_55 = arith.constant 0 : i32
    %ne3A_56 = arith.cmpi ne, %rem3A, %ne3A_55 : i32
    %and3A = arith.andi %ne3A, %ne3A_56 : i1
    %sub3A = arith.constant 1 : i32
    %sub3A_57 = arith.subi %div3A, %sub3A : i32
    %select_n3A = arith.select %and3A, %sub3A_57, %div3A : i32
    %dma_start3A_58 = arith.constant 0 : i32
    %dma_start3A_59 = tpu.memref_slice %arg6[%select_n3A, %dma_start3A_58] : memref<160000x128xi32, #tpu.memory_space<hbm>> -> memref<100x128xi32, #tpu.memory_space<hbm>>
    %dma_start3A_60 = arith.constant 0 : i32
    %dma_start3A_61 = tpu.memref_slice %arg6[%select_n3A, %dma_start3A_60] : memref<160000x128xi32, #tpu.memory_space<hbm>> -> memref<100x128xi32, #tpu.memory_space<hbm>>
    tpu.enqueue_dma source(%arg13 : memref<100x128xi32, #tpu.memory_space<vmem>>) target(%dma_start3A_61 : memref<100x128xi32, #tpu.memory_space<hbm>>) target_semaphore(%arg17 : memref<!tpu.dma_semaphore, #tpu.memory_space<semaphore_mem>>)
    %dma_wait3A_62 = arith.constant 9800 : i32
    %dma_wait3A_63 = tpu.memref_slice %arg7[%dma_wait3A_62] : memref<10000xi32, #tpu.memory_space<vmem>> -> memref<200xi32, #tpu.memory_space<vmem>>
    %dma_wait3A_64 = arith.constant 0 : i32
    %dma_wait3A_65 = arith.constant 0 : i32
    %dma_wait3A_66 = tpu.memref_slice %arg2[%dma_wait3A_64, %dma_wait3A_65] : memref<10240x64xi32, #tpu.memory_space<hbm>> -> memref<10240x64xi32, #tpu.memory_space<hbm>>
    tpu.wait_indirect_dma semaphore(%arg16 : memref<!tpu.dma_semaphore, #tpu.memory_space<semaphore_mem>>) src(%dma_wait3A_66 : memref<10240x64xi32, #tpu.memory_space<hbm>>) dst(%arg10 : memref<200x64xi32, #tpu.memory_space<vmem>>)
    %dma_wait3A_67 = arith.constant 9800 : i32
    %dma_wait3A_68 = tpu.memref_slice %arg8[%dma_wait3A_67] : memref<10000xi32, #tpu.memory_space<vmem>> -> memref<200xi32, #tpu.memory_space<vmem>>
    %dma_wait3A_69 = arith.constant 0 : i32
    %dma_wait3A_70 = arith.constant 0 : i32
    %dma_wait3A_71 = tpu.memref_slice %arg3[%dma_wait3A_69, %dma_wait3A_70] : memref<10240x64xi32, #tpu.memory_space<hbm>> -> memref<10240x64xi32, #tpu.memory_space<hbm>>
    tpu.wait_indirect_dma semaphore(%arg16 : memref<!tpu.dma_semaphore, #tpu.memory_space<semaphore_mem>>) src(%dma_wait3A_71 : memref<10240x64xi32, #tpu.memory_space<hbm>>) dst(%arg12 : memref<200x64xi32, #tpu.memory_space<vmem>>)
    %scan3A_72 = arith.constant 0 : i32
    %scan3A_73 = arith.constant 100 : i32
    %scan3A_74 = arith.addi %scan3A_72, %scan3A_73 : i32
    %scan3A_75 = arith.constant 1 : i32
    scf.for %scan3A_167 = %scan3A_72 to %scan3A_74 step %scan3A_75  : i32 {
      %mul3A_168 = arith.constant 2 : i32
      %mul3A_169 = arith.muli %mul3A_168, %scan3A_167 : i32
      %add3A_170 = arith.constant 0 : i32
      %add3A_171 = arith.addi %mul3A_169, %add3A_170 : i32
      %get3A = arith.index_cast %add3A_171 : i32 to index
      %get3A_172 = arith.constant 0 : index
      %get3A_173 = tpu.vector_load %arg10[%get3A, %get3A_172] {strides = array<i32>} : memref<200x64xi32, #tpu.memory_space<vmem>>, vector<16xi32>,
      %bitcast3A = vector.bitcast %get3A_173 : vector<16xi32> to vector<32xbf16>
      %mul3A_174 = arith.constant 2 : i32
      %mul3A_175 = arith.muli %mul3A_174, %scan3A_167 : i32
      %add3A_176 = arith.constant 0 : i32
      %add3A_177 = arith.addi %mul3A_175, %add3A_176 : i32
      %get3A_178 = arith.index_cast %add3A_177 : i32 to index
      %get3A_179 = arith.constant 0 : index
      %get3A_180 = tpu.vector_load %arg12[%get3A_178, %get3A_179] {strides = array<i32>} : memref<200x64xi32, #tpu.memory_space<vmem>>, vector<16xi32>,
      %bitcast3A_181 = vector.bitcast %get3A_180 : vector<16xi32> to vector<32xbf16>
      %add3A_182 = arith.addf %bitcast3A, %bitcast3A_181 : vector<32xbf16>
      %bitcast3A_183 = vector.bitcast %add3A_182 : vector<32xbf16> to vector<16xi32>
      %swap3A = arith.index_cast %scan3A_167 : i32 to index
      %swap3A_184 = arith.constant 0 : index
      %swap3A_185 = tpu.vector_load %arg14[%swap3A, %swap3A_184] {strides = array<i32>} : memref<100x128xi32, #tpu.memory_space<vmem>>, vector<16xi32>,
      tpu.vector_store %arg14[%swap3A, %swap3A_184], %bitcast3A_183 {strides = array<i32>} : memref<100x128xi32, #tpu.memory_space<vmem>>, vector<16xi32>,
      %mul3A_186 = arith.constant 2 : i32
      %mul3A_187 = arith.muli %mul3A_186, %scan3A_167 : i32
      %add3A_188 = arith.constant 0 : i32
      %add3A_189 = arith.addi %mul3A_187, %add3A_188 : i32
      %get3A_190 = arith.index_cast %add3A_189 : i32 to index
      %get3A_191 = arith.constant 16 : index
      %get3A_192 = tpu.vector_load %arg10[%get3A_190, %get3A_191] {strides = array<i32>} : memref<200x64xi32, #tpu.memory_space<vmem>>, vector<16xi32>,
      %bitcast3A_193 = vector.bitcast %get3A_192 : vector<16xi32> to vector<32xbf16>
      %mul3A_194 = arith.constant 2 : i32
      %mul3A_195 = arith.muli %mul3A_194, %scan3A_167 : i32
      %add3A_196 = arith.constant 0 : i32
      %add3A_197 = arith.addi %mul3A_195, %add3A_196 : i32
      %get3A_198 = arith.index_cast %add3A_197 : i32 to index
      %get3A_199 = arith.constant 16 : index
      %get3A_200 = tpu.vector_load %arg12[%get3A_198, %get3A_199] {strides = array<i32>} : memref<200x64xi32, #tpu.memory_space<vmem>>, vector<16xi32>,
      %bitcast3A_201 = vector.bitcast %get3A_200 : vector<16xi32> to vector<32xbf16>
      %add3A_202 = arith.addf %bitcast3A_193, %bitcast3A_201 : vector<32xbf16>
      %bitcast3A_203 = vector.bitcast %add3A_202 : vector<32xbf16> to vector<16xi32>
      %swap3A_204 = arith.index_cast %scan3A_167 : i32 to index
      %swap3A_205 = arith.constant 16 : index
      %swap3A_206 = tpu.vector_load %arg14[%swap3A_204, %swap3A_205] {strides = array<i32>} : memref<100x128xi32, #tpu.memory_space<vmem>>, vector<16xi32>,
      tpu.vector_store %arg14[%swap3A_204, %swap3A_205], %bitcast3A_203 {strides = array<i32>} : memref<100x128xi32, #tpu.memory_space<vmem>>, vector<16xi32>,
      %mul3A_207 = arith.constant 2 : i32
      %mul3A_208 = arith.muli %mul3A_207, %scan3A_167 : i32
      %add3A_209 = arith.constant 0 : i32
      %add3A_210 = arith.addi %mul3A_208, %add3A_209 : i32
      %get3A_211 = arith.index_cast %add3A_210 : i32 to index
      %get3A_212 = arith.constant 32 : index
      %get3A_213 = tpu.vector_load %arg10[%get3A_211, %get3A_212] {strides = array<i32>} : memref<200x64xi32, #tpu.memory_space<vmem>>, vector<16xi32>,
      %bitcast3A_214 = vector.bitcast %get3A_213 : vector<16xi32> to vector<32xbf16>
      %mul3A_215 = arith.constant 2 : i32
      %mul3A_216 = arith.muli %mul3A_215, %scan3A_167 : i32
      %add3A_217 = arith.constant 0 : i32
      %add3A_218 = arith.addi %mul3A_216, %add3A_217 : i32
      %get3A_219 = arith.index_cast %add3A_218 : i32 to index
      %get3A_220 = arith.constant 32 : index
      %get3A_221 = tpu.vector_load %arg12[%get3A_219, %get3A_220] {strides = array<i32>} : memref<200x64xi32, #tpu.memory_space<vmem>>, vector<16xi32>,
      %bitcast3A_222 = vector.bitcast %get3A_221 : vector<16xi32> to vector<32xbf16>
      %add3A_223 = arith.addf %bitcast3A_214, %bitcast3A_222 : vector<32xbf16>
      %bitcast3A_224 = vector.bitcast %add3A_223 : vector<32xbf16> to vector<16xi32>
      %swap3A_225 = arith.index_cast %scan3A_167 : i32 to index
      %swap3A_226 = arith.constant 32 : index
      %swap3A_227 = tpu.vector_load %arg14[%swap3A_225, %swap3A_226] {strides = array<i32>} : memref<100x128xi32, #tpu.memory_space<vmem>>, vector<16xi32>,
      tpu.vector_store %arg14[%swap3A_225, %swap3A_226], %bitcast3A_224 {strides = array<i32>} : memref<100x128xi32, #tpu.memory_space<vmem>>, vector<16xi32>,
      %mul3A_228 = arith.constant 2 : i32
      %mul3A_229 = arith.muli %mul3A_228, %scan3A_167 : i32
      %add3A_230 = arith.constant 0 : i32
      %add3A_231 = arith.addi %mul3A_229, %add3A_230 : i32
      %get3A_232 = arith.index_cast %add3A_231 : i32 to index
      %get3A_233 = arith.constant 48 : index
      %get3A_234 = tpu.vector_load %arg10[%get3A_232, %get3A_233] {strides = array<i32>} : memref<200x64xi32, #tpu.memory_space<vmem>>, vector<16xi32>,
      %bitcast3A_235 = vector.bitcast %get3A_234 : vector<16xi32> to vector<32xbf16>
      %mul3A_236 = arith.constant 2 : i32
      %mul3A_237 = arith.muli %mul3A_236, %scan3A_167 : i32
      %add3A_238 = arith.constant 0 : i32
      %add3A_239 = arith.addi %mul3A_237, %add3A_238 : i32
      %get3A_240 = arith.index_cast %add3A_239 : i32 to index
      %get3A_241 = arith.constant 48 : index
      %get3A_242 = tpu.vector_load %arg12[%get3A_240, %get3A_241] {strides = array<i32>} : memref<200x64xi32, #tpu.memory_space<vmem>>, vector<16xi32>,
      %bitcast3A_243 = vector.bitcast %get3A_242 : vector<16xi32> to vector<32xbf16>
      %add3A_244 = arith.addf %bitcast3A_235, %bitcast3A_243 : vector<32xbf16>
      %bitcast3A_245 = vector.bitcast %add3A_244 : vector<32xbf16> to vector<16xi32>
      %swap3A_246 = arith.index_cast %scan3A_167 : i32 to index
      %swap3A_247 = arith.constant 48 : index
      %swap3A_248 = tpu.vector_load %arg14[%swap3A_246, %swap3A_247] {strides = array<i32>} : memref<100x128xi32, #tpu.memory_space<vmem>>, vector<16xi32>,
      tpu.vector_store %arg14[%swap3A_246, %swap3A_247], %bitcast3A_245 {strides = array<i32>} : memref<100x128xi32, #tpu.memory_space<vmem>>, vector<16xi32>,
      %mul3A_249 = arith.constant 2 : i32
      %mul3A_250 = arith.muli %mul3A_249, %scan3A_167 : i32
      %add3A_251 = arith.constant 1 : i32
      %add3A_252 = arith.addi %mul3A_250, %add3A_251 : i32
      %get3A_253 = arith.index_cast %add3A_252 : i32 to index
      %get3A_254 = arith.constant 0 : index
      %get3A_255 = tpu.vector_load %arg10[%get3A_253, %get3A_254] {strides = array<i32>} : memref<200x64xi32, #tpu.memory_space<vmem>>, vector<16xi32>,
      %bitcast3A_256 = vector.bitcast %get3A_255 : vector<16xi32> to vector<32xbf16>
      %mul3A_257 = arith.constant 2 : i32
      %mul3A_258 = arith.muli %mul3A_257, %scan3A_167 : i32
      %add3A_259 = arith.constant 1 : i32
      %add3A_260 = arith.addi %mul3A_258, %add3A_259 : i32
      %get3A_261 = arith.index_cast %add3A_260 : i32 to index
      %get3A_262 = arith.constant 0 : index
      %get3A_263 = tpu.vector_load %arg12[%get3A_261, %get3A_262] {strides = array<i32>} : memref<200x64xi32, #tpu.memory_space<vmem>>, vector<16xi32>,
      %bitcast3A_264 = vector.bitcast %get3A_263 : vector<16xi32> to vector<32xbf16>
      %add3A_265 = arith.addf %bitcast3A_256, %bitcast3A_264 : vector<32xbf16>
      %bitcast3A_266 = vector.bitcast %add3A_265 : vector<32xbf16> to vector<16xi32>
      %swap3A_267 = arith.index_cast %scan3A_167 : i32 to index
      %swap3A_268 = arith.constant 64 : index
      %swap3A_269 = tpu.vector_load %arg14[%swap3A_267, %swap3A_268] {strides = array<i32>} : memref<100x128xi32, #tpu.memory_space<vmem>>, vector<16xi32>,
      tpu.vector_store %arg14[%swap3A_267, %swap3A_268], %bitcast3A_266 {strides = array<i32>} : memref<100x128xi32, #tpu.memory_space<vmem>>, vector<16xi32>,
      %mul3A_270 = arith.constant 2 : i32
      %mul3A_271 = arith.muli %mul3A_270, %scan3A_167 : i32
      %add3A_272 = arith.constant 1 : i32
      %add3A_273 = arith.addi %mul3A_271, %add3A_272 : i32
      %get3A_274 = arith.index_cast %add3A_273 : i32 to index
      %get3A_275 = arith.constant 16 : index
      %get3A_276 = tpu.vector_load %arg10[%get3A_274, %get3A_275] {strides = array<i32>} : memref<200x64xi32, #tpu.memory_space<vmem>>, vector<16xi32>,
      %bitcast3A_277 = vector.bitcast %get3A_276 : vector<16xi32> to vector<32xbf16>
      %mul3A_278 = arith.constant 2 : i32
      %mul3A_279 = arith.muli %mul3A_278, %scan3A_167 : i32
      %add3A_280 = arith.constant 1 : i32
      %add3A_281 = arith.addi %mul3A_279, %add3A_280 : i32
      %get3A_282 = arith.index_cast %add3A_281 : i32 to index
      %get3A_283 = arith.constant 16 : index
      %get3A_284 = tpu.vector_load %arg12[%get3A_282, %get3A_283] {strides = array<i32>} : memref<200x64xi32, #tpu.memory_space<vmem>>, vector<16xi32>,
      %bitcast3A_285 = vector.bitcast %get3A_284 : vector<16xi32> to vector<32xbf16>
      %add3A_286 = arith.addf %bitcast3A_277, %bitcast3A_285 : vector<32xbf16>
      %bitcast3A_287 = vector.bitcast %add3A_286 : vector<32xbf16> to vector<16xi32>
      %swap3A_288 = arith.index_cast %scan3A_167 : i32 to index
      %swap3A_289 = arith.constant 80 : index
      %swap3A_290 = tpu.vector_load %arg14[%swap3A_288, %swap3A_289] {strides = array<i32>} : memref<100x128xi32, #tpu.memory_space<vmem>>, vector<16xi32>,
      tpu.vector_store %arg14[%swap3A_288, %swap3A_289], %bitcast3A_287 {strides = array<i32>} : memref<100x128xi32, #tpu.memory_space<vmem>>, vector<16xi32>,
      %mul3A_291 = arith.constant 2 : i32
      %mul3A_292 = arith.muli %mul3A_291, %scan3A_167 : i32
      %add3A_293 = arith.constant 1 : i32
      %add3A_294 = arith.addi %mul3A_292, %add3A_293 : i32
      %get3A_295 = arith.index_cast %add3A_294 : i32 to index
      %get3A_296 = arith.constant 32 : index
      %get3A_297 = tpu.vector_load %arg10[%get3A_295, %get3A_296] {strides = array<i32>} : memref<200x64xi32, #tpu.memory_space<vmem>>, vector<16xi32>,
      %bitcast3A_298 = vector.bitcast %get3A_297 : vector<16xi32> to vector<32xbf16>
      %mul3A_299 = arith.constant 2 : i32
      %mul3A_300 = arith.muli %mul3A_299, %scan3A_167 : i32
      %add3A_301 = arith.constant 1 : i32
      %add3A_302 = arith.addi %mul3A_300, %add3A_301 : i32
      %get3A_303 = arith.index_cast %add3A_302 : i32 to index
      %get3A_304 = arith.constant 32 : index
      %get3A_305 = tpu.vector_load %arg12[%get3A_303, %get3A_304] {strides = array<i32>} : memref<200x64xi32, #tpu.memory_space<vmem>>, vector<16xi32>,
      %bitcast3A_306 = vector.bitcast %get3A_305 : vector<16xi32> to vector<32xbf16>
      %add3A_307 = arith.addf %bitcast3A_298, %bitcast3A_306 : vector<32xbf16>
      %bitcast3A_308 = vector.bitcast %add3A_307 : vector<32xbf16> to vector<16xi32>
      %swap3A_309 = arith.index_cast %scan3A_167 : i32 to index
      %swap3A_310 = arith.constant 96 : index
      %swap3A_311 = tpu.vector_load %arg14[%swap3A_309, %swap3A_310] {strides = array<i32>} : memref<100x128xi32, #tpu.memory_space<vmem>>, vector<16xi32>,
      tpu.vector_store %arg14[%swap3A_309, %swap3A_310], %bitcast3A_308 {strides = array<i32>} : memref<100x128xi32, #tpu.memory_space<vmem>>, vector<16xi32>,
      %mul3A_312 = arith.constant 2 : i32
      %mul3A_313 = arith.muli %mul3A_312, %scan3A_167 : i32
      %add3A_314 = arith.constant 1 : i32
      %add3A_315 = arith.addi %mul3A_313, %add3A_314 : i32
      %get3A_316 = arith.index_cast %add3A_315 : i32 to index
      %get3A_317 = arith.constant 48 : index
      %get3A_318 = tpu.vector_load %arg10[%get3A_316, %get3A_317] {strides = array<i32>} : memref<200x64xi32, #tpu.memory_space<vmem>>, vector<16xi32>,
      %bitcast3A_319 = vector.bitcast %get3A_318 : vector<16xi32> to vector<32xbf16>
      %mul3A_320 = arith.constant 2 : i32
      %mul3A_321 = arith.muli %mul3A_320, %scan3A_167 : i32
      %add3A_322 = arith.constant 1 : i32
      %add3A_323 = arith.addi %mul3A_321, %add3A_322 : i32
      %get3A_324 = arith.index_cast %add3A_323 : i32 to index
      %get3A_325 = arith.constant 48 : index
      %get3A_326 = tpu.vector_load %arg12[%get3A_324, %get3A_325] {strides = array<i32>} : memref<200x64xi32, #tpu.memory_space<vmem>>, vector<16xi32>,
      %bitcast3A_327 = vector.bitcast %get3A_326 : vector<16xi32> to vector<32xbf16>
      %add3A_328 = arith.addf %bitcast3A_319, %bitcast3A_327 : vector<32xbf16>
      %bitcast3A_329 = vector.bitcast %add3A_328 : vector<32xbf16> to vector<16xi32>
      %swap3A_330 = arith.index_cast %scan3A_167 : i32 to index
      %swap3A_331 = arith.constant 112 : index
      %swap3A_332 = tpu.vector_load %arg14[%swap3A_330, %swap3A_331] {strides = array<i32>} : memref<100x128xi32, #tpu.memory_space<vmem>>, vector<16xi32>,
      tpu.vector_store %arg14[%swap3A_330, %swap3A_331], %bitcast3A_329 {strides = array<i32>} : memref<100x128xi32, #tpu.memory_space<vmem>>, vector<16xi32>,
    }
    %scan3A_76 = arith.constant 100 : i32
    %add3A_77 = arith.constant 9800 : i32
    %add3A_78 = arith.addi %mul3A_2, %add3A_77 : i32
    %jit3A_79 = arith.constant 2 : i32
    %div3A_80 = arith.divsi %add3A_78, %jit3A_79 : i32
    %sign3A_81 = arith.constant 0 : i32
    %sign3A_82 = arith.cmpi sgt, %add3A_78, %sign3A_81 : i32
    %sign3A_83 = arith.extui %sign3A_82 : i1 to i32
    %sign3A_84 = arith.constant 0 : i32
    %sign3A_85 = arith.cmpi slt, %add3A_78, %sign3A_84 : i32
    %sign3A_86 = arith.extui %sign3A_85 : i1 to i32
    %sign3A_87 = arith.subi %sign3A_83, %sign3A_86 : i32
    %sign3A_88 = arith.constant 0 : i32
    %sign3A_89 = arith.cmpi sgt, %jit3A_79, %sign3A_88 : i32
    %sign3A_90 = arith.extui %sign3A_89 : i1 to i32
    %sign3A_91 = arith.constant 0 : i32
    %sign3A_92 = arith.cmpi slt, %jit3A_79, %sign3A_91 : i32
    %sign3A_93 = arith.extui %sign3A_92 : i1 to i32
    %sign3A_94 = arith.subi %sign3A_90, %sign3A_93 : i32
    %ne3A_95 = arith.cmpi ne, %sign3A_87, %sign3A_94 : i32
    %rem3A_96 = arith.remsi %add3A_78, %jit3A_79 : i32
    %ne3A_97 = arith.constant 0 : i32
    %ne3A_98 = arith.cmpi ne, %rem3A_96, %ne3A_97 : i32
    %and3A_99 = arith.andi %ne3A_95, %ne3A_98 : i1
    %sub3A_100 = arith.constant 1 : i32
    %sub3A_101 = arith.subi %div3A_80, %sub3A_100 : i32
    %select_n3A_102 = arith.select %and3A_99, %sub3A_101, %div3A_80 : i32
    %dma_start3A_103 = arith.constant 0 : i32
    %dma_start3A_104 = tpu.memref_slice %arg6[%select_n3A_102, %dma_start3A_103] : memref<160000x128xi32, #tpu.memory_space<hbm>> -> memref<100x128xi32, #tpu.memory_space<hbm>>
    %dma_start3A_105 = arith.constant 0 : i32
    %dma_start3A_106 = tpu.memref_slice %arg6[%select_n3A_102, %dma_start3A_105] : memref<160000x128xi32, #tpu.memory_space<hbm>> -> memref<100x128xi32, #tpu.memory_space<hbm>>
    tpu.enqueue_dma source(%arg14 : memref<100x128xi32, #tpu.memory_space<vmem>>) target(%dma_start3A_106 : memref<100x128xi32, #tpu.memory_space<hbm>>) target_semaphore(%arg18 : memref<!tpu.dma_semaphore, #tpu.memory_space<semaphore_mem>>)
    %add3A_107 = arith.constant 9600 : i32
    %add3A_108 = arith.addi %mul3A_2, %add3A_107 : i32
    %jit3A_109 = arith.constant 2 : i32
    %div3A_110 = arith.divsi %add3A_108, %jit3A_109 : i32
    %sign3A_111 = arith.constant 0 : i32
    %sign3A_112 = arith.cmpi sgt, %add3A_108, %sign3A_111 : i32
    %sign3A_113 = arith.extui %sign3A_112 : i1 to i32
    %sign3A_114 = arith.constant 0 : i32
    %sign3A_115 = arith.cmpi slt, %add3A_108, %sign3A_114 : i32
    %sign3A_116 = arith.extui %sign3A_115 : i1 to i32
    %sign3A_117 = arith.subi %sign3A_113, %sign3A_116 : i32
    %sign3A_118 = arith.constant 0 : i32
    %sign3A_119 = arith.cmpi sgt, %jit3A_109, %sign3A_118 : i32
    %sign3A_120 = arith.extui %sign3A_119 : i1 to i32
    %sign3A_121 = arith.constant 0 : i32
    %sign3A_122 = arith.cmpi slt, %jit3A_109, %sign3A_121 : i32
    %sign3A_123 = arith.extui %sign3A_122 : i1 to i32
    %sign3A_124 = arith.subi %sign3A_120, %sign3A_123 : i32
    %ne3A_125 = arith.cmpi ne, %sign3A_117, %sign3A_124 : i32
    %rem3A_126 = arith.remsi %add3A_108, %jit3A_109 : i32
    %ne3A_127 = arith.constant 0 : i32
    %ne3A_128 = arith.cmpi ne, %rem3A_126, %ne3A_127 : i32
    %and3A_129 = arith.andi %ne3A_125, %ne3A_128 : i1
    %sub3A_130 = arith.constant 1 : i32
    %sub3A_131 = arith.subi %div3A_110, %sub3A_130 : i32
    %select_n3A_132 = arith.select %and3A_129, %sub3A_131, %div3A_110 : i32
    %dma_wait3A_133 = arith.constant 0 : i32
    %dma_wait3A_134 = tpu.memref_slice %arg6[%select_n3A_132, %dma_wait3A_133] : memref<160000x128xi32, #tpu.memory_space<hbm>> -> memref<100x128xi32, #tpu.memory_space<hbm>>
    %dma_wait3A_135 = arith.constant 0 : i32
    %dma_wait3A_136 = tpu.memref_slice %arg6[%select_n3A_132, %dma_wait3A_135] : memref<160000x128xi32, #tpu.memory_space<hbm>> -> memref<100x128xi32, #tpu.memory_space<hbm>>
    tpu.wait_dma2 semaphore(%arg17 : memref<!tpu.dma_semaphore, #tpu.memory_space<semaphore_mem>>) src(%arg13 : memref<100x128xi32, #tpu.memory_space<vmem>>) dst(%dma_wait3A_136 : memref<100x128xi32, #tpu.memory_space<hbm>>)
    %add3A_137 = arith.constant 9800 : i32
    %add3A_138 = arith.addi %mul3A_2, %add3A_137 : i32
    %jit3A_139 = arith.constant 2 : i32
    %div3A_140 = arith.divsi %add3A_138, %jit3A_139 : i32
    %sign3A_141 = arith.constant 0 : i32
    %sign3A_142 = arith.cmpi sgt, %add3A_138, %sign3A_141 : i32
    %sign3A_143 = arith.extui %sign3A_142 : i1 to i32
    %sign3A_144 = arith.constant 0 : i32
    %sign3A_145 = arith.cmpi slt, %add3A_138, %sign3A_144 : i32
    %sign3A_146 = arith.extui %sign3A_145 : i1 to i32
    %sign3A_147 = arith.subi %sign3A_143, %sign3A_146 : i32
    %sign3A_148 = arith.constant 0 : i32
    %sign3A_149 = arith.cmpi sgt, %jit3A_139, %sign3A_148 : i32
    %sign3A_150 = arith.extui %sign3A_149 : i1 to i32
    %sign3A_151 = arith.constant 0 : i32
    %sign3A_152 = arith.cmpi slt, %jit3A_139, %sign3A_151 : i32
    %sign3A_153 = arith.extui %sign3A_152 : i1 to i32
    %sign3A_154 = arith.subi %sign3A_150, %sign3A_153 : i32
    %ne3A_155 = arith.cmpi ne, %sign3A_147, %sign3A_154 : i32
    %rem3A_156 = arith.remsi %add3A_138, %jit3A_139 : i32
    %ne3A_157 = arith.constant 0 : i32
    %ne3A_158 = arith.cmpi ne, %rem3A_156, %ne3A_157 : i32
    %and3A_159 = arith.andi %ne3A_155, %ne3A_158 : i1
    %sub3A_160 = arith.constant 1 : i32
    %sub3A_161 = arith.subi %div3A_140, %sub3A_160 : i32
    %select_n3A_162 = arith.select %and3A_159, %sub3A_161, %div3A_140 : i32
    %dma_wait3A_163 = arith.constant 0 : i32
    %dma_wait3A_164 = tpu.memref_slice %arg6[%select_n3A_162, %dma_wait3A_163] : memref<160000x128xi32, #tpu.memory_space<hbm>> -> memref<100x128xi32, #tpu.memory_space<hbm>>
    %dma_wait3A_165 = arith.constant 0 : i32
    %dma_wait3A_166 = tpu.memref_slice %arg6[%select_n3A_162, %dma_wait3A_165] : memref<160000x128xi32, #tpu.memory_space<hbm>> -> memref<100x128xi32, #tpu.memory_space<hbm>>
    tpu.wait_dma2 semaphore(%arg18 : memref<!tpu.dma_semaphore, #tpu.memory_space<semaphore_mem>>) src(%arg14 : memref<100x128xi32, #tpu.memory_space<vmem>>) dst(%dma_wait3A_166 : memref<100x128xi32, #tpu.memory_space<hbm>>)
    return
  }
}

#map = affine_map<(d0, d1) -> (0, 0)>
#map1 = affine_map<(d0, d1) -> (0)>
#map2 = affine_map<(d0, d1) -> (0, 0, 0)>
module attributes {stable_mosaic.version = 14 : i64} {
  func.func @body(%arg0: i32, %arg1: i32, %arg2: memref<10240x128xf32, #tpu.memory_space<hbm>>, %arg3: memref<320000xi32, #tpu.memory_space<hbm>>, %arg4: memref<32x125x80xi32, #tpu.memory_space<hbm>>, %arg5: memref<2x10240x128xf32, #tpu.memory_space<hbm>>, %arg6: memref<10000xi32, #tpu.memory_space<vmem>>, %arg7: memref<125x80xi32, #tpu.memory_space<vmem>>, %arg8: memref<80x128xf32, #tpu.memory_space<vmem>>, %arg9: memref<80x128xf32, #tpu.memory_space<vmem>>, %arg10: memref<10240x128xf32, #tpu.memory_space<vmem_shared>>, %arg11: memref<!tpu.dma_semaphore, #tpu.memory_space<semaphore_mem>>, %arg12: memref<!tpu.dma_semaphore, #tpu.memory_space<semaphore_mem>>, %arg13: memref<!tpu.dma_semaphore, #tpu.memory_space<semaphore_mem>>, %arg14: memref<!tpu.dma_semaphore, #tpu.memory_space<semaphore_mem>>) attributes {dimension_semantics = [#tpu.dimension_semantics<core_parallel>, #tpu.dimension_semantics<subcore_parallel>], iteration_bounds = array<i64: 2, 16>, scalar_prefetch = 0 : i64, scratch_operands = 9 : i64, tpu.core_type = #tpu.core_type<sc_vector_subcore>, window_params = [{transform_indices = #map}, {transform_indices = #map1}, {transform_indices = #map2}, {transform_indices = #map2}]} {
    %mul3A = arith.constant 16 : i32
    %mul3A_0 = arith.muli %arg0, %mul3A : i32
    %add3A = arith.addi %mul3A_0, %arg1 : i32
    %broadcast_in_dim3A = arith.constant 1.000000e+00 : f32
    %broadcast_in_dim3A_1 = vector.broadcast %broadcast_in_dim3A : f32 to vector<16xf32>
    %broadcast_in_dim3A_2 = arith.constant 0.000000e+00 : f32
    %broadcast_in_dim3A_3 = vector.broadcast %broadcast_in_dim3A_2 : f32 to vector<16xf32>
    %mul3A_4 = arith.constant 10000 : i32
    %mul3A_5 = arith.muli %add3A, %mul3A_4 : i32
    "tpu.region"() ({
      %run_scoped3A = tpu.sem_alloc : memref<!tpu.dma_semaphore, #tpu.memory_space<semaphore_mem>>
      %dma_start3A_154 = tpu.memref_slice %arg3[%mul3A_5] : memref<320000xi32, #tpu.memory_space<hbm>> -> memref<10000xi32, #tpu.memory_space<hbm>>
      %dma_start3A_155 = tpu.memref_slice %arg3[%mul3A_5] : memref<320000xi32, #tpu.memory_space<hbm>> -> memref<10000xi32, #tpu.memory_space<hbm>>
      tpu.enqueue_dma source(%dma_start3A_155 : memref<10000xi32, #tpu.memory_space<hbm>>) target(%arg6 : memref<10000xi32, #tpu.memory_space<vmem>>) target_semaphore(%run_scoped3A : memref<!tpu.dma_semaphore, #tpu.memory_space<semaphore_mem>>)
      %dma_wait3A_156 = tpu.memref_slice %arg3[%mul3A_5] : memref<320000xi32, #tpu.memory_space<hbm>> -> memref<10000xi32, #tpu.memory_space<hbm>>
      %dma_wait3A_157 = tpu.memref_slice %arg3[%mul3A_5] : memref<320000xi32, #tpu.memory_space<hbm>> -> memref<10000xi32, #tpu.memory_space<hbm>>
      tpu.wait_dma2 semaphore(%run_scoped3A : memref<!tpu.dma_semaphore, #tpu.memory_space<semaphore_mem>>) src(%dma_wait3A_157 : memref<10000xi32, #tpu.memory_space<hbm>>) dst(%arg6 : memref<10000xi32, #tpu.memory_space<vmem>>)
      tpu.yield
    }) : () -> ()
    "tpu.region"() ({
      %run_scoped3A = tpu.sem_alloc : memref<!tpu.dma_semaphore, #tpu.memory_space<semaphore_mem>>
      %dma_start3A_154 = arith.constant 0 : i32
      %dma_start3A_155 = arith.constant 0 : i32
      %dma_start3A_156 = tpu.memref_slice %arg4[%add3A, %dma_start3A_154, %dma_start3A_155] : memref<32x125x80xi32, #tpu.memory_space<hbm>> -> memref<1x125x80xi32, #tpu.memory_space<hbm>>
      %dma_start3A_157 = tpu.memref_squeeze %dma_start3A_156 : memref<1x125x80xi32, #tpu.memory_space<hbm>> -> memref<125x80xi32, #tpu.memory_space<hbm>>
      %dma_start3A_158 = arith.constant 0 : i32
      %dma_start3A_159 = arith.constant 0 : i32
      %dma_start3A_160 = tpu.memref_slice %arg4[%add3A, %dma_start3A_158, %dma_start3A_159] : memref<32x125x80xi32, #tpu.memory_space<hbm>> -> memref<1x125x80xi32, #tpu.memory_space<hbm>>
      %dma_start3A_161 = tpu.memref_squeeze %dma_start3A_160 : memref<1x125x80xi32, #tpu.memory_space<hbm>> -> memref<125x80xi32, #tpu.memory_space<hbm>>
      tpu.enqueue_dma source(%dma_start3A_161 : memref<125x80xi32, #tpu.memory_space<hbm>>) target(%arg7 : memref<125x80xi32, #tpu.memory_space<vmem>>) target_semaphore(%run_scoped3A : memref<!tpu.dma_semaphore, #tpu.memory_space<semaphore_mem>>)
      %dma_wait3A_162 = arith.constant 0 : i32
      %dma_wait3A_163 = arith.constant 0 : i32
      %dma_wait3A_164 = tpu.memref_slice %arg4[%add3A, %dma_wait3A_162, %dma_wait3A_163] : memref<32x125x80xi32, #tpu.memory_space<hbm>> -> memref<1x125x80xi32, #tpu.memory_space<hbm>>
      %dma_wait3A_165 = tpu.memref_squeeze %dma_wait3A_164 : memref<1x125x80xi32, #tpu.memory_space<hbm>> -> memref<125x80xi32, #tpu.memory_space<hbm>>
      %dma_wait3A_166 = arith.constant 0 : i32
      %dma_wait3A_167 = arith.constant 0 : i32
      %dma_wait3A_168 = tpu.memref_slice %arg4[%add3A, %dma_wait3A_166, %dma_wait3A_167] : memref<32x125x80xi32, #tpu.memory_space<hbm>> -> memref<1x125x80xi32, #tpu.memory_space<hbm>>
      %dma_wait3A_169 = tpu.memref_squeeze %dma_wait3A_168 : memref<1x125x80xi32, #tpu.memory_space<hbm>> -> memref<125x80xi32, #tpu.memory_space<hbm>>
      tpu.wait_dma2 semaphore(%run_scoped3A : memref<!tpu.dma_semaphore, #tpu.memory_space<semaphore_mem>>) src(%dma_wait3A_169 : memref<125x80xi32, #tpu.memory_space<hbm>>) dst(%arg7 : memref<125x80xi32, #tpu.memory_space<vmem>>)
      tpu.yield
    }) : () -> ()
    %broadcast_in_dim3A_6 = arith.constant 0.000000e+00 : f32
    %broadcast_in_dim3A_7 = vector.broadcast %broadcast_in_dim3A_6 : f32 to vector<16xf32>
    %scan3A = arith.constant 0 : i32
    %scan3A_8 = arith.constant 80 : i32
    %scan3A_9 = arith.addi %scan3A, %scan3A_8 : i32
    %scan3A_10 = arith.constant 1 : i32
    scf.for %scan3A_154 = %scan3A to %scan3A_9 step %scan3A_10  : i32 {
      %swap3A = arith.index_cast %scan3A_154 : i32 to index
      %swap3A_155 = arith.constant 0 : index
      %swap3A_156 = tpu.vector_load %arg8[%swap3A, %swap3A_155] {strides = array<i32>} : memref<80x128xf32, #tpu.memory_space<vmem>>, vector<16xf32>,
      tpu.vector_store %arg8[%swap3A, %swap3A_155], %broadcast_in_dim3A_7 {strides = array<i32>} : memref<80x128xf32, #tpu.memory_space<vmem>>, vector<16xf32>,
      %swap3A_157 = arith.index_cast %scan3A_154 : i32 to index
      %swap3A_158 = arith.constant 16 : index
      %swap3A_159 = tpu.vector_load %arg8[%swap3A_157, %swap3A_158] {strides = array<i32>} : memref<80x128xf32, #tpu.memory_space<vmem>>, vector<16xf32>,
      tpu.vector_store %arg8[%swap3A_157, %swap3A_158], %broadcast_in_dim3A_7 {strides = array<i32>} : memref<80x128xf32, #tpu.memory_space<vmem>>, vector<16xf32>,
      %swap3A_160 = arith.index_cast %scan3A_154 : i32 to index
      %swap3A_161 = arith.constant 32 : index
      %swap3A_162 = tpu.vector_load %arg8[%swap3A_160, %swap3A_161] {strides = array<i32>} : memref<80x128xf32, #tpu.memory_space<vmem>>, vector<16xf32>,
      tpu.vector_store %arg8[%swap3A_160, %swap3A_161], %broadcast_in_dim3A_7 {strides = array<i32>} : memref<80x128xf32, #tpu.memory_space<vmem>>, vector<16xf32>,
      %swap3A_163 = arith.index_cast %scan3A_154 : i32 to index
      %swap3A_164 = arith.constant 48 : index
      %swap3A_165 = tpu.vector_load %arg8[%swap3A_163, %swap3A_164] {strides = array<i32>} : memref<80x128xf32, #tpu.memory_space<vmem>>, vector<16xf32>,
      tpu.vector_store %arg8[%swap3A_163, %swap3A_164], %broadcast_in_dim3A_7 {strides = array<i32>} : memref<80x128xf32, #tpu.memory_space<vmem>>, vector<16xf32>,
      %swap3A_166 = arith.index_cast %scan3A_154 : i32 to index
      %swap3A_167 = arith.constant 64 : index
      %swap3A_168 = tpu.vector_load %arg8[%swap3A_166, %swap3A_167] {strides = array<i32>} : memref<80x128xf32, #tpu.memory_space<vmem>>, vector<16xf32>,
      tpu.vector_store %arg8[%swap3A_166, %swap3A_167], %broadcast_in_dim3A_7 {strides = array<i32>} : memref<80x128xf32, #tpu.memory_space<vmem>>, vector<16xf32>,
      %swap3A_169 = arith.index_cast %scan3A_154 : i32 to index
      %swap3A_170 = arith.constant 80 : index
      %swap3A_171 = tpu.vector_load %arg8[%swap3A_169, %swap3A_170] {strides = array<i32>} : memref<80x128xf32, #tpu.memory_space<vmem>>, vector<16xf32>,
      tpu.vector_store %arg8[%swap3A_169, %swap3A_170], %broadcast_in_dim3A_7 {strides = array<i32>} : memref<80x128xf32, #tpu.memory_space<vmem>>, vector<16xf32>,
      %swap3A_172 = arith.index_cast %scan3A_154 : i32 to index
      %swap3A_173 = arith.constant 96 : index
      %swap3A_174 = tpu.vector_load %arg8[%swap3A_172, %swap3A_173] {strides = array<i32>} : memref<80x128xf32, #tpu.memory_space<vmem>>, vector<16xf32>,
      tpu.vector_store %arg8[%swap3A_172, %swap3A_173], %broadcast_in_dim3A_7 {strides = array<i32>} : memref<80x128xf32, #tpu.memory_space<vmem>>, vector<16xf32>,
      %swap3A_175 = arith.index_cast %scan3A_154 : i32 to index
      %swap3A_176 = arith.constant 112 : index
      %swap3A_177 = tpu.vector_load %arg8[%swap3A_175, %swap3A_176] {strides = array<i32>} : memref<80x128xf32, #tpu.memory_space<vmem>>, vector<16xf32>,
      tpu.vector_store %arg8[%swap3A_175, %swap3A_176], %broadcast_in_dim3A_7 {strides = array<i32>} : memref<80x128xf32, #tpu.memory_space<vmem>>, vector<16xf32>,
    }
    %scan3A_11 = arith.constant 80 : i32
    %mul3A_12 = arith.constant 640 : i32
    %mul3A_13 = arith.muli %arg1, %mul3A_12 : i32
    %add3A_14 = arith.constant 0 : i32
    %add3A_15 = arith.addi %mul3A_13, %add3A_14 : i32
    "tpu.region"() ({
      %run_scoped3A = tpu.sem_alloc : memref<!tpu.dma_semaphore, #tpu.memory_space<semaphore_mem>>
      %dma_start3A_154 = arith.constant 0 : i32
      %dma_start3A_155 = tpu.memref_slice %arg10[%add3A_15, %dma_start3A_154] : memref<10240x128xf32, #tpu.memory_space<vmem_shared>> -> memref<80x128xf32, #tpu.memory_space<vmem_shared>>
      %dma_start3A_156 = arith.constant 0 : i32
      %dma_start3A_157 = tpu.memref_slice %arg10[%add3A_15, %dma_start3A_156] : memref<10240x128xf32, #tpu.memory_space<vmem_shared>> -> memref<80x128xf32, #tpu.memory_space<vmem_shared>>
      tpu.enqueue_dma source(%arg8 : memref<80x128xf32, #tpu.memory_space<vmem>>) target(%dma_start3A_157 : memref<80x128xf32, #tpu.memory_space<vmem_shared>>) target_semaphore(%run_scoped3A : memref<!tpu.dma_semaphore, #tpu.memory_space<semaphore_mem>>)
      %dma_wait3A_158 = arith.constant 0 : i32
      %dma_wait3A_159 = tpu.memref_slice %arg10[%add3A_15, %dma_wait3A_158] : memref<10240x128xf32, #tpu.memory_space<vmem_shared>> -> memref<80x128xf32, #tpu.memory_space<vmem_shared>>
      %dma_wait3A_160 = arith.constant 0 : i32
      %dma_wait3A_161 = tpu.memref_slice %arg10[%add3A_15, %dma_wait3A_160] : memref<10240x128xf32, #tpu.memory_space<vmem_shared>> -> memref<80x128xf32, #tpu.memory_space<vmem_shared>>
      tpu.wait_dma2 semaphore(%run_scoped3A : memref<!tpu.dma_semaphore, #tpu.memory_space<semaphore_mem>>) src(%arg8 : memref<80x128xf32, #tpu.memory_space<vmem>>) dst(%dma_wait3A_161 : memref<80x128xf32, #tpu.memory_space<vmem_shared>>)
      tpu.yield
    }) : () -> ()
    %mul3A_16 = arith.constant 640 : i32
    %mul3A_17 = arith.muli %arg1, %mul3A_16 : i32
    %add3A_18 = arith.constant 80 : i32
    %add3A_19 = arith.addi %mul3A_17, %add3A_18 : i32
    "tpu.region"() ({
      %run_scoped3A = tpu.sem_alloc : memref<!tpu.dma_semaphore, #tpu.memory_space<semaphore_mem>>
      %dma_start3A_154 = arith.constant 0 : i32
      %dma_start3A_155 = tpu.memref_slice %arg10[%add3A_19, %dma_start3A_154] : memref<10240x128xf32, #tpu.memory_space<vmem_shared>> -> memref<80x128xf32, #tpu.memory_space<vmem_shared>>
      %dma_start3A_156 = arith.constant 0 : i32
      %dma_start3A_157 = tpu.memref_slice %arg10[%add3A_19, %dma_start3A_156] : memref<10240x128xf32, #tpu.memory_space<vmem_shared>> -> memref<80x128xf32, #tpu.memory_space<vmem_shared>>
      tpu.enqueue_dma source(%arg8 : memref<80x128xf32, #tpu.memory_space<vmem>>) target(%dma_start3A_157 : memref<80x128xf32, #tpu.memory_space<vmem_shared>>) target_semaphore(%run_scoped3A : memref<!tpu.dma_semaphore, #tpu.memory_space<semaphore_mem>>)
      %dma_wait3A_158 = arith.constant 0 : i32
      %dma_wait3A_159 = tpu.memref_slice %arg10[%add3A_19, %dma_wait3A_158] : memref<10240x128xf32, #tpu.memory_space<vmem_shared>> -> memref<80x128xf32, #tpu.memory_space<vmem_shared>>
      %dma_wait3A_160 = arith.constant 0 : i32
      %dma_wait3A_161 = tpu.memref_slice %arg10[%add3A_19, %dma_wait3A_160] : memref<10240x128xf32, #tpu.memory_space<vmem_shared>> -> memref<80x128xf32, #tpu.memory_space<vmem_shared>>
      tpu.wait_dma2 semaphore(%run_scoped3A : memref<!tpu.dma_semaphore, #tpu.memory_space<semaphore_mem>>) src(%arg8 : memref<80x128xf32, #tpu.memory_space<vmem>>) dst(%dma_wait3A_161 : memref<80x128xf32, #tpu.memory_space<vmem_shared>>)
      tpu.yield
    }) : () -> ()
    %mul3A_20 = arith.constant 640 : i32
    %mul3A_21 = arith.muli %arg1, %mul3A_20 : i32
    %add3A_22 = arith.constant 160 : i32
    %add3A_23 = arith.addi %mul3A_21, %add3A_22 : i32
    "tpu.region"() ({
      %run_scoped3A = tpu.sem_alloc : memref<!tpu.dma_semaphore, #tpu.memory_space<semaphore_mem>>
      %dma_start3A_154 = arith.constant 0 : i32
      %dma_start3A_155 = tpu.memref_slice %arg10[%add3A_23, %dma_start3A_154] : memref<10240x128xf32, #tpu.memory_space<vmem_shared>> -> memref<80x128xf32, #tpu.memory_space<vmem_shared>>
      %dma_start3A_156 = arith.constant 0 : i32
      %dma_start3A_157 = tpu.memref_slice %arg10[%add3A_23, %dma_start3A_156] : memref<10240x128xf32, #tpu.memory_space<vmem_shared>> -> memref<80x128xf32, #tpu.memory_space<vmem_shared>>
      tpu.enqueue_dma source(%arg8 : memref<80x128xf32, #tpu.memory_space<vmem>>) target(%dma_start3A_157 : memref<80x128xf32, #tpu.memory_space<vmem_shared>>) target_semaphore(%run_scoped3A : memref<!tpu.dma_semaphore, #tpu.memory_space<semaphore_mem>>)
      %dma_wait3A_158 = arith.constant 0 : i32
      %dma_wait3A_159 = tpu.memref_slice %arg10[%add3A_23, %dma_wait3A_158] : memref<10240x128xf32, #tpu.memory_space<vmem_shared>> -> memref<80x128xf32, #tpu.memory_space<vmem_shared>>
      %dma_wait3A_160 = arith.constant 0 : i32
      %dma_wait3A_161 = tpu.memref_slice %arg10[%add3A_23, %dma_wait3A_160] : memref<10240x128xf32, #tpu.memory_space<vmem_shared>> -> memref<80x128xf32, #tpu.memory_space<vmem_shared>>
      tpu.wait_dma2 semaphore(%run_scoped3A : memref<!tpu.dma_semaphore, #tpu.memory_space<semaphore_mem>>) src(%arg8 : memref<80x128xf32, #tpu.memory_space<vmem>>) dst(%dma_wait3A_161 : memref<80x128xf32, #tpu.memory_space<vmem_shared>>)
      tpu.yield
    }) : () -> ()
    %mul3A_24 = arith.constant 640 : i32
    %mul3A_25 = arith.muli %arg1, %mul3A_24 : i32
    %add3A_26 = arith.constant 240 : i32
    %add3A_27 = arith.addi %mul3A_25, %add3A_26 : i32
    "tpu.region"() ({
      %run_scoped3A = tpu.sem_alloc : memref<!tpu.dma_semaphore, #tpu.memory_space<semaphore_mem>>
      %dma_start3A_154 = arith.constant 0 : i32
      %dma_start3A_155 = tpu.memref_slice %arg10[%add3A_27, %dma_start3A_154] : memref<10240x128xf32, #tpu.memory_space<vmem_shared>> -> memref<80x128xf32, #tpu.memory_space<vmem_shared>>
      %dma_start3A_156 = arith.constant 0 : i32
      %dma_start3A_157 = tpu.memref_slice %arg10[%add3A_27, %dma_start3A_156] : memref<10240x128xf32, #tpu.memory_space<vmem_shared>> -> memref<80x128xf32, #tpu.memory_space<vmem_shared>>
      tpu.enqueue_dma source(%arg8 : memref<80x128xf32, #tpu.memory_space<vmem>>) target(%dma_start3A_157 : memref<80x128xf32, #tpu.memory_space<vmem_shared>>) target_semaphore(%run_scoped3A : memref<!tpu.dma_semaphore, #tpu.memory_space<semaphore_mem>>)
      %dma_wait3A_158 = arith.constant 0 : i32
      %dma_wait3A_159 = tpu.memref_slice %arg10[%add3A_27, %dma_wait3A_158] : memref<10240x128xf32, #tpu.memory_space<vmem_shared>> -> memref<80x128xf32, #tpu.memory_space<vmem_shared>>
      %dma_wait3A_160 = arith.constant 0 : i32
      %dma_wait3A_161 = tpu.memref_slice %arg10[%add3A_27, %dma_wait3A_160] : memref<10240x128xf32, #tpu.memory_space<vmem_shared>> -> memref<80x128xf32, #tpu.memory_space<vmem_shared>>
      tpu.wait_dma2 semaphore(%run_scoped3A : memref<!tpu.dma_semaphore, #tpu.memory_space<semaphore_mem>>) src(%arg8 : memref<80x128xf32, #tpu.memory_space<vmem>>) dst(%dma_wait3A_161 : memref<80x128xf32, #tpu.memory_space<vmem_shared>>)
      tpu.yield
    }) : () -> ()
    %mul3A_28 = arith.constant 640 : i32
    %mul3A_29 = arith.muli %arg1, %mul3A_28 : i32
    %add3A_30 = arith.constant 320 : i32
    %add3A_31 = arith.addi %mul3A_29, %add3A_30 : i32
    "tpu.region"() ({
      %run_scoped3A = tpu.sem_alloc : memref<!tpu.dma_semaphore, #tpu.memory_space<semaphore_mem>>
      %dma_start3A_154 = arith.constant 0 : i32
      %dma_start3A_155 = tpu.memref_slice %arg10[%add3A_31, %dma_start3A_154] : memref<10240x128xf32, #tpu.memory_space<vmem_shared>> -> memref<80x128xf32, #tpu.memory_space<vmem_shared>>
      %dma_start3A_156 = arith.constant 0 : i32
      %dma_start3A_157 = tpu.memref_slice %arg10[%add3A_31, %dma_start3A_156] : memref<10240x128xf32, #tpu.memory_space<vmem_shared>> -> memref<80x128xf32, #tpu.memory_space<vmem_shared>>
      tpu.enqueue_dma source(%arg8 : memref<80x128xf32, #tpu.memory_space<vmem>>) target(%dma_start3A_157 : memref<80x128xf32, #tpu.memory_space<vmem_shared>>) target_semaphore(%run_scoped3A : memref<!tpu.dma_semaphore, #tpu.memory_space<semaphore_mem>>)
      %dma_wait3A_158 = arith.constant 0 : i32
      %dma_wait3A_159 = tpu.memref_slice %arg10[%add3A_31, %dma_wait3A_158] : memref<10240x128xf32, #tpu.memory_space<vmem_shared>> -> memref<80x128xf32, #tpu.memory_space<vmem_shared>>
      %dma_wait3A_160 = arith.constant 0 : i32
      %dma_wait3A_161 = tpu.memref_slice %arg10[%add3A_31, %dma_wait3A_160] : memref<10240x128xf32, #tpu.memory_space<vmem_shared>> -> memref<80x128xf32, #tpu.memory_space<vmem_shared>>
      tpu.wait_dma2 semaphore(%run_scoped3A : memref<!tpu.dma_semaphore, #tpu.memory_space<semaphore_mem>>) src(%arg8 : memref<80x128xf32, #tpu.memory_space<vmem>>) dst(%dma_wait3A_161 : memref<80x128xf32, #tpu.memory_space<vmem_shared>>)
      tpu.yield
    }) : () -> ()
    %mul3A_32 = arith.constant 640 : i32
    %mul3A_33 = arith.muli %arg1, %mul3A_32 : i32
    %add3A_34 = arith.constant 400 : i32
    %add3A_35 = arith.addi %mul3A_33, %add3A_34 : i32
    "tpu.region"() ({
      %run_scoped3A = tpu.sem_alloc : memref<!tpu.dma_semaphore, #tpu.memory_space<semaphore_mem>>
      %dma_start3A_154 = arith.constant 0 : i32
      %dma_start3A_155 = tpu.memref_slice %arg10[%add3A_35, %dma_start3A_154] : memref<10240x128xf32, #tpu.memory_space<vmem_shared>> -> memref<80x128xf32, #tpu.memory_space<vmem_shared>>
      %dma_start3A_156 = arith.constant 0 : i32
      %dma_start3A_157 = tpu.memref_slice %arg10[%add3A_35, %dma_start3A_156] : memref<10240x128xf32, #tpu.memory_space<vmem_shared>> -> memref<80x128xf32, #tpu.memory_space<vmem_shared>>
      tpu.enqueue_dma source(%arg8 : memref<80x128xf32, #tpu.memory_space<vmem>>) target(%dma_start3A_157 : memref<80x128xf32, #tpu.memory_space<vmem_shared>>) target_semaphore(%run_scoped3A : memref<!tpu.dma_semaphore, #tpu.memory_space<semaphore_mem>>)
      %dma_wait3A_158 = arith.constant 0 : i32
      %dma_wait3A_159 = tpu.memref_slice %arg10[%add3A_35, %dma_wait3A_158] : memref<10240x128xf32, #tpu.memory_space<vmem_shared>> -> memref<80x128xf32, #tpu.memory_space<vmem_shared>>
      %dma_wait3A_160 = arith.constant 0 : i32
      %dma_wait3A_161 = tpu.memref_slice %arg10[%add3A_35, %dma_wait3A_160] : memref<10240x128xf32, #tpu.memory_space<vmem_shared>> -> memref<80x128xf32, #tpu.memory_space<vmem_shared>>
      tpu.wait_dma2 semaphore(%run_scoped3A : memref<!tpu.dma_semaphore, #tpu.memory_space<semaphore_mem>>) src(%arg8 : memref<80x128xf32, #tpu.memory_space<vmem>>) dst(%dma_wait3A_161 : memref<80x128xf32, #tpu.memory_space<vmem_shared>>)
      tpu.yield
    }) : () -> ()
    %mul3A_36 = arith.constant 640 : i32
    %mul3A_37 = arith.muli %arg1, %mul3A_36 : i32
    %add3A_38 = arith.constant 480 : i32
    %add3A_39 = arith.addi %mul3A_37, %add3A_38 : i32
    "tpu.region"() ({
      %run_scoped3A = tpu.sem_alloc : memref<!tpu.dma_semaphore, #tpu.memory_space<semaphore_mem>>
      %dma_start3A_154 = arith.constant 0 : i32
      %dma_start3A_155 = tpu.memref_slice %arg10[%add3A_39, %dma_start3A_154] : memref<10240x128xf32, #tpu.memory_space<vmem_shared>> -> memref<80x128xf32, #tpu.memory_space<vmem_shared>>
      %dma_start3A_156 = arith.constant 0 : i32
      %dma_start3A_157 = tpu.memref_slice %arg10[%add3A_39, %dma_start3A_156] : memref<10240x128xf32, #tpu.memory_space<vmem_shared>> -> memref<80x128xf32, #tpu.memory_space<vmem_shared>>
      tpu.enqueue_dma source(%arg8 : memref<80x128xf32, #tpu.memory_space<vmem>>) target(%dma_start3A_157 : memref<80x128xf32, #tpu.memory_space<vmem_shared>>) target_semaphore(%run_scoped3A : memref<!tpu.dma_semaphore, #tpu.memory_space<semaphore_mem>>)
      %dma_wait3A_158 = arith.constant 0 : i32
      %dma_wait3A_159 = tpu.memref_slice %arg10[%add3A_39, %dma_wait3A_158] : memref<10240x128xf32, #tpu.memory_space<vmem_shared>> -> memref<80x128xf32, #tpu.memory_space<vmem_shared>>
      %dma_wait3A_160 = arith.constant 0 : i32
      %dma_wait3A_161 = tpu.memref_slice %arg10[%add3A_39, %dma_wait3A_160] : memref<10240x128xf32, #tpu.memory_space<vmem_shared>> -> memref<80x128xf32, #tpu.memory_space<vmem_shared>>
      tpu.wait_dma2 semaphore(%run_scoped3A : memref<!tpu.dma_semaphore, #tpu.memory_space<semaphore_mem>>) src(%arg8 : memref<80x128xf32, #tpu.memory_space<vmem>>) dst(%dma_wait3A_161 : memref<80x128xf32, #tpu.memory_space<vmem_shared>>)
      tpu.yield
    }) : () -> ()
    %mul3A_40 = arith.constant 640 : i32
    %mul3A_41 = arith.muli %arg1, %mul3A_40 : i32
    %add3A_42 = arith.constant 560 : i32
    %add3A_43 = arith.addi %mul3A_41, %add3A_42 : i32
    "tpu.region"() ({
      %run_scoped3A = tpu.sem_alloc : memref<!tpu.dma_semaphore, #tpu.memory_space<semaphore_mem>>
      %dma_start3A_154 = arith.constant 0 : i32
      %dma_start3A_155 = tpu.memref_slice %arg10[%add3A_43, %dma_start3A_154] : memref<10240x128xf32, #tpu.memory_space<vmem_shared>> -> memref<80x128xf32, #tpu.memory_space<vmem_shared>>
      %dma_start3A_156 = arith.constant 0 : i32
      %dma_start3A_157 = tpu.memref_slice %arg10[%add3A_43, %dma_start3A_156] : memref<10240x128xf32, #tpu.memory_space<vmem_shared>> -> memref<80x128xf32, #tpu.memory_space<vmem_shared>>
      tpu.enqueue_dma source(%arg8 : memref<80x128xf32, #tpu.memory_space<vmem>>) target(%dma_start3A_157 : memref<80x128xf32, #tpu.memory_space<vmem_shared>>) target_semaphore(%run_scoped3A : memref<!tpu.dma_semaphore, #tpu.memory_space<semaphore_mem>>)
      %dma_wait3A_158 = arith.constant 0 : i32
      %dma_wait3A_159 = tpu.memref_slice %arg10[%add3A_43, %dma_wait3A_158] : memref<10240x128xf32, #tpu.memory_space<vmem_shared>> -> memref<80x128xf32, #tpu.memory_space<vmem_shared>>
      %dma_wait3A_160 = arith.constant 0 : i32
      %dma_wait3A_161 = tpu.memref_slice %arg10[%add3A_43, %dma_wait3A_160] : memref<10240x128xf32, #tpu.memory_space<vmem_shared>> -> memref<80x128xf32, #tpu.memory_space<vmem_shared>>
      tpu.wait_dma2 semaphore(%run_scoped3A : memref<!tpu.dma_semaphore, #tpu.memory_space<semaphore_mem>>) src(%arg8 : memref<80x128xf32, #tpu.memory_space<vmem>>) dst(%dma_wait3A_161 : memref<80x128xf32, #tpu.memory_space<vmem_shared>>)
      tpu.yield
    }) : () -> ()
    %barrier3A = arith.constant 0 : index
    tpu.barrier barrier_id(%barrier3A)
    %dma_start3A = arith.constant 0 : i32
    %dma_start3A_44 = tpu.memref_slice %arg6[%dma_start3A] : memref<10000xi32, #tpu.memory_space<vmem>> -> memref<80xi32, #tpu.memory_space<vmem>>
    %dma_start3A_45 = arith.constant 0 : i32
    %dma_start3A_46 = arith.constant 0 : i32
    %dma_start3A_47 = tpu.memref_slice %arg2[%dma_start3A_45, %dma_start3A_46] : memref<10240x128xf32, #tpu.memory_space<hbm>> -> memref<10240x128xf32, #tpu.memory_space<hbm>>
    tpu.enqueue_indirect_dma source(%dma_start3A_47 : memref<10240x128xf32, #tpu.memory_space<hbm>>) target(%arg8 : memref<80x128xf32, #tpu.memory_space<vmem>>) offsets(%dma_start3A_44 : memref<80xi32, #tpu.memory_space<vmem>>) semaphore(%arg11 : memref<!tpu.dma_semaphore, #tpu.memory_space<semaphore_mem>>)
    %dma_start3A_48 = arith.constant 80 : i32
    %dma_start3A_49 = tpu.memref_slice %arg6[%dma_start3A_48] : memref<10000xi32, #tpu.memory_space<vmem>> -> memref<80xi32, #tpu.memory_space<vmem>>
    %dma_start3A_50 = arith.constant 0 : i32
    %dma_start3A_51 = arith.constant 0 : i32
    %dma_start3A_52 = tpu.memref_slice %arg2[%dma_start3A_50, %dma_start3A_51] : memref<10240x128xf32, #tpu.memory_space<hbm>> -> memref<10240x128xf32, #tpu.memory_space<hbm>>
    tpu.enqueue_indirect_dma source(%dma_start3A_52 : memref<10240x128xf32, #tpu.memory_space<hbm>>) target(%arg9 : memref<80x128xf32, #tpu.memory_space<vmem>>) offsets(%dma_start3A_49 : memref<80xi32, #tpu.memory_space<vmem>>) semaphore(%arg12 : memref<!tpu.dma_semaphore, #tpu.memory_space<semaphore_mem>>)
    %scan3A_53 = arith.constant 0 : i32
    %scan3A_54 = arith.constant 61 : i32
    %scan3A_55 = arith.addi %scan3A_53, %scan3A_54 : i32
    %scan3A_56 = arith.constant 1 : i32
    scf.for %scan3A_154 = %scan3A_53 to %scan3A_55 step %scan3A_56  : i32 {
      %mul3A_155 = arith.constant 2 : i32
      %mul3A_156 = arith.muli %mul3A_155, %scan3A_154 : i32
      %sub3A = arith.constant 0 : i32
      %sub3A_157 = arith.subi %mul3A_156, %sub3A : i32
      %mul3A_158 = arith.constant 80 : i32
      %mul3A_159 = arith.muli %sub3A_157, %mul3A_158 : i32
      %dma_wait3A_160 = tpu.memref_slice %arg6[%mul3A_159] : memref<10000xi32, #tpu.memory_space<vmem>> -> memref<80xi32, #tpu.memory_space<vmem>>
      %dma_wait3A_161 = arith.constant 0 : i32
      %dma_wait3A_162 = arith.constant 0 : i32
      %dma_wait3A_163 = tpu.memref_slice %arg2[%dma_wait3A_161, %dma_wait3A_162] : memref<10240x128xf32, #tpu.memory_space<hbm>> -> memref<10240x128xf32, #tpu.memory_space<hbm>>
      tpu.wait_indirect_dma semaphore(%arg11 : memref<!tpu.dma_semaphore, #tpu.memory_space<semaphore_mem>>) src(%dma_wait3A_163 : memref<10240x128xf32, #tpu.memory_space<hbm>>) dst(%arg8 : memref<80x128xf32, #tpu.memory_space<vmem>>)
      %sub3A_164 = arith.constant 0 : i32
      %sub3A_165 = arith.subi %mul3A_156, %sub3A_164 : i32
      %dma_start3A_166 = arith.constant 0 : i32
      %dma_start3A_167 = tpu.memref_slice %arg7[%sub3A_165, %dma_start3A_166] : memref<125x80xi32, #tpu.memory_space<vmem>> -> memref<1x80xi32, #tpu.memory_space<vmem>>
      %dma_start3A_168 = tpu.memref_squeeze %dma_start3A_167 : memref<1x80xi32, #tpu.memory_space<vmem>> -> memref<80xi32, #tpu.memory_space<vmem>>
      %dma_start3A_169 = arith.constant 0 : i32
      %dma_start3A_170 = arith.constant 0 : i32
      %dma_start3A_171 = tpu.memref_slice %arg10[%dma_start3A_169, %dma_start3A_170] : memref<10240x128xf32, #tpu.memory_space<vmem_shared>> -> memref<10240x128xf32, #tpu.memory_space<vmem_shared>>
      tpu.enqueue_indirect_dma source(%arg8 : memref<80x128xf32, #tpu.memory_space<vmem>>) target(%dma_start3A_171 : memref<10240x128xf32, #tpu.memory_space<vmem_shared>>) offsets(%dma_start3A_168 : memref<80xi32, #tpu.memory_space<vmem>>) semaphore(%arg13 : memref<!tpu.dma_semaphore, #tpu.memory_space<semaphore_mem>>) {add = true}
      %add3A_172 = arith.constant 1 : i32
      %add3A_173 = arith.addi %mul3A_156, %add3A_172 : i32
      %sub3A_174 = arith.constant 0 : i32
      %sub3A_175 = arith.subi %add3A_173, %sub3A_174 : i32
      %mul3A_176 = arith.constant 80 : i32
      %mul3A_177 = arith.muli %sub3A_175, %mul3A_176 : i32
      %dma_wait3A_178 = tpu.memref_slice %arg6[%mul3A_177] : memref<10000xi32, #tpu.memory_space<vmem>> -> memref<80xi32, #tpu.memory_space<vmem>>
      %dma_wait3A_179 = arith.constant 0 : i32
      %dma_wait3A_180 = arith.constant 0 : i32
      %dma_wait3A_181 = tpu.memref_slice %arg2[%dma_wait3A_179, %dma_wait3A_180] : memref<10240x128xf32, #tpu.memory_space<hbm>> -> memref<10240x128xf32, #tpu.memory_space<hbm>>
      tpu.wait_indirect_dma semaphore(%arg12 : memref<!tpu.dma_semaphore, #tpu.memory_space<semaphore_mem>>) src(%dma_wait3A_181 : memref<10240x128xf32, #tpu.memory_space<hbm>>) dst(%arg9 : memref<80x128xf32, #tpu.memory_space<vmem>>)
      %add3A_182 = arith.constant 1 : i32
      %add3A_183 = arith.addi %mul3A_156, %add3A_182 : i32
      %sub3A_184 = arith.constant 0 : i32
      %sub3A_185 = arith.subi %add3A_183, %sub3A_184 : i32
      %dma_start3A_186 = arith.constant 0 : i32
      %dma_start3A_187 = tpu.memref_slice %arg7[%sub3A_185, %dma_start3A_186] : memref<125x80xi32, #tpu.memory_space<vmem>> -> memref<1x80xi32, #tpu.memory_space<vmem>>
      %dma_start3A_188 = tpu.memref_squeeze %dma_start3A_187 : memref<1x80xi32, #tpu.memory_space<vmem>> -> memref<80xi32, #tpu.memory_space<vmem>>
      %dma_start3A_189 = arith.constant 0 : i32
      %dma_start3A_190 = arith.constant 0 : i32
      %dma_start3A_191 = tpu.memref_slice %arg10[%dma_start3A_189, %dma_start3A_190] : memref<10240x128xf32, #tpu.memory_space<vmem_shared>> -> memref<10240x128xf32, #tpu.memory_space<vmem_shared>>
      tpu.enqueue_indirect_dma source(%arg9 : memref<80x128xf32, #tpu.memory_space<vmem>>) target(%dma_start3A_191 : memref<10240x128xf32, #tpu.memory_space<vmem_shared>>) offsets(%dma_start3A_188 : memref<80xi32, #tpu.memory_space<vmem>>) semaphore(%arg14 : memref<!tpu.dma_semaphore, #tpu.memory_space<semaphore_mem>>) {add = true}
      %sub3A_192 = arith.constant 0 : i32
      %sub3A_193 = arith.subi %mul3A_156, %sub3A_192 : i32
      %dma_wait3A_194 = arith.constant 0 : i32
      %dma_wait3A_195 = tpu.memref_slice %arg7[%sub3A_193, %dma_wait3A_194] : memref<125x80xi32, #tpu.memory_space<vmem>> -> memref<1x80xi32, #tpu.memory_space<vmem>>
      %dma_wait3A_196 = tpu.memref_squeeze %dma_wait3A_195 : memref<1x80xi32, #tpu.memory_space<vmem>> -> memref<80xi32, #tpu.memory_space<vmem>>
      %dma_wait3A_197 = arith.constant 0 : i32
      %dma_wait3A_198 = arith.constant 0 : i32
      %dma_wait3A_199 = tpu.memref_slice %arg10[%dma_wait3A_197, %dma_wait3A_198] : memref<10240x128xf32, #tpu.memory_space<vmem_shared>> -> memref<10240x128xf32, #tpu.memory_space<vmem_shared>>
      tpu.wait_indirect_dma semaphore(%arg13 : memref<!tpu.dma_semaphore, #tpu.memory_space<semaphore_mem>>) src(%arg8 : memref<80x128xf32, #tpu.memory_space<vmem>>) dst(%dma_wait3A_199 : memref<10240x128xf32, #tpu.memory_space<vmem_shared>>)
      %add3A_200 = arith.constant 2 : i32
      %add3A_201 = arith.addi %mul3A_156, %add3A_200 : i32
      %sub3A_202 = arith.constant 0 : i32
      %sub3A_203 = arith.subi %add3A_201, %sub3A_202 : i32
      %mul3A_204 = arith.constant 80 : i32
      %mul3A_205 = arith.muli %sub3A_203, %mul3A_204 : i32
      %dma_start3A_206 = tpu.memref_slice %arg6[%mul3A_205] : memref<10000xi32, #tpu.memory_space<vmem>> -> memref<80xi32, #tpu.memory_space<vmem>>
      %dma_start3A_207 = arith.constant 0 : i32
      %dma_start3A_208 = arith.constant 0 : i32
      %dma_start3A_209 = tpu.memref_slice %arg2[%dma_start3A_207, %dma_start3A_208] : memref<10240x128xf32, #tpu.memory_space<hbm>> -> memref<10240x128xf32, #tpu.memory_space<hbm>>
      tpu.enqueue_indirect_dma source(%dma_start3A_209 : memref<10240x128xf32, #tpu.memory_space<hbm>>) target(%arg8 : memref<80x128xf32, #tpu.memory_space<vmem>>) offsets(%dma_start3A_206 : memref<80xi32, #tpu.memory_space<vmem>>) semaphore(%arg11 : memref<!tpu.dma_semaphore, #tpu.memory_space<semaphore_mem>>)
      %add3A_210 = arith.constant 1 : i32
      %add3A_211 = arith.addi %mul3A_156, %add3A_210 : i32
      %sub3A_212 = arith.constant 0 : i32
      %sub3A_213 = arith.subi %add3A_211, %sub3A_212 : i32
      %dma_wait3A_214 = arith.constant 0 : i32
      %dma_wait3A_215 = tpu.memref_slice %arg7[%sub3A_213, %dma_wait3A_214] : memref<125x80xi32, #tpu.memory_space<vmem>> -> memref<1x80xi32, #tpu.memory_space<vmem>>
      %dma_wait3A_216 = tpu.memref_squeeze %dma_wait3A_215 : memref<1x80xi32, #tpu.memory_space<vmem>> -> memref<80xi32, #tpu.memory_space<vmem>>
      %dma_wait3A_217 = arith.constant 0 : i32
      %dma_wait3A_218 = arith.constant 0 : i32
      %dma_wait3A_219 = tpu.memref_slice %arg10[%dma_wait3A_217, %dma_wait3A_218] : memref<10240x128xf32, #tpu.memory_space<vmem_shared>> -> memref<10240x128xf32, #tpu.memory_space<vmem_shared>>
      tpu.wait_indirect_dma semaphore(%arg14 : memref<!tpu.dma_semaphore, #tpu.memory_space<semaphore_mem>>) src(%arg9 : memref<80x128xf32, #tpu.memory_space<vmem>>) dst(%dma_wait3A_219 : memref<10240x128xf32, #tpu.memory_space<vmem_shared>>)
      %add3A_220 = arith.constant 3 : i32
      %add3A_221 = arith.addi %mul3A_156, %add3A_220 : i32
      %sub3A_222 = arith.constant 0 : i32
      %sub3A_223 = arith.subi %add3A_221, %sub3A_222 : i32
      %mul3A_224 = arith.constant 80 : i32
      %mul3A_225 = arith.muli %sub3A_223, %mul3A_224 : i32
      %dma_start3A_226 = tpu.memref_slice %arg6[%mul3A_225] : memref<10000xi32, #tpu.memory_space<vmem>> -> memref<80xi32, #tpu.memory_space<vmem>>
      %dma_start3A_227 = arith.constant 0 : i32
      %dma_start3A_228 = arith.constant 0 : i32
      %dma_start3A_229 = tpu.memref_slice %arg2[%dma_start3A_227, %dma_start3A_228] : memref<10240x128xf32, #tpu.memory_space<hbm>> -> memref<10240x128xf32, #tpu.memory_space<hbm>>
      tpu.enqueue_indirect_dma source(%dma_start3A_229 : memref<10240x128xf32, #tpu.memory_space<hbm>>) target(%arg9 : memref<80x128xf32, #tpu.memory_space<vmem>>) offsets(%dma_start3A_226 : memref<80xi32, #tpu.memory_space<vmem>>) semaphore(%arg12 : memref<!tpu.dma_semaphore, #tpu.memory_space<semaphore_mem>>)
    }
    %scan3A_57 = arith.constant 61 : i32
    %dma_wait3A = arith.constant 9760 : i32
    %dma_wait3A_58 = tpu.memref_slice %arg6[%dma_wait3A] : memref<10000xi32, #tpu.memory_space<vmem>> -> memref<80xi32, #tpu.memory_space<vmem>>
    %dma_wait3A_59 = arith.constant 0 : i32
    %dma_wait3A_60 = arith.constant 0 : i32
    %dma_wait3A_61 = tpu.memref_slice %arg2[%dma_wait3A_59, %dma_wait3A_60] : memref<10240x128xf32, #tpu.memory_space<hbm>> -> memref<10240x128xf32, #tpu.memory_space<hbm>>
    tpu.wait_indirect_dma semaphore(%arg11 : memref<!tpu.dma_semaphore, #tpu.memory_space<semaphore_mem>>) src(%dma_wait3A_61 : memref<10240x128xf32, #tpu.memory_space<hbm>>) dst(%arg8 : memref<80x128xf32, #tpu.memory_space<vmem>>)
    %dma_start3A_62 = arith.constant 122 : i32
    %dma_start3A_63 = arith.constant 0 : i32
    %dma_start3A_64 = tpu.memref_slice %arg7[%dma_start3A_62, %dma_start3A_63] : memref<125x80xi32, #tpu.memory_space<vmem>> -> memref<1x80xi32, #tpu.memory_space<vmem>>
    %dma_start3A_65 = tpu.memref_squeeze %dma_start3A_64 : memref<1x80xi32, #tpu.memory_space<vmem>> -> memref<80xi32, #tpu.memory_space<vmem>>
    %dma_start3A_66 = arith.constant 0 : i32
    %dma_start3A_67 = arith.constant 0 : i32
    %dma_start3A_68 = tpu.memref_slice %arg10[%dma_start3A_66, %dma_start3A_67] : memref<10240x128xf32, #tpu.memory_space<vmem_shared>> -> memref<10240x128xf32, #tpu.memory_space<vmem_shared>>
    tpu.enqueue_indirect_dma source(%arg8 : memref<80x128xf32, #tpu.memory_space<vmem>>) target(%dma_start3A_68 : memref<10240x128xf32, #tpu.memory_space<vmem_shared>>) offsets(%dma_start3A_65 : memref<80xi32, #tpu.memory_space<vmem>>) semaphore(%arg13 : memref<!tpu.dma_semaphore, #tpu.memory_space<semaphore_mem>>) {add = true}
    %dma_wait3A_69 = arith.constant 9840 : i32
    %dma_wait3A_70 = tpu.memref_slice %arg6[%dma_wait3A_69] : memref<10000xi32, #tpu.memory_space<vmem>> -> memref<80xi32, #tpu.memory_space<vmem>>
    %dma_wait3A_71 = arith.constant 0 : i32
    %dma_wait3A_72 = arith.constant 0 : i32
    %dma_wait3A_73 = tpu.memref_slice %arg2[%dma_wait3A_71, %dma_wait3A_72] : memref<10240x128xf32, #tpu.memory_space<hbm>> -> memref<10240x128xf32, #tpu.memory_space<hbm>>
    tpu.wait_indirect_dma semaphore(%arg12 : memref<!tpu.dma_semaphore, #tpu.memory_space<semaphore_mem>>) src(%dma_wait3A_73 : memref<10240x128xf32, #tpu.memory_space<hbm>>) dst(%arg9 : memref<80x128xf32, #tpu.memory_space<vmem>>)
    %dma_start3A_74 = arith.constant 123 : i32
    %dma_start3A_75 = arith.constant 0 : i32
    %dma_start3A_76 = tpu.memref_slice %arg7[%dma_start3A_74, %dma_start3A_75] : memref<125x80xi32, #tpu.memory_space<vmem>> -> memref<1x80xi32, #tpu.memory_space<vmem>>
    %dma_start3A_77 = tpu.memref_squeeze %dma_start3A_76 : memref<1x80xi32, #tpu.memory_space<vmem>> -> memref<80xi32, #tpu.memory_space<vmem>>
    %dma_start3A_78 = arith.constant 0 : i32
    %dma_start3A_79 = arith.constant 0 : i32
    %dma_start3A_80 = tpu.memref_slice %arg10[%dma_start3A_78, %dma_start3A_79] : memref<10240x128xf32, #tpu.memory_space<vmem_shared>> -> memref<10240x128xf32, #tpu.memory_space<vmem_shared>>
    tpu.enqueue_indirect_dma source(%arg9 : memref<80x128xf32, #tpu.memory_space<vmem>>) target(%dma_start3A_80 : memref<10240x128xf32, #tpu.memory_space<vmem_shared>>) offsets(%dma_start3A_77 : memref<80xi32, #tpu.memory_space<vmem>>) semaphore(%arg14 : memref<!tpu.dma_semaphore, #tpu.memory_space<semaphore_mem>>) {add = true}
    %dma_wait3A_81 = arith.constant 122 : i32
    %dma_wait3A_82 = arith.constant 0 : i32
    %dma_wait3A_83 = tpu.memref_slice %arg7[%dma_wait3A_81, %dma_wait3A_82] : memref<125x80xi32, #tpu.memory_space<vmem>> -> memref<1x80xi32, #tpu.memory_space<vmem>>
    %dma_wait3A_84 = tpu.memref_squeeze %dma_wait3A_83 : memref<1x80xi32, #tpu.memory_space<vmem>> -> memref<80xi32, #tpu.memory_space<vmem>>
    %dma_wait3A_85 = arith.constant 0 : i32
    %dma_wait3A_86 = arith.constant 0 : i32
    %dma_wait3A_87 = tpu.memref_slice %arg10[%dma_wait3A_85, %dma_wait3A_86] : memref<10240x128xf32, #tpu.memory_space<vmem_shared>> -> memref<10240x128xf32, #tpu.memory_space<vmem_shared>>
    tpu.wait_indirect_dma semaphore(%arg13 : memref<!tpu.dma_semaphore, #tpu.memory_space<semaphore_mem>>) src(%arg8 : memref<80x128xf32, #tpu.memory_space<vmem>>) dst(%dma_wait3A_87 : memref<10240x128xf32, #tpu.memory_space<vmem_shared>>)
    %dma_start3A_88 = arith.constant 9920 : i32
    %dma_start3A_89 = tpu.memref_slice %arg6[%dma_start3A_88] : memref<10000xi32, #tpu.memory_space<vmem>> -> memref<80xi32, #tpu.memory_space<vmem>>
    %dma_start3A_90 = arith.constant 0 : i32
    %dma_start3A_91 = arith.constant 0 : i32
    %dma_start3A_92 = tpu.memref_slice %arg2[%dma_start3A_90, %dma_start3A_91] : memref<10240x128xf32, #tpu.memory_space<hbm>> -> memref<10240x128xf32, #tpu.memory_space<hbm>>
    tpu.enqueue_indirect_dma source(%dma_start3A_92 : memref<10240x128xf32, #tpu.memory_space<hbm>>) target(%arg8 : memref<80x128xf32, #tpu.memory_space<vmem>>) offsets(%dma_start3A_89 : memref<80xi32, #tpu.memory_space<vmem>>) semaphore(%arg11 : memref<!tpu.dma_semaphore, #tpu.memory_space<semaphore_mem>>)
    %dma_wait3A_93 = arith.constant 9920 : i32
    %dma_wait3A_94 = tpu.memref_slice %arg6[%dma_wait3A_93] : memref<10000xi32, #tpu.memory_space<vmem>> -> memref<80xi32, #tpu.memory_space<vmem>>
    %dma_wait3A_95 = arith.constant 0 : i32
    %dma_wait3A_96 = arith.constant 0 : i32
    %dma_wait3A_97 = tpu.memref_slice %arg2[%dma_wait3A_95, %dma_wait3A_96] : memref<10240x128xf32, #tpu.memory_space<hbm>> -> memref<10240x128xf32, #tpu.memory_space<hbm>>
    tpu.wait_indirect_dma semaphore(%arg11 : memref<!tpu.dma_semaphore, #tpu.memory_space<semaphore_mem>>) src(%dma_wait3A_97 : memref<10240x128xf32, #tpu.memory_space<hbm>>) dst(%arg8 : memref<80x128xf32, #tpu.memory_space<vmem>>)
    %dma_start3A_98 = arith.constant 124 : i32
    %dma_start3A_99 = arith.constant 0 : i32
    %dma_start3A_100 = tpu.memref_slice %arg7[%dma_start3A_98, %dma_start3A_99] : memref<125x80xi32, #tpu.memory_space<vmem>> -> memref<1x80xi32, #tpu.memory_space<vmem>>
    %dma_start3A_101 = tpu.memref_squeeze %dma_start3A_100 : memref<1x80xi32, #tpu.memory_space<vmem>> -> memref<80xi32, #tpu.memory_space<vmem>>
    %dma_start3A_102 = arith.constant 0 : i32
    %dma_start3A_103 = arith.constant 0 : i32
    %dma_start3A_104 = tpu.memref_slice %arg10[%dma_start3A_102, %dma_start3A_103] : memref<10240x128xf32, #tpu.memory_space<vmem_shared>> -> memref<10240x128xf32, #tpu.memory_space<vmem_shared>>
    tpu.enqueue_indirect_dma source(%arg8 : memref<80x128xf32, #tpu.memory_space<vmem>>) target(%dma_start3A_104 : memref<10240x128xf32, #tpu.memory_space<vmem_shared>>) offsets(%dma_start3A_101 : memref<80xi32, #tpu.memory_space<vmem>>) semaphore(%arg13 : memref<!tpu.dma_semaphore, #tpu.memory_space<semaphore_mem>>) {add = true}
    %dma_wait3A_105 = arith.constant 123 : i32
    %dma_wait3A_106 = arith.constant 0 : i32
    %dma_wait3A_107 = tpu.memref_slice %arg7[%dma_wait3A_105, %dma_wait3A_106] : memref<125x80xi32, #tpu.memory_space<vmem>> -> memref<1x80xi32, #tpu.memory_space<vmem>>
    %dma_wait3A_108 = tpu.memref_squeeze %dma_wait3A_107 : memref<1x80xi32, #tpu.memory_space<vmem>> -> memref<80xi32, #tpu.memory_space<vmem>>
    %dma_wait3A_109 = arith.constant 0 : i32
    %dma_wait3A_110 = arith.constant 0 : i32
    %dma_wait3A_111 = tpu.memref_slice %arg10[%dma_wait3A_109, %dma_wait3A_110] : memref<10240x128xf32, #tpu.memory_space<vmem_shared>> -> memref<10240x128xf32, #tpu.memory_space<vmem_shared>>
    tpu.wait_indirect_dma semaphore(%arg14 : memref<!tpu.dma_semaphore, #tpu.memory_space<semaphore_mem>>) src(%arg9 : memref<80x128xf32, #tpu.memory_space<vmem>>) dst(%dma_wait3A_111 : memref<10240x128xf32, #tpu.memory_space<vmem_shared>>)
    %dma_wait3A_112 = arith.constant 124 : i32
    %dma_wait3A_113 = arith.constant 0 : i32
    %dma_wait3A_114 = tpu.memref_slice %arg7[%dma_wait3A_112, %dma_wait3A_113] : memref<125x80xi32, #tpu.memory_space<vmem>> -> memref<1x80xi32, #tpu.memory_space<vmem>>
    %dma_wait3A_115 = tpu.memref_squeeze %dma_wait3A_114 : memref<1x80xi32, #tpu.memory_space<vmem>> -> memref<80xi32, #tpu.memory_space<vmem>>
    %dma_wait3A_116 = arith.constant 0 : i32
    %dma_wait3A_117 = arith.constant 0 : i32
    %dma_wait3A_118 = tpu.memref_slice %arg10[%dma_wait3A_116, %dma_wait3A_117] : memref<10240x128xf32, #tpu.memory_space<vmem_shared>> -> memref<10240x128xf32, #tpu.memory_space<vmem_shared>>
    tpu.wait_indirect_dma semaphore(%arg13 : memref<!tpu.dma_semaphore, #tpu.memory_space<semaphore_mem>>) src(%arg8 : memref<80x128xf32, #tpu.memory_space<vmem>>) dst(%dma_wait3A_118 : memref<10240x128xf32, #tpu.memory_space<vmem_shared>>)
    %barrier3A_119 = arith.constant 0 : index
    tpu.barrier barrier_id(%barrier3A_119)
    %mul3A_120 = arith.constant 640 : i32
    %mul3A_121 = arith.muli %arg1, %mul3A_120 : i32
    %add3A_122 = arith.constant 0 : i32
    %add3A_123 = arith.addi %mul3A_121, %add3A_122 : i32
    "tpu.region"() ({
      %run_scoped3A = tpu.sem_alloc : memref<!tpu.dma_semaphore, #tpu.memory_space<semaphore_mem>>
      %dma_start3A_154 = arith.constant 0 : i32
      %dma_start3A_155 = tpu.memref_slice %arg10[%add3A_123, %dma_start3A_154] : memref<10240x128xf32, #tpu.memory_space<vmem_shared>> -> memref<80x128xf32, #tpu.memory_space<vmem_shared>>
      %dma_start3A_156 = arith.constant 0 : i32
      %dma_start3A_157 = tpu.memref_slice %arg10[%add3A_123, %dma_start3A_156] : memref<10240x128xf32, #tpu.memory_space<vmem_shared>> -> memref<80x128xf32, #tpu.memory_space<vmem_shared>>
      tpu.enqueue_dma source(%dma_start3A_157 : memref<80x128xf32, #tpu.memory_space<vmem_shared>>) target(%arg8 : memref<80x128xf32, #tpu.memory_space<vmem>>) target_semaphore(%run_scoped3A : memref<!tpu.dma_semaphore, #tpu.memory_space<semaphore_mem>>)
      %dma_wait3A_158 = arith.constant 0 : i32
      %dma_wait3A_159 = tpu.memref_slice %arg10[%add3A_123, %dma_wait3A_158] : memref<10240x128xf32, #tpu.memory_space<vmem_shared>> -> memref<80x128xf32, #tpu.memory_space<vmem_shared>>
      %dma_wait3A_160 = arith.constant 0 : i32
      %dma_wait3A_161 = tpu.memref_slice %arg10[%add3A_123, %dma_wait3A_160] : memref<10240x128xf32, #tpu.memory_space<vmem_shared>> -> memref<80x128xf32, #tpu.memory_space<vmem_shared>>
      tpu.wait_dma2 semaphore(%run_scoped3A : memref<!tpu.dma_semaphore, #tpu.memory_space<semaphore_mem>>) src(%dma_wait3A_161 : memref<80x128xf32, #tpu.memory_space<vmem_shared>>) dst(%arg8 : memref<80x128xf32, #tpu.memory_space<vmem>>)
      tpu.yield
    }) : () -> ()
    %add3A_124 = arith.constant 0 : i32
    %add3A_125 = arith.addi %mul3A_121, %add3A_124 : i32
    "tpu.region"() ({
      %run_scoped3A = tpu.sem_alloc : memref<!tpu.dma_semaphore, #tpu.memory_space<semaphore_mem>>
      %dma_start3A_154 = arith.constant 0 : i32
      %dma_start3A_155 = tpu.memref_slice %arg5[%arg0, %add3A_125, %dma_start3A_154] : memref<2x10240x128xf32, #tpu.memory_space<hbm>> -> memref<1x80x128xf32, #tpu.memory_space<hbm>>
      %dma_start3A_156 = tpu.memref_squeeze %dma_start3A_155 : memref<1x80x128xf32, #tpu.memory_space<hbm>> -> memref<80x128xf32, #tpu.memory_space<hbm>>
      %dma_start3A_157 = arith.constant 0 : i32
      %dma_start3A_158 = tpu.memref_slice %arg5[%arg0, %add3A_125, %dma_start3A_157] : memref<2x10240x128xf32, #tpu.memory_space<hbm>> -> memref<1x80x128xf32, #tpu.memory_space<hbm>>
      %dma_start3A_159 = tpu.memref_squeeze %dma_start3A_158 : memref<1x80x128xf32, #tpu.memory_space<hbm>> -> memref<80x128xf32, #tpu.memory_space<hbm>>
      tpu.enqueue_dma source(%arg8 : memref<80x128xf32, #tpu.memory_space<vmem>>) target(%dma_start3A_159 : memref<80x128xf32, #tpu.memory_space<hbm>>) target_semaphore(%run_scoped3A : memref<!tpu.dma_semaphore, #tpu.memory_space<semaphore_mem>>)
      %dma_wait3A_160 = arith.constant 0 : i32
      %dma_wait3A_161 = tpu.memref_slice %arg5[%arg0, %add3A_125, %dma_wait3A_160] : memref<2x10240x128xf32, #tpu.memory_space<hbm>> -> memref<1x80x128xf32, #tpu.memory_space<hbm>>
      %dma_wait3A_162 = tpu.memref_squeeze %dma_wait3A_161 : memref<1x80x128xf32, #tpu.memory_space<hbm>> -> memref<80x128xf32, #tpu.memory_space<hbm>>
      %dma_wait3A_163 = arith.constant 0 : i32
      %dma_wait3A_164 = tpu.memref_slice %arg5[%arg0, %add3A_125, %dma_wait3A_163] : memref<2x10240x128xf32, #tpu.memory_space<hbm>> -> memref<1x80x128xf32, #tpu.memory_space<hbm>>
      %dma_wait3A_165 = tpu.memref_squeeze %dma_wait3A_164 : memref<1x80x128xf32, #tpu.memory_space<hbm>> -> memref<80x128xf32, #tpu.memory_space<hbm>>
      tpu.wait_dma2 semaphore(%run_scoped3A : memref<!tpu.dma_semaphore, #tpu.memory_space<semaphore_mem>>) src(%arg8 : memref<80x128xf32, #tpu.memory_space<vmem>>) dst(%dma_wait3A_165 : memref<80x128xf32, #tpu.memory_space<hbm>>)
      tpu.yield
    }) : () -> ()
    %add3A_126 = arith.constant 80 : i32
    %add3A_127 = arith.addi %mul3A_121, %add3A_126 : i32
    "tpu.region"() ({
      %run_scoped3A = tpu.sem_alloc : memref<!tpu.dma_semaphore, #tpu.memory_space<semaphore_mem>>
      %dma_start3A_154 = arith.constant 0 : i32
      %dma_start3A_155 = tpu.memref_slice %arg10[%add3A_127, %dma_start3A_154] : memref<10240x128xf32, #tpu.memory_space<vmem_shared>> -> memref<80x128xf32, #tpu.memory_space<vmem_shared>>
      %dma_start3A_156 = arith.constant 0 : i32
      %dma_start3A_157 = tpu.memref_slice %arg10[%add3A_127, %dma_start3A_156] : memref<10240x128xf32, #tpu.memory_space<vmem_shared>> -> memref<80x128xf32, #tpu.memory_space<vmem_shared>>
      tpu.enqueue_dma source(%dma_start3A_157 : memref<80x128xf32, #tpu.memory_space<vmem_shared>>) target(%arg8 : memref<80x128xf32, #tpu.memory_space<vmem>>) target_semaphore(%run_scoped3A : memref<!tpu.dma_semaphore, #tpu.memory_space<semaphore_mem>>)
      %dma_wait3A_158 = arith.constant 0 : i32
      %dma_wait3A_159 = tpu.memref_slice %arg10[%add3A_127, %dma_wait3A_158] : memref<10240x128xf32, #tpu.memory_space<vmem_shared>> -> memref<80x128xf32, #tpu.memory_space<vmem_shared>>
      %dma_wait3A_160 = arith.constant 0 : i32
      %dma_wait3A_161 = tpu.memref_slice %arg10[%add3A_127, %dma_wait3A_160] : memref<10240x128xf32, #tpu.memory_space<vmem_shared>> -> memref<80x128xf32, #tpu.memory_space<vmem_shared>>
      tpu.wait_dma2 semaphore(%run_scoped3A : memref<!tpu.dma_semaphore, #tpu.memory_space<semaphore_mem>>) src(%dma_wait3A_161 : memref<80x128xf32, #tpu.memory_space<vmem_shared>>) dst(%arg8 : memref<80x128xf32, #tpu.memory_space<vmem>>)
      tpu.yield
    }) : () -> ()
    %add3A_128 = arith.constant 80 : i32
    %add3A_129 = arith.addi %mul3A_121, %add3A_128 : i32
    "tpu.region"() ({
      %run_scoped3A = tpu.sem_alloc : memref<!tpu.dma_semaphore, #tpu.memory_space<semaphore_mem>>
      %dma_start3A_154 = arith.constant 0 : i32
      %dma_start3A_155 = tpu.memref_slice %arg5[%arg0, %add3A_129, %dma_start3A_154] : memref<2x10240x128xf32, #tpu.memory_space<hbm>> -> memref<1x80x128xf32, #tpu.memory_space<hbm>>
      %dma_start3A_156 = tpu.memref_squeeze %dma_start3A_155 : memref<1x80x128xf32, #tpu.memory_space<hbm>> -> memref<80x128xf32, #tpu.memory_space<hbm>>
      %dma_start3A_157 = arith.constant 0 : i32
      %dma_start3A_158 = tpu.memref_slice %arg5[%arg0, %add3A_129, %dma_start3A_157] : memref<2x10240x128xf32, #tpu.memory_space<hbm>> -> memref<1x80x128xf32, #tpu.memory_space<hbm>>
      %dma_start3A_159 = tpu.memref_squeeze %dma_start3A_158 : memref<1x80x128xf32, #tpu.memory_space<hbm>> -> memref<80x128xf32, #tpu.memory_space<hbm>>
      tpu.enqueue_dma source(%arg8 : memref<80x128xf32, #tpu.memory_space<vmem>>) target(%dma_start3A_159 : memref<80x128xf32, #tpu.memory_space<hbm>>) target_semaphore(%run_scoped3A : memref<!tpu.dma_semaphore, #tpu.memory_space<semaphore_mem>>)
      %dma_wait3A_160 = arith.constant 0 : i32
      %dma_wait3A_161 = tpu.memref_slice %arg5[%arg0, %add3A_129, %dma_wait3A_160] : memref<2x10240x128xf32, #tpu.memory_space<hbm>> -> memref<1x80x128xf32, #tpu.memory_space<hbm>>
      %dma_wait3A_162 = tpu.memref_squeeze %dma_wait3A_161 : memref<1x80x128xf32, #tpu.memory_space<hbm>> -> memref<80x128xf32, #tpu.memory_space<hbm>>
      %dma_wait3A_163 = arith.constant 0 : i32
      %dma_wait3A_164 = tpu.memref_slice %arg5[%arg0, %add3A_129, %dma_wait3A_163] : memref<2x10240x128xf32, #tpu.memory_space<hbm>> -> memref<1x80x128xf32, #tpu.memory_space<hbm>>
      %dma_wait3A_165 = tpu.memref_squeeze %dma_wait3A_164 : memref<1x80x128xf32, #tpu.memory_space<hbm>> -> memref<80x128xf32, #tpu.memory_space<hbm>>
      tpu.wait_dma2 semaphore(%run_scoped3A : memref<!tpu.dma_semaphore, #tpu.memory_space<semaphore_mem>>) src(%arg8 : memref<80x128xf32, #tpu.memory_space<vmem>>) dst(%dma_wait3A_165 : memref<80x128xf32, #tpu.memory_space<hbm>>)
      tpu.yield
    }) : () -> ()
    %add3A_130 = arith.constant 160 : i32
    %add3A_131 = arith.addi %mul3A_121, %add3A_130 : i32
    "tpu.region"() ({
      %run_scoped3A = tpu.sem_alloc : memref<!tpu.dma_semaphore, #tpu.memory_space<semaphore_mem>>
      %dma_start3A_154 = arith.constant 0 : i32
      %dma_start3A_155 = tpu.memref_slice %arg10[%add3A_131, %dma_start3A_154] : memref<10240x128xf32, #tpu.memory_space<vmem_shared>> -> memref<80x128xf32, #tpu.memory_space<vmem_shared>>
      %dma_start3A_156 = arith.constant 0 : i32
      %dma_start3A_157 = tpu.memref_slice %arg10[%add3A_131, %dma_start3A_156] : memref<10240x128xf32, #tpu.memory_space<vmem_shared>> -> memref<80x128xf32, #tpu.memory_space<vmem_shared>>
      tpu.enqueue_dma source(%dma_start3A_157 : memref<80x128xf32, #tpu.memory_space<vmem_shared>>) target(%arg8 : memref<80x128xf32, #tpu.memory_space<vmem>>) target_semaphore(%run_scoped3A : memref<!tpu.dma_semaphore, #tpu.memory_space<semaphore_mem>>)
      %dma_wait3A_158 = arith.constant 0 : i32
      %dma_wait3A_159 = tpu.memref_slice %arg10[%add3A_131, %dma_wait3A_158] : memref<10240x128xf32, #tpu.memory_space<vmem_shared>> -> memref<80x128xf32, #tpu.memory_space<vmem_shared>>
      %dma_wait3A_160 = arith.constant 0 : i32
      %dma_wait3A_161 = tpu.memref_slice %arg10[%add3A_131, %dma_wait3A_160] : memref<10240x128xf32, #tpu.memory_space<vmem_shared>> -> memref<80x128xf32, #tpu.memory_space<vmem_shared>>
      tpu.wait_dma2 semaphore(%run_scoped3A : memref<!tpu.dma_semaphore, #tpu.memory_space<semaphore_mem>>) src(%dma_wait3A_161 : memref<80x128xf32, #tpu.memory_space<vmem_shared>>) dst(%arg8 : memref<80x128xf32, #tpu.memory_space<vmem>>)
      tpu.yield
    }) : () -> ()
    %add3A_132 = arith.constant 160 : i32
    %add3A_133 = arith.addi %mul3A_121, %add3A_132 : i32
    "tpu.region"() ({
      %run_scoped3A = tpu.sem_alloc : memref<!tpu.dma_semaphore, #tpu.memory_space<semaphore_mem>>
      %dma_start3A_154 = arith.constant 0 : i32
      %dma_start3A_155 = tpu.memref_slice %arg5[%arg0, %add3A_133, %dma_start3A_154] : memref<2x10240x128xf32, #tpu.memory_space<hbm>> -> memref<1x80x128xf32, #tpu.memory_space<hbm>>
      %dma_start3A_156 = tpu.memref_squeeze %dma_start3A_155 : memref<1x80x128xf32, #tpu.memory_space<hbm>> -> memref<80x128xf32, #tpu.memory_space<hbm>>
      %dma_start3A_157 = arith.constant 0 : i32
      %dma_start3A_158 = tpu.memref_slice %arg5[%arg0, %add3A_133, %dma_start3A_157] : memref<2x10240x128xf32, #tpu.memory_space<hbm>> -> memref<1x80x128xf32, #tpu.memory_space<hbm>>
      %dma_start3A_159 = tpu.memref_squeeze %dma_start3A_158 : memref<1x80x128xf32, #tpu.memory_space<hbm>> -> memref<80x128xf32, #tpu.memory_space<hbm>>
      tpu.enqueue_dma source(%arg8 : memref<80x128xf32, #tpu.memory_space<vmem>>) target(%dma_start3A_159 : memref<80x128xf32, #tpu.memory_space<hbm>>) target_semaphore(%run_scoped3A : memref<!tpu.dma_semaphore, #tpu.memory_space<semaphore_mem>>)
      %dma_wait3A_160 = arith.constant 0 : i32
      %dma_wait3A_161 = tpu.memref_slice %arg5[%arg0, %add3A_133, %dma_wait3A_160] : memref<2x10240x128xf32, #tpu.memory_space<hbm>> -> memref<1x80x128xf32, #tpu.memory_space<hbm>>
      %dma_wait3A_162 = tpu.memref_squeeze %dma_wait3A_161 : memref<1x80x128xf32, #tpu.memory_space<hbm>> -> memref<80x128xf32, #tpu.memory_space<hbm>>
      %dma_wait3A_163 = arith.constant 0 : i32
      %dma_wait3A_164 = tpu.memref_slice %arg5[%arg0, %add3A_133, %dma_wait3A_163] : memref<2x10240x128xf32, #tpu.memory_space<hbm>> -> memref<1x80x128xf32, #tpu.memory_space<hbm>>
      %dma_wait3A_165 = tpu.memref_squeeze %dma_wait3A_164 : memref<1x80x128xf32, #tpu.memory_space<hbm>> -> memref<80x128xf32, #tpu.memory_space<hbm>>
      tpu.wait_dma2 semaphore(%run_scoped3A : memref<!tpu.dma_semaphore, #tpu.memory_space<semaphore_mem>>) src(%arg8 : memref<80x128xf32, #tpu.memory_space<vmem>>) dst(%dma_wait3A_165 : memref<80x128xf32, #tpu.memory_space<hbm>>)
      tpu.yield
    }) : () -> ()
    %add3A_134 = arith.constant 240 : i32
    %add3A_135 = arith.addi %mul3A_121, %add3A_134 : i32
    "tpu.region"() ({
      %run_scoped3A = tpu.sem_alloc : memref<!tpu.dma_semaphore, #tpu.memory_space<semaphore_mem>>
      %dma_start3A_154 = arith.constant 0 : i32
      %dma_start3A_155 = tpu.memref_slice %arg10[%add3A_135, %dma_start3A_154] : memref<10240x128xf32, #tpu.memory_space<vmem_shared>> -> memref<80x128xf32, #tpu.memory_space<vmem_shared>>
      %dma_start3A_156 = arith.constant 0 : i32
      %dma_start3A_157 = tpu.memref_slice %arg10[%add3A_135, %dma_start3A_156] : memref<10240x128xf32, #tpu.memory_space<vmem_shared>> -> memref<80x128xf32, #tpu.memory_space<vmem_shared>>
      tpu.enqueue_dma source(%dma_start3A_157 : memref<80x128xf32, #tpu.memory_space<vmem_shared>>) target(%arg8 : memref<80x128xf32, #tpu.memory_space<vmem>>) target_semaphore(%run_scoped3A : memref<!tpu.dma_semaphore, #tpu.memory_space<semaphore_mem>>)
      %dma_wait3A_158 = arith.constant 0 : i32
      %dma_wait3A_159 = tpu.memref_slice %arg10[%add3A_135, %dma_wait3A_158] : memref<10240x128xf32, #tpu.memory_space<vmem_shared>> -> memref<80x128xf32, #tpu.memory_space<vmem_shared>>
      %dma_wait3A_160 = arith.constant 0 : i32
      %dma_wait3A_161 = tpu.memref_slice %arg10[%add3A_135, %dma_wait3A_160] : memref<10240x128xf32, #tpu.memory_space<vmem_shared>> -> memref<80x128xf32, #tpu.memory_space<vmem_shared>>
      tpu.wait_dma2 semaphore(%run_scoped3A : memref<!tpu.dma_semaphore, #tpu.memory_space<semaphore_mem>>) src(%dma_wait3A_161 : memref<80x128xf32, #tpu.memory_space<vmem_shared>>) dst(%arg8 : memref<80x128xf32, #tpu.memory_space<vmem>>)
      tpu.yield
    }) : () -> ()
    %add3A_136 = arith.constant 240 : i32
    %add3A_137 = arith.addi %mul3A_121, %add3A_136 : i32
    "tpu.region"() ({
      %run_scoped3A = tpu.sem_alloc : memref<!tpu.dma_semaphore, #tpu.memory_space<semaphore_mem>>
      %dma_start3A_154 = arith.constant 0 : i32
      %dma_start3A_155 = tpu.memref_slice %arg5[%arg0, %add3A_137, %dma_start3A_154] : memref<2x10240x128xf32, #tpu.memory_space<hbm>> -> memref<1x80x128xf32, #tpu.memory_space<hbm>>
      %dma_start3A_156 = tpu.memref_squeeze %dma_start3A_155 : memref<1x80x128xf32, #tpu.memory_space<hbm>> -> memref<80x128xf32, #tpu.memory_space<hbm>>
      %dma_start3A_157 = arith.constant 0 : i32
      %dma_start3A_158 = tpu.memref_slice %arg5[%arg0, %add3A_137, %dma_start3A_157] : memref<2x10240x128xf32, #tpu.memory_space<hbm>> -> memref<1x80x128xf32, #tpu.memory_space<hbm>>
      %dma_start3A_159 = tpu.memref_squeeze %dma_start3A_158 : memref<1x80x128xf32, #tpu.memory_space<hbm>> -> memref<80x128xf32, #tpu.memory_space<hbm>>
      tpu.enqueue_dma source(%arg8 : memref<80x128xf32, #tpu.memory_space<vmem>>) target(%dma_start3A_159 : memref<80x128xf32, #tpu.memory_space<hbm>>) target_semaphore(%run_scoped3A : memref<!tpu.dma_semaphore, #tpu.memory_space<semaphore_mem>>)
      %dma_wait3A_160 = arith.constant 0 : i32
      %dma_wait3A_161 = tpu.memref_slice %arg5[%arg0, %add3A_137, %dma_wait3A_160] : memref<2x10240x128xf32, #tpu.memory_space<hbm>> -> memref<1x80x128xf32, #tpu.memory_space<hbm>>
      %dma_wait3A_162 = tpu.memref_squeeze %dma_wait3A_161 : memref<1x80x128xf32, #tpu.memory_space<hbm>> -> memref<80x128xf32, #tpu.memory_space<hbm>>
      %dma_wait3A_163 = arith.constant 0 : i32
      %dma_wait3A_164 = tpu.memref_slice %arg5[%arg0, %add3A_137, %dma_wait3A_163] : memref<2x10240x128xf32, #tpu.memory_space<hbm>> -> memref<1x80x128xf32, #tpu.memory_space<hbm>>
      %dma_wait3A_165 = tpu.memref_squeeze %dma_wait3A_164 : memref<1x80x128xf32, #tpu.memory_space<hbm>> -> memref<80x128xf32, #tpu.memory_space<hbm>>
      tpu.wait_dma2 semaphore(%run_scoped3A : memref<!tpu.dma_semaphore, #tpu.memory_space<semaphore_mem>>) src(%arg8 : memref<80x128xf32, #tpu.memory_space<vmem>>) dst(%dma_wait3A_165 : memref<80x128xf32, #tpu.memory_space<hbm>>)
      tpu.yield
    }) : () -> ()
    %add3A_138 = arith.constant 320 : i32
    %add3A_139 = arith.addi %mul3A_121, %add3A_138 : i32
    "tpu.region"() ({
      %run_scoped3A = tpu.sem_alloc : memref<!tpu.dma_semaphore, #tpu.memory_space<semaphore_mem>>
      %dma_start3A_154 = arith.constant 0 : i32
      %dma_start3A_155 = tpu.memref_slice %arg10[%add3A_139, %dma_start3A_154] : memref<10240x128xf32, #tpu.memory_space<vmem_shared>> -> memref<80x128xf32, #tpu.memory_space<vmem_shared>>
      %dma_start3A_156 = arith.constant 0 : i32
      %dma_start3A_157 = tpu.memref_slice %arg10[%add3A_139, %dma_start3A_156] : memref<10240x128xf32, #tpu.memory_space<vmem_shared>> -> memref<80x128xf32, #tpu.memory_space<vmem_shared>>
      tpu.enqueue_dma source(%dma_start3A_157 : memref<80x128xf32, #tpu.memory_space<vmem_shared>>) target(%arg8 : memref<80x128xf32, #tpu.memory_space<vmem>>) target_semaphore(%run_scoped3A : memref<!tpu.dma_semaphore, #tpu.memory_space<semaphore_mem>>)
      %dma_wait3A_158 = arith.constant 0 : i32
      %dma_wait3A_159 = tpu.memref_slice %arg10[%add3A_139, %dma_wait3A_158] : memref<10240x128xf32, #tpu.memory_space<vmem_shared>> -> memref<80x128xf32, #tpu.memory_space<vmem_shared>>
      %dma_wait3A_160 = arith.constant 0 : i32
      %dma_wait3A_161 = tpu.memref_slice %arg10[%add3A_139, %dma_wait3A_160] : memref<10240x128xf32, #tpu.memory_space<vmem_shared>> -> memref<80x128xf32, #tpu.memory_space<vmem_shared>>
      tpu.wait_dma2 semaphore(%run_scoped3A : memref<!tpu.dma_semaphore, #tpu.memory_space<semaphore_mem>>) src(%dma_wait3A_161 : memref<80x128xf32, #tpu.memory_space<vmem_shared>>) dst(%arg8 : memref<80x128xf32, #tpu.memory_space<vmem>>)
      tpu.yield
    }) : () -> ()
    %add3A_140 = arith.constant 320 : i32
    %add3A_141 = arith.addi %mul3A_121, %add3A_140 : i32
    "tpu.region"() ({
      %run_scoped3A = tpu.sem_alloc : memref<!tpu.dma_semaphore, #tpu.memory_space<semaphore_mem>>
      %dma_start3A_154 = arith.constant 0 : i32
      %dma_start3A_155 = tpu.memref_slice %arg5[%arg0, %add3A_141, %dma_start3A_154] : memref<2x10240x128xf32, #tpu.memory_space<hbm>> -> memref<1x80x128xf32, #tpu.memory_space<hbm>>
      %dma_start3A_156 = tpu.memref_squeeze %dma_start3A_155 : memref<1x80x128xf32, #tpu.memory_space<hbm>> -> memref<80x128xf32, #tpu.memory_space<hbm>>
      %dma_start3A_157 = arith.constant 0 : i32
      %dma_start3A_158 = tpu.memref_slice %arg5[%arg0, %add3A_141, %dma_start3A_157] : memref<2x10240x128xf32, #tpu.memory_space<hbm>> -> memref<1x80x128xf32, #tpu.memory_space<hbm>>
      %dma_start3A_159 = tpu.memref_squeeze %dma_start3A_158 : memref<1x80x128xf32, #tpu.memory_space<hbm>> -> memref<80x128xf32, #tpu.memory_space<hbm>>
      tpu.enqueue_dma source(%arg8 : memref<80x128xf32, #tpu.memory_space<vmem>>) target(%dma_start3A_159 : memref<80x128xf32, #tpu.memory_space<hbm>>) target_semaphore(%run_scoped3A : memref<!tpu.dma_semaphore, #tpu.memory_space<semaphore_mem>>)
      %dma_wait3A_160 = arith.constant 0 : i32
      %dma_wait3A_161 = tpu.memref_slice %arg5[%arg0, %add3A_141, %dma_wait3A_160] : memref<2x10240x128xf32, #tpu.memory_space<hbm>> -> memref<1x80x128xf32, #tpu.memory_space<hbm>>
      %dma_wait3A_162 = tpu.memref_squeeze %dma_wait3A_161 : memref<1x80x128xf32, #tpu.memory_space<hbm>> -> memref<80x128xf32, #tpu.memory_space<hbm>>
      %dma_wait3A_163 = arith.constant 0 : i32
      %dma_wait3A_164 = tpu.memref_slice %arg5[%arg0, %add3A_141, %dma_wait3A_163] : memref<2x10240x128xf32, #tpu.memory_space<hbm>> -> memref<1x80x128xf32, #tpu.memory_space<hbm>>
      %dma_wait3A_165 = tpu.memref_squeeze %dma_wait3A_164 : memref<1x80x128xf32, #tpu.memory_space<hbm>> -> memref<80x128xf32, #tpu.memory_space<hbm>>
      tpu.wait_dma2 semaphore(%run_scoped3A : memref<!tpu.dma_semaphore, #tpu.memory_space<semaphore_mem>>) src(%arg8 : memref<80x128xf32, #tpu.memory_space<vmem>>) dst(%dma_wait3A_165 : memref<80x128xf32, #tpu.memory_space<hbm>>)
      tpu.yield
    }) : () -> ()
    %add3A_142 = arith.constant 400 : i32
    %add3A_143 = arith.addi %mul3A_121, %add3A_142 : i32
    "tpu.region"() ({
      %run_scoped3A = tpu.sem_alloc : memref<!tpu.dma_semaphore, #tpu.memory_space<semaphore_mem>>
      %dma_start3A_154 = arith.constant 0 : i32
      %dma_start3A_155 = tpu.memref_slice %arg10[%add3A_143, %dma_start3A_154] : memref<10240x128xf32, #tpu.memory_space<vmem_shared>> -> memref<80x128xf32, #tpu.memory_space<vmem_shared>>
      %dma_start3A_156 = arith.constant 0 : i32
      %dma_start3A_157 = tpu.memref_slice %arg10[%add3A_143, %dma_start3A_156] : memref<10240x128xf32, #tpu.memory_space<vmem_shared>> -> memref<80x128xf32, #tpu.memory_space<vmem_shared>>
      tpu.enqueue_dma source(%dma_start3A_157 : memref<80x128xf32, #tpu.memory_space<vmem_shared>>) target(%arg8 : memref<80x128xf32, #tpu.memory_space<vmem>>) target_semaphore(%run_scoped3A : memref<!tpu.dma_semaphore, #tpu.memory_space<semaphore_mem>>)
      %dma_wait3A_158 = arith.constant 0 : i32
      %dma_wait3A_159 = tpu.memref_slice %arg10[%add3A_143, %dma_wait3A_158] : memref<10240x128xf32, #tpu.memory_space<vmem_shared>> -> memref<80x128xf32, #tpu.memory_space<vmem_shared>>
      %dma_wait3A_160 = arith.constant 0 : i32
      %dma_wait3A_161 = tpu.memref_slice %arg10[%add3A_143, %dma_wait3A_160] : memref<10240x128xf32, #tpu.memory_space<vmem_shared>> -> memref<80x128xf32, #tpu.memory_space<vmem_shared>>
      tpu.wait_dma2 semaphore(%run_scoped3A : memref<!tpu.dma_semaphore, #tpu.memory_space<semaphore_mem>>) src(%dma_wait3A_161 : memref<80x128xf32, #tpu.memory_space<vmem_shared>>) dst(%arg8 : memref<80x128xf32, #tpu.memory_space<vmem>>)
      tpu.yield
    }) : () -> ()
    %add3A_144 = arith.constant 400 : i32
    %add3A_145 = arith.addi %mul3A_121, %add3A_144 : i32
    "tpu.region"() ({
      %run_scoped3A = tpu.sem_alloc : memref<!tpu.dma_semaphore, #tpu.memory_space<semaphore_mem>>
      %dma_start3A_154 = arith.constant 0 : i32
      %dma_start3A_155 = tpu.memref_slice %arg5[%arg0, %add3A_145, %dma_start3A_154] : memref<2x10240x128xf32, #tpu.memory_space<hbm>> -> memref<1x80x128xf32, #tpu.memory_space<hbm>>
      %dma_start3A_156 = tpu.memref_squeeze %dma_start3A_155 : memref<1x80x128xf32, #tpu.memory_space<hbm>> -> memref<80x128xf32, #tpu.memory_space<hbm>>
      %dma_start3A_157 = arith.constant 0 : i32
      %dma_start3A_158 = tpu.memref_slice %arg5[%arg0, %add3A_145, %dma_start3A_157] : memref<2x10240x128xf32, #tpu.memory_space<hbm>> -> memref<1x80x128xf32, #tpu.memory_space<hbm>>
      %dma_start3A_159 = tpu.memref_squeeze %dma_start3A_158 : memref<1x80x128xf32, #tpu.memory_space<hbm>> -> memref<80x128xf32, #tpu.memory_space<hbm>>
      tpu.enqueue_dma source(%arg8 : memref<80x128xf32, #tpu.memory_space<vmem>>) target(%dma_start3A_159 : memref<80x128xf32, #tpu.memory_space<hbm>>) target_semaphore(%run_scoped3A : memref<!tpu.dma_semaphore, #tpu.memory_space<semaphore_mem>>)
      %dma_wait3A_160 = arith.constant 0 : i32
      %dma_wait3A_161 = tpu.memref_slice %arg5[%arg0, %add3A_145, %dma_wait3A_160] : memref<2x10240x128xf32, #tpu.memory_space<hbm>> -> memref<1x80x128xf32, #tpu.memory_space<hbm>>
      %dma_wait3A_162 = tpu.memref_squeeze %dma_wait3A_161 : memref<1x80x128xf32, #tpu.memory_space<hbm>> -> memref<80x128xf32, #tpu.memory_space<hbm>>
      %dma_wait3A_163 = arith.constant 0 : i32
      %dma_wait3A_164 = tpu.memref_slice %arg5[%arg0, %add3A_145, %dma_wait3A_163] : memref<2x10240x128xf32, #tpu.memory_space<hbm>> -> memref<1x80x128xf32, #tpu.memory_space<hbm>>
      %dma_wait3A_165 = tpu.memref_squeeze %dma_wait3A_164 : memref<1x80x128xf32, #tpu.memory_space<hbm>> -> memref<80x128xf32, #tpu.memory_space<hbm>>
      tpu.wait_dma2 semaphore(%run_scoped3A : memref<!tpu.dma_semaphore, #tpu.memory_space<semaphore_mem>>) src(%arg8 : memref<80x128xf32, #tpu.memory_space<vmem>>) dst(%dma_wait3A_165 : memref<80x128xf32, #tpu.memory_space<hbm>>)
      tpu.yield
    }) : () -> ()
    %add3A_146 = arith.constant 480 : i32
    %add3A_147 = arith.addi %mul3A_121, %add3A_146 : i32
    "tpu.region"() ({
      %run_scoped3A = tpu.sem_alloc : memref<!tpu.dma_semaphore, #tpu.memory_space<semaphore_mem>>
      %dma_start3A_154 = arith.constant 0 : i32
      %dma_start3A_155 = tpu.memref_slice %arg10[%add3A_147, %dma_start3A_154] : memref<10240x128xf32, #tpu.memory_space<vmem_shared>> -> memref<80x128xf32, #tpu.memory_space<vmem_shared>>
      %dma_start3A_156 = arith.constant 0 : i32
      %dma_start3A_157 = tpu.memref_slice %arg10[%add3A_147, %dma_start3A_156] : memref<10240x128xf32, #tpu.memory_space<vmem_shared>> -> memref<80x128xf32, #tpu.memory_space<vmem_shared>>
      tpu.enqueue_dma source(%dma_start3A_157 : memref<80x128xf32, #tpu.memory_space<vmem_shared>>) target(%arg8 : memref<80x128xf32, #tpu.memory_space<vmem>>) target_semaphore(%run_scoped3A : memref<!tpu.dma_semaphore, #tpu.memory_space<semaphore_mem>>)
      %dma_wait3A_158 = arith.constant 0 : i32
      %dma_wait3A_159 = tpu.memref_slice %arg10[%add3A_147, %dma_wait3A_158] : memref<10240x128xf32, #tpu.memory_space<vmem_shared>> -> memref<80x128xf32, #tpu.memory_space<vmem_shared>>
      %dma_wait3A_160 = arith.constant 0 : i32
      %dma_wait3A_161 = tpu.memref_slice %arg10[%add3A_147, %dma_wait3A_160] : memref<10240x128xf32, #tpu.memory_space<vmem_shared>> -> memref<80x128xf32, #tpu.memory_space<vmem_shared>>
      tpu.wait_dma2 semaphore(%run_scoped3A : memref<!tpu.dma_semaphore, #tpu.memory_space<semaphore_mem>>) src(%dma_wait3A_161 : memref<80x128xf32, #tpu.memory_space<vmem_shared>>) dst(%arg8 : memref<80x128xf32, #tpu.memory_space<vmem>>)
      tpu.yield
    }) : () -> ()
    %add3A_148 = arith.constant 480 : i32
    %add3A_149 = arith.addi %mul3A_121, %add3A_148 : i32
    "tpu.region"() ({
      %run_scoped3A = tpu.sem_alloc : memref<!tpu.dma_semaphore, #tpu.memory_space<semaphore_mem>>
      %dma_start3A_154 = arith.constant 0 : i32
      %dma_start3A_155 = tpu.memref_slice %arg5[%arg0, %add3A_149, %dma_start3A_154] : memref<2x10240x128xf32, #tpu.memory_space<hbm>> -> memref<1x80x128xf32, #tpu.memory_space<hbm>>
      %dma_start3A_156 = tpu.memref_squeeze %dma_start3A_155 : memref<1x80x128xf32, #tpu.memory_space<hbm>> -> memref<80x128xf32, #tpu.memory_space<hbm>>
      %dma_start3A_157 = arith.constant 0 : i32
      %dma_start3A_158 = tpu.memref_slice %arg5[%arg0, %add3A_149, %dma_start3A_157] : memref<2x10240x128xf32, #tpu.memory_space<hbm>> -> memref<1x80x128xf32, #tpu.memory_space<hbm>>
      %dma_start3A_159 = tpu.memref_squeeze %dma_start3A_158 : memref<1x80x128xf32, #tpu.memory_space<hbm>> -> memref<80x128xf32, #tpu.memory_space<hbm>>
      tpu.enqueue_dma source(%arg8 : memref<80x128xf32, #tpu.memory_space<vmem>>) target(%dma_start3A_159 : memref<80x128xf32, #tpu.memory_space<hbm>>) target_semaphore(%run_scoped3A : memref<!tpu.dma_semaphore, #tpu.memory_space<semaphore_mem>>)
      %dma_wait3A_160 = arith.constant 0 : i32
      %dma_wait3A_161 = tpu.memref_slice %arg5[%arg0, %add3A_149, %dma_wait3A_160] : memref<2x10240x128xf32, #tpu.memory_space<hbm>> -> memref<1x80x128xf32, #tpu.memory_space<hbm>>
      %dma_wait3A_162 = tpu.memref_squeeze %dma_wait3A_161 : memref<1x80x128xf32, #tpu.memory_space<hbm>> -> memref<80x128xf32, #tpu.memory_space<hbm>>
      %dma_wait3A_163 = arith.constant 0 : i32
      %dma_wait3A_164 = tpu.memref_slice %arg5[%arg0, %add3A_149, %dma_wait3A_163] : memref<2x10240x128xf32, #tpu.memory_space<hbm>> -> memref<1x80x128xf32, #tpu.memory_space<hbm>>
      %dma_wait3A_165 = tpu.memref_squeeze %dma_wait3A_164 : memref<1x80x128xf32, #tpu.memory_space<hbm>> -> memref<80x128xf32, #tpu.memory_space<hbm>>
      tpu.wait_dma2 semaphore(%run_scoped3A : memref<!tpu.dma_semaphore, #tpu.memory_space<semaphore_mem>>) src(%arg8 : memref<80x128xf32, #tpu.memory_space<vmem>>) dst(%dma_wait3A_165 : memref<80x128xf32, #tpu.memory_space<hbm>>)
      tpu.yield
    }) : () -> ()
    %add3A_150 = arith.constant 560 : i32
    %add3A_151 = arith.addi %mul3A_121, %add3A_150 : i32
    "tpu.region"() ({
      %run_scoped3A = tpu.sem_alloc : memref<!tpu.dma_semaphore, #tpu.memory_space<semaphore_mem>>
      %dma_start3A_154 = arith.constant 0 : i32
      %dma_start3A_155 = tpu.memref_slice %arg10[%add3A_151, %dma_start3A_154] : memref<10240x128xf32, #tpu.memory_space<vmem_shared>> -> memref<80x128xf32, #tpu.memory_space<vmem_shared>>
      %dma_start3A_156 = arith.constant 0 : i32
      %dma_start3A_157 = tpu.memref_slice %arg10[%add3A_151, %dma_start3A_156] : memref<10240x128xf32, #tpu.memory_space<vmem_shared>> -> memref<80x128xf32, #tpu.memory_space<vmem_shared>>
      tpu.enqueue_dma source(%dma_start3A_157 : memref<80x128xf32, #tpu.memory_space<vmem_shared>>) target(%arg8 : memref<80x128xf32, #tpu.memory_space<vmem>>) target_semaphore(%run_scoped3A : memref<!tpu.dma_semaphore, #tpu.memory_space<semaphore_mem>>)
      %dma_wait3A_158 = arith.constant 0 : i32
      %dma_wait3A_159 = tpu.memref_slice %arg10[%add3A_151, %dma_wait3A_158] : memref<10240x128xf32, #tpu.memory_space<vmem_shared>> -> memref<80x128xf32, #tpu.memory_space<vmem_shared>>
      %dma_wait3A_160 = arith.constant 0 : i32
      %dma_wait3A_161 = tpu.memref_slice %arg10[%add3A_151, %dma_wait3A_160] : memref<10240x128xf32, #tpu.memory_space<vmem_shared>> -> memref<80x128xf32, #tpu.memory_space<vmem_shared>>
      tpu.wait_dma2 semaphore(%run_scoped3A : memref<!tpu.dma_semaphore, #tpu.memory_space<semaphore_mem>>) src(%dma_wait3A_161 : memref<80x128xf32, #tpu.memory_space<vmem_shared>>) dst(%arg8 : memref<80x128xf32, #tpu.memory_space<vmem>>)
      tpu.yield
    }) : () -> ()
    %add3A_152 = arith.constant 560 : i32
    %add3A_153 = arith.addi %mul3A_121, %add3A_152 : i32
    "tpu.region"() ({
      %run_scoped3A = tpu.sem_alloc : memref<!tpu.dma_semaphore, #tpu.memory_space<semaphore_mem>>
      %dma_start3A_154 = arith.constant 0 : i32
      %dma_start3A_155 = tpu.memref_slice %arg5[%arg0, %add3A_153, %dma_start3A_154] : memref<2x10240x128xf32, #tpu.memory_space<hbm>> -> memref<1x80x128xf32, #tpu.memory_space<hbm>>
      %dma_start3A_156 = tpu.memref_squeeze %dma_start3A_155 : memref<1x80x128xf32, #tpu.memory_space<hbm>> -> memref<80x128xf32, #tpu.memory_space<hbm>>
      %dma_start3A_157 = arith.constant 0 : i32
      %dma_start3A_158 = tpu.memref_slice %arg5[%arg0, %add3A_153, %dma_start3A_157] : memref<2x10240x128xf32, #tpu.memory_space<hbm>> -> memref<1x80x128xf32, #tpu.memory_space<hbm>>
      %dma_start3A_159 = tpu.memref_squeeze %dma_start3A_158 : memref<1x80x128xf32, #tpu.memory_space<hbm>> -> memref<80x128xf32, #tpu.memory_space<hbm>>
      tpu.enqueue_dma source(%arg8 : memref<80x128xf32, #tpu.memory_space<vmem>>) target(%dma_start3A_159 : memref<80x128xf32, #tpu.memory_space<hbm>>) target_semaphore(%run_scoped3A : memref<!tpu.dma_semaphore, #tpu.memory_space<semaphore_mem>>)
      %dma_wait3A_160 = arith.constant 0 : i32
      %dma_wait3A_161 = tpu.memref_slice %arg5[%arg0, %add3A_153, %dma_wait3A_160] : memref<2x10240x128xf32, #tpu.memory_space<hbm>> -> memref<1x80x128xf32, #tpu.memory_space<hbm>>
      %dma_wait3A_162 = tpu.memref_squeeze %dma_wait3A_161 : memref<1x80x128xf32, #tpu.memory_space<hbm>> -> memref<80x128xf32, #tpu.memory_space<hbm>>
      %dma_wait3A_163 = arith.constant 0 : i32
      %dma_wait3A_164 = tpu.memref_slice %arg5[%arg0, %add3A_153, %dma_wait3A_163] : memref<2x10240x128xf32, #tpu.memory_space<hbm>> -> memref<1x80x128xf32, #tpu.memory_space<hbm>>
      %dma_wait3A_165 = tpu.memref_squeeze %dma_wait3A_164 : memref<1x80x128xf32, #tpu.memory_space<hbm>> -> memref<80x128xf32, #tpu.memory_space<hbm>>
      tpu.wait_dma2 semaphore(%run_scoped3A : memref<!tpu.dma_semaphore, #tpu.memory_space<semaphore_mem>>) src(%arg8 : memref<80x128xf32, #tpu.memory_space<vmem>>) dst(%dma_wait3A_165 : memref<80x128xf32, #tpu.memory_space<hbm>>)
      tpu.yield
    }) : () -> ()
    return
  }
}

module attributes {stable_mosaic.version = 14 : i64} {
  func.func @body(%arg0: i32, %arg1: memref<1024x128xf32, #tpu.memory_space<vmem>>, %arg2: memref<128x128xf32, #tpu.memory_space<vmem>>, %arg3: memref<128x128xf32, #tpu.memory_space<vmem>>, %arg4: memref<1024x128xf32, #tpu.memory_space<vmem>>, %arg5: memref<1024x128xf32, #tpu.memory_space<vmem>>) attributes {dimension_semantics = [#tpu.dimension_semantics<arbitrary>], iteration_bounds = array<i64: 10>, scalar_prefetch = 0 : i64, scratch_operands = 0 : i64, tpu.core_type = #tpu.core_type<tc>, window_params = [{transform_indices = @transform_0, window_bounds = array<i64: 1024, 128>}, {pipeline_mode = #tpu.pipeline_mode<synchronous>, transform_indices = @transform_1, window_bounds = array<i64: 128, 128>}, {pipeline_mode = #tpu.pipeline_mode<synchronous>, transform_indices = @transform_2, window_bounds = array<i64: 128, 128>}, {transform_indices = @transform_3, window_bounds = array<i64: 1024, 128>}, {transform_indices = @transform_4, window_bounds = array<i64: 1024, 128>}]} {
    %get3A = arith.constant 0 : index
    %get3A_0 = arith.constant 0 : index
    %get3A_1 = vector.load %arg1[%get3A, %get3A_0] : memref<1024x128xf32, #tpu.memory_space<vmem>>, vector<1024x128xf32>
    %get3A_2 = arith.constant 0 : index
    %get3A_3 = arith.constant 0 : index
    %get3A_4 = vector.load %arg2[%get3A_2, %get3A_3] : memref<128x128xf32, #tpu.memory_space<vmem>>, vector<128x128xf32>
    %dot_general3A = arith.constant dense<0.000000e+00> : vector<1024x128xf32>
    %dot_general3A_5 = tpu.matmul %get3A_1, %get3A_4, %dot_general3A {dimension_numbers = #tpu.dot_dimension_numbers<[1], [0], [0], [1], [0, 0, 1, 1], [], []>, transpose_lhs_hint = false} : vector<1024x128xf32>, vector<128x128xf32>, vector<1024x128xf32> -> vector<1024x128xf32>
    %swap3A = arith.constant 0 : index
    %swap3A_6 = arith.constant 0 : index
    %swap3A_7 = vector.load %arg4[%swap3A, %swap3A_6] : memref<1024x128xf32, #tpu.memory_space<vmem>>, vector<1024x128xf32>
    tpu.vector_store %arg4[%swap3A, %swap3A_6], %dot_general3A_5 {strides = array<i32>} : memref<1024x128xf32, #tpu.memory_space<vmem>>, vector<1024x128xf32>,
    %get3A_8 = arith.constant 0 : index
    %get3A_9 = arith.constant 0 : index
    %get3A_10 = vector.load %arg3[%get3A_8, %get3A_9] : memref<128x128xf32, #tpu.memory_space<vmem>>, vector<128x128xf32>
    %dot_general3A_11 = arith.constant dense<0.000000e+00> : vector<1024x128xf32>
    %dot_general3A_12 = tpu.matmul %get3A_1, %get3A_10, %dot_general3A_11 {dimension_numbers = #tpu.dot_dimension_numbers<[1], [0], [0], [1], [0, 0, 1, 1], [], []>, transpose_lhs_hint = false} : vector<1024x128xf32>, vector<128x128xf32>, vector<1024x128xf32> -> vector<1024x128xf32>
    %swap3A_13 = arith.constant 0 : index
    %swap3A_14 = arith.constant 0 : index
    %swap3A_15 = vector.load %arg5[%swap3A_13, %swap3A_14] : memref<1024x128xf32, #tpu.memory_space<vmem>>, vector<1024x128xf32>
    tpu.vector_store %arg5[%swap3A_13, %swap3A_14], %dot_general3A_12 {strides = array<i32>} : memref<1024x128xf32, #tpu.memory_space<vmem>>, vector<1024x128xf32>,
    return
  }
  func.func @transform_0(%arg0: i32) -> (i32, i32) {
    %c0_i32 = arith.constant 0 : i32
    %c0_i32_0 = arith.constant 0 : i32
    return %arg0, %c0_i32 : i32, i32
  }
  func.func @transform_1(%arg0: i32) -> (i32, i32) {
    %c0_i32 = arith.constant 0 : i32
    %c0_i32_0 = arith.constant 0 : i32
    %c0_i32_1 = arith.constant 0 : i32
    return %c0_i32, %c0_i32_0 : i32, i32
  }
  func.func @transform_2(%arg0: i32) -> (i32, i32) {
    %c0_i32 = arith.constant 0 : i32
    %c0_i32_0 = arith.constant 0 : i32
    %c0_i32_1 = arith.constant 0 : i32
    return %c0_i32, %c0_i32_0 : i32, i32
  }
  func.func @transform_3(%arg0: i32) -> (i32, i32) {
    %c0_i32 = arith.constant 0 : i32
    %c0_i32_0 = arith.constant 0 : i32
    return %arg0, %c0_i32 : i32, i32
  }
  func.func @transform_4(%arg0: i32) -> (i32, i32) {
    %c0_i32 = arith.constant 0 : i32
    %c0_i32_0 = arith.constant 0 : i32
    return %arg0, %c0_i32 : i32, i32
  }
}

module attributes {stable_mosaic.version = 14 : i64} {
  func.func @body(%arg0: i32, %arg1: memref<1024x128xf32, #tpu.memory_space<vmem>>, %arg2: memref<2x1024x128xf32, #tpu.memory_space<vmem>>, %arg3: memref<32x1024xf32, #tpu.memory_space<vmem>>, %arg4: memref<1x128xf32, #tpu.memory_space<vmem>>, %arg5: memref<128x128xf32, #tpu.memory_space<vmem>>, %arg6: memref<128x128xf32, #tpu.memory_space<vmem>>, %arg7: memref<1024x128xf32, #tpu.memory_space<vmem>>, %arg8: memref<1024x128xf32, #tpu.memory_space<vmem>>) attributes {dimension_semantics = [#tpu.dimension_semantics<arbitrary>], iteration_bounds = array<i64: 10>, scalar_prefetch = 0 : i64, scratch_operands = 0 : i64, tpu.core_type = #tpu.core_type<tc>, window_params = [{transform_indices = @transform_0, window_bounds = array<i64: 1024, 128>}, {transform_indices = @transform_1, window_bounds = array<i64: 2, 1024, 128>}, {transform_indices = @transform_2, window_bounds = array<i64: 32, 1024>}, {pipeline_mode = #tpu.pipeline_mode<synchronous>, transform_indices = @transform_3, window_bounds = array<i64: 1, 128>}, {pipeline_mode = #tpu.pipeline_mode<synchronous>, transform_indices = @transform_4, window_bounds = array<i64: 128, 128>}, {pipeline_mode = #tpu.pipeline_mode<synchronous>, transform_indices = @transform_5, window_bounds = array<i64: 128, 128>}, {transform_indices = @transform_6, window_bounds = array<i64: 1024, 128>}, {transform_indices = @transform_7, window_bounds = array<i64: 1024, 128>}]} {
    %get3A = arith.constant 0 : index
    %get3A_0 = arith.constant 0 : index
    %get3A_1 = vector.load %arg3[%get3A, %get3A_0] : memref<32x1024xf32, #tpu.memory_space<vmem>>, vector<32x1024xf32>
    %reduce_sum3A = arith.constant dense<0.000000e+00> : vector<1024xf32>
    %reduce_sum3A_2 = vector.multi_reduction <add>, %get3A_1, %reduce_sum3A [0] : vector<32x1024xf32> to vector<1024xf32>
    %max3A = arith.constant 1.000000e+00 : f32
    %max3A_3 = vector.broadcast %max3A : f32 to vector<1024xf32>
    %max3A_4 = arith.maximumf %reduce_sum3A_2, %max3A_3 : vector<1024xf32>
    %div3A = arith.constant 1.000000e+00 : f32
    %div3A_5 = vector.broadcast %div3A : f32 to vector<1024xf32>
    %div3A_6 = arith.divf %div3A_5, %max3A_4 : vector<1024xf32>
    %get3A_7 = arith.constant 0 : index
    %get3A_8 = arith.constant 0 : index
    %get3A_9 = arith.constant 0 : index
    %get3A_10 = vector.load %arg2[%get3A_7, %get3A_8, %get3A_9] : memref<2x1024x128xf32, #tpu.memory_space<vmem>>, vector<1x1024x128xf32>
    %get3A_11 = vector.shape_cast %get3A_10 : vector<1x1024x128xf32> to vector<1024x128xf32>
    %get3A_12 = arith.constant 1 : index
    %get3A_13 = arith.constant 0 : index
    %get3A_14 = arith.constant 0 : index
    %get3A_15 = vector.load %arg2[%get3A_12, %get3A_13, %get3A_14] : memref<2x1024x128xf32, #tpu.memory_space<vmem>>, vector<1x1024x128xf32>
    %get3A_16 = vector.shape_cast %get3A_15 : vector<1x1024x128xf32> to vector<1024x128xf32>
    %add3A = arith.addf %get3A_11, %get3A_16 : vector<1024x128xf32>
    %get3A_17 = arith.constant 0 : index
    %get3A_18 = arith.constant 0 : index
    %get3A_19 = vector.load %arg1[%get3A_17, %get3A_18] : memref<1024x128xf32, #tpu.memory_space<vmem>>, vector<1024x128xf32>
    %broadcast_in_dim3A = vector.shape_cast %div3A_6 : vector<1024xf32> to vector<1024x1xf32>
    %mul3A = vector.broadcast %broadcast_in_dim3A : vector<1024x1xf32> to vector<1024x128xf32>
    %mul3A_20 = arith.mulf %add3A, %mul3A : vector<1024x128xf32>
    %add3A_21 = arith.addf %get3A_19, %mul3A_20 : vector<1024x128xf32>
    %get3A_22 = arith.constant 0 : index
    %get3A_23 = arith.constant 0 : index
    %get3A_24 = vector.load %arg4[%get3A_22, %get3A_23] : memref<1x128xf32, #tpu.memory_space<vmem>>, vector<1x128xf32>
    %add3A_25 = vector.broadcast %get3A_24 : vector<1x128xf32> to vector<1024x128xf32>
    %add3A_26 = arith.addf %add3A_21, %add3A_25 : vector<1024x128xf32>
    %max3A_27 = arith.constant 0.000000e+00 : f32
    %max3A_28 = vector.broadcast %max3A_27 : f32 to vector<1024x128xf32>
    %max3A_29 = arith.maximumf %add3A_26, %max3A_28 : vector<1024x128xf32>
    %get3A_30 = arith.constant 0 : index
    %get3A_31 = arith.constant 0 : index
    %get3A_32 = vector.load %arg5[%get3A_30, %get3A_31] : memref<128x128xf32, #tpu.memory_space<vmem>>, vector<128x128xf32>
    %dot_general3A = arith.constant dense<0.000000e+00> : vector<1024x128xf32>
    %dot_general3A_33 = tpu.matmul %max3A_29, %get3A_32, %dot_general3A {dimension_numbers = #tpu.dot_dimension_numbers<[1], [0], [0], [1], [0, 0, 1, 1], [], []>, transpose_lhs_hint = false} : vector<1024x128xf32>, vector<128x128xf32>, vector<1024x128xf32> -> vector<1024x128xf32>
    %get3A_34 = arith.constant 0 : index
    %get3A_35 = arith.constant 0 : index
    %get3A_36 = vector.load %arg6[%get3A_34, %get3A_35] : memref<128x128xf32, #tpu.memory_space<vmem>>, vector<128x128xf32>
    %dot_general3A_37 = arith.constant dense<0.000000e+00> : vector<1024x128xf32>
    %dot_general3A_38 = tpu.matmul %max3A_29, %get3A_36, %dot_general3A_37 {dimension_numbers = #tpu.dot_dimension_numbers<[1], [0], [0], [1], [0, 0, 1, 1], [], []>, transpose_lhs_hint = false} : vector<1024x128xf32>, vector<128x128xf32>, vector<1024x128xf32> -> vector<1024x128xf32>
    %swap3A = arith.constant 0 : index
    %swap3A_39 = arith.constant 0 : index
    %swap3A_40 = vector.load %arg7[%swap3A, %swap3A_39] : memref<1024x128xf32, #tpu.memory_space<vmem>>, vector<1024x128xf32>
    tpu.vector_store %arg7[%swap3A, %swap3A_39], %dot_general3A_33 {strides = array<i32>} : memref<1024x128xf32, #tpu.memory_space<vmem>>, vector<1024x128xf32>,
    %swap3A_41 = arith.constant 0 : index
    %swap3A_42 = arith.constant 0 : index
    %swap3A_43 = vector.load %arg8[%swap3A_41, %swap3A_42] : memref<1024x128xf32, #tpu.memory_space<vmem>>, vector<1024x128xf32>
    tpu.vector_store %arg8[%swap3A_41, %swap3A_42], %dot_general3A_38 {strides = array<i32>} : memref<1024x128xf32, #tpu.memory_space<vmem>>, vector<1024x128xf32>,
    return
  }
  func.func @transform_0(%arg0: i32) -> (i32, i32) {
    %c0_i32 = arith.constant 0 : i32
    %c0_i32_0 = arith.constant 0 : i32
    return %arg0, %c0_i32 : i32, i32
  }
  func.func @transform_1(%arg0: i32) -> (i32, i32, i32) {
    %c0_i32 = arith.constant 0 : i32
    %c0_i32_0 = arith.constant 0 : i32
    %c0_i32_1 = arith.constant 0 : i32
    return %c0_i32, %arg0, %c0_i32_0 : i32, i32, i32
  }
  func.func @transform_2(%arg0: i32) -> (i32, i32) {
    %c0_i32 = arith.constant 0 : i32
    %c0_i32_0 = arith.constant 0 : i32
    return %c0_i32, %arg0 : i32, i32
  }
  func.func @transform_3(%arg0: i32) -> (i32, i32) {
    %c0_i32 = arith.constant 0 : i32
    %c0_i32_0 = arith.constant 0 : i32
    %c0_i32_1 = arith.constant 0 : i32
    return %c0_i32, %c0_i32_0 : i32, i32
  }
  func.func @transform_4(%arg0: i32) -> (i32, i32) {
    %c0_i32 = arith.constant 0 : i32
    %c0_i32_0 = arith.constant 0 : i32
    %c0_i32_1 = arith.constant 0 : i32
    return %c0_i32, %c0_i32_0 : i32, i32
  }
  func.func @transform_5(%arg0: i32) -> (i32, i32) {
    %c0_i32 = arith.constant 0 : i32
    %c0_i32_0 = arith.constant 0 : i32
    %c0_i32_1 = arith.constant 0 : i32
    return %c0_i32, %c0_i32_0 : i32, i32
  }
  func.func @transform_6(%arg0: i32) -> (i32, i32) {
    %c0_i32 = arith.constant 0 : i32
    %c0_i32_0 = arith.constant 0 : i32
    return %arg0, %c0_i32 : i32, i32
  }
  func.func @transform_7(%arg0: i32) -> (i32, i32) {
    %c0_i32 = arith.constant 0 : i32
    %c0_i32_0 = arith.constant 0 : i32
    return %arg0, %c0_i32 : i32, i32
  }
}

module attributes {stable_mosaic.version = 14 : i64} {
  func.func @body(%arg0: i32, %arg1: memref<1024x128xf32, #tpu.memory_space<vmem>>, %arg2: memref<2x1024x128xf32, #tpu.memory_space<vmem>>, %arg3: memref<32x1024xf32, #tpu.memory_space<vmem>>, %arg4: memref<1x128xf32, #tpu.memory_space<vmem>>, %arg5: memref<128x128xf32, #tpu.memory_space<vmem>>, %arg6: memref<128x128xf32, #tpu.memory_space<vmem>>, %arg7: memref<512x128xi32, #tpu.memory_space<vmem>>, %arg8: memref<512x128xi32, #tpu.memory_space<vmem>>) attributes {dimension_semantics = [#tpu.dimension_semantics<arbitrary>], iteration_bounds = array<i64: 10>, scalar_prefetch = 0 : i64, scratch_operands = 0 : i64, tpu.core_type = #tpu.core_type<tc>, window_params = [{transform_indices = @transform_0, window_bounds = array<i64: 1024, 128>}, {transform_indices = @transform_1, window_bounds = array<i64: 2, 1024, 128>}, {transform_indices = @transform_2, window_bounds = array<i64: 32, 1024>}, {pipeline_mode = #tpu.pipeline_mode<synchronous>, transform_indices = @transform_3, window_bounds = array<i64: 1, 128>}, {pipeline_mode = #tpu.pipeline_mode<synchronous>, transform_indices = @transform_4, window_bounds = array<i64: 128, 128>}, {pipeline_mode = #tpu.pipeline_mode<synchronous>, transform_indices = @transform_5, window_bounds = array<i64: 128, 128>}, {transform_indices = @transform_6, window_bounds = array<i64: 512, 128>}, {transform_indices = @transform_7, window_bounds = array<i64: 512, 128>}]} {
    %get3A = arith.constant 0 : index
    %get3A_0 = arith.constant 0 : index
    %get3A_1 = vector.load %arg3[%get3A, %get3A_0] : memref<32x1024xf32, #tpu.memory_space<vmem>>, vector<32x1024xf32>
    %reduce_sum3A = arith.constant dense<0.000000e+00> : vector<1024xf32>
    %reduce_sum3A_2 = vector.multi_reduction <add>, %get3A_1, %reduce_sum3A [0] : vector<32x1024xf32> to vector<1024xf32>
    %max3A = arith.constant 1.000000e+00 : f32
    %max3A_3 = vector.broadcast %max3A : f32 to vector<1024xf32>
    %max3A_4 = arith.maximumf %reduce_sum3A_2, %max3A_3 : vector<1024xf32>
    %div3A = arith.constant 1.000000e+00 : f32
    %div3A_5 = vector.broadcast %div3A : f32 to vector<1024xf32>
    %div3A_6 = arith.divf %div3A_5, %max3A_4 : vector<1024xf32>
    %get3A_7 = arith.constant 0 : index
    %get3A_8 = arith.constant 0 : index
    %get3A_9 = arith.constant 0 : index
    %get3A_10 = vector.load %arg2[%get3A_7, %get3A_8, %get3A_9] : memref<2x1024x128xf32, #tpu.memory_space<vmem>>, vector<1x1024x128xf32>
    %get3A_11 = vector.shape_cast %get3A_10 : vector<1x1024x128xf32> to vector<1024x128xf32>
    %get3A_12 = arith.constant 1 : index
    %get3A_13 = arith.constant 0 : index
    %get3A_14 = arith.constant 0 : index
    %get3A_15 = vector.load %arg2[%get3A_12, %get3A_13, %get3A_14] : memref<2x1024x128xf32, #tpu.memory_space<vmem>>, vector<1x1024x128xf32>
    %get3A_16 = vector.shape_cast %get3A_15 : vector<1x1024x128xf32> to vector<1024x128xf32>
    %add3A = arith.addf %get3A_11, %get3A_16 : vector<1024x128xf32>
    %get3A_17 = arith.constant 0 : index
    %get3A_18 = arith.constant 0 : index
    %get3A_19 = vector.load %arg1[%get3A_17, %get3A_18] : memref<1024x128xf32, #tpu.memory_space<vmem>>, vector<1024x128xf32>
    %broadcast_in_dim3A = vector.shape_cast %div3A_6 : vector<1024xf32> to vector<1024x1xf32>
    %mul3A = vector.broadcast %broadcast_in_dim3A : vector<1024x1xf32> to vector<1024x128xf32>
    %mul3A_20 = arith.mulf %add3A, %mul3A : vector<1024x128xf32>
    %add3A_21 = arith.addf %get3A_19, %mul3A_20 : vector<1024x128xf32>
    %get3A_22 = arith.constant 0 : index
    %get3A_23 = arith.constant 0 : index
    %get3A_24 = vector.load %arg4[%get3A_22, %get3A_23] : memref<1x128xf32, #tpu.memory_space<vmem>>, vector<1x128xf32>
    %add3A_25 = vector.broadcast %get3A_24 : vector<1x128xf32> to vector<1024x128xf32>
    %add3A_26 = arith.addf %add3A_21, %add3A_25 : vector<1024x128xf32>
    %get3A_27 = arith.constant 0 : index
    %get3A_28 = arith.constant 0 : index
    %get3A_29 = vector.load %arg5[%get3A_27, %get3A_28] : memref<128x128xf32, #tpu.memory_space<vmem>>, vector<128x128xf32>
    %dot_general3A = arith.constant dense<0.000000e+00> : vector<1024x128xf32>
    %dot_general3A_30 = tpu.matmul %add3A_26, %get3A_29, %dot_general3A {dimension_numbers = #tpu.dot_dimension_numbers<[1], [0], [0], [1], [0, 0, 1, 1], [], []>, transpose_lhs_hint = false} : vector<1024x128xf32>, vector<128x128xf32>, vector<1024x128xf32> -> vector<1024x128xf32>
    %get3A_31 = arith.constant 0 : index
    %get3A_32 = arith.constant 0 : index
    %get3A_33 = vector.load %arg6[%get3A_31, %get3A_32] : memref<128x128xf32, #tpu.memory_space<vmem>>, vector<128x128xf32>
    %dot_general3A_34 = arith.constant dense<0.000000e+00> : vector<1024x128xf32>
    %dot_general3A_35 = tpu.matmul %add3A_26, %get3A_33, %dot_general3A_34 {dimension_numbers = #tpu.dot_dimension_numbers<[1], [0], [0], [1], [0, 0, 1, 1], [], []>, transpose_lhs_hint = false} : vector<1024x128xf32>, vector<128x128xf32>, vector<1024x128xf32> -> vector<1024x128xf32>
    %bitcast_convert_type3A = tpu.bitcast %dot_general3A_30 : vector<1024x128xf32> -> vector<1024x128xi32>
    %add3A_36 = arith.constant 32768 : i32
    %add3A_37 = vector.broadcast %add3A_36 : i32 to vector<1024x128xi32>
    %add3A_38 = arith.addi %bitcast_convert_type3A, %add3A_37 : vector<1024x128xi32>
    %bitcast_convert_type3A_39 = tpu.bitcast %dot_general3A_35 : vector<1024x128xf32> -> vector<1024x128xi32>
    %add3A_40 = arith.constant 32768 : i32
    %add3A_41 = vector.broadcast %add3A_40 : i32 to vector<1024x128xi32>
    %add3A_42 = arith.addi %bitcast_convert_type3A_39, %add3A_41 : vector<1024x128xi32>
    %slice3A = vector.extract_strided_slice %add3A_38 {offsets = [0, 0], sizes = [1024, 64], strides = [1, 1]} : vector<1024x128xi32> to vector<1024x64xi32>
    %shift_right_logical3A = arith.constant 16 : i32
    %shift_right_logical3A_43 = vector.broadcast %shift_right_logical3A : i32 to vector<1024x64xi32>
    %shift_right_logical3A_44 = arith.shrui %slice3A, %shift_right_logical3A_43 : vector<1024x64xi32>
    %slice3A_45 = vector.extract_strided_slice %add3A_38 {offsets = [0, 64], sizes = [1024, 64], strides = [1, 1]} : vector<1024x128xi32> to vector<1024x64xi32>
    %and3A = arith.constant -65536 : i32
    %and3A_46 = vector.broadcast %and3A : i32 to vector<1024x64xi32>
    %and3A_47 = arith.andi %slice3A_45, %and3A_46 : vector<1024x64xi32>
    %or3A = arith.ori %shift_right_logical3A_44, %and3A_47 : vector<1024x64xi32>
    %slice3A_48 = vector.extract_strided_slice %add3A_42 {offsets = [0, 0], sizes = [1024, 64], strides = [1, 1]} : vector<1024x128xi32> to vector<1024x64xi32>
    %shift_right_logical3A_49 = arith.constant 16 : i32
    %shift_right_logical3A_50 = vector.broadcast %shift_right_logical3A_49 : i32 to vector<1024x64xi32>
    %shift_right_logical3A_51 = arith.shrui %slice3A_48, %shift_right_logical3A_50 : vector<1024x64xi32>
    %slice3A_52 = vector.extract_strided_slice %add3A_42 {offsets = [0, 64], sizes = [1024, 64], strides = [1, 1]} : vector<1024x128xi32> to vector<1024x64xi32>
    %and3A_53 = arith.constant -65536 : i32
    %and3A_54 = vector.broadcast %and3A_53 : i32 to vector<1024x64xi32>
    %and3A_55 = arith.andi %slice3A_52, %and3A_54 : vector<1024x64xi32>
    %or3A_56 = arith.ori %shift_right_logical3A_51, %and3A_55 : vector<1024x64xi32>
    %slice3A_57 = vector.extract_strided_slice %or3A {offsets = [0, 0], sizes = [512, 64], strides = [1, 1]} : vector<1024x64xi32> to vector<512x64xi32>
    %slice3A_58 = vector.extract_strided_slice %or3A {offsets = [512, 0], sizes = [512, 64], strides = [1, 1]} : vector<1024x64xi32> to vector<512x64xi32>
    %concatenate3A = tpu.concatenate %slice3A_57, %slice3A_58 in 1 : vector<512x64xi32>, vector<512x64xi32> -> vector<512x128xi32>
    %bitcast_convert_type3A_59 = tpu.bitcast %concatenate3A : vector<512x128xi32> -> vector<512x128xi32>
    %swap3A = arith.constant 0 : index
    %swap3A_60 = arith.constant 0 : index
    %swap3A_61 = vector.load %arg7[%swap3A, %swap3A_60] : memref<512x128xi32, #tpu.memory_space<vmem>>, vector<512x128xi32>
    tpu.vector_store %arg7[%swap3A, %swap3A_60], %bitcast_convert_type3A_59 {strides = array<i32>} : memref<512x128xi32, #tpu.memory_space<vmem>>, vector<512x128xi32>,
    %slice3A_62 = vector.extract_strided_slice %or3A_56 {offsets = [0, 0], sizes = [512, 64], strides = [1, 1]} : vector<1024x64xi32> to vector<512x64xi32>
    %slice3A_63 = vector.extract_strided_slice %or3A_56 {offsets = [512, 0], sizes = [512, 64], strides = [1, 1]} : vector<1024x64xi32> to vector<512x64xi32>
    %concatenate3A_64 = tpu.concatenate %slice3A_62, %slice3A_63 in 1 : vector<512x64xi32>, vector<512x64xi32> -> vector<512x128xi32>
    %bitcast_convert_type3A_65 = tpu.bitcast %concatenate3A_64 : vector<512x128xi32> -> vector<512x128xi32>
    %swap3A_66 = arith.constant 0 : index
    %swap3A_67 = arith.constant 0 : index
    %swap3A_68 = vector.load %arg8[%swap3A_66, %swap3A_67] : memref<512x128xi32, #tpu.memory_space<vmem>>, vector<512x128xi32>
    tpu.vector_store %arg8[%swap3A_66, %swap3A_67], %bitcast_convert_type3A_65 {strides = array<i32>} : memref<512x128xi32, #tpu.memory_space<vmem>>, vector<512x128xi32>,
    return
  }
  func.func @transform_0(%arg0: i32) -> (i32, i32) {
    %c0_i32 = arith.constant 0 : i32
    %c0_i32_0 = arith.constant 0 : i32
    return %arg0, %c0_i32 : i32, i32
  }
  func.func @transform_1(%arg0: i32) -> (i32, i32, i32) {
    %c0_i32 = arith.constant 0 : i32
    %c0_i32_0 = arith.constant 0 : i32
    %c0_i32_1 = arith.constant 0 : i32
    return %c0_i32, %arg0, %c0_i32_0 : i32, i32, i32
  }
  func.func @transform_2(%arg0: i32) -> (i32, i32) {
    %c0_i32 = arith.constant 0 : i32
    %c0_i32_0 = arith.constant 0 : i32
    return %c0_i32, %arg0 : i32, i32
  }
  func.func @transform_3(%arg0: i32) -> (i32, i32) {
    %c0_i32 = arith.constant 0 : i32
    %c0_i32_0 = arith.constant 0 : i32
    %c0_i32_1 = arith.constant 0 : i32
    return %c0_i32, %c0_i32_0 : i32, i32
  }
  func.func @transform_4(%arg0: i32) -> (i32, i32) {
    %c0_i32 = arith.constant 0 : i32
    %c0_i32_0 = arith.constant 0 : i32
    %c0_i32_1 = arith.constant 0 : i32
    return %c0_i32, %c0_i32_0 : i32, i32
  }
  func.func @transform_5(%arg0: i32) -> (i32, i32) {
    %c0_i32 = arith.constant 0 : i32
    %c0_i32_0 = arith.constant 0 : i32
    %c0_i32_1 = arith.constant 0 : i32
    return %c0_i32, %c0_i32_0 : i32, i32
  }
  func.func @transform_6(%arg0: i32) -> (i32, i32) {
    %c0_i32 = arith.constant 0 : i32
    %c0_i32_0 = arith.constant 0 : i32
    return %arg0, %c0_i32 : i32, i32
  }
  func.func @transform_7(%arg0: i32) -> (i32, i32) {
    %c0_i32 = arith.constant 0 : i32
    %c0_i32_0 = arith.constant 0 : i32
    return %arg0, %c0_i32 : i32, i32
  }
}

module attributes {stable_mosaic.version = 14 : i64} {
  func.func @body(%arg0: i32, %arg1: memref<3200x128xi32, #tpu.memory_space<vmem>>, %arg2: memref<3200x32xf32, #tpu.memory_space<vmem>>, %arg3: memref<16x128xf32, #tpu.memory_space<vmem>>, %arg4: memref<1x128xf32, #tpu.memory_space<vmem>>, %arg5: memref<128x64xf32, #tpu.memory_space<vmem>>, %arg6: memref<1x64xf32, #tpu.memory_space<vmem>>, %arg7: memref<64x1xf32, #tpu.memory_space<vmem>>, %arg8: memref<1x1xf32, #tpu.memory_space<vmem>>, %arg9: memref<3200x2xf32, #tpu.memory_space<vmem>>) attributes {dimension_semantics = [#tpu.dimension_semantics<arbitrary>], iteration_bounds = array<i64: 50>, scalar_prefetch = 0 : i64, scratch_operands = 0 : i64, tpu.core_type = #tpu.core_type<tc>, window_params = [{transform_indices = @transform_0, window_bounds = array<i64: 3200, 128>}, {transform_indices = @transform_1, window_bounds = array<i64: 3200, 32>}, {pipeline_mode = #tpu.pipeline_mode<synchronous>, transform_indices = @transform_2, window_bounds = array<i64: 16, 128>}, {pipeline_mode = #tpu.pipeline_mode<synchronous>, transform_indices = @transform_3, window_bounds = array<i64: 1, 128>}, {pipeline_mode = #tpu.pipeline_mode<synchronous>, transform_indices = @transform_4, window_bounds = array<i64: 128, 64>}, {pipeline_mode = #tpu.pipeline_mode<synchronous>, transform_indices = @transform_5, window_bounds = array<i64: 1, 64>}, {pipeline_mode = #tpu.pipeline_mode<synchronous>, transform_indices = @transform_6, window_bounds = array<i64: 64, 1>}, {pipeline_mode = #tpu.pipeline_mode<synchronous>, transform_indices = @transform_7, window_bounds = array<i64: 1, 1>}, {transform_indices = @transform_8, window_bounds = array<i64: 3200, 2>}]} {
    %get3A = arith.constant 0 : index
    %get3A_0 = arith.constant 0 : index
    %get3A_1 = vector.load %arg1[%get3A, %get3A_0] : memref<3200x128xi32, #tpu.memory_space<vmem>>, vector<3200x128xi32>
    %bitcast_convert_type3A = tpu.bitcast %get3A_1 : vector<3200x128xi32> -> vector<3200x128xi32>
    %slice3A = vector.extract_strided_slice %bitcast_convert_type3A {offsets = [0, 0], sizes = [3200, 64], strides = [1, 1]} : vector<3200x128xi32> to vector<3200x64xi32>
    %shift_left3A = arith.constant 16 : i32
    %shift_left3A_2 = vector.broadcast %shift_left3A : i32 to vector<3200x64xi32>
    %shift_left3A_3 = arith.shli %slice3A, %shift_left3A_2 : vector<3200x64xi32>
    %bitcast_convert_type3A_4 = tpu.bitcast %shift_left3A_3 : vector<3200x64xi32> -> vector<3200x64xf32>
    %and3A = arith.constant -65536 : i32
    %and3A_5 = vector.broadcast %and3A : i32 to vector<3200x64xi32>
    %and3A_6 = arith.andi %slice3A, %and3A_5 : vector<3200x64xi32>
    %bitcast_convert_type3A_7 = tpu.bitcast %and3A_6 : vector<3200x64xi32> -> vector<3200x64xf32>
    %concatenate3A = tpu.concatenate %bitcast_convert_type3A_4, %bitcast_convert_type3A_7 in 1 : vector<3200x64xf32>, vector<3200x64xf32> -> vector<3200x128xf32>
    %get3A_8 = arith.constant 0 : index
    %get3A_9 = arith.constant 0 : index
    %get3A_10 = vector.load %arg2[%get3A_8, %get3A_9] : memref<3200x32xf32, #tpu.memory_space<vmem>>, vector<3200x16xf32>
    %get3A_11 = arith.constant 0 : index
    %get3A_12 = arith.constant 0 : index
    %get3A_13 = vector.load %arg3[%get3A_11, %get3A_12] : memref<16x128xf32, #tpu.memory_space<vmem>>, vector<16x128xf32>
    %dot_general3A = arith.constant dense<0.000000e+00> : vector<3200x128xf32>
    %dot_general3A_14 = tpu.matmul %get3A_10, %get3A_13, %dot_general3A {dimension_numbers = #tpu.dot_dimension_numbers<[1], [0], [0], [1], [0, 0, 1, 1], [], []>, transpose_lhs_hint = false} : vector<3200x16xf32>, vector<16x128xf32>, vector<3200x128xf32> -> vector<3200x128xf32>
    %add3A = arith.addf %concatenate3A, %dot_general3A_14 : vector<3200x128xf32>
    %get3A_15 = arith.constant 0 : index
    %get3A_16 = arith.constant 0 : index
    %get3A_17 = vector.load %arg4[%get3A_15, %get3A_16] : memref<1x128xf32, #tpu.memory_space<vmem>>, vector<1x128xf32>
    %add3A_18 = vector.broadcast %get3A_17 : vector<1x128xf32> to vector<3200x128xf32>
    %add3A_19 = arith.addf %add3A, %add3A_18 : vector<3200x128xf32>
    %max3A = arith.constant 0.000000e+00 : f32
    %max3A_20 = vector.broadcast %max3A : f32 to vector<3200x128xf32>
    %max3A_21 = arith.maximumf %add3A_19, %max3A_20 : vector<3200x128xf32>
    %get3A_22 = arith.constant 0 : index
    %get3A_23 = arith.constant 0 : index
    %get3A_24 = vector.load %arg5[%get3A_22, %get3A_23] : memref<128x64xf32, #tpu.memory_space<vmem>>, vector<128x64xf32>
    %dot_general3A_25 = arith.constant dense<0.000000e+00> : vector<3200x64xf32>
    %dot_general3A_26 = tpu.matmul %max3A_21, %get3A_24, %dot_general3A_25 {dimension_numbers = #tpu.dot_dimension_numbers<[1], [0], [0], [1], [0, 0, 1, 1], [], []>, transpose_lhs_hint = false} : vector<3200x128xf32>, vector<128x64xf32>, vector<3200x64xf32> -> vector<3200x64xf32>
    %get3A_27 = arith.constant 0 : index
    %get3A_28 = arith.constant 0 : index
    %get3A_29 = vector.load %arg6[%get3A_27, %get3A_28] : memref<1x64xf32, #tpu.memory_space<vmem>>, vector<1x64xf32>
    %add3A_30 = vector.broadcast %get3A_29 : vector<1x64xf32> to vector<3200x64xf32>
    %add3A_31 = arith.addf %dot_general3A_26, %add3A_30 : vector<3200x64xf32>
    %max3A_32 = arith.constant 0.000000e+00 : f32
    %max3A_33 = vector.broadcast %max3A_32 : f32 to vector<3200x64xf32>
    %max3A_34 = arith.maximumf %add3A_31, %max3A_33 : vector<3200x64xf32>
    %get3A_35 = arith.constant 0 : index
    %get3A_36 = arith.constant 0 : index
    %get3A_37 = vector.load %arg7[%get3A_35, %get3A_36] : memref<64x1xf32, #tpu.memory_space<vmem>>, vector<64x1xf32>
    %dot_general3A_38 = arith.constant dense<0.000000e+00> : vector<3200x1xf32>
    %dot_general3A_39 = tpu.matmul %max3A_34, %get3A_37, %dot_general3A_38 {dimension_numbers = #tpu.dot_dimension_numbers<[1], [0], [0], [1], [0, 0, 1, 1], [], []>, transpose_lhs_hint = false} : vector<3200x64xf32>, vector<64x1xf32>, vector<3200x1xf32> -> vector<3200x1xf32>
    %get3A_40 = arith.constant 0 : index
    %get3A_41 = arith.constant 0 : index
    %get3A_42 = vector.load %arg8[%get3A_40, %get3A_41] : memref<1x1xf32, #tpu.memory_space<vmem>>, vector<1x1xf32>
    %add3A_43 = vector.broadcast %get3A_42 : vector<1x1xf32> to vector<3200x1xf32>
    %add3A_44 = arith.addf %dot_general3A_39, %add3A_43 : vector<3200x1xf32>
    %slice3A_45 = vector.extract_strided_slice %bitcast_convert_type3A {offsets = [0, 64], sizes = [3200, 64], strides = [1, 1]} : vector<3200x128xi32> to vector<3200x64xi32>
    %shift_left3A_46 = arith.constant 16 : i32
    %shift_left3A_47 = vector.broadcast %shift_left3A_46 : i32 to vector<3200x64xi32>
    %shift_left3A_48 = arith.shli %slice3A_45, %shift_left3A_47 : vector<3200x64xi32>
    %bitcast_convert_type3A_49 = tpu.bitcast %shift_left3A_48 : vector<3200x64xi32> -> vector<3200x64xf32>
    %and3A_50 = arith.constant -65536 : i32
    %and3A_51 = vector.broadcast %and3A_50 : i32 to vector<3200x64xi32>
    %and3A_52 = arith.andi %slice3A_45, %and3A_51 : vector<3200x64xi32>
    %bitcast_convert_type3A_53 = tpu.bitcast %and3A_52 : vector<3200x64xi32> -> vector<3200x64xf32>
    %concatenate3A_54 = tpu.concatenate %bitcast_convert_type3A_49, %bitcast_convert_type3A_53 in 1 : vector<3200x64xf32>, vector<3200x64xf32> -> vector<3200x128xf32>
    %get3A_55 = arith.constant 0 : index
    %get3A_56 = arith.constant 16 : index
    %get3A_57 = vector.load %arg2[%get3A_55, %get3A_56] : memref<3200x32xf32, #tpu.memory_space<vmem>>, vector<3200x16xf32>
    %get3A_58 = arith.constant 0 : index
    %get3A_59 = arith.constant 0 : index
    %get3A_60 = vector.load %arg3[%get3A_58, %get3A_59] : memref<16x128xf32, #tpu.memory_space<vmem>>, vector<16x128xf32>
    %dot_general3A_61 = arith.constant dense<0.000000e+00> : vector<3200x128xf32>
    %dot_general3A_62 = tpu.matmul %get3A_57, %get3A_60, %dot_general3A_61 {dimension_numbers = #tpu.dot_dimension_numbers<[1], [0], [0], [1], [0, 0, 1, 1], [], []>, transpose_lhs_hint = false} : vector<3200x16xf32>, vector<16x128xf32>, vector<3200x128xf32> -> vector<3200x128xf32>
    %add3A_63 = arith.addf %concatenate3A_54, %dot_general3A_62 : vector<3200x128xf32>
    %get3A_64 = arith.constant 0 : index
    %get3A_65 = arith.constant 0 : index
    %get3A_66 = vector.load %arg4[%get3A_64, %get3A_65] : memref<1x128xf32, #tpu.memory_space<vmem>>, vector<1x128xf32>
    %add3A_67 = vector.broadcast %get3A_66 : vector<1x128xf32> to vector<3200x128xf32>
    %add3A_68 = arith.addf %add3A_63, %add3A_67 : vector<3200x128xf32>
    %max3A_69 = arith.constant 0.000000e+00 : f32
    %max3A_70 = vector.broadcast %max3A_69 : f32 to vector<3200x128xf32>
    %max3A_71 = arith.maximumf %add3A_68, %max3A_70 : vector<3200x128xf32>
    %get3A_72 = arith.constant 0 : index
    %get3A_73 = arith.constant 0 : index
    %get3A_74 = vector.load %arg5[%get3A_72, %get3A_73] : memref<128x64xf32, #tpu.memory_space<vmem>>, vector<128x64xf32>
    %dot_general3A_75 = arith.constant dense<0.000000e+00> : vector<3200x64xf32>
    %dot_general3A_76 = tpu.matmul %max3A_71, %get3A_74, %dot_general3A_75 {dimension_numbers = #tpu.dot_dimension_numbers<[1], [0], [0], [1], [0, 0, 1, 1], [], []>, transpose_lhs_hint = false} : vector<3200x128xf32>, vector<128x64xf32>, vector<3200x64xf32> -> vector<3200x64xf32>
    %get3A_77 = arith.constant 0 : index
    %get3A_78 = arith.constant 0 : index
    %get3A_79 = vector.load %arg6[%get3A_77, %get3A_78] : memref<1x64xf32, #tpu.memory_space<vmem>>, vector<1x64xf32>
    %add3A_80 = vector.broadcast %get3A_79 : vector<1x64xf32> to vector<3200x64xf32>
    %add3A_81 = arith.addf %dot_general3A_76, %add3A_80 : vector<3200x64xf32>
    %max3A_82 = arith.constant 0.000000e+00 : f32
    %max3A_83 = vector.broadcast %max3A_82 : f32 to vector<3200x64xf32>
    %max3A_84 = arith.maximumf %add3A_81, %max3A_83 : vector<3200x64xf32>
    %get3A_85 = arith.constant 0 : index
    %get3A_86 = arith.constant 0 : index
    %get3A_87 = vector.load %arg7[%get3A_85, %get3A_86] : memref<64x1xf32, #tpu.memory_space<vmem>>, vector<64x1xf32>
    %dot_general3A_88 = arith.constant dense<0.000000e+00> : vector<3200x1xf32>
    %dot_general3A_89 = tpu.matmul %max3A_84, %get3A_87, %dot_general3A_88 {dimension_numbers = #tpu.dot_dimension_numbers<[1], [0], [0], [1], [0, 0, 1, 1], [], []>, transpose_lhs_hint = false} : vector<3200x64xf32>, vector<64x1xf32>, vector<3200x1xf32> -> vector<3200x1xf32>
    %get3A_90 = arith.constant 0 : index
    %get3A_91 = arith.constant 0 : index
    %get3A_92 = vector.load %arg8[%get3A_90, %get3A_91] : memref<1x1xf32, #tpu.memory_space<vmem>>, vector<1x1xf32>
    %add3A_93 = vector.broadcast %get3A_92 : vector<1x1xf32> to vector<3200x1xf32>
    %add3A_94 = arith.addf %dot_general3A_89, %add3A_93 : vector<3200x1xf32>
    %concatenate3A_95 = tpu.concatenate %add3A_44, %add3A_94 in 1 : vector<3200x1xf32>, vector<3200x1xf32> -> vector<3200x2xf32>
    %swap3A = arith.constant 0 : index
    %swap3A_96 = arith.constant 0 : index
    %swap3A_97 = vector.load %arg9[%swap3A, %swap3A_96] : memref<3200x2xf32, #tpu.memory_space<vmem>>, vector<3200x2xf32>
    tpu.vector_store %arg9[%swap3A, %swap3A_96], %concatenate3A_95 {strides = array<i32>} : memref<3200x2xf32, #tpu.memory_space<vmem>>, vector<3200x2xf32>,
    return
  }
  func.func @transform_0(%arg0: i32) -> (i32, i32) {
    %c0_i32 = arith.constant 0 : i32
    %c0_i32_0 = arith.constant 0 : i32
    return %arg0, %c0_i32 : i32, i32
  }
  func.func @transform_1(%arg0: i32) -> (i32, i32) {
    %c0_i32 = arith.constant 0 : i32
    %c0_i32_0 = arith.constant 0 : i32
    return %arg0, %c0_i32 : i32, i32
  }
  func.func @transform_2(%arg0: i32) -> (i32, i32) {
    %c0_i32 = arith.constant 0 : i32
    %c0_i32_0 = arith.constant 0 : i32
    %c0_i32_1 = arith.constant 0 : i32
    return %c0_i32, %c0_i32_0 : i32, i32
  }
  func.func @transform_3(%arg0: i32) -> (i32, i32) {
    %c0_i32 = arith.constant 0 : i32
    %c0_i32_0 = arith.constant 0 : i32
    %c0_i32_1 = arith.constant 0 : i32
    return %c0_i32, %c0_i32_0 : i32, i32
  }
  func.func @transform_4(%arg0: i32) -> (i32, i32) {
    %c0_i32 = arith.constant 0 : i32
    %c0_i32_0 = arith.constant 0 : i32
    %c0_i32_1 = arith.constant 0 : i32
    return %c0_i32, %c0_i32_0 : i32, i32
  }
  func.func @transform_5(%arg0: i32) -> (i32, i32) {
    %c0_i32 = arith.constant 0 : i32
    %c0_i32_0 = arith.constant 0 : i32
    %c0_i32_1 = arith.constant 0 : i32
    return %c0_i32, %c0_i32_0 : i32, i32
  }
  func.func @transform_6(%arg0: i32) -> (i32, i32) {
    %c0_i32 = arith.constant 0 : i32
    %c0_i32_0 = arith.constant 0 : i32
    %c0_i32_1 = arith.constant 0 : i32
    return %c0_i32, %c0_i32_0 : i32, i32
  }
  func.func @transform_7(%arg0: i32) -> (i32, i32) {
    %c0_i32 = arith.constant 0 : i32
    %c0_i32_0 = arith.constant 0 : i32
    %c0_i32_1 = arith.constant 0 : i32
    return %c0_i32, %c0_i32_0 : i32, i32
  }
  func.func @transform_8(%arg0: i32) -> (i32, i32) {
    %c0_i32 = arith.constant 0 : i32
    %c0_i32_0 = arith.constant 0 : i32
    return %arg0, %c0_i32 : i32, i32
  }
}

</mosaic_0001>

<sc_bundles>
// kernel: kernel.12.cloned.1.call-start
scs
__scs_entry_jumppad:
0x0: {  	(pc) =	sbr.rel $0x88, $3  }
0x1: {  	(tag) =	ssettag $0x0;
	lr =	simm.s32 $0x1  }
0x2: {  	[smem:$0x3F92] =	sst lr;
	_ =	strace $0xD0000000  }
0x3: {  	_ = 	snop  }
0x4: {  	_ = 	snop  }
0x5: {  	_ = 	snop  }
0x6: {  	_ = 	snop  }
0x7: {  	_ = 	snop  }
__scs_overlays_trampoline_lowered:
0x8: {  	[smem:$0x3FA1] =	sst s0  }
0x9: {  	[smem:$0x3FA2] =	sst s1  }
0xa: {  	[smem:$0x3FA3] =	sst s2  }
0xb: {  	[smem:$0x3FA4] =	sst s3  }
0xc: {  	[smem:$0x3FA5] =	sst s4  }
0xd: {  	[smem:$0x3FA6] =	sst s5  }
0xe: {  	[smem:$0x3FA7] =	sst s6  }
0xf: {  	[smem:$0x3FA8] =	sst s7  }
0x10: {  	[smem:$0x3FA9] =	sst s8  }
0x11: {  	[smem:$0x3FAA] =	sst s9;
	s0 =	simm.s32 @!p0 $0x0  }
0x12: {  	s1 =	sld [smem:$0x3F90];
	s0 =	simm.s32 @p0 $0x1  }
0x13: {  	[smem:$0x3FAB] =	sst s0;
	s0 =	simm.s32 @!p1 $0x0  }
0x14: {  	s2 =	sld [smem:$0x3F8F];
	s0 =	simm.s32 @p1 $0x1  }
0x15: {  	[smem:$0x3FAC] =	sst s0;
	s0 =	simm.s32 @!p2 $0x0  }
0x16: {  	s3 =	sld [smem:$0x3FDB];
	s0 =	simm.s32 @p2 $0x1  }
0x17: {  	s4 =	simm.s32 $0x1BF5;
	[smem:$0x3FAE] =	sst s0  }
0x18: {  	s0 =	sld [smem:$0x3F91];
	_ =	swait.ge [sflag:s4], $0x0  }
0x19: {  	s7 =	sld [smem:$0x3F92]  }
0x1a: {  	s8 =	sadd.s32 $0xFFFFE003, lr  }
0x1b: {  	s9 =	sadd.s32 $0xFFFFFEF7, lr;
	s5 =	simm.s32 $0xFFFFFFFF;
	p2 =	slt.u32 s8, $0xFFFFF086  }
0x1c: {  	p1 =	slt.u32 s9, $0xF7A;
	s5 =	simm.s32 @!p2 $0x0  }
0x1d: {  	s5 =	simm.s32 @p1 $0x1;
	p0 =	seq.s32 s7, s2  }
0x1e: {  	s7 =	smul.u32 @!p0 $0xF7A, s2;
	p2 =	seq.s32 @!p0 s5, $0x0  }
0x1f: {  	s9 =	smul.u32 $0xF7A, s1;
	s8 =	simm.s32 @!p0 $0x1BF5;
	p2 =	por !p2, p0  }
0x20: {  	[sflag:s8] =	ssyncset.s32 @!p0 $0xFFFFF086;
	s6 =	sadd.s32 @!p0 s3, s7;
	s7 =	simm.s32 @!p0 $0x108  }
0x21: {  	s3 =	sadd.s32 s3, s9;
	s6 =	sadd.s32 @!p0 $0x88, s6;
	s7 =	simm.s32 @p2 $0x1082  }
0x22: {  	[simem:s7], [sflag:s8] =	dma.local @!p0 [hbm:s6], $0xF7A  }
0x23: {  	s9 =	sor.u32 $0xD0000000, s2;
	s6 =	simm.s32 $0x108;
	_ =	swait.ge @!p0 [sflag:s8], $0x0  }
0x24: {  	s3 =	sadd.s32 $0x88, s3;
	s6 =	simm.s32 @!p1 $0x1082;
	[sflag:s4] =	ssyncset.s32 $0xFFFFF086  }
0x25: {  	[simem:s6], [sflag:s4] =	dma.local [hbm:s3], $0xF7A  }
0x26: {  	[smem:$0x3F92] =	sst s1;
	(tag) =	ssettag s2;
	_ =	strace s9  }
0x27: {  	s1 =	sld [smem:$0x3FA2]  }
0x28: {  	s2 =	sld [smem:$0x3FA3]  }
0x29: {  	s4 =	sld [smem:$0x3FA5]  }
0x2a: {  	p0 =	seq.s32 s5, $0x0;
	s5 =	sld [smem:$0x3FA6]  }
0x2b: {  	s6 =	sld [smem:$0x3FA7]  }
0x2c: {  	s7 =	sld [smem:$0x3FA8]  }
0x2d: {  	s3 =	simm.s32 $0x108;
	s8 =	sld [smem:$0x3FA9]  }
0x2e: {  	s3 =	simm.s32 @!p0 $0x1082;
	s9 =	sld [smem:$0x3FAA]  }
0x2f: {  	lr =	sadd.s32 s0, s3;
	s0 =	sld [smem:$0x3FA1]  }
0x30: {  	s3 =	sld [smem:$0x3FA4]  }
0x31: {  	[smem:$0x3FAD] =	sst s10  }
0x32: {  	s10 =	sld [smem:$0x3FAB];
	_ =	sdelay $0x3  }
0x33: {  	p0 =	seq.s32 s10, $0x1;
	s10 =	sld [smem:$0x3FAD];
	_ =	sdelay $0x3  }
0x34: {  	[smem:$0x3FAD] =	sst s10  }
0x35: {  	s10 =	sld [smem:$0x3FAC];
	_ =	sdelay $0x3  }
0x36: {  	p1 =	seq.s32 s10, $0x1;
	s10 =	sld [smem:$0x3FAD];
	_ =	sdelay $0x3  }
0x37: {  	[smem:$0x3FAD] =	sst s10  }
0x38: {  	s10 =	sld [smem:$0x3FAE]  }
0x39: {  	_ = 	snop;
	(pc) =	sbr.ind lr, $3  }
0x3a: {  	_ = 	snop  }
0x3b: {  	_ = 	snop  }
0x3c: {  	p2 =	seq.s32 s10, $0x1;
	s10 =	sld [smem:$0x3FAD]  }
0x3d: {  	_ =	shalt  }
0x3e: {  	_ =	shalt  }
0x3f: {  	_ =	shalt  }
0x40: {  	_ =	shalt  }
0x41: {  	_ =	shalt  }
0x42: {  	_ =	shalt  }
0x43: {  	_ =	shalt  }
0x44: {  	_ =	shalt  }
0x45: {  	_ =	shalt  }
0x46: {  	_ =	shalt  }
0x47: {  	_ =	shalt  }
0x48: {  	_ =	shalt  }
0x49: {  	_ =	shalt  }
0x4a: {  	_ =	shalt  }
0x4b: {  	_ =	shalt  }
0x4c: {  	_ =	shalt  }
0x4d: {  	_ =	shalt  }
0x4e: {  	_ =	shalt  }
0x4f: {  	_ =	shalt  }
0x50: {  	_ =	shalt  }
0x51: {  	_ =	shalt  }
0x52: {  	_ =	shalt  }
0x53: {  	_ =	shalt  }
0x54: {  	_ =	shalt  }
0x55: {  	_ =	shalt  }
0x56: {  	_ =	shalt  }
0x57: {  	_ =	shalt  }
0x58: {  	_ =	shalt  }
0x59: {  	_ =	shalt  }
0x5a: {  	_ =	shalt  }
0x5b: {  	_ =	shalt  }
0x5c: {  	_ =	shalt  }
0x5d: {  	_ =	shalt  }
0x5e: {  	_ =	shalt  }
0x5f: {  	_ =	shalt  }
0x60: {  	_ =	shalt  }
0x61: {  	_ =	shalt  }
0x62: {  	_ =	shalt  }
0x63: {  	_ =	shalt  }
0x64: {  	_ =	shalt  }
0x65: {  	_ =	shalt  }
0x66: {  	_ =	shalt  }
0x67: {  	_ =	shalt  }
0x68: {  	_ =	shalt  }
0x69: {  	_ =	shalt  }
0x6a: {  	_ =	shalt  }
0x6b: {  	_ =	shalt  }
0x6c: {  	_ =	shalt  }
0x6d: {  	_ =	shalt  }
0x6e: {  	_ =	shalt  }
0x6f: {  	_ =	shalt  }
0x70: {  	_ =	shalt  }
0x71: {  	_ =	shalt  }
0x72: {  	_ =	shalt  }
0x73: {  	_ =	shalt  }
0x74: {  	_ =	shalt  }
0x75: {  	_ =	shalt  }
0x76: {  	_ =	shalt  }
0x77: {  	_ =	shalt  }
0x78: {  	_ =	shalt  }
0x79: {  	_ =	shalt  }
0x7a: {  	_ =	shalt  }
0x7b: {  	_ =	shalt  }
0x7c: {  	_ =	shalt  }
0x7d: {  	_ =	shalt  }
0x7e: {  	_ =	shalt  }
0x7f: {  	_ =	shalt  }
0x80: {  	_ =	shalt  }
0x81: {  	_ =	shalt  }
0x82: {  	_ =	shalt  }
0x83: {  	_ =	shalt  }
0x84: {  	_ =	shalt  }
0x85: {  	_ =	shalt  }
0x86: {  	_ =	shalt  }
0x87: {  	_ =	shalt  }
.Lfunc_end0:
.L_simem_size_0:
called_computation.1_lowered:
.L_overlay_start_0:
0x88: {  	s2 =	sld [smem:$0x3FD9]  }
0x89: {  	s3 =	sld [smem:$0x3FFE];
	_ =	sdelay $0x1  }
0x8a: {  	s1 =	srdreg.scid  }
0x8b: {  	s0 =	sand.u32 $0x1, s1  }
0x8c: {  	s16 =	sshll.u32 s0, $0xA;
	s2 =	sadd.s32 s3, s2  }
0x8d: {  	s2 =	sadd.s32 s2, s16  }
0x8e: {  	[smem:$0x3FB9] =	sst s2  }
0x8f: {  	_ = 	snop  }
0x90: {  	(tm) =	ssettm $0x1  }
0x91: {  	s17 =	sld [smem:$0x3FFB];
	_ =	sdelay $0x3  }
0x92: {  	_ =	strace s17  }
0x93: {  	s2 =	sld [smem:$0x3FFC];
	_ =	sdelay $0x3  }
0x94: {  	_ =	strace s2  }
0x95: {  	s2 =	sld [smem:$0x3FFD];
	_ =	sdelay $0x3  }
0x96: {  	_ =	strace s2  }
0x97: {  	_ =	strace $0x8FFFFFFF  }
0x98: {  	s18 =	sld [smem:$0x3FDB];
	_ =	sdelay $0x1  }
0x99: {  	s19 =	simm.s32 $_scs_section_size  }
0x9a: {  	s4 =	simm.s32 $_size__tile_overlayer_lowered;
	s5 =	simm.s32 $_tile_overlayer_lowered  }
0x9b: {  	s22 =	simm.s32 $0x1BFF;
	s21 =	sshll.u32 s5, $0x1;
	s2 =	sadd.s32 s19, s18  }
0x9c: {  	s6 =	simm.s32 $0x0;
	s20 =	sshll.u32 s4, $0x1;
	s4 =	sadd.s32 s21, s2  }
0x9d: {  	[timem:s6], [sflag:s22] =	dma.local [hbm:s4], s20  }
0x9e: {  	_ =	swait.ge [sflag:s22], s20  }
0x9f: {  	s3 =	ssub.s32 $0x0, s20;
	[sflag:s22] =	ssyncset.done $0x0  }
0xa0: {  	[sflag:s22] =	ssyncadd.s32 s3;
	_ =	sdelay $0x1  }
0xa1: {  	s23 =	simm.s32 $0x1B8B  }
0xa2: {  	_ =	swait.ge [sflag:s23], $0x1  }
0xa3: {  	[sflag:s23] =	ssyncset.done $0x0  }
0xa4: {  	s25 =	simm.s32 $0x1B8E;
	s24 =	sld [smem:$0x3FFE];
	[sflag:s23] =	ssyncadd.s32 $0xFFFFFFFF  }
0xa5: {  	s26 =	simm.s32 $execute0_lowered;
	[smem:$0x3FD2] =	sst s25  }
0xa6: {  	s4 =	sshll.u32 s26, $0x1;
	_ =	strace $0x80000049;
	[dreg:$0x1] =	wrdreg $0xFFFFFFFF  }
0xa7: {  	s28 =	simm.s32 $_size_execute0_lowered;
	s2 =	sadd.s32 s2, s4;
	[dreg:$0x0] =	wrdreg $0x0  }
0xa8: {  	s4 =	sshll.u32 s28, $0x1;
	[dreg:$0x2] =	wrdreg s2  }
0xa9: {  	[dreg:$0x3] =	wrdreg s4  }
0xaa: {  	[dreg:$0x4] =	wrdreg $0xC0  }
0xab: {  	_ =	task [dreg:s6], $0x5FFFF  }
0xac: {  	[dreg:$0x1] =	wrdreg $0xFFFFFFFF  }
0xad: {  	[dreg:$0x0] =	wrdreg $0x60  }
0xae: {  	[dreg:$0x2] =	wrdreg s24  }
0xaf: {  	[dreg:$0x3] =	wrdreg $0xB7800  }
0xb0: {  	[dreg:$0x4] =	wrdreg $0x9  }
0xb1: {  	_ =	task.clear_ibuf [dreg:s6], $0x5FFFF;
	_ =	strace $0x90000049  }
0xb2: {  	s29 =	simm.s32 $0x9;
	_ =	strace $0x8000004B  }
0xb3: {  	_ =	swait.ge [sflag:s29], $0x1  }
0xb4: {  	[sflag:s29] =	ssyncadd.s32 $0xFFFFFFFF  }
0xb5: {  	_ =	strace $0x9000004B  }
0xb6: {  	_ =	sfence  }
0xb7: {  	s30 =	sld [smem:$0x0];
	_ =	sdelay $0x2  }
0xb8: {  	s31 =	sshll.u32 s1, $0xD;
	s1 =	sshrl.u32 s1, $0x2  }
0xb9: {  	s3 =	sand.u32 $0x4000, s31;
	s1 =	sadd.s32 s1, s30  }
0xba: {  	s0 =	sor.u32 s3, s0;
	s1 =	sshll.u32 s1, $0x11  }
0xbb: {  	s0 =	sor.u32 s1, s0  }
0xbc: {  	s0 =	sadd.s32 $0x8F2B, s0  }
0xbd: {  	[sflag:s0] =	ssyncadd.remote.s32 $0x1  }
0xbe: {  	_ =	sfence.sel $0xFFFF  }
0xbf: {  	[dreg:$0x0] =	wrdreg $0xFFFFFFFF;
	(pc) =	sbr.abs _section_cstart, $3  }
0xc0: {  	[dreg:$0x1] =	wrdreg $0xFFFFFFFF  }
0xc1: {  	_ =	task.clear_ibuf [dreg:s6], $0x2FFFF;
	_ =	strace $0x9FFFFFFF  }
0xc2: {  	(tm) =	ssettm $0x7FFFFFFF  }
0xc3: {  	_ =	shalt  }
tec
execute0_lowered:
.L_overlay_start_1:
0x0: {  	(tag) =	ssettag $0x1  }
0x1: {  	s0 =	srdreg.scid;
	s1 =	rddreg [dreg:$0x0]  }
0x2: {  	s10 =	stileid.u32;
	s2 =	rddreg [dreg:$0x1]  }
0x3: {  	s28 =	simm.s32 $0x50;
	s29 =	simm.s32 $0x8F80;
	s30 =	simm.s32 $0x1  }
0x4: {  	s31 =	simm.s32 $0x2;
	s0 =	sand.u32 $0x1, s0;
	s8 =	smul.u32 $0x50000, s10  }
0x5: {  	s4 =	sadd.s32 $0x1E200, s1;
	s14 =	smul.u32 $0x14000, s10;
	s3 =	sshll.u32 s0, $0x4  }
0x6: {  	s7 =	ssub.s32 $0x2, s0;
	s0 =	smul.u32 $0x140000, s0;
	s5 =	sor.u32 s10, s3  }
0x7: {  	s3 =	simm.s32 $0x0;
	s9 =	sshrl.u32 s7, $0x1;
	s24 =	sshrl.u32 s8, $0x2  }
0x8: {  	s25 =	sor.u32 $0x2800, s14;
	s26 =	sadd.s32 $0x5000, s14;
	s17 =	sadd.s32 $0x7800, s14  }
0x9: {  	s18 =	sadd.s32 $0xA000, s14;
	s20 =	sadd.s32 $0xC800, s14;
	s21 =	sadd.s32 $0xF000, s14  }
0xa: {  	s22 =	sadd.s32 $0x11800, s14;
	s6 =	smul.u32 $0x4E2, s5;
	[smem:$0x7FF] =	sst s3  }
0xb: {  	s5 =	sshll.u32 s5, $0xB;
	s15 =	ssub.s32 s7, s9;
	s7 =	sadd.s32 s24, s2  }
0xc: {  	s8 =	sadd.s32 s25, s2;
	s9 =	sadd.s32 s26, s2;
	s10 =	sadd.s32 s17, s2  }
0xd: {  	s11 =	sadd.s32 s18, s2;
	s12 =	sadd.s32 s20, s2;
	s13 =	sadd.s32 s21, s2  }
0xe: {  	s16 =	sadd.s32 s14, s0;
	s14 =	sadd.s32 s22, s2;
	s19 =	sadd.s32 s0, s26  }
0xf: {  	s23 =	sadd.s32 s0, s17;
	s24 =	sadd.s32 s0, s18;
	s26 =	sadd.s32 s0, s21  }
0x10: {  	_ =	strace $0x8000004A;
	s5 =	sadd.s32 s5, s1;
	s16 =	sshrl.u32 s16, $0x3  }
0x11: {  	s6 =	sadd.s32 s6, s1;
	s1 =	sadd.s32 $0x46200, s1;
	s5 =	sadd.s32 $0xE200, s5  }
0x12: {  	s6 =	sadd.s32 $0x4400, s6;
	[dreg:$0x4] =	wrdreg s5;
	s5 =	sadd.s32 s0, s25  }
0x13: {  	s16 =	sadd.s32 s1, s16;
	s25 =	sadd.s32 s0, s20;
	[dreg:$0x3] =	wrdreg s6  }
0x14: {  	s0 =	sadd.s32 s0, s22;
	s5 =	sshrl.u32 s5, $0x3;
	[dreg:$0x5] =	wrdreg s16  }
0x15: {  	s6 =	sshrl.u32 s23, $0x3;
	s0 =	sshrl.u32 s0, $0x3;
	s23 =	smax.u32 s15, $0x1  }
0x16: {  	s5 =	sadd.s32 s1, s5;
	s18 =	sadd.s32 s1, s6;
	s6 =	sshrl.u32 s26, $0x3  }
0x17: {  	s22 =	sadd.s32 s1, s0;
	s26 =	simm.s32 $0x6780;
	s0 =	simm.s32 $0x4  }
0x18: {  	[dreg:$0x6] =	wrdreg s5;
	s5 =	sshrl.u32 s19, $0x3;
	s19 =	sshrl.u32 s24, $0x3  }
0x19: {  	s21 =	sadd.s32 s1, s6;
	s24 =	simm.s32 $0x5;
	s5 =	sadd.s32 s1, s5  }
0x1a: {  	s19 =	sadd.s32 s1, s19;
	[dreg:$0x7] =	wrdreg s5;
	s5 =	sshrl.u32 s25, $0x3  }
0x1b: {  	v0 =	vimm.f32 $0.0e+00;
	s25 =	simm.s32 $0x0;
	s20 =	sadd.s32 s1, s5;
	s1 =	simm.s32 $0x3  }
.LBB2_1:
0x1c: {  	s5 =	rddreg [dreg:$0x3]  }
0x1d: {  	[tilespmem:s3], [sflag:$0x5] =	stream.linear.gather [hbm4b:s5+s3], $0x2710, $0x38;
	[tilespmem:$0x1F780] =	vst v63  }
0x1e: {  	_ =	swait.ge [sflag:s24], $0x2710  }
0x1f: {  	[sflag:s24] =	ssyncset.done $0x0  }
0x20: {  	s6 =	simm.s32 $0x2780;
	s17 =	rddreg [dreg:$0x4];
	[sflag:s24] =	ssyncadd.s32 $0xFFFFD8F0  }
0x21: {  	[tilespmem:s6], [sflag:$0x5] =	stream.linear.gather [hbm4b:s17+s3], $0x3E80, $0x38;
	[tilespmem:$0x1F780] =	vst v63  }
0x22: {  	_ =	swait.ge [sflag:s24], $0x3E80  }
0x23: {  	[sflag:s24] =	ssyncset.done $0x0  }
0x24: {  	s5 =	simm.s32 $0x0;
	s6 =	simm.s32 $0x200;
	[sflag:s24] =	ssyncadd.s32 $0xFFFFC180  }
.LBB2_2:
0x25: {  	p0 =	sne.s32 s6, $0x9E00;
	[tilespmem:s5+$0x67F0] =	vst v0  }
0x26: {  	[tilespmem:s5+$0x6780] =	vst v0  }
0x27: {  	[tilespmem:s5+$0x6790] =	vst v0  }
.Ltmp0:
0x28: {  	[tilespmem:s5+$0x67A0] =	vst v0;
	(pc) =	sbr.rel @p0 .LBB2_2-.Ltmp0, $4  }
0x29: {  	[tilespmem:s5+$0x67B0] =	vst v0  }
0x2a: {  	[tilespmem:s5+$0x67C0] =	vst v0  }
0x2b: {  	[tilespmem:s5+$0x67D0] =	vst v0  }
0x2c: {  	[tilespmem:s5+$0x67E0] =	vst v0;
	s5 =	sshra.s32 s6, $0x2;
	s6 =	sadd.s32 $0x200, s6  }
0x2d: {  	[tilespmem:s5+$0x67F0] =	vst v0  }
0x2e: {  	[tilespmem:s5+$0x6780] =	vst v0  }
0x2f: {  	[tilespmem:s5+$0x6790] =	vst v0  }
0x30: {  	[tilespmem:s5+$0x67A0] =	vst v0  }
0x31: {  	[tilespmem:s5+$0x67B0] =	vst v0  }
0x32: {  	[tilespmem:s5+$0x67C0] =	vst v0  }
0x33: {  	[tilespmem:s5+$0x67D0] =	vst v0  }
0x34: {  	[tilespmem:s5+$0x67E0] =	vst v0  }
0x35: {  	[spmem:s7] =	stream.linear.scatter [tilespmem:s26], [sflag:$0x5], $0x2800, $0x38;
	[tilespmem:$0x1F780] =	vst v63  }
0x36: {  	_ =	swait.ge [sflag:s24], $0x2800  }
0x37: {  	[sflag:s24] =	ssyncset.done $0x0  }
0x38: {  	[sflag:s24] =	ssyncadd.s32 $0xFFFFD800  }
0x39: {  	[spmem:s8] =	stream.linear.scatter [tilespmem:s26], [sflag:$0x5], $0x2800, $0x38;
	[tilespmem:$0x1F780] =	vst v63  }
0x3a: {  	_ =	swait.ge [sflag:s24], $0x2800  }
0x3b: {  	[sflag:s24] =	ssyncset.done $0x0  }
0x3c: {  	[sflag:s24] =	ssyncadd.s32 $0xFFFFD800  }
0x3d: {  	[spmem:s9] =	stream.linear.scatter [tilespmem:s26], [sflag:$0x5], $0x2800, $0x38;
	[tilespmem:$0x1F780] =	vst v63  }
0x3e: {  	_ =	swait.ge [sflag:s24], $0x2800  }
0x3f: {  	[sflag:s24] =	ssyncset.done $0x0  }
0x40: {  	[sflag:s24] =	ssyncadd.s32 $0xFFFFD800  }
0x41: {  	[spmem:s10] =	stream.linear.scatter [tilespmem:s26], [sflag:$0x5], $0x2800, $0x38;
	[tilespmem:$0x1F780] =	vst v63  }
0x42: {  	_ =	swait.ge [sflag:s24], $0x2800  }
0x43: {  	[sflag:s24] =	ssyncset.done $0x0  }
0x44: {  	[sflag:s24] =	ssyncadd.s32 $0xFFFFD800  }
0x45: {  	[spmem:s11] =	stream.linear.scatter [tilespmem:s26], [sflag:$0x5], $0x2800, $0x38;
	[tilespmem:$0x1F780] =	vst v63  }
0x46: {  	_ =	swait.ge [sflag:s24], $0x2800  }
0x47: {  	[sflag:s24] =	ssyncset.done $0x0  }
0x48: {  	[sflag:s24] =	ssyncadd.s32 $0xFFFFD800  }
0x49: {  	[spmem:s12] =	stream.linear.scatter [tilespmem:s26], [sflag:$0x5], $0x2800, $0x38;
	[tilespmem:$0x1F780] =	vst v63  }
0x4a: {  	_ =	swait.ge [sflag:s24], $0x2800  }
0x4b: {  	[sflag:s24] =	ssyncset.done $0x0  }
0x4c: {  	[sflag:s24] =	ssyncadd.s32 $0xFFFFD800  }
0x4d: {  	[spmem:s13] =	stream.linear.scatter [tilespmem:s26], [sflag:$0x5], $0x2800, $0x38;
	[tilespmem:$0x1F780] =	vst v63  }
0x4e: {  	_ =	swait.ge [sflag:s24], $0x2800  }
0x4f: {  	[sflag:s24] =	ssyncset.done $0x0  }
0x50: {  	[sflag:s24] =	ssyncadd.s32 $0xFFFFD800  }
0x51: {  	[spmem:s14] =	stream.linear.scatter [tilespmem:s26], [sflag:$0x5], $0x2800, $0x38;
	[tilespmem:$0x1F780] =	vst v63  }
0x52: {  	_ =	swait.ge [sflag:s24], $0x2800  }
0x53: {  	[sflag:s24] =	ssyncset.done $0x0  }
0x54: {  	[sflag:s24] =	ssyncadd.s32 $0xFFFFD800  }
0x55: {  	s6 =	simm.s32 $0x0;
	[bflag:$0x0] =	sbarrier.arrive $0xFFFF  }
0x56: {  	[tilespmem:s26], [sflag:$0x1] =	stream.indirect.gather [hbm4b:s4+s28], $0x80, s6, s28, $0xb8;
	[tilespmem:$0x1F780] =	vst v63  }
0x57: {  	_ = 	snop  }
0x58: {  	[tilespmem:s29], [sflag:$0x2] =	stream.indirect.gather [hbm4b:s4+s28], $0x80, s28, s28, $0xb8;
	[tilespmem:$0x1F780] =	vst v63  }
0x59: {  	_ =	swait.ge [sflag:s30], $0x2800  }
0x5a: {  	[sflag:s30] =	ssyncset.done $0x0  }
0x5b: {  	s15 =	simm.s32 $0x2780;
	[sflag:s30] =	ssyncadd.s32 $0xFFFFD800  }
0x5c: {  	[spmem:s2] =	stream.indirect.scatter.add.f32 [tilespmem:s26], [sflag:$0x3], $0x80, s15, s28, $0xb8;
	[tilespmem:$0x1F780] =	vst v63  }
0x5d: {  	_ =	swait.ge [sflag:s31], $0x2800  }
0x5e: {  	[sflag:s31] =	ssyncset.done $0x0  }
0x5f: {  	s16 =	simm.s32 $0x2800;
	[sflag:s31] =	ssyncadd.s32 $0xFFFFD800  }
0x60: {  	[spmem:s2] =	stream.indirect.scatter.add.f32 [tilespmem:s29], [sflag:$0x4], $0x80, s16, s28, $0xb8;
	[tilespmem:$0x1F780] =	vst v63  }
0x61: {  	_ =	swait.ge [sflag:s1], $0x2800  }
0x62: {  	[sflag:s1] =	ssyncset.done $0x0  }
0x63: {  	s17 =	simm.s32 $0xA0;
	[sflag:s1] =	ssyncadd.s32 $0xFFFFD800  }
0x64: {  	[tilespmem:s26], [sflag:$0x1] =	stream.indirect.gather [hbm4b:s4+s28], $0x80, s17, s28, $0xb8;
	[tilespmem:$0x1F780] =	vst v63  }
0x65: {  	_ =	swait.ge [sflag:s0], $0x2800  }
0x66: {  	s5 =	simm.s32 $0xF0;
	[sflag:s0] =	ssyncset.done $0x0  }
0x67: {  	s6 =	simm.s32 $0x400;
	s15 =	simm.s32 $0x190;
	[sflag:s0] =	ssyncadd.s32 $0xFFFFD800  }
.LBB2_4:
0x68: {  	[tilespmem:s29], [sflag:$0x2] =	stream.indirect.gather [hbm4b:s4+s28], $0x80, s5, s28, $0xb8;
	[tilespmem:$0x1F780] =	vst v63  }
0x69: {  	s16 =	smov.u32 s6;
	s5 =	smov.u32 s15  }
0x6a: {  	p0 =	sne.s32 s6, $0xF000;
	s6 =	sadd.s32 $0x400, s6;
	_ =	swait.ge [sflag:s30], $0x2800  }
0x6b: {  	s16 =	sshra.s32 s16, $0x2;
	[sflag:s30] =	ssyncset.done $0x0  }
0x6c: {  	s17 =	sadd.s32 $0x2780, s16;
	[sflag:s30] =	ssyncadd.s32 $0xFFFFD800  }
0x6d: {  	[spmem:s2] =	stream.indirect.scatter.add.f32 [tilespmem:s26], [sflag:$0x3], $0x80, s17, s28, $0xb8;
	[tilespmem:$0x1F780] =	vst v63  }
0x6e: {  	_ =	swait.ge [sflag:s31], $0x2800  }
0x6f: {  	[sflag:s31] =	ssyncset.done $0x0  }
0x70: {  	s16 =	sadd.s32 $0x2800, s16;
	[sflag:s31] =	ssyncadd.s32 $0xFFFFD800  }
0x71: {  	[spmem:s2] =	stream.indirect.scatter.add.f32 [tilespmem:s29], [sflag:$0x4], $0x80, s16, s28, $0xb8;
	[tilespmem:$0x1F780] =	vst v63  }
0x72: {  	_ =	swait.ge [sflag:s1], $0x2800  }
0x73: {  	[sflag:s1] =	ssyncset.done $0x0  }
.Ltmp1:
0x74: {  	s16 =	sadd.s32 $0xFFFFFFB0, s15;
	[sflag:s1] =	ssyncadd.s32 $0xFFFFD800;
	(pc) =	sbr.rel @p0 .LBB2_4-.Ltmp1, $4  }
0x75: {  	[tilespmem:s26], [sflag:$0x1] =	stream.indirect.gather [hbm4b:s4+s28], $0x80, s16, s28, $0xb8;
	[tilespmem:$0x1F780] =	vst v63  }
0x76: {  	_ =	swait.ge [sflag:s0], $0x2800  }
0x77: {  	[sflag:s0] =	ssyncset.done $0x0  }
0x78: {  	s15 =	sadd.s32 $0xA0, s15;
	[sflag:s0] =	ssyncadd.s32 $0xFFFFD800  }
0x79: {  	[tilespmem:s29], [sflag:$0x2] =	stream.indirect.gather [hbm4b:s4+s28], $0x80, s5, s28, $0xb8;
	[tilespmem:$0x1F780] =	vst v63  }
0x7a: {  	_ =	swait.ge [sflag:s30], $0x2800  }
0x7b: {  	[sflag:s30] =	ssyncset.done $0x0  }
0x7c: {  	s15 =	simm.s32 $0x6480;
	[sflag:s30] =	ssyncadd.s32 $0xFFFFD800  }
0x7d: {  	[spmem:s2] =	stream.indirect.scatter.add.f32 [tilespmem:s26], [sflag:$0x3], $0x80, s15, s28, $0xb8;
	[tilespmem:$0x1F780] =	vst v63  }
0x7e: {  	_ =	swait.ge [sflag:s31], $0x2800  }
0x7f: {  	[sflag:s31] =	ssyncset.done $0x0  }
0x80: {  	s16 =	simm.s32 $0x6500;
	[sflag:s31] =	ssyncadd.s32 $0xFFFFD800  }
0x81: {  	[spmem:s2] =	stream.indirect.scatter.add.f32 [tilespmem:s29], [sflag:$0x4], $0x80, s16, s28, $0xb8;
	[tilespmem:$0x1F780] =	vst v63  }
0x82: {  	_ =	swait.ge [sflag:s1], $0x2800  }
0x83: {  	[sflag:s1] =	ssyncset.done $0x0  }
0x84: {  	s17 =	simm.s32 $0x26C0;
	[sflag:s1] =	ssyncadd.s32 $0xFFFFD800  }
0x85: {  	[tilespmem:s26], [sflag:$0x1] =	stream.indirect.gather [hbm4b:s4+s28], $0x80, s17, s28, $0xb8;
	[tilespmem:$0x1F780] =	vst v63  }
0x86: {  	_ =	swait.ge [sflag:s30], $0x2800  }
0x87: {  	[sflag:s30] =	ssyncset.done $0x0  }
0x88: {  	s6 =	simm.s32 $0x6580;
	[sflag:s30] =	ssyncadd.s32 $0xFFFFD800  }
0x89: {  	[spmem:s2] =	stream.indirect.scatter.add.f32 [tilespmem:s26], [sflag:$0x3], $0x80, s6, s28, $0xb8;
	[tilespmem:$0x1F780] =	vst v63  }
0x8a: {  	_ =	swait.ge [sflag:s0], $0x2800  }
0x8b: {  	[sflag:s0] =	ssyncset.done $0x0  }
0x8c: {  	[sflag:s0] =	ssyncadd.s32 $0xFFFFD800  }
0x8d: {  	_ =	swait.ge [sflag:s1], $0x2800  }
0x8e: {  	[sflag:s1] =	ssyncset.done $0x0  }
0x8f: {  	[sflag:s1] =	ssyncadd.s32 $0xFFFFD800  }
0x90: {  	[bflag:$0x0] =	sbarrier.arrive $0xFFFF  }
0x91: {  	[tilespmem:s26], [sflag:$0x5] =	stream.linear.gather [spmem:s7], $0x2800, $0x38;
	[tilespmem:$0x1F780] =	vst v63  }
0x92: {  	_ =	swait.ge [sflag:s24], $0x2800  }
0x93: {  	[sflag:s24] =	ssyncset.done $0x0  }
0x94: {  	s15 =	rddreg [dreg:$0x5];
	[sflag:s24] =	ssyncadd.s32 $0xFFFFD800  }
0x95: {  	[hbm4b:s15+s3] =	stream.linear.scatter [tilespmem:s26], [sflag:$0x5], $0x2800, $0x38;
	[tilespmem:$0x1F780] =	vst v63  }
0x96: {  	_ =	swait.ge [sflag:s24], $0x2800  }
0x97: {  	[sflag:s24] =	ssyncset.done $0x0  }
0x98: {  	[sflag:s24] =	ssyncadd.s32 $0xFFFFD800  }
0x99: {  	[tilespmem:s26], [sflag:$0x5] =	stream.linear.gather [spmem:s8], $0x2800, $0x38;
	[tilespmem:$0x1F780] =	vst v63  }
0x9a: {  	_ =	swait.ge [sflag:s24], $0x2800  }
0x9b: {  	[sflag:s24] =	ssyncset.done $0x0  }
0x9c: {  	s16 =	rddreg [dreg:$0x6];
	[sflag:s24] =	ssyncadd.s32 $0xFFFFD800  }
0x9d: {  	[hbm4b:s16+s3] =	stream.linear.scatter [tilespmem:s26], [sflag:$0x5], $0x2800, $0x38;
	[tilespmem:$0x1F780] =	vst v63  }
0x9e: {  	_ =	swait.ge [sflag:s24], $0x2800  }
0x9f: {  	[sflag:s24] =	ssyncset.done $0x0  }
0xa0: {  	[sflag:s24] =	ssyncadd.s32 $0xFFFFD800  }
0xa1: {  	[tilespmem:s26], [sflag:$0x5] =	stream.linear.gather [spmem:s9], $0x2800, $0x38;
	[tilespmem:$0x1F780] =	vst v63  }
0xa2: {  	_ =	swait.ge [sflag:s24], $0x2800  }
0xa3: {  	[sflag:s24] =	ssyncset.done $0x0  }
0xa4: {  	s17 =	rddreg [dreg:$0x7];
	[sflag:s24] =	ssyncadd.s32 $0xFFFFD800  }
0xa5: {  	[hbm4b:s17+s3] =	stream.linear.scatter [tilespmem:s26], [sflag:$0x5], $0x2800, $0x38;
	[tilespmem:$0x1F780] =	vst v63  }
0xa6: {  	_ =	swait.ge [sflag:s24], $0x2800  }
0xa7: {  	[sflag:s24] =	ssyncset.done $0x0  }
0xa8: {  	[sflag:s24] =	ssyncadd.s32 $0xFFFFD800  }
0xa9: {  	[tilespmem:s26], [sflag:$0x5] =	stream.linear.gather [spmem:s10], $0x2800, $0x38;
	[tilespmem:$0x1F780] =	vst v63  }
0xaa: {  	_ =	swait.ge [sflag:s24], $0x2800  }
0xab: {  	[sflag:s24] =	ssyncset.done $0x0  }
0xac: {  	[sflag:s24] =	ssyncadd.s32 $0xFFFFD800  }
0xad: {  	[hbm4b:s18+s3] =	stream.linear.scatter [tilespmem:s26], [sflag:$0x5], $0x2800, $0x38;
	[tilespmem:$0x1F780] =	vst v63  }
0xae: {  	_ =	swait.ge [sflag:s24], $0x2800  }
0xaf: {  	[sflag:s24] =	ssyncset.done $0x0  }
0xb0: {  	[sflag:s24] =	ssyncadd.s32 $0xFFFFD800  }
0xb1: {  	[tilespmem:s26], [sflag:$0x5] =	stream.linear.gather [spmem:s11], $0x2800, $0x38;
	[tilespmem:$0x1F780] =	vst v63  }
0xb2: {  	_ =	swait.ge [sflag:s24], $0x2800  }
0xb3: {  	[sflag:s24] =	ssyncset.done $0x0  }
0xb4: {  	[sflag:s24] =	ssyncadd.s32 $0xFFFFD800  }
0xb5: {  	[hbm4b:s19+s3] =	stream.linear.scatter [tilespmem:s26], [sflag:$0x5], $0x2800, $0x38;
	[tilespmem:$0x1F780] =	vst v63  }
0xb6: {  	_ =	swait.ge [sflag:s24], $0x2800  }
0xb7: {  	[sflag:s24] =	ssyncset.done $0x0  }
0xb8: {  	[sflag:s24] =	ssyncadd.s32 $0xFFFFD800  }
0xb9: {  	[tilespmem:s26], [sflag:$0x5] =	stream.linear.gather [spmem:s12], $0x2800, $0x38;
	[tilespmem:$0x1F780] =	vst v63  }
0xba: {  	_ =	swait.ge [sflag:s24], $0x2800  }
0xbb: {  	[sflag:s24] =	ssyncset.done $0x0  }
0xbc: {  	[sflag:s24] =	ssyncadd.s32 $0xFFFFD800  }
0xbd: {  	[hbm4b:s20+s3] =	stream.linear.scatter [tilespmem:s26], [sflag:$0x5], $0x2800, $0x38;
	[tilespmem:$0x1F780] =	vst v63  }
0xbe: {  	_ =	swait.ge [sflag:s24], $0x2800  }
0xbf: {  	[sflag:s24] =	ssyncset.done $0x0  }
0xc0: {  	[sflag:s24] =	ssyncadd.s32 $0xFFFFD800  }
0xc1: {  	[tilespmem:s26], [sflag:$0x5] =	stream.linear.gather [spmem:s13], $0x2800, $0x38;
	[tilespmem:$0x1F780] =	vst v63  }
0xc2: {  	_ =	swait.ge [sflag:s24], $0x2800  }
0xc3: {  	[sflag:s24] =	ssyncset.done $0x0  }
0xc4: {  	[sflag:s24] =	ssyncadd.s32 $0xFFFFD800  }
0xc5: {  	[hbm4b:s21+s3] =	stream.linear.scatter [tilespmem:s26], [sflag:$0x5], $0x2800, $0x38;
	[tilespmem:$0x1F780] =	vst v63  }
0xc6: {  	_ =	swait.ge [sflag:s24], $0x2800  }
0xc7: {  	[sflag:s24] =	ssyncset.done $0x0  }
0xc8: {  	[sflag:s24] =	ssyncadd.s32 $0xFFFFD800  }
0xc9: {  	[tilespmem:s26], [sflag:$0x5] =	stream.linear.gather [spmem:s14], $0x2800, $0x38;
	[tilespmem:$0x1F780] =	vst v63  }
0xca: {  	s25 =	sadd.s32 $0x1, s25;
	_ =	swait.ge [sflag:s24], $0x2800  }
0xcb: {  	p0 =	sne.s32 s25, s23;
	[sflag:s24] =	ssyncset.done $0x0  }
.Ltmp2:
0xcc: {  	[sflag:s24] =	ssyncadd.s32 $0xFFFFD800;
	(pc) =	sbr.rel @p0 .LBB2_1-.Ltmp2, $4  }
0xcd: {  	[hbm4b:s22+s3] =	stream.linear.scatter [tilespmem:s26], [sflag:$0x5], $0x2800, $0x38;
	[tilespmem:$0x1F780] =	vst v63  }
0xce: {  	_ =	swait.ge [sflag:s24], $0x2800  }
0xcf: {  	[sflag:s24] =	ssyncset.done $0x0  }
0xd0: {  	[sflag:s24] =	ssyncadd.s32 $0xFFFFD800  }
0xd1: {  	_ =	sfence.sel $0x180000  }
0xd2: {  	[bflag:$0x0] =	sbarrier.arrive $0xFFFF  }
0xd3: {  	_ =	strace $0x9000004A  }
0xd4: {  	s0 =	stileid.u32;
	[bflag:$0x2] =	sbarrier.arrive $0xFFFF  }
0xd5: {  	p0 =	sne.s32 s0, $0x0;
	s0 =	rddreg [dreg:$0x2]  }
0xd6: {  	s0 =	sadd.s32 @!p0 $0x100000, s0  }
0xd7: {  	[sflag:s0] =	ssyncadd.tile.s32 @!p0 $0x1;
	_ =	shalt  }
.Lfunc_end2:
_tile_overlayer_lowered:
.L_overlay_start_2:
0xd8: {  	(tag) =	ssettag $0x2  }
0xd9: {  	s0 =	rddreg [dreg:$0x0];
	s2 =	stileid.u32  }
0xda: {  	s1 =	rddreg [dreg:$0x1];
	p0 =	sne.s32 s2, $0x0  }
0xdb: {  	s3 =	rddreg [dreg:$0x2];
	[bflag:$0x3] =	sbarrier.arrive $0xFFFF;
	s2 =	simm.s32 @!p0 $0x1C05  }
0xdc: {  	[timem:s3], [sflag:s2] =	dma.local @!p0 [hbm:s0], s1  }
0xdd: {  	s0 =	simm.s32 @!p0 $0x5  }
0xde: {  	_ =	swait.ge @!p0 [sflag:s0], s1  }
0xdf: {  	s1 =	ssub.s32 @!p0 $0x0, s1;
	[sflag:s0] =	ssyncset.done @!p0 $0x0  }
0xe0: {  	[sflag:s0] =	ssyncadd.s32 @!p0 s1  }
0xe1: {  	[bflag:$0x3] =	sbarrier.arrive $0xFFFF  }
0xe2: {  	_ =	shalt  }

// kernel: kernel.15.cloned.1.call-start
scs
__scs_entry_jumppad:
0x0: {  	(pc) =	sbr.rel $0x88, $3  }
0x1: {  	(tag) =	ssettag $0x0;
	lr =	simm.s32 $0x1  }
0x2: {  	[smem:$0x3F92] =	sst lr;
	_ =	strace $0xD0000000  }
0x3: {  	_ = 	snop  }
0x4: {  	_ = 	snop  }
0x5: {  	_ = 	snop  }
0x6: {  	_ = 	snop  }
0x7: {  	_ = 	snop  }
__scs_overlays_trampoline_lowered:
0x8: {  	[smem:$0x3FA1] =	sst s0  }
0x9: {  	[smem:$0x3FA2] =	sst s1  }
0xa: {  	[smem:$0x3FA3] =	sst s2  }
0xb: {  	[smem:$0x3FA4] =	sst s3  }
0xc: {  	[smem:$0x3FA5] =	sst s4  }
0xd: {  	[smem:$0x3FA6] =	sst s5  }
0xe: {  	[smem:$0x3FA7] =	sst s6  }
0xf: {  	[smem:$0x3FA8] =	sst s7  }
0x10: {  	[smem:$0x3FA9] =	sst s8  }
0x11: {  	[smem:$0x3FAA] =	sst s9;
	s0 =	simm.s32 @!p0 $0x0  }
0x12: {  	s1 =	sld [smem:$0x3F90];
	s0 =	simm.s32 @p0 $0x1  }
0x13: {  	[smem:$0x3FAB] =	sst s0;
	s0 =	simm.s32 @!p1 $0x0  }
0x14: {  	s2 =	sld [smem:$0x3F8F];
	s0 =	simm.s32 @p1 $0x1  }
0x15: {  	[smem:$0x3FAC] =	sst s0;
	s0 =	simm.s32 @!p2 $0x0  }
0x16: {  	s3 =	sld [smem:$0x3FDB];
	s0 =	simm.s32 @p2 $0x1  }
0x17: {  	s4 =	simm.s32 $0x1BF5;
	[smem:$0x3FAE] =	sst s0  }
0x18: {  	s0 =	sld [smem:$0x3F91];
	_ =	swait.ge [sflag:s4], $0x0  }
0x19: {  	s7 =	sld [smem:$0x3F92]  }
0x1a: {  	s8 =	sadd.s32 $0xFFFFE003, lr  }
0x1b: {  	s9 =	sadd.s32 $0xFFFFFEF7, lr;
	s5 =	simm.s32 $0xFFFFFFFF;
	p2 =	slt.u32 s8, $0xFFFFF086  }
0x1c: {  	p1 =	slt.u32 s9, $0xF7A;
	s5 =	simm.s32 @!p2 $0x0  }
0x1d: {  	s5 =	simm.s32 @p1 $0x1;
	p0 =	seq.s32 s7, s2  }
0x1e: {  	s7 =	smul.u32 @!p0 $0xF7A, s2;
	p2 =	seq.s32 @!p0 s5, $0x0  }
0x1f: {  	s9 =	smul.u32 $0xF7A, s1;
	s8 =	simm.s32 @!p0 $0x1BF5;
	p2 =	por !p2, p0  }
0x20: {  	[sflag:s8] =	ssyncset.s32 @!p0 $0xFFFFF086;
	s6 =	sadd.s32 @!p0 s3, s7;
	s7 =	simm.s32 @!p0 $0x108  }
0x21: {  	s3 =	sadd.s32 s3, s9;
	s6 =	sadd.s32 @!p0 $0x88, s6;
	s7 =	simm.s32 @p2 $0x1082  }
0x22: {  	[simem:s7], [sflag:s8] =	dma.local @!p0 [hbm:s6], $0xF7A  }
0x23: {  	s9 =	sor.u32 $0xD0000000, s2;
	s6 =	simm.s32 $0x108;
	_ =	swait.ge @!p0 [sflag:s8], $0x0  }
0x24: {  	s3 =	sadd.s32 $0x88, s3;
	s6 =	simm.s32 @!p1 $0x1082;
	[sflag:s4] =	ssyncset.s32 $0xFFFFF086  }
0x25: {  	[simem:s6], [sflag:s4] =	dma.local [hbm:s3], $0xF7A  }
0x26: {  	[smem:$0x3F92] =	sst s1;
	(tag) =	ssettag s2;
	_ =	strace s9  }
0x27: {  	s1 =	sld [smem:$0x3FA2]  }
0x28: {  	s2 =	sld [smem:$0x3FA3]  }
0x29: {  	s4 =	sld [smem:$0x3FA5]  }
0x2a: {  	p0 =	seq.s32 s5, $0x0;
	s5 =	sld [smem:$0x3FA6]  }
0x2b: {  	s6 =	sld [smem:$0x3FA7]  }
0x2c: {  	s7 =	sld [smem:$0x3FA8]  }
0x2d: {  	s3 =	simm.s32 $0x108;
	s8 =	sld [smem:$0x3FA9]  }
0x2e: {  	s3 =	simm.s32 @!p0 $0x1082;
	s9 =	sld [smem:$0x3FAA]  }
0x2f: {  	lr =	sadd.s32 s0, s3;
	s0 =	sld [smem:$0x3FA1]  }
0x30: {  	s3 =	sld [smem:$0x3FA4]  }
0x31: {  	[smem:$0x3FAD] =	sst s10  }
0x32: {  	s10 =	sld [smem:$0x3FAB];
	_ =	sdelay $0x3  }
0x33: {  	p0 =	seq.s32 s10, $0x1;
	s10 =	sld [smem:$0x3FAD];
	_ =	sdelay $0x3  }
0x34: {  	[smem:$0x3FAD] =	sst s10  }
0x35: {  	s10 =	sld [smem:$0x3FAC];
	_ =	sdelay $0x3  }
0x36: {  	p1 =	seq.s32 s10, $0x1;
	s10 =	sld [smem:$0x3FAD];
	_ =	sdelay $0x3  }
0x37: {  	[smem:$0x3FAD] =	sst s10  }
0x38: {  	s10 =	sld [smem:$0x3FAE]  }
0x39: {  	_ = 	snop;
	(pc) =	sbr.ind lr, $3  }
0x3a: {  	_ = 	snop  }
0x3b: {  	_ = 	snop  }
0x3c: {  	p2 =	seq.s32 s10, $0x1;
	s10 =	sld [smem:$0x3FAD]  }
0x3d: {  	_ =	shalt  }
0x3e: {  	_ =	shalt  }
0x3f: {  	_ =	shalt  }
0x40: {  	_ =	shalt  }
0x41: {  	_ =	shalt  }
0x42: {  	_ =	shalt  }
0x43: {  	_ =	shalt  }
0x44: {  	_ =	shalt  }
0x45: {  	_ =	shalt  }
0x46: {  	_ =	shalt  }
0x47: {  	_ =	shalt  }
0x48: {  	_ =	shalt  }
0x49: {  	_ =	shalt  }
0x4a: {  	_ =	shalt  }
0x4b: {  	_ =	shalt  }
0x4c: {  	_ =	shalt  }
0x4d: {  	_ =	shalt  }
0x4e: {  	_ =	shalt  }
0x4f: {  	_ =	shalt  }
0x50: {  	_ =	shalt  }
0x51: {  	_ =	shalt  }
0x52: {  	_ =	shalt  }
0x53: {  	_ =	shalt  }
0x54: {  	_ =	shalt  }
0x55: {  	_ =	shalt  }
0x56: {  	_ =	shalt  }
0x57: {  	_ =	shalt  }
0x58: {  	_ =	shalt  }
0x59: {  	_ =	shalt  }
0x5a: {  	_ =	shalt  }
0x5b: {  	_ =	shalt  }
0x5c: {  	_ =	shalt  }
0x5d: {  	_ =	shalt  }
0x5e: {  	_ =	shalt  }
0x5f: {  	_ =	shalt  }
0x60: {  	_ =	shalt  }
0x61: {  	_ =	shalt  }
0x62: {  	_ =	shalt  }
0x63: {  	_ =	shalt  }
0x64: {  	_ =	shalt  }
0x65: {  	_ =	shalt  }
0x66: {  	_ =	shalt  }
0x67: {  	_ =	shalt  }
0x68: {  	_ =	shalt  }
0x69: {  	_ =	shalt  }
0x6a: {  	_ =	shalt  }
0x6b: {  	_ =	shalt  }
0x6c: {  	_ =	shalt  }
0x6d: {  	_ =	shalt  }
0x6e: {  	_ =	shalt  }
0x6f: {  	_ =	shalt  }
0x70: {  	_ =	shalt  }
0x71: {  	_ =	shalt  }
0x72: {  	_ =	shalt  }
0x73: {  	_ =	shalt  }
0x74: {  	_ =	shalt  }
0x75: {  	_ =	shalt  }
0x76: {  	_ =	shalt  }
0x77: {  	_ =	shalt  }
0x78: {  	_ =	shalt  }
0x79: {  	_ =	shalt  }
0x7a: {  	_ =	shalt  }
0x7b: {  	_ =	shalt  }
0x7c: {  	_ =	shalt  }
0x7d: {  	_ =	shalt  }
0x7e: {  	_ =	shalt  }
0x7f: {  	_ =	shalt  }
0x80: {  	_ =	shalt  }
0x81: {  	_ =	shalt  }
0x82: {  	_ =	shalt  }
0x83: {  	_ =	shalt  }
0x84: {  	_ =	shalt  }
0x85: {  	_ =	shalt  }
0x86: {  	_ =	shalt  }
0x87: {  	_ =	shalt  }
.Lfunc_end0:
.L_simem_size_0:
called_computation.2_lowered:
.L_overlay_start_0:
0x88: {  	s2 =	sld [smem:$0x3FD9]  }
0x89: {  	s3 =	sld [smem:$0x3FFE];
	_ =	sdelay $0x1  }
0x8a: {  	s1 =	srdreg.scid  }
0x8b: {  	s0 =	sand.u32 $0x1, s1  }
0x8c: {  	s17 =	sshll.u32 s0, $0xA;
	s2 =	sadd.s32 s3, s2  }
0x8d: {  	s2 =	sadd.s32 s2, s17  }
0x8e: {  	[smem:$0x3FB9] =	sst s2  }
0x8f: {  	_ = 	snop  }
0x90: {  	s2 =	sld [smem:$0x3FD0];
	(tm) =	ssettm $0x1  }
0x91: {  	s18 =	sld [smem:$0x3FFB];
	_ =	sdelay $0x3  }
0x92: {  	_ =	strace s18  }
0x93: {  	s3 =	sld [smem:$0x3FFC];
	_ =	sdelay $0x3  }
0x94: {  	_ =	strace s3  }
0x95: {  	s3 =	sld [smem:$0x3FFD];
	_ =	sdelay $0x3  }
0x96: {  	_ =	strace s3  }
0x97: {  	_ =	strace $0x8FFFFFFF  }
0x98: {  	s19 =	sld [smem:$0x3FDB];
	_ =	sdelay $0x1  }
0x99: {  	s4 =	simm.s32 $_scs_section_size  }
0x9a: {  	s5 =	simm.s32 $_size__tile_overlayer_lowered;
	s6 =	simm.s32 $_tile_overlayer_lowered  }
0x9b: {  	s22 =	simm.s32 $0x1BFF;
	s21 =	sshll.u32 s6, $0x1;
	s3 =	sadd.s32 s4, s19  }
0x9c: {  	s7 =	simm.s32 $0x0;
	s20 =	sshll.u32 s5, $0x1;
	s5 =	sadd.s32 s21, s3  }
0x9d: {  	[timem:s7], [sflag:s22] =	dma.local [hbm:s5], s20  }
0x9e: {  	_ =	swait.ge [sflag:s22], s20  }
0x9f: {  	s4 =	ssub.s32 $0x0, s20;
	[sflag:s22] =	ssyncset.done $0x0  }
0xa0: {  	[sflag:s22] =	ssyncadd.s32 s4;
	_ =	sdelay $0x1  }
0xa1: {  	s23 =	simm.s32 $0x1B8B  }
0xa2: {  	_ =	swait.ge [sflag:s23], $0x1  }
0xa3: {  	[sflag:s23] =	ssyncset.done $0x0  }
0xa4: {  	s25 =	simm.s32 $0x1B8E;
	s24 =	sld [smem:$0x3FFE];
	[sflag:s23] =	ssyncadd.s32 $0xFFFFFFFF  }
0xa5: {  	s26 =	simm.s32 $execute0_lowered;
	[smem:$0x3FD2] =	sst s25  }
0xa6: {  	s5 =	sshll.u32 s26, $0x1;
	_ =	strace $0x8000004C;
	[dreg:$0x1] =	wrdreg $0xFFFFFFFF  }
0xa7: {  	s28 =	simm.s32 $_size_execute0_lowered;
	s3 =	sadd.s32 s3, s5;
	[dreg:$0x0] =	wrdreg $0x0  }
0xa8: {  	s5 =	sshll.u32 s28, $0x1;
	[dreg:$0x2] =	wrdreg s3  }
0xa9: {  	[dreg:$0x3] =	wrdreg s5  }
0xaa: {  	[dreg:$0x4] =	wrdreg $0xC0  }
0xab: {  	_ =	task [dreg:s7], $0x5FFFF  }
0xac: {  	[dreg:$0x1] =	wrdreg $0xFFFFFFFF  }
0xad: {  	[dreg:$0x0] =	wrdreg $0x60  }
0xae: {  	[dreg:$0x2] =	wrdreg s24  }
0xaf: {  	[dreg:$0x3] =	wrdreg s2  }
0xb0: {  	[dreg:$0x4] =	wrdreg $0x9  }
0xb1: {  	_ =	task.clear_ibuf [dreg:s7], $0x5FFFF;
	_ =	strace $0x9000004C  }
0xb2: {  	s29 =	simm.s32 $0x9;
	_ =	strace $0x8000004E  }
0xb3: {  	_ =	swait.ge [sflag:s29], $0x1  }
0xb4: {  	[sflag:s29] =	ssyncadd.s32 $0xFFFFFFFF  }
0xb5: {  	_ =	strace $0x9000004E  }
0xb6: {  	_ =	sfence  }
0xb7: {  	s30 =	sld [smem:$0x0];
	_ =	sdelay $0x2  }
0xb8: {  	s31 =	sshll.u32 s1, $0xD;
	s1 =	sshrl.u32 s1, $0x2  }
0xb9: {  	s3 =	sand.u32 $0x4000, s31;
	s1 =	sadd.s32 s1, s30  }
0xba: {  	s0 =	sor.u32 s3, s0;
	s1 =	sshll.u32 s1, $0x11  }
0xbb: {  	s0 =	sor.u32 s1, s0  }
0xbc: {  	s0 =	sadd.s32 $0x8F2B, s0  }
0xbd: {  	[sflag:s0] =	ssyncadd.remote.s32 $0x1  }
0xbe: {  	_ =	sfence.sel $0xFFFF  }
0xbf: {  	[dreg:$0x0] =	wrdreg $0xFFFFFFFF;
	(pc) =	sbr.abs _section_cstart, $3  }
0xc0: {  	[dreg:$0x1] =	wrdreg $0xFFFFFFFF  }
0xc1: {  	_ =	task.clear_ibuf [dreg:s7], $0x2FFFF;
	_ =	strace $0x9FFFFFFF  }
0xc2: {  	(tm) =	ssettm $0x7FFFFFFF  }
0xc3: {  	_ =	shalt  }
tec
execute0_lowered:
.L_overlay_start_1:
0x0: {  	(tag) =	ssettag $0x1  }
0x1: {  	s0 =	srdreg.scid;
	s1 =	rddreg [dreg:$0x0]  }
0x2: {  	s8 =	rddreg [dreg:$0x1];
	s4 =	stileid.u32  }
0x3: {  	s2 =	simm.s32 $0x0;
	s13 =	simm.s32 $0x5;
	s14 =	simm.s32 $0x2710  }
0x4: {  	s15 =	simm.s32 $0xC8;
	s16 =	simm.s32 $0x4E20;
	s17 =	simm.s32 $0xB220  }
0x5: {  	s18 =	simm.s32 $0x8020;
	s19 =	simm.s32 $0x27D8;
	s20 =	simm.s32 $0xE420  }
0x6: {  	s21 =	simm.s32 $0x1;
	s22 =	simm.s32 $0x11620;
	s23 =	simm.s32 $0x2  }
0x7: {  	s24 =	simm.s32 $0x14820;
	s25 =	simm.s32 $0x3;
	s0 =	sand.u32 $0x1, s0  }
0x8: {  	s26 =	simm.s32 $0x4;
	s28 =	simm.s32 $0x0;
	s3 =	sshll.u32 s0, $0x4  }
0x9: {  	[smem:$0x7FF] =	sst s2;
	s5 =	sadd.s32 $0x18400, s1;
	s6 =	sor.u32 s4, s3  }
0xa: {  	_ =	strace $0x8000004D;
	s0 =	ssub.s32 $0x2, s0;
	s3 =	smul.u32 $0x2710, s6  }
0xb: {  	s4 =	sadd.s32 $0x4400, s1;
	s30 =	sshrl.u32 s0, $0x1;
	s10 =	smul.u32 $0x9C400, s6  }
0xc: {  	s6 =	sadd.s32 $0xA0000, s1;
	s0 =	ssub.s32 s0, s30;
	s9 =	sshrl.u32 s3, $0x3  }
0xd: {  	s12 =	smax.u32 s0, $0x1;
	s31 =	sshrl.u32 s10, $0x3;
	s7 =	sadd.s32 s9, s1  }
0xe: {  	s8 =	sadd.s32 s8, s9;
	s9 =	sadd.s32 $0xC8, s3;
	s1 =	sadd.s32 s6, s31  }
0xf: {  	s7 =	sadd.s32 $0x96200, s7;
	s10 =	sadd.s32 $0x12C00, s1;
	s11 =	sadd.s32 $0x13240, s1  }
.LBB2_1:
0x10: {  	[tilespmem:s2], [sflag:$0x5] =	stream.linear.gather [hbm4b:s7+s2], $0x2710, $0x38;
	[tilespmem:$0x17A20] =	vst v63  }
0x11: {  	_ =	swait.ge [sflag:s13], $0x2710  }
0x12: {  	[sflag:s13] =	ssyncset.done $0x0  }
0x13: {  	[sflag:s13] =	ssyncadd.s32 $0xFFFFD8F0  }
0x14: {  	[tilespmem:s14], [sflag:$0x5] =	stream.linear.gather [hbm4b:s8+s2], $0x2710, $0x38;
	[tilespmem:$0x17A20] =	vst v63  }
0x15: {  	_ =	swait.ge [sflag:s13], $0x2710  }
0x16: {  	[sflag:s13] =	ssyncset.done $0x0  }
0x17: {  	[sflag:s13] =	ssyncadd.s32 $0xFFFFD8F0  }
0x18: {  	[tilespmem:s16], [sflag:$0x1] =	stream.indirect.gather [hbm4b:s4+s15], $0x40, s2, s15, $0xb8;
	[tilespmem:$0x17A20] =	vst v63  }
0x19: {  	_ = 	snop  }
0x1a: {  	[tilespmem:s17], [sflag:$0x1] =	stream.indirect.gather [hbm4b:s5+s15], $0x40, s14, s15, $0xb8;
	[tilespmem:$0x17A20] =	vst v63  }
0x1b: {  	_ = 	snop  }
0x1c: {  	[tilespmem:s18], [sflag:$0x2] =	stream.indirect.gather [hbm4b:s4+s15], $0x40, s15, s15, $0xb8;
	[tilespmem:$0x17A20] =	vst v63  }
0x1d: {  	s29 =	simm.s32 $0x0  }
0x1e: {  	[tilespmem:s20], [sflag:$0x2] =	stream.indirect.gather [hbm4b:s5+s15], $0x40, s19, s15, $0xb8;
	[tilespmem:$0x17A20] =	vst v63  }
.LBB2_2:
0x1f: {  	_ =	swait.ge [sflag:s21], $0x3200  }
0x20: {  	[sflag:s21] =	ssyncset.done $0x0  }
0x21: {  	[sflag:s21] =	ssyncadd.s32 $0xFFFFCE00  }
0x22: {  	_ =	swait.ge [sflag:s21], $0x3200  }
0x23: {  	[sflag:s21] =	ssyncset.done $0x0  }
0x24: {  	s30 =	simm.s32 $0x0;
	[sflag:s21] =	ssyncadd.s32 $0xFFFFCE00  }
0x25: {  	v0 =	vld [tilespmem:s30+$0x4E90]  }
0x26: {  	v1 =	vld [tilespmem:s30+$0xB290]  }
0x27: {  	v2 =	vld [tilespmem:s30+$0x4E20]  }
0x28: {  	v3 =	vld [tilespmem:s30+$0xB220]  }
0x29: {  	v4 =	vld [tilespmem:s30+$0x4E30]  }
0x2a: {  	v5 =	vld [tilespmem:s30+$0xB230]  }
0x2b: {  	v6 =	vld [tilespmem:s30+$0x4E40]  }
0x2c: {  	v7 =	vld [tilespmem:s30+$0x4E50]  }
0x2d: {  	v0 =	vadd.bf16 v1, v0;
	v1 =	vld [tilespmem:s30+$0xB240]  }
0x2e: {  	v8 =	vld [tilespmem:s30+$0xB250]  }
0x2f: {  	v9 =	vld [tilespmem:s30+$0xB260];
	v2 =	vadd.bf16 v3, v2  }
0x30: {  	[tilespmem:s30+$0x11690] =	vst v0;
	v0 =	vadd.bf16 v5, v4;
	v5 =	vld [tilespmem:s30+$0x4E60]  }
0x31: {  	v3 =	vld [tilespmem:s30+$0xB270];
	[tilespmem:s30+$0x11620] =	vst v2  }
0x32: {  	v2 =	vld [tilespmem:s30+$0x4E70];
	[tilespmem:s30+$0x11630] =	vst v0;
	v0 =	vadd.bf16 v1, v6  }
0x33: {  	v4 =	vld [tilespmem:s30+$0xB280];
	v6 =	vadd.bf16 v8, v7  }
0x34: {  	s31 =	simm.s32 $0x80;
	[tilespmem:s30+$0x11640] =	vst v0;
	v0 =	vld [tilespmem:s30+$0x4E80]  }
0x35: {  	s0 =	simm.s32 $0x400;
	v5 =	vadd.bf16 v9, v5;
	v1 =	vld [tilespmem:s31+$0x4E90];
	[tilespmem:s30+$0x11650] =	vst v6  }
.LBB2_3:
0x36: {  	p0 =	sne.s32 s0, $0xC600;
	v6 =	vld [tilespmem:s31+$0xB290]  }
0x37: {  	v7 =	vld [tilespmem:s31+$0x4E20];
	[tilespmem:s30+$0x11660] =	vst v5;
	v2 =	vadd.bf16 v3, v2  }
0x38: {  	v3 =	vld [tilespmem:s31+$0xB220]  }
0x39: {  	v5 =	vld [tilespmem:s31+$0x4E30];
	[tilespmem:s30+$0x11670] =	vst v2;
	v0 =	vadd.bf16 v4, v0  }
0x3a: {  	v2 =	vld [tilespmem:s31+$0xB230]  }
0x3b: {  	v4 =	vld [tilespmem:s31+$0x4E40];
	v1 =	vadd.bf16 v6, v1;
	[tilespmem:s30+$0x11680] =	vst v0;
	s30 =	smov.u32 s31  }
0x3c: {  	v0 =	vld [tilespmem:s30+$0xB240]  }
0x3d: {  	v3 =	vadd.bf16 v3, v7;
	v6 =	vld [tilespmem:s30+$0x4E50];
	[tilespmem:s30+$0x11690] =	vst v1  }
0x3e: {  	v1 =	vld [tilespmem:s30+$0xB250]  }
0x3f: {  	[tilespmem:s30+$0x11620] =	vst v3;
	v2 =	vadd.bf16 v2, v5;
	v5 =	vld [tilespmem:s30+$0x4E60]  }
0x40: {  	v7 =	vld [tilespmem:s30+$0xB260]  }
.Ltmp0:
0x41: {  	[tilespmem:s30+$0x11630] =	vst v2;
	v0 =	vadd.bf16 v0, v4;
	v2 =	vld [tilespmem:s30+$0x4E70];
	(pc) =	sbr.rel @p0 .LBB2_3-.Ltmp0, $4  }
0x42: {  	v3 =	vld [tilespmem:s30+$0xB270]  }
0x43: {  	[tilespmem:s30+$0x11640] =	vst v0;
	v6 =	vadd.bf16 v1, v6;
	v0 =	vld [tilespmem:s30+$0x4E80]  }
0x44: {  	s31 =	sshra.s32 s0, $0x2;
	v4 =	vld [tilespmem:s30+$0xB280]  }
0x45: {  	s0 =	sadd.s32 $0x200, s0;
	v1 =	vld [tilespmem:s31+$0x4E90];
	[tilespmem:s30+$0x11650] =	vst v6;
	v5 =	vadd.bf16 v7, v5  }
0x46: {  	v6 =	vld [tilespmem:s31+$0xB290]  }
0x47: {  	v7 =	vld [tilespmem:s31+$0x4E20];
	[tilespmem:s30+$0x11660] =	vst v5;
	v2 =	vadd.bf16 v3, v2  }
0x48: {  	v3 =	vld [tilespmem:s31+$0xB220]  }
0x49: {  	v5 =	vld [tilespmem:s31+$0x4E30];
	[tilespmem:s30+$0x11670] =	vst v2;
	v0 =	vadd.bf16 v4, v0  }
0x4a: {  	v2 =	vld [tilespmem:s31+$0xB230]  }
0x4b: {  	v4 =	vld [tilespmem:s31+$0x4E40];
	[tilespmem:s30+$0x11680] =	vst v0  }
0x4c: {  	v0 =	vadd.bf16 v6, v1;
	v1 =	vld [tilespmem:s31+$0xB240]  }
0x4d: {  	v6 =	vld [tilespmem:s31+$0x4E50]  }
0x4e: {  	v3 =	vadd.bf16 v3, v7;
	[tilespmem:s31+$0x11690] =	vst v0;
	v0 =	vld [tilespmem:s31+$0xB250]  }
0x4f: {  	v7 =	vld [tilespmem:s31+$0xB280]  }
0x50: {  	[tilespmem:s31+$0x11620] =	vst v3;
	v2 =	vadd.bf16 v2, v5;
	v3 =	vld [tilespmem:s31+$0x4E60]  }
0x51: {  	v5 =	vld [tilespmem:s31+$0xB260]  }
0x52: {  	[tilespmem:s31+$0x11630] =	vst v2;
	v1 =	vadd.bf16 v1, v4;
	v2 =	vld [tilespmem:s31+$0x4E70]  }
0x53: {  	v4 =	vld [tilespmem:s31+$0xB270]  }
0x54: {  	[tilespmem:s31+$0x11640] =	vst v1;
	v1 =	vld [tilespmem:s31+$0x4E80];
	_ =	sdelay $0x1  }
0x55: {  	v0 =	vadd.bf16 v0, v6  }
0x56: {  	s30 =	smul.u32 $0x190, s29;
	v3 =	vadd.bf16 v5, v3  }
0x57: {  	[tilespmem:s31+$0x11650] =	vst v0;
	v0 =	vadd.bf16 v4, v2  }
0x58: {  	s0 =	sadd.s32 s3, s30;
	[tilespmem:s31+$0x11660] =	vst v3;
	v1 =	vadd.bf16 v7, v1  }
0x59: {  	s0 =	sshll.u32 s0, $0x3;
	[tilespmem:s31+$0x11670] =	vst v0  }
0x5a: {  	s1 =	simm.s32 $0x0;
	s0 =	sadd.s32 s6, s0;
	[tilespmem:s31+$0x11680] =	vst v1  }
0x5b: {  	[hbm4b:s0+s1] =	stream.linear.scatter [tilespmem:s22], [sflag:$0x3], $0x3200, $0x38;
	[tilespmem:$0x17A20] =	vst v63  }
0x5c: {  	_ =	swait.ge [sflag:s23], $0x3200  }
0x5d: {  	[sflag:s23] =	ssyncset.done $0x0  }
0x5e: {  	[sflag:s23] =	ssyncadd.s32 $0xFFFFCE00  }
0x5f: {  	_ =	swait.ge [sflag:s23], $0x3200  }
0x60: {  	[sflag:s23] =	ssyncset.done $0x0  }
0x61: {  	s31 =	simm.s32 $0x0;
	[sflag:s23] =	ssyncadd.s32 $0xFFFFCE00  }
0x62: {  	v0 =	vld [tilespmem:s31+$0x8090]  }
0x63: {  	v1 =	vld [tilespmem:s31+$0xE490]  }
0x64: {  	v2 =	vld [tilespmem:s31+$0x8020]  }
0x65: {  	v3 =	vld [tilespmem:s31+$0xE420]  }
0x66: {  	v4 =	vld [tilespmem:s31+$0x8030]  }
0x67: {  	v5 =	vld [tilespmem:s31+$0xE430]  }
0x68: {  	v6 =	vld [tilespmem:s31+$0x8040]  }
0x69: {  	v7 =	vld [tilespmem:s31+$0x8050]  }
0x6a: {  	v0 =	vadd.bf16 v1, v0;
	v1 =	vld [tilespmem:s31+$0xE440]  }
0x6b: {  	v8 =	vld [tilespmem:s31+$0xE450]  }
0x6c: {  	v9 =	vld [tilespmem:s31+$0xE460];
	v2 =	vadd.bf16 v3, v2  }
0x6d: {  	[tilespmem:s31+$0x14890] =	vst v0;
	v0 =	vadd.bf16 v5, v4;
	v5 =	vld [tilespmem:s31+$0x8060]  }
0x6e: {  	v3 =	vld [tilespmem:s31+$0xE470];
	[tilespmem:s31+$0x14820] =	vst v2  }
0x6f: {  	v2 =	vld [tilespmem:s31+$0x8070];
	[tilespmem:s31+$0x14830] =	vst v0;
	v0 =	vadd.bf16 v1, v6  }
0x70: {  	v4 =	vld [tilespmem:s31+$0xE480];
	v6 =	vadd.bf16 v8, v7  }
0x71: {  	s0 =	simm.s32 $0x80;
	[tilespmem:s31+$0x14840] =	vst v0;
	v0 =	vld [tilespmem:s31+$0x8080]  }
0x72: {  	s1 =	simm.s32 $0x400;
	v5 =	vadd.bf16 v9, v5;
	v1 =	vld [tilespmem:s0+$0x8090];
	[tilespmem:s31+$0x14850] =	vst v6  }
.LBB2_5:
0x73: {  	p0 =	sne.s32 s1, $0xC600;
	v6 =	vld [tilespmem:s0+$0xE490]  }
0x74: {  	v7 =	vld [tilespmem:s0+$0x8020];
	[tilespmem:s31+$0x14860] =	vst v5;
	v2 =	vadd.bf16 v3, v2  }
0x75: {  	v3 =	vld [tilespmem:s0+$0xE420]  }
0x76: {  	v5 =	vld [tilespmem:s0+$0x8030];
	[tilespmem:s31+$0x14870] =	vst v2;
	v0 =	vadd.bf16 v4, v0  }
0x77: {  	v2 =	vld [tilespmem:s0+$0xE430]  }
0x78: {  	v4 =	vld [tilespmem:s0+$0x8040];
	v1 =	vadd.bf16 v6, v1;
	[tilespmem:s31+$0x14880] =	vst v0;
	s31 =	smov.u32 s0  }
0x79: {  	v0 =	vld [tilespmem:s31+$0xE440]  }
0x7a: {  	v3 =	vadd.bf16 v3, v7;
	v6 =	vld [tilespmem:s31+$0x8050];
	[tilespmem:s31+$0x14890] =	vst v1  }
0x7b: {  	v1 =	vld [tilespmem:s31+$0xE450]  }
0x7c: {  	[tilespmem:s31+$0x14820] =	vst v3;
	v2 =	vadd.bf16 v2, v5;
	v5 =	vld [tilespmem:s31+$0x8060]  }
0x7d: {  	v7 =	vld [tilespmem:s31+$0xE460]  }
.Ltmp1:
0x7e: {  	[tilespmem:s31+$0x14830] =	vst v2;
	v0 =	vadd.bf16 v0, v4;
	v2 =	vld [tilespmem:s31+$0x8070];
	(pc) =	sbr.rel @p0 .LBB2_5-.Ltmp1, $4  }
0x7f: {  	v3 =	vld [tilespmem:s31+$0xE470]  }
0x80: {  	[tilespmem:s31+$0x14840] =	vst v0;
	v6 =	vadd.bf16 v1, v6;
	v0 =	vld [tilespmem:s31+$0x8080]  }
0x81: {  	s0 =	sshra.s32 s1, $0x2;
	v4 =	vld [tilespmem:s31+$0xE480]  }
0x82: {  	s1 =	sadd.s32 $0x200, s1;
	v1 =	vld [tilespmem:s0+$0x8090];
	[tilespmem:s31+$0x14850] =	vst v6;
	v5 =	vadd.bf16 v7, v5  }
0x83: {  	v6 =	vld [tilespmem:s0+$0xE490]  }
0x84: {  	v7 =	vld [tilespmem:s0+$0x8020];
	[tilespmem:s31+$0x14860] =	vst v5;
	v2 =	vadd.bf16 v3, v2  }
0x85: {  	v51 =	vld [tilespmem:s0+$0xE420]  }
0x86: {  	v5 =	vld [tilespmem:s0+$0x8030];
	[tilespmem:s31+$0x14870] =	vst v2;
	v0 =	vadd.bf16 v4, v0  }
0x87: {  	v2 =	vld [tilespmem:s0+$0xE430]  }
0x88: {  	v52 =	vld [tilespmem:s0+$0x8040];
	[tilespmem:s31+$0x14880] =	vst v0  }
0x89: {  	v54 =	vld [tilespmem:s0+$0xE440]  }
0x8a: {  	v55 =	vld [tilespmem:s0+$0x8050]  }
0x8b: {  	v56 =	vld [tilespmem:s0+$0xE450]  }
0x8c: {  	v57 =	vld [tilespmem:s0+$0x8060]  }
0x8d: {  	v58 =	vld [tilespmem:s0+$0xE460]  }
0x8e: {  	v59 =	vld [tilespmem:s0+$0x8070]  }
0x8f: {  	v53 =	vadd.bf16 v6, v1;
	v60 =	vld [tilespmem:s0+$0xE470]  }
0x90: {  	v61 =	vld [tilespmem:s0+$0x8080];
	v3 =	vadd.bf16 v51, v7  }
0x91: {  	v62 =	vld [tilespmem:s0+$0xE480];
	[tilespmem:s0+$0x14890] =	vst v53;
	v2 =	vadd.bf16 v2, v5  }
0x92: {  	[tilespmem:s0+$0x14820] =	vst v3;
	v1 =	vadd.bf16 v54, v52  }
0x93: {  	[tilespmem:s0+$0x14830] =	vst v2;
	v0 =	vadd.bf16 v56, v55  }
0x94: {  	v3 =	vadd.bf16 v58, v57;
	[tilespmem:s0+$0x14840] =	vst v1  }
0x95: {  	s1 =	sadd.s32 s30, s9;
	v63 =	vadd.bf16 v60, v59;
	[tilespmem:s0+$0x14850] =	vst v0  }
0x96: {  	s1 =	sshll.u32 s1, $0x3;
	[tilespmem:s0+$0x14860] =	vst v3;
	v1 =	vadd.bf16 v62, v61  }
0x97: {  	s1 =	sand.u32 $0x1FFFFFC0, s1;
	[tilespmem:s0+$0x14870] =	vst v63  }
0x98: {  	s31 =	sadd.s32 s6, s1;
	[tilespmem:s0+$0x14880] =	vst v1  }
0x99: {  	[hbm4b:s31+s2] =	stream.linear.scatter [tilespmem:s24], [sflag:$0x4], $0x3200, $0x38;
	[tilespmem:$0x17A20] =	vst v63  }
0x9a: {  	_ =	swait.ge [sflag:s25], $0x3200  }
0x9b: {  	[sflag:s25] =	ssyncset.done $0x0  }
0x9c: {  	s1 =	sadd.s32 $0x190, s30;
	[sflag:s25] =	ssyncadd.s32 $0xFFFFCE00  }
0x9d: {  	[tilespmem:s16], [sflag:$0x1] =	stream.indirect.gather [hbm4b:s4+s15], $0x40, s1, s15, $0xb8;
	[tilespmem:$0x17A20] =	vst v63  }
0x9e: {  	s29 =	sadd.s32 $0x1, s29;
	s31 =	sadd.s32 $0x28A0, s30  }
0x9f: {  	[tilespmem:s17], [sflag:$0x1] =	stream.indirect.gather [hbm4b:s5+s15], $0x40, s31, s15, $0xb8;
	[tilespmem:$0x17A20] =	vst v63  }
0xa0: {  	p0 =	sne.s32 s29, $0x18;
	_ =	swait.ge [sflag:s26], $0x3200  }
.Ltmp2:
0xa1: {  	[sflag:s26] =	ssyncset.done $0x0;
	(pc) =	sbr.rel @p0 .LBB2_2-.Ltmp2, $4  }
0xa2: {  	s1 =	sadd.s32 $0x258, s30;
	[sflag:s26] =	ssyncadd.s32 $0xFFFFCE00  }
0xa3: {  	[tilespmem:s18], [sflag:$0x2] =	stream.indirect.gather [hbm4b:s4+s15], $0x40, s1, s15, $0xb8;
	[tilespmem:$0x17A20] =	vst v63  }
0xa4: {  	s31 =	sadd.s32 $0x2968, s30  }
0xa5: {  	[tilespmem:s20], [sflag:$0x2] =	stream.indirect.gather [hbm4b:s5+s15], $0x40, s31, s15, $0xb8;
	[tilespmem:$0x17A20] =	vst v63  }
0xa6: {  	_ =	swait.ge [sflag:s21], $0x3200  }
0xa7: {  	[sflag:s21] =	ssyncset.done $0x0  }
0xa8: {  	[sflag:s21] =	ssyncadd.s32 $0xFFFFCE00  }
0xa9: {  	_ =	swait.ge [sflag:s21], $0x3200  }
0xaa: {  	[sflag:s21] =	ssyncset.done $0x0  }
0xab: {  	s29 =	simm.s32 $0x0;
	[sflag:s21] =	ssyncadd.s32 $0xFFFFCE00  }
0xac: {  	v0 =	vld [tilespmem:s29+$0x4E90]  }
0xad: {  	v1 =	vld [tilespmem:s29+$0xB290]  }
0xae: {  	v2 =	vld [tilespmem:s29+$0x4E20]  }
0xaf: {  	v3 =	vld [tilespmem:s29+$0xB220]  }
0xb0: {  	v4 =	vld [tilespmem:s29+$0x4E30]  }
0xb1: {  	v5 =	vld [tilespmem:s29+$0xB230]  }
0xb2: {  	v6 =	vld [tilespmem:s29+$0x4E40]  }
0xb3: {  	v7 =	vld [tilespmem:s29+$0x4E50]  }
0xb4: {  	v0 =	vadd.bf16 v1, v0;
	v1 =	vld [tilespmem:s29+$0xB240]  }
0xb5: {  	v8 =	vld [tilespmem:s29+$0xB250]  }
0xb6: {  	v9 =	vld [tilespmem:s29+$0xB260];
	v2 =	vadd.bf16 v3, v2  }
0xb7: {  	[tilespmem:s29+$0x11690] =	vst v0;
	v0 =	vadd.bf16 v5, v4;
	v5 =	vld [tilespmem:s29+$0x4E60]  }
0xb8: {  	v3 =	vld [tilespmem:s29+$0xB270];
	[tilespmem:s29+$0x11620] =	vst v2  }
0xb9: {  	v2 =	vld [tilespmem:s29+$0x4E70];
	[tilespmem:s29+$0x11630] =	vst v0;
	v0 =	vadd.bf16 v1, v6  }
0xba: {  	v4 =	vld [tilespmem:s29+$0xB280];
	v6 =	vadd.bf16 v8, v7  }
0xbb: {  	s0 =	simm.s32 $0x80;
	[tilespmem:s29+$0x11640] =	vst v0;
	v0 =	vld [tilespmem:s29+$0x4E80]  }
0xbc: {  	s1 =	simm.s32 $0x400;
	v5 =	vadd.bf16 v9, v5;
	v1 =	vld [tilespmem:s0+$0x4E90];
	[tilespmem:s29+$0x11650] =	vst v6  }
.LBB2_8:
0xbd: {  	p0 =	sne.s32 s1, $0xC600;
	v6 =	vld [tilespmem:s0+$0xB290]  }
0xbe: {  	v7 =	vld [tilespmem:s0+$0x4E20];
	[tilespmem:s29+$0x11660] =	vst v5;
	v2 =	vadd.bf16 v3, v2  }
0xbf: {  	v3 =	vld [tilespmem:s0+$0xB220]  }
0xc0: {  	v5 =	vld [tilespmem:s0+$0x4E30];
	[tilespmem:s29+$0x11670] =	vst v2;
	v0 =	vadd.bf16 v4, v0  }
0xc1: {  	v2 =	vld [tilespmem:s0+$0xB230]  }
0xc2: {  	v4 =	vld [tilespmem:s0+$0x4E40];
	v1 =	vadd.bf16 v6, v1;
	[tilespmem:s29+$0x11680] =	vst v0;
	s29 =	smov.u32 s0  }
0xc3: {  	v0 =	vld [tilespmem:s29+$0xB240]  }
0xc4: {  	v3 =	vadd.bf16 v3, v7;
	v6 =	vld [tilespmem:s29+$0x4E50];
	[tilespmem:s29+$0x11690] =	vst v1  }
0xc5: {  	v1 =	vld [tilespmem:s29+$0xB250]  }
0xc6: {  	[tilespmem:s29+$0x11620] =	vst v3;
	v2 =	vadd.bf16 v2, v5;
	v5 =	vld [tilespmem:s29+$0x4E60]  }
0xc7: {  	v7 =	vld [tilespmem:s29+$0xB260]  }
.Ltmp3:
0xc8: {  	[tilespmem:s29+$0x11630] =	vst v2;
	v0 =	vadd.bf16 v0, v4;
	v2 =	vld [tilespmem:s29+$0x4E70];
	(pc) =	sbr.rel @p0 .LBB2_8-.Ltmp3, $4  }
0xc9: {  	v3 =	vld [tilespmem:s29+$0xB270]  }
0xca: {  	[tilespmem:s29+$0x11640] =	vst v0;
	v6 =	vadd.bf16 v1, v6;
	v0 =	vld [tilespmem:s29+$0x4E80]  }
0xcb: {  	s0 =	sshra.s32 s1, $0x2;
	v4 =	vld [tilespmem:s29+$0xB280]  }
0xcc: {  	s1 =	sadd.s32 $0x200, s1;
	v1 =	vld [tilespmem:s0+$0x4E90];
	[tilespmem:s29+$0x11650] =	vst v6;
	v5 =	vadd.bf16 v7, v5  }
0xcd: {  	v6 =	vld [tilespmem:s0+$0xB290]  }
0xce: {  	v7 =	vld [tilespmem:s0+$0x4E20];
	[tilespmem:s29+$0x11660] =	vst v5;
	v2 =	vadd.bf16 v3, v2  }
0xcf: {  	v3 =	vld [tilespmem:s0+$0xB220]  }
0xd0: {  	v5 =	vld [tilespmem:s0+$0x4E30];
	[tilespmem:s29+$0x11670] =	vst v2;
	v0 =	vadd.bf16 v4, v0  }
0xd1: {  	v2 =	vld [tilespmem:s0+$0xB230]  }
0xd2: {  	v4 =	vld [tilespmem:s0+$0x4E40];
	[tilespmem:s29+$0x11680] =	vst v0  }
0xd3: {  	v0 =	vadd.bf16 v6, v1;
	v1 =	vld [tilespmem:s0+$0xB240]  }
0xd4: {  	v6 =	vld [tilespmem:s0+$0x4E50]  }
0xd5: {  	v3 =	vadd.bf16 v3, v7;
	[tilespmem:s0+$0x11690] =	vst v0;
	v0 =	vld [tilespmem:s0+$0xB250]  }
0xd6: {  	v7 =	vld [tilespmem:s0+$0xB280]  }
0xd7: {  	[tilespmem:s0+$0x11620] =	vst v3;
	v2 =	vadd.bf16 v2, v5;
	v3 =	vld [tilespmem:s0+$0x4E60]  }
0xd8: {  	v5 =	vld [tilespmem:s0+$0xB260]  }
0xd9: {  	[tilespmem:s0+$0x11630] =	vst v2;
	v1 =	vadd.bf16 v1, v4;
	v2 =	vld [tilespmem:s0+$0x4E70]  }
0xda: {  	v4 =	vld [tilespmem:s0+$0xB270]  }
0xdb: {  	[tilespmem:s0+$0x11640] =	vst v1;
	v1 =	vld [tilespmem:s0+$0x4E80];
	_ =	sdelay $0x1  }
0xdc: {  	v0 =	vadd.bf16 v0, v6  }
0xdd: {  	v3 =	vadd.bf16 v5, v3  }
0xde: {  	[tilespmem:s0+$0x11650] =	vst v0;
	v0 =	vadd.bf16 v4, v2  }
0xdf: {  	[tilespmem:s0+$0x11660] =	vst v3;
	v1 =	vadd.bf16 v7, v1  }
0xe0: {  	[tilespmem:s0+$0x11670] =	vst v0  }
0xe1: {  	s31 =	simm.s32 $0x0;
	[tilespmem:s0+$0x11680] =	vst v1  }
0xe2: {  	[hbm4b:s10+s31] =	stream.linear.scatter [tilespmem:s22], [sflag:$0x3], $0x3200, $0x38;
	[tilespmem:$0x17A20] =	vst v63  }
0xe3: {  	_ =	swait.ge [sflag:s23], $0x3200  }
0xe4: {  	[sflag:s23] =	ssyncset.done $0x0  }
0xe5: {  	[sflag:s23] =	ssyncadd.s32 $0xFFFFCE00  }
0xe6: {  	_ =	swait.ge [sflag:s23], $0x3200  }
0xe7: {  	[sflag:s23] =	ssyncset.done $0x0  }
0xe8: {  	s29 =	simm.s32 $0x0;
	[sflag:s23] =	ssyncadd.s32 $0xFFFFCE00  }
0xe9: {  	v0 =	vld [tilespmem:s29+$0x8090]  }
0xea: {  	v1 =	vld [tilespmem:s29+$0xE490]  }
0xeb: {  	v2 =	vld [tilespmem:s29+$0x8020]  }
0xec: {  	v3 =	vld [tilespmem:s29+$0xE420]  }
0xed: {  	v4 =	vld [tilespmem:s29+$0x8030]  }
0xee: {  	v5 =	vld [tilespmem:s29+$0xE430]  }
0xef: {  	v6 =	vld [tilespmem:s29+$0x8040]  }
0xf0: {  	v7 =	vld [tilespmem:s29+$0x8050]  }
0xf1: {  	v0 =	vadd.bf16 v1, v0;
	v1 =	vld [tilespmem:s29+$0xE440]  }
0xf2: {  	v8 =	vld [tilespmem:s29+$0xE450]  }
0xf3: {  	v9 =	vld [tilespmem:s29+$0xE460];
	v2 =	vadd.bf16 v3, v2  }
0xf4: {  	[tilespmem:s29+$0x14890] =	vst v0;
	v0 =	vadd.bf16 v5, v4;
	v5 =	vld [tilespmem:s29+$0x8060]  }
0xf5: {  	v3 =	vld [tilespmem:s29+$0xE470];
	[tilespmem:s29+$0x14820] =	vst v2  }
0xf6: {  	v2 =	vld [tilespmem:s29+$0x8070];
	[tilespmem:s29+$0x14830] =	vst v0;
	v0 =	vadd.bf16 v1, v6  }
0xf7: {  	v4 =	vld [tilespmem:s29+$0xE480];
	v6 =	vadd.bf16 v8, v7  }
0xf8: {  	s0 =	simm.s32 $0x80;
	[tilespmem:s29+$0x14840] =	vst v0;
	v0 =	vld [tilespmem:s29+$0x8080]  }
0xf9: {  	s1 =	simm.s32 $0x400;
	v5 =	vadd.bf16 v9, v5;
	v1 =	vld [tilespmem:s0+$0x8090];
	[tilespmem:s29+$0x14850] =	vst v6  }
.LBB2_10:
0xfa: {  	p0 =	sne.s32 s1, $0xC600;
	v6 =	vld [tilespmem:s0+$0xE490]  }
0xfb: {  	v7 =	vld [tilespmem:s0+$0x8020];
	[tilespmem:s29+$0x14860] =	vst v5;
	v2 =	vadd.bf16 v3, v2  }
0xfc: {  	v3 =	vld [tilespmem:s0+$0xE420]  }
0xfd: {  	v5 =	vld [tilespmem:s0+$0x8030];
	[tilespmem:s29+$0x14870] =	vst v2;
	v0 =	vadd.bf16 v4, v0  }
0xfe: {  	v2 =	vld [tilespmem:s0+$0xE430]  }
0xff: {  	v4 =	vld [tilespmem:s0+$0x8040];
	v1 =	vadd.bf16 v6, v1;
	[tilespmem:s29+$0x14880] =	vst v0;
	s29 =	smov.u32 s0  }
0x100: {  	v0 =	vld [tilespmem:s29+$0xE440]  }
0x101: {  	v3 =	vadd.bf16 v3, v7;
	v6 =	vld [tilespmem:s29+$0x8050];
	[tilespmem:s29+$0x14890] =	vst v1  }
0x102: {  	v1 =	vld [tilespmem:s29+$0xE450]  }
0x103: {  	[tilespmem:s29+$0x14820] =	vst v3;
	v2 =	vadd.bf16 v2, v5;
	v5 =	vld [tilespmem:s29+$0x8060]  }
0x104: {  	v7 =	vld [tilespmem:s29+$0xE460]  }
.Ltmp4:
0x105: {  	[tilespmem:s29+$0x14830] =	vst v2;
	v0 =	vadd.bf16 v0, v4;
	v2 =	vld [tilespmem:s29+$0x8070];
	(pc) =	sbr.rel @p0 .LBB2_10-.Ltmp4, $4  }
0x106: {  	v3 =	vld [tilespmem:s29+$0xE470]  }
0x107: {  	[tilespmem:s29+$0x14840] =	vst v0;
	v6 =	vadd.bf16 v1, v6;
	v0 =	vld [tilespmem:s29+$0x8080]  }
0x108: {  	s0 =	sshra.s32 s1, $0x2;
	v4 =	vld [tilespmem:s29+$0xE480]  }
0x109: {  	s1 =	sadd.s32 $0x200, s1;
	v1 =	vld [tilespmem:s0+$0x8090];
	[tilespmem:s29+$0x14850] =	vst v6;
	v5 =	vadd.bf16 v7, v5  }
0x10a: {  	v6 =	vld [tilespmem:s0+$0xE490]  }
0x10b: {  	v7 =	vld [tilespmem:s0+$0x8020];
	[tilespmem:s29+$0x14860] =	vst v5;
	v2 =	vadd.bf16 v3, v2  }
0x10c: {  	v51 =	vld [tilespmem:s0+$0xE420]  }
0x10d: {  	v5 =	vld [tilespmem:s0+$0x8030];
	[tilespmem:s29+$0x14870] =	vst v2;
	v0 =	vadd.bf16 v4, v0  }
0x10e: {  	v2 =	vld [tilespmem:s0+$0xE430]  }
0x10f: {  	v52 =	vld [tilespmem:s0+$0x8040];
	[tilespmem:s29+$0x14880] =	vst v0  }
0x110: {  	v54 =	vld [tilespmem:s0+$0xE440]  }
0x111: {  	v55 =	vld [tilespmem:s0+$0x8050]  }
0x112: {  	v56 =	vld [tilespmem:s0+$0xE450]  }
0x113: {  	v57 =	vld [tilespmem:s0+$0x8060]  }
0x114: {  	v58 =	vld [tilespmem:s0+$0xE460]  }
0x115: {  	v59 =	vld [tilespmem:s0+$0x8070]  }
0x116: {  	v53 =	vadd.bf16 v6, v1;
	v60 =	vld [tilespmem:s0+$0xE470]  }
0x117: {  	v61 =	vld [tilespmem:s0+$0x8080];
	v3 =	vadd.bf16 v51, v7  }
0x118: {  	v62 =	vld [tilespmem:s0+$0xE480];
	[tilespmem:s0+$0x14890] =	vst v53;
	v2 =	vadd.bf16 v2, v5  }
0x119: {  	[tilespmem:s0+$0x14820] =	vst v3;
	v1 =	vadd.bf16 v54, v52  }
0x11a: {  	[tilespmem:s0+$0x14830] =	vst v2;
	v0 =	vadd.bf16 v56, v55  }
0x11b: {  	v3 =	vadd.bf16 v58, v57;
	[tilespmem:s0+$0x14840] =	vst v1  }
0x11c: {  	v63 =	vadd.bf16 v60, v59;
	[tilespmem:s0+$0x14850] =	vst v0  }
0x11d: {  	[tilespmem:s0+$0x14860] =	vst v3;
	v1 =	vadd.bf16 v62, v61  }
0x11e: {  	[tilespmem:s0+$0x14870] =	vst v63  }
0x11f: {  	s28 =	sadd.s32 $0x1, s28;
	[tilespmem:s0+$0x14880] =	vst v1  }
0x120: {  	[hbm4b:s11+s2] =	stream.linear.scatter [tilespmem:s24], [sflag:$0x4], $0x3200, $0x38;
	[tilespmem:$0x17A20] =	vst v63  }
0x121: {  	p0 =	sne.s32 s28, s12;
	_ =	swait.ge [sflag:s25], $0x3200  }
.Ltmp5:
0x122: {  	[sflag:s25] =	ssyncset.done $0x0;
	(pc) =	sbr.rel @p0 .LBB2_1-.Ltmp5, $4  }
0x123: {  	[sflag:s25] =	ssyncadd.s32 $0xFFFFCE00  }
0x124: {  	_ =	swait.ge [sflag:s26], $0x3200  }
0x125: {  	[sflag:s26] =	ssyncset.done $0x0  }
0x126: {  	[sflag:s26] =	ssyncadd.s32 $0xFFFFCE00  }
0x127: {  	_ =	sfence.sel $0x180000  }
0x128: {  	[bflag:$0x0] =	sbarrier.arrive $0xFFFF  }
0x129: {  	_ =	strace $0x9000004D  }
0x12a: {  	s0 =	stileid.u32;
	[bflag:$0x2] =	sbarrier.arrive $0xFFFF  }
0x12b: {  	p0 =	sne.s32 s0, $0x0;
	s0 =	rddreg [dreg:$0x2]  }
0x12c: {  	s0 =	sadd.s32 @!p0 $0x100000, s0  }
0x12d: {  	[sflag:s0] =	ssyncadd.tile.s32 @!p0 $0x1;
	_ =	shalt  }
.Lfunc_end2:
_tile_overlayer_lowered:
.L_overlay_start_2:
0x12e: {  	(tag) =	ssettag $0x2  }
0x12f: {  	s0 =	rddreg [dreg:$0x0];
	s2 =	stileid.u32  }
0x130: {  	s1 =	rddreg [dreg:$0x1];
	p0 =	sne.s32 s2, $0x0  }
0x131: {  	s3 =	rddreg [dreg:$0x2];
	[bflag:$0x3] =	sbarrier.arrive $0xFFFF;
	s2 =	simm.s32 @!p0 $0x1C05  }
0x132: {  	[timem:s3], [sflag:s2] =	dma.local @!p0 [hbm:s0], s1  }
0x133: {  	s0 =	simm.s32 @!p0 $0x5  }
0x134: {  	_ =	swait.ge @!p0 [sflag:s0], s1  }
0x135: {  	s1 =	ssub.s32 @!p0 $0x0, s1;
	[sflag:s0] =	ssyncset.done @!p0 $0x0  }
0x136: {  	[sflag:s0] =	ssyncadd.s32 @!p0 s1  }
0x137: {  	[bflag:$0x3] =	sbarrier.arrive $0xFFFF  }
0x138: {  	_ =	shalt  }

// kernel: kernel.9.cloned.1.call-start
scs
__scs_entry_jumppad:
0x0: {  	(pc) =	sbr.rel $0x88, $3  }
0x1: {  	(tag) =	ssettag $0x0;
	lr =	simm.s32 $0x1  }
0x2: {  	[smem:$0x3F92] =	sst lr;
	_ =	strace $0xD0000000  }
0x3: {  	_ = 	snop  }
0x4: {  	_ = 	snop  }
0x5: {  	_ = 	snop  }
0x6: {  	_ = 	snop  }
0x7: {  	_ = 	snop  }
__scs_overlays_trampoline_lowered:
0x8: {  	[smem:$0x3FA1] =	sst s0  }
0x9: {  	[smem:$0x3FA2] =	sst s1  }
0xa: {  	[smem:$0x3FA3] =	sst s2  }
0xb: {  	[smem:$0x3FA4] =	sst s3  }
0xc: {  	[smem:$0x3FA5] =	sst s4  }
0xd: {  	[smem:$0x3FA6] =	sst s5  }
0xe: {  	[smem:$0x3FA7] =	sst s6  }
0xf: {  	[smem:$0x3FA8] =	sst s7  }
0x10: {  	[smem:$0x3FA9] =	sst s8  }
0x11: {  	[smem:$0x3FAA] =	sst s9;
	s0 =	simm.s32 @!p0 $0x0  }
0x12: {  	s1 =	sld [smem:$0x3F90];
	s0 =	simm.s32 @p0 $0x1  }
0x13: {  	[smem:$0x3FAB] =	sst s0;
	s0 =	simm.s32 @!p1 $0x0  }
0x14: {  	s2 =	sld [smem:$0x3F8F];
	s0 =	simm.s32 @p1 $0x1  }
0x15: {  	[smem:$0x3FAC] =	sst s0;
	s0 =	simm.s32 @!p2 $0x0  }
0x16: {  	s3 =	sld [smem:$0x3FDB];
	s0 =	simm.s32 @p2 $0x1  }
0x17: {  	s4 =	simm.s32 $0x1BF5;
	[smem:$0x3FAE] =	sst s0  }
0x18: {  	s0 =	sld [smem:$0x3F91];
	_ =	swait.ge [sflag:s4], $0x0  }
0x19: {  	s7 =	sld [smem:$0x3F92]  }
0x1a: {  	s8 =	sadd.s32 $0xFFFFE003, lr  }
0x1b: {  	s9 =	sadd.s32 $0xFFFFFEF7, lr;
	s5 =	simm.s32 $0xFFFFFFFF;
	p2 =	slt.u32 s8, $0xFFFFF086  }
0x1c: {  	p1 =	slt.u32 s9, $0xF7A;
	s5 =	simm.s32 @!p2 $0x0  }
0x1d: {  	s5 =	simm.s32 @p1 $0x1;
	p0 =	seq.s32 s7, s2  }
0x1e: {  	s7 =	smul.u32 @!p0 $0xF7A, s2;
	p2 =	seq.s32 @!p0 s5, $0x0  }
0x1f: {  	s9 =	smul.u32 $0xF7A, s1;
	s8 =	simm.s32 @!p0 $0x1BF5;
	p2 =	por !p2, p0  }
0x20: {  	[sflag:s8] =	ssyncset.s32 @!p0 $0xFFFFF086;
	s6 =	sadd.s32 @!p0 s3, s7;
	s7 =	simm.s32 @!p0 $0x108  }
0x21: {  	s3 =	sadd.s32 s3, s9;
	s6 =	sadd.s32 @!p0 $0x88, s6;
	s7 =	simm.s32 @p2 $0x1082  }
0x22: {  	[simem:s7], [sflag:s8] =	dma.local @!p0 [hbm:s6], $0xF7A  }
0x23: {  	s9 =	sor.u32 $0xD0000000, s2;
	s6 =	simm.s32 $0x108;
	_ =	swait.ge @!p0 [sflag:s8], $0x0  }
0x24: {  	s3 =	sadd.s32 $0x88, s3;
	s6 =	simm.s32 @!p1 $0x1082;
	[sflag:s4] =	ssyncset.s32 $0xFFFFF086  }
0x25: {  	[simem:s6], [sflag:s4] =	dma.local [hbm:s3], $0xF7A  }
0x26: {  	[smem:$0x3F92] =	sst s1;
	(tag) =	ssettag s2;
	_ =	strace s9  }
0x27: {  	s1 =	sld [smem:$0x3FA2]  }
0x28: {  	s2 =	sld [smem:$0x3FA3]  }
0x29: {  	s4 =	sld [smem:$0x3FA5]  }
0x2a: {  	p0 =	seq.s32 s5, $0x0;
	s5 =	sld [smem:$0x3FA6]  }
0x2b: {  	s6 =	sld [smem:$0x3FA7]  }
0x2c: {  	s7 =	sld [smem:$0x3FA8]  }
0x2d: {  	s3 =	simm.s32 $0x108;
	s8 =	sld [smem:$0x3FA9]  }
0x2e: {  	s3 =	simm.s32 @!p0 $0x1082;
	s9 =	sld [smem:$0x3FAA]  }
0x2f: {  	lr =	sadd.s32 s0, s3;
	s0 =	sld [smem:$0x3FA1]  }
0x30: {  	s3 =	sld [smem:$0x3FA4]  }
0x31: {  	[smem:$0x3FAD] =	sst s10  }
0x32: {  	s10 =	sld [smem:$0x3FAB];
	_ =	sdelay $0x3  }
0x33: {  	p0 =	seq.s32 s10, $0x1;
	s10 =	sld [smem:$0x3FAD];
	_ =	sdelay $0x3  }
0x34: {  	[smem:$0x3FAD] =	sst s10  }
0x35: {  	s10 =	sld [smem:$0x3FAC];
	_ =	sdelay $0x3  }
0x36: {  	p1 =	seq.s32 s10, $0x1;
	s10 =	sld [smem:$0x3FAD];
	_ =	sdelay $0x3  }
0x37: {  	[smem:$0x3FAD] =	sst s10  }
0x38: {  	s10 =	sld [smem:$0x3FAE]  }
0x39: {  	_ = 	snop;
	(pc) =	sbr.ind lr, $3  }
0x3a: {  	_ = 	snop  }
0x3b: {  	_ = 	snop  }
0x3c: {  	p2 =	seq.s32 s10, $0x1;
	s10 =	sld [smem:$0x3FAD]  }
0x3d: {  	_ =	shalt  }
0x3e: {  	_ =	shalt  }
0x3f: {  	_ =	shalt  }
0x40: {  	_ =	shalt  }
0x41: {  	_ =	shalt  }
0x42: {  	_ =	shalt  }
0x43: {  	_ =	shalt  }
0x44: {  	_ =	shalt  }
0x45: {  	_ =	shalt  }
0x46: {  	_ =	shalt  }
0x47: {  	_ =	shalt  }
0x48: {  	_ =	shalt  }
0x49: {  	_ =	shalt  }
0x4a: {  	_ =	shalt  }
0x4b: {  	_ =	shalt  }
0x4c: {  	_ =	shalt  }
0x4d: {  	_ =	shalt  }
0x4e: {  	_ =	shalt  }
0x4f: {  	_ =	shalt  }
0x50: {  	_ =	shalt  }
0x51: {  	_ =	shalt  }
0x52: {  	_ =	shalt  }
0x53: {  	_ =	shalt  }
0x54: {  	_ =	shalt  }
0x55: {  	_ =	shalt  }
0x56: {  	_ =	shalt  }
0x57: {  	_ =	shalt  }
0x58: {  	_ =	shalt  }
0x59: {  	_ =	shalt  }
0x5a: {  	_ =	shalt  }
0x5b: {  	_ =	shalt  }
0x5c: {  	_ =	shalt  }
0x5d: {  	_ =	shalt  }
0x5e: {  	_ =	shalt  }
0x5f: {  	_ =	shalt  }
0x60: {  	_ =	shalt  }
0x61: {  	_ =	shalt  }
0x62: {  	_ =	shalt  }
0x63: {  	_ =	shalt  }
0x64: {  	_ =	shalt  }
0x65: {  	_ =	shalt  }
0x66: {  	_ =	shalt  }
0x67: {  	_ =	shalt  }
0x68: {  	_ =	shalt  }
0x69: {  	_ =	shalt  }
0x6a: {  	_ =	shalt  }
0x6b: {  	_ =	shalt  }
0x6c: {  	_ =	shalt  }
0x6d: {  	_ =	shalt  }
0x6e: {  	_ =	shalt  }
0x6f: {  	_ =	shalt  }
0x70: {  	_ =	shalt  }
0x71: {  	_ =	shalt  }
0x72: {  	_ =	shalt  }
0x73: {  	_ =	shalt  }
0x74: {  	_ =	shalt  }
0x75: {  	_ =	shalt  }
0x76: {  	_ =	shalt  }
0x77: {  	_ =	shalt  }
0x78: {  	_ =	shalt  }
0x79: {  	_ =	shalt  }
0x7a: {  	_ =	shalt  }
0x7b: {  	_ =	shalt  }
0x7c: {  	_ =	shalt  }
0x7d: {  	_ =	shalt  }
0x7e: {  	_ =	shalt  }
0x7f: {  	_ =	shalt  }
0x80: {  	_ =	shalt  }
0x81: {  	_ =	shalt  }
0x82: {  	_ =	shalt  }
0x83: {  	_ =	shalt  }
0x84: {  	_ =	shalt  }
0x85: {  	_ =	shalt  }
0x86: {  	_ =	shalt  }
0x87: {  	_ =	shalt  }
.Lfunc_end0:
.L_simem_size_0:
called_computation_lowered:
.L_overlay_start_0:
0x88: {  	s2 =	sld [smem:$0x3FD9]  }
0x89: {  	s3 =	sld [smem:$0x3FFE];
	_ =	sdelay $0x1  }
0x8a: {  	s1 =	srdreg.scid  }
0x8b: {  	s0 =	sand.u32 $0x1, s1  }
0x8c: {  	s16 =	sshll.u32 s0, $0xA;
	s2 =	sadd.s32 s3, s2  }
0x8d: {  	s2 =	sadd.s32 s2, s16  }
0x8e: {  	[smem:$0x3FB9] =	sst s2  }
0x8f: {  	_ = 	snop  }
0x90: {  	(tm) =	ssettm $0x1  }
0x91: {  	s17 =	sld [smem:$0x3FFB];
	_ =	sdelay $0x3  }
0x92: {  	_ =	strace s17  }
0x93: {  	s2 =	sld [smem:$0x3FFC];
	_ =	sdelay $0x3  }
0x94: {  	_ =	strace s2  }
0x95: {  	s2 =	sld [smem:$0x3FFD];
	_ =	sdelay $0x3  }
0x96: {  	_ =	strace s2  }
0x97: {  	_ =	strace $0x8FFFFFFF  }
0x98: {  	s18 =	sld [smem:$0x3FDB];
	_ =	sdelay $0x1  }
0x99: {  	s19 =	simm.s32 $_scs_section_size  }
0x9a: {  	s4 =	simm.s32 $_size__tile_overlayer_lowered;
	s5 =	simm.s32 $_tile_overlayer_lowered  }
0x9b: {  	s22 =	simm.s32 $0x1BFF;
	s21 =	sshll.u32 s5, $0x1;
	s2 =	sadd.s32 s19, s18  }
0x9c: {  	s6 =	simm.s32 $0x0;
	s20 =	sshll.u32 s4, $0x1;
	s4 =	sadd.s32 s21, s2  }
0x9d: {  	[timem:s6], [sflag:s22] =	dma.local [hbm:s4], s20  }
0x9e: {  	_ =	swait.ge [sflag:s22], s20  }
0x9f: {  	s3 =	ssub.s32 $0x0, s20;
	[sflag:s22] =	ssyncset.done $0x0  }
0xa0: {  	[sflag:s22] =	ssyncadd.s32 s3;
	_ =	sdelay $0x1  }
0xa1: {  	s23 =	simm.s32 $0x1B8B  }
0xa2: {  	_ =	swait.ge [sflag:s23], $0x1  }
0xa3: {  	[sflag:s23] =	ssyncset.done $0x0  }
0xa4: {  	s25 =	simm.s32 $0x1B8E;
	s24 =	sld [smem:$0x3FFE];
	[sflag:s23] =	ssyncadd.s32 $0xFFFFFFFF  }
0xa5: {  	s26 =	simm.s32 $execute0_lowered;
	[smem:$0x3FD2] =	sst s25  }
0xa6: {  	s4 =	sshll.u32 s26, $0x1;
	_ =	strace $0x80000046;
	[dreg:$0x1] =	wrdreg $0xFFFFFFFF  }
0xa7: {  	s28 =	simm.s32 $_size_execute0_lowered;
	s2 =	sadd.s32 s2, s4;
	[dreg:$0x0] =	wrdreg $0x0  }
0xa8: {  	s4 =	sshll.u32 s28, $0x1;
	[dreg:$0x2] =	wrdreg s2  }
0xa9: {  	[dreg:$0x3] =	wrdreg s4  }
0xaa: {  	[dreg:$0x4] =	wrdreg $0xC0  }
0xab: {  	_ =	task [dreg:s6], $0x5FFFF  }
0xac: {  	[dreg:$0x1] =	wrdreg $0xFFFFFFFF  }
0xad: {  	[dreg:$0x0] =	wrdreg $0x60  }
0xae: {  	[dreg:$0x2] =	wrdreg s24  }
0xaf: {  	[dreg:$0x3] =	wrdreg $0xAC000  }
0xb0: {  	[dreg:$0x4] =	wrdreg $0x9  }
0xb1: {  	_ =	task.clear_ibuf [dreg:s6], $0x5FFFF;
	_ =	strace $0x90000046  }
0xb2: {  	s29 =	simm.s32 $0x9;
	_ =	strace $0x80000048  }
0xb3: {  	_ =	swait.ge [sflag:s29], $0x1  }
0xb4: {  	[sflag:s29] =	ssyncadd.s32 $0xFFFFFFFF  }
0xb5: {  	_ =	strace $0x90000048  }
0xb6: {  	_ =	sfence  }
0xb7: {  	s30 =	sld [smem:$0x0];
	_ =	sdelay $0x2  }
0xb8: {  	s31 =	sshll.u32 s1, $0xD;
	s1 =	sshrl.u32 s1, $0x2  }
0xb9: {  	s3 =	sand.u32 $0x4000, s31;
	s1 =	sadd.s32 s1, s30  }
0xba: {  	s0 =	sor.u32 s3, s0;
	s1 =	sshll.u32 s1, $0x11  }
0xbb: {  	s0 =	sor.u32 s1, s0  }
0xbc: {  	s0 =	sadd.s32 $0x8F2B, s0  }
0xbd: {  	[sflag:s0] =	ssyncadd.remote.s32 $0x1  }
0xbe: {  	_ =	sfence.sel $0xFFFF  }
0xbf: {  	[dreg:$0x0] =	wrdreg $0xFFFFFFFF;
	(pc) =	sbr.abs _section_cstart, $3  }
0xc0: {  	[dreg:$0x1] =	wrdreg $0xFFFFFFFF  }
0xc1: {  	_ =	task.clear_ibuf [dreg:s6], $0x2FFFF;
	_ =	strace $0x9FFFFFFF  }
0xc2: {  	(tm) =	ssettm $0x7FFFFFFF  }
0xc3: {  	_ =	shalt  }
tec
execute0_lowered:
.L_overlay_start_1:
0x0: {  	(tag) =	ssettag $0x1  }
0x1: {  	s1 =	rddreg [dreg:$0x0]  }
0x2: {  	s0 =	srdreg.scid;
	s2 =	rddreg [dreg:$0x1]  }
0x3: {  	s11 =	stileid.u32;
	s3 =	simm.s32 $0x0;
	s28 =	simm.s32 $0x5  }
0x4: {  	s29 =	simm.s32 $0x1400;
	s30 =	simm.s32 $0x3400;
	s31 =	simm.s32 $0x50  }
0x5: {  	s0 =	sand.u32 $0x1, s0;
	[smem:$0x7FF] =	sst s3;
	s8 =	sshll.u32 s11, $0x7  }
0x6: {  	s9 =	smul.u32 $0x50000, s11;
	s12 =	sadd.s32 $0x50200, s1;
	s4 =	sshll.u32 s0, $0x4  }
0x7: {  	_ =	strace $0x80000047;
	s25 =	ssub.s32 $0x2, s0;
	s0 =	smul.u32 $0x140000, s0  }
0x8: {  	s8 =	sand.u32 $0x380, s8;
	s5 =	sor.u32 s11, s4;
	s11 =	smul.u32 $0x14000, s11  }
0x9: {  	s4 =	sadd.s32 $0x1E200, s1;
	s6 =	smul.u32 $0x2710, s5;
	s7 =	sshrl.u32 s5, $0x3  }
0xa: {  	s10 =	sshrl.u32 s25, $0x1;
	s5 =	sshll.u32 s5, $0xB;
	s7 =	smul.u32 $0x14000, s7  }
0xb: {  	s5 =	sadd.s32 s5, s1;
	s17 =	sadd.s32 $0x7800, s11;
	s18 =	sadd.s32 $0xA000, s11  }
0xc: {  	s19 =	sadd.s32 $0xC800, s11;
	s13 =	sadd.s32 s11, s0;
	s20 =	sadd.s32 $0xF000, s11  }
0xd: {  	s6 =	sshrl.u32 s6, $0x3;
	s13 =	sshrl.u32 s13, $0x3;
	s16 =	sadd.s32 s0, s17  }
0xe: {  	s15 =	sadd.s32 s0, s18;
	s23 =	sadd.s32 s0, s19;
	s24 =	sadd.s32 s0, s20  }
0xf: {  	s17 =	sadd.s32 s17, s2;
	s18 =	sadd.s32 s18, s2;
	s19 =	sadd.s32 s19, s2  }
0x10: {  	s20 =	sadd.s32 s20, s2;
	s6 =	sadd.s32 s6, s1;
	s7 =	sor.u32 s8, s7  }
0x11: {  	s8 =	sshrl.u32 s9, $0x2;
	s9 =	sor.u32 $0x2800, s11;
	s13 =	sadd.s32 s12, s13  }
0x12: {  	s15 =	sshrl.u32 s15, $0x3;
	s7 =	sshrl.u32 s7, $0x3;
	s14 =	sadd.s32 s0, s9  }
0x13: {  	[dreg:$0x3] =	wrdreg s13;
	s22 =	sadd.s32 s12, s15;
	s15 =	sadd.s32 s9, s2  }
0x14: {  	s9 =	simm.s32 $0x0;
	s1 =	sadd.s32 s7, s1;
	s7 =	ssub.s32 s25, s10  }
0x15: {  	s10 =	sadd.s32 $0x5000, s11;
	s14 =	sshrl.u32 s14, $0x3;
	s11 =	sadd.s32 $0x11800, s11  }
0x16: {  	[dreg:$0x7] =	wrdreg s22;
	s22 =	sadd.s32 $0x4680, s6;
	s26 =	sadd.s32 s12, s14  }
0x17: {  	s14 =	sadd.s32 s0, s10;
	s0 =	sadd.s32 s0, s11;
	[dreg:$0x4] =	wrdreg s26  }
0x18: {  	s13 =	sshrl.u32 s14, $0x3;
	s14 =	sshrl.u32 s16, $0x3;
	s0 =	sshrl.u32 s0, $0x3  }
0x19: {  	s26 =	sadd.s32 $0x4400, s6;
	s16 =	sadd.s32 s10, s2;
	s6 =	simm.s32 $0x2  }
0x1a: {  	s13 =	sadd.s32 s12, s13;
	s21 =	sadd.s32 s12, s14;
	s14 =	sshrl.u32 s24, $0x3  }
0x1b: {  	s0 =	sadd.s32 s12, s0;
	[dreg:$0xb] =	wrdreg s26;
	s24 =	sadd.s32 $0xE600, s5  }
0x1c: {  	s26 =	smax.u32 s7, $0x1;
	s7 =	simm.s32 $0x3;
	[dreg:$0x5] =	wrdreg s13  }
0x1d: {  	[dreg:$0x6] =	wrdreg s21;
	s13 =	sshrl.u32 s23, $0x3;
	s25 =	sadd.s32 s12, s14  }
0x1e: {  	[dreg:$0xa] =	wrdreg s0;
	s14 =	sadd.s32 s8, s2;
	s21 =	sadd.s32 s11, s2  }
0x1f: {  	s23 =	sadd.s32 $0xE200, s5;
	s0 =	simm.s32 $0x5C00;
	s5 =	simm.s32 $0x8400  }
0x20: {  	s8 =	simm.s32 $0x4;
	s13 =	sadd.s32 s12, s13;
	[dreg:$0x9] =	wrdreg s25  }
0x21: {  	v0 =	vimm.f32 $0.0e+00;
	v1 =	vimm.f32 $1.000000000e+00;
	s25 =	sadd.s32 $0x46200, s1;
	s1 =	simm.s32 $0x1;
	[dreg:$0x8] =	wrdreg s13  }
.LBB2_1:
0x22: {  	s10 =	rddreg [dreg:$0xb]  }
0x23: {  	[tilespmem:s3], [sflag:$0x5] =	stream.linear.gather [hbm4b:s10+s3], $0x1400, $0x38;
	[tilespmem:$0x1EC00] =	vst v63  }
0x24: {  	_ =	swait.ge [sflag:s28], $0x1400  }
0x25: {  	[sflag:s28] =	ssyncset.done $0x0  }
0x26: {  	[sflag:s28] =	ssyncadd.s32 $0xFFFFEC00  }
0x27: {  	[tilespmem:s29], [sflag:$0x5] =	stream.linear.gather [hbm4b:s23+s3], $0x2000, $0x38;
	[tilespmem:$0x1EC00] =	vst v63  }
0x28: {  	_ =	swait.ge [sflag:s28], $0x2000  }
0x29: {  	[sflag:s28] =	ssyncset.done $0x0  }
0x2a: {  	s11 =	simm.s32 $0x200;
	s10 =	simm.s32 $0x0;
	[sflag:s28] =	ssyncadd.s32 $0xFFFFE000  }
.LBB2_2:
0x2b: {  	p0 =	sne.s32 s11, $0x9E00;
	[tilespmem:s10+$0x3470] =	vst v0  }
0x2c: {  	[tilespmem:s10+$0x3400] =	vst v0  }
0x2d: {  	[tilespmem:s10+$0x3410] =	vst v0  }
.Ltmp0:
0x2e: {  	[tilespmem:s10+$0x3420] =	vst v0;
	(pc) =	sbr.rel @p0 .LBB2_2-.Ltmp0, $4  }
0x2f: {  	[tilespmem:s10+$0x3430] =	vst v0  }
0x30: {  	[tilespmem:s10+$0x3440] =	vst v0  }
0x31: {  	[tilespmem:s10+$0x3450] =	vst v0  }
0x32: {  	[tilespmem:s10+$0x3460] =	vst v0;
	s10 =	sshra.s32 s11, $0x2;
	s11 =	sadd.s32 $0x200, s11  }
0x33: {  	[tilespmem:s10+$0x3470] =	vst v0  }
0x34: {  	[tilespmem:s10+$0x3400] =	vst v0  }
0x35: {  	[tilespmem:s10+$0x3410] =	vst v0  }
0x36: {  	[tilespmem:s10+$0x3420] =	vst v0  }
0x37: {  	[tilespmem:s10+$0x3430] =	vst v0  }
0x38: {  	[tilespmem:s10+$0x3440] =	vst v0  }
0x39: {  	[tilespmem:s10+$0x3450] =	vst v0  }
0x3a: {  	[tilespmem:s10+$0x3460] =	vst v0  }
0x3b: {  	[spmem:s14] =	stream.linear.scatter [tilespmem:s30], [sflag:$0x5], $0x2800, $0x38;
	[tilespmem:$0x1EC00] =	vst v63  }
0x3c: {  	_ =	swait.ge [sflag:s28], $0x2800  }
0x3d: {  	[sflag:s28] =	ssyncset.done $0x0  }
0x3e: {  	[sflag:s28] =	ssyncadd.s32 $0xFFFFD800  }
0x3f: {  	[spmem:s15] =	stream.linear.scatter [tilespmem:s30], [sflag:$0x5], $0x2800, $0x38;
	[tilespmem:$0x1EC00] =	vst v63  }
0x40: {  	_ =	swait.ge [sflag:s28], $0x2800  }
0x41: {  	[sflag:s28] =	ssyncset.done $0x0  }
0x42: {  	[sflag:s28] =	ssyncadd.s32 $0xFFFFD800  }
0x43: {  	[spmem:s16] =	stream.linear.scatter [tilespmem:s30], [sflag:$0x5], $0x2800, $0x38;
	[tilespmem:$0x1EC00] =	vst v63  }
0x44: {  	_ =	swait.ge [sflag:s28], $0x2800  }
0x45: {  	[sflag:s28] =	ssyncset.done $0x0  }
0x46: {  	[sflag:s28] =	ssyncadd.s32 $0xFFFFD800  }
0x47: {  	[spmem:s17] =	stream.linear.scatter [tilespmem:s30], [sflag:$0x5], $0x2800, $0x38;
	[tilespmem:$0x1EC00] =	vst v63  }
0x48: {  	_ =	swait.ge [sflag:s28], $0x2800  }
0x49: {  	[sflag:s28] =	ssyncset.done $0x0  }
0x4a: {  	[sflag:s28] =	ssyncadd.s32 $0xFFFFD800  }
0x4b: {  	[spmem:s18] =	stream.linear.scatter [tilespmem:s30], [sflag:$0x5], $0x2800, $0x38;
	[tilespmem:$0x1EC00] =	vst v63  }
0x4c: {  	_ =	swait.ge [sflag:s28], $0x2800  }
0x4d: {  	[sflag:s28] =	ssyncset.done $0x0  }
0x4e: {  	[sflag:s28] =	ssyncadd.s32 $0xFFFFD800  }
0x4f: {  	[spmem:s19] =	stream.linear.scatter [tilespmem:s30], [sflag:$0x5], $0x2800, $0x38;
	[tilespmem:$0x1EC00] =	vst v63  }
0x50: {  	_ =	swait.ge [sflag:s28], $0x2800  }
0x51: {  	[sflag:s28] =	ssyncset.done $0x0  }
0x52: {  	[sflag:s28] =	ssyncadd.s32 $0xFFFFD800  }
0x53: {  	[spmem:s20] =	stream.linear.scatter [tilespmem:s30], [sflag:$0x5], $0x2800, $0x38;
	[tilespmem:$0x1EC00] =	vst v63  }
0x54: {  	_ =	swait.ge [sflag:s28], $0x2800  }
0x55: {  	[sflag:s28] =	ssyncset.done $0x0  }
0x56: {  	[sflag:s28] =	ssyncadd.s32 $0xFFFFD800  }
0x57: {  	[spmem:s21] =	stream.linear.scatter [tilespmem:s30], [sflag:$0x5], $0x2800, $0x38;
	[tilespmem:$0x1EC00] =	vst v63  }
0x58: {  	_ =	swait.ge [sflag:s28], $0x2800  }
0x59: {  	[sflag:s28] =	ssyncset.done $0x0  }
0x5a: {  	s10 =	simm.s32 $0x40;
	s11 =	simm.s32 $0x0;
	[sflag:s28] =	ssyncadd.s32 $0xFFFFD800  }
.LBB2_4:
0x5b: {  	p0 =	sne.s32 s10, $0x9FC0;
	[tilespmem:s11+$0x8400] =	vst v0;
	s11 =	smov.u32 s10;
	s10 =	sadd.s32 $0x40, s10  }
.Ltmp1:
0x5c: {  	(pc) =	sbr.rel @p0 .LBB2_4-.Ltmp1, $2  }
0x5d: {  	_ =	sdelay $0x2  }
0x5e: {  	s11 =	sshra.s32 s11, $0x2  }
0x5f: {  	[tilespmem:s11+$0x8400] =	vst v0  }
0x60: {  	[bflag:$0x0] =	sbarrier.arrive $0xFFFF  }
0x61: {  	[tilespmem:s30], [sflag:$0x1] =	stream.indirect.gather [hbm4b:s4+s31], $0x80, s3, s31, $0xb8;
	[tilespmem:$0x1EC00] =	vst v63  }
0x62: {  	s10 =	simm.s32 $0xFFFFB280;
	s11 =	simm.s32 $0x1480  }
0x63: {  	[tilespmem:s0], [sflag:$0x2] =	stream.indirect.gather [hbm4b:s4+s31], $0x80, s31, s31, $0xb8;
	[tilespmem:$0x1EC00] =	vst v63  }
.LBB2_6:
0x64: {  	_ =	swait.ge [sflag:s1], $0x2800  }
0x65: {  	[sflag:s1] =	ssyncset.done $0x0  }
0x66: {  	s12 =	sadd.s32 $0xFFFFFF80, s11;
	[sflag:s1] =	ssyncadd.s32 $0xFFFFD800  }
0x67: {  	[spmem:s2] =	stream.indirect.scatter.add.f32 [tilespmem:s30], [sflag:$0x3], $0x80, s12, s31, $0xb8;
	[tilespmem:$0x1EC00] =	vst v63  }
0x68: {  	v2 =	vld [tilespmem:s11+$0xFFFFFF80];
	_ =	sdelay $0x7  }
0x69: {  	[tilespmem:v2+s5+$0x0] =	vst.idx.add.f32.msk $0xffff, v1  }
0x6a: {  	v2 =	vld [tilespmem:s11+$0xFFFFFF90];
	_ =	sdelay $0x7  }
0x6b: {  	[tilespmem:v2+s5+$0x0] =	vst.idx.add.f32.msk $0xffff, v1  }
0x6c: {  	v2 =	vld [tilespmem:s11+$0xFFFFFFA0];
	_ =	sdelay $0x7  }
0x6d: {  	[tilespmem:v2+s5+$0x0] =	vst.idx.add.f32.msk $0xffff, v1  }
0x6e: {  	v2 =	vld [tilespmem:s11+$0xFFFFFFB0];
	_ =	sdelay $0x7  }
0x6f: {  	[tilespmem:v2+s5+$0x0] =	vst.idx.add.f32.msk $0xffff, v1  }
0x70: {  	v2 =	vld [tilespmem:s11+$0xFFFFFFC0];
	_ =	sdelay $0x7  }
0x71: {  	[tilespmem:v2+s5+$0x0] =	vst.idx.add.f32.msk $0xffff, v1  }
0x72: {  	_ =	swait.ge [sflag:s6], $0x2800  }
0x73: {  	[sflag:s6] =	ssyncset.done $0x0  }
0x74: {  	[sflag:s6] =	ssyncadd.s32 $0xFFFFD800  }
0x75: {  	[spmem:s2] =	stream.indirect.scatter.add.f32 [tilespmem:s0], [sflag:$0x4], $0x80, s11, s31, $0xb8;
	[tilespmem:$0x1EC00] =	vst v63  }
0x76: {  	v2 =	vld [tilespmem:s11+$0x0];
	_ =	sdelay $0x7  }
0x77: {  	[tilespmem:v2+s5+$0x0] =	vst.idx.add.f32.msk $0xffff, v1  }
0x78: {  	v2 =	vld [tilespmem:s11+$0x10];
	_ =	sdelay $0x7  }
0x79: {  	[tilespmem:v2+s5+$0x0] =	vst.idx.add.f32.msk $0xffff, v1  }
0x7a: {  	v2 =	vld [tilespmem:s11+$0x20];
	_ =	sdelay $0x7  }
0x7b: {  	[tilespmem:v2+s5+$0x0] =	vst.idx.add.f32.msk $0xffff, v1  }
0x7c: {  	v2 =	vld [tilespmem:s11+$0x30];
	_ =	sdelay $0x7  }
0x7d: {  	[tilespmem:v2+s5+$0x0] =	vst.idx.add.f32.msk $0xffff, v1  }
0x7e: {  	v2 =	vld [tilespmem:s11+$0x40];
	_ =	sdelay $0x7  }
0x7f: {  	[tilespmem:v2+s5+$0x0] =	vst.idx.add.f32.msk $0xffff, v1  }
0x80: {  	_ =	swait.ge [sflag:s7], $0x2800  }
0x81: {  	s12 =	sshra.s32 s10, $0x2;
	[sflag:s7] =	ssyncset.done $0x0  }
0x82: {  	p0 =	sne.s32 s10, $0xFFFFFD80;
	s13 =	sadd.s32 $0x1400, s12;
	[sflag:s7] =	ssyncadd.s32 $0xFFFFD800  }
0x83: {  	[tilespmem:s30], [sflag:$0x1] =	stream.indirect.gather [hbm4b:s4+s31], $0x80, s13, s31, $0xb8;
	[tilespmem:$0x1EC00] =	vst v63  }
.Ltmp2:
0x84: {  	_ = 	snop;
	(pc) =	sbr.rel @p0 .LBB2_6-.Ltmp2, $4  }
0x85: {  	_ =	swait.ge [sflag:s8], $0x2800  }
0x86: {  	s10 =	sadd.s32 $0x280, s10;
	[sflag:s8] =	ssyncset.done $0x0  }
0x87: {  	s12 =	sadd.s32 $0x1450, s12;
	s11 =	sadd.s32 $0x100, s11;
	[sflag:s8] =	ssyncadd.s32 $0xFFFFD800  }
0x88: {  	[tilespmem:s0], [sflag:$0x2] =	stream.indirect.gather [hbm4b:s4+s31], $0x80, s12, s31, $0xb8;
	[tilespmem:$0x1EC00] =	vst v63  }
0x89: {  	_ =	swait.ge [sflag:s1], $0x2800  }
0x8a: {  	[sflag:s1] =	ssyncset.done $0x0  }
0x8b: {  	s10 =	simm.s32 $0x3300;
	[sflag:s1] =	ssyncadd.s32 $0xFFFFD800  }
0x8c: {  	[spmem:s2] =	stream.indirect.scatter.add.f32 [tilespmem:s30], [sflag:$0x3], $0x80, s10, s31, $0xb8;
	[tilespmem:$0x1EC00] =	vst v63  }
0x8d: {  	v2 =	vld [tilespmem:$0x3300];
	_ =	sdelay $0x7  }
0x8e: {  	[tilespmem:v2+s5+$0x0] =	vst.idx.add.f32.msk $0xffff, v1  }
0x8f: {  	v2 =	vld [tilespmem:$0x3310];
	_ =	sdelay $0x7  }
0x90: {  	[tilespmem:v2+s5+$0x0] =	vst.idx.add.f32.msk $0xffff, v1  }
0x91: {  	v2 =	vld [tilespmem:$0x3320];
	_ =	sdelay $0x7  }
0x92: {  	[tilespmem:v2+s5+$0x0] =	vst.idx.add.f32.msk $0xffff, v1  }
0x93: {  	v2 =	vld [tilespmem:$0x3330];
	_ =	sdelay $0x7  }
0x94: {  	[tilespmem:v2+s5+$0x0] =	vst.idx.add.f32.msk $0xffff, v1  }
0x95: {  	v2 =	vld [tilespmem:$0x3340];
	_ =	sdelay $0x7  }
0x96: {  	[tilespmem:v2+s5+$0x0] =	vst.idx.add.f32.msk $0xffff, v1  }
0x97: {  	_ =	swait.ge [sflag:s6], $0x2800  }
0x98: {  	[sflag:s6] =	ssyncset.done $0x0  }
0x99: {  	s13 =	simm.s32 $0x3380;
	[sflag:s6] =	ssyncadd.s32 $0xFFFFD800  }
0x9a: {  	[spmem:s2] =	stream.indirect.scatter.add.f32 [tilespmem:s0], [sflag:$0x4], $0x80, s13, s31, $0xb8;
	[tilespmem:$0x1EC00] =	vst v63  }
0x9b: {  	v2 =	vld [tilespmem:$0x3380];
	_ =	sdelay $0x7  }
0x9c: {  	[tilespmem:v2+s5+$0x0] =	vst.idx.add.f32.msk $0xffff, v1  }
0x9d: {  	v2 =	vld [tilespmem:$0x3390];
	_ =	sdelay $0x7  }
0x9e: {  	[tilespmem:v2+s5+$0x0] =	vst.idx.add.f32.msk $0xffff, v1  }
0x9f: {  	v2 =	vld [tilespmem:$0x33A0];
	_ =	sdelay $0x7  }
0xa0: {  	[tilespmem:v2+s5+$0x0] =	vst.idx.add.f32.msk $0xffff, v1  }
0xa1: {  	v2 =	vld [tilespmem:$0x33B0];
	_ =	sdelay $0x7  }
0xa2: {  	[tilespmem:v2+s5+$0x0] =	vst.idx.add.f32.msk $0xffff, v1  }
0xa3: {  	v2 =	vld [tilespmem:$0x33C0];
	_ =	sdelay $0x7  }
0xa4: {  	[tilespmem:v2+s5+$0x0] =	vst.idx.add.f32.msk $0xffff, v1  }
0xa5: {  	[tilespmem:s3], [sflag:$0x5] =	stream.linear.gather [hbm4b:s22+s3], $0x1310, $0x38;
	[tilespmem:$0x1EC00] =	vst v63  }
0xa6: {  	_ =	swait.ge [sflag:s28], $0x1310  }
0xa7: {  	[sflag:s28] =	ssyncset.done $0x0  }
0xa8: {  	[sflag:s28] =	ssyncadd.s32 $0xFFFFECF0  }
0xa9: {  	[tilespmem:s29], [sflag:$0x5] =	stream.linear.gather [hbm4b:s24+s3], $0x1E80, $0x38;
	[tilespmem:$0x1EC00] =	vst v63  }
0xaa: {  	_ =	swait.ge [sflag:s28], $0x1E80  }
0xab: {  	[sflag:s28] =	ssyncset.done $0x0  }
0xac: {  	[sflag:s28] =	ssyncadd.s32 $0xFFFFE180  }
0xad: {  	_ =	swait.ge [sflag:s7], $0x2800  }
0xae: {  	[sflag:s7] =	ssyncset.done $0x0  }
0xaf: {  	[sflag:s7] =	ssyncadd.s32 $0xFFFFD800  }
0xb0: {  	[tilespmem:s30], [sflag:$0x1] =	stream.indirect.gather [hbm4b:s4+s31], $0x80, s3, s31, $0xb8;
	[tilespmem:$0x1EC00] =	vst v63  }
0xb1: {  	_ =	swait.ge [sflag:s8], $0x2800  }
0xb2: {  	[sflag:s8] =	ssyncset.done $0x0  }
0xb3: {  	s11 =	simm.s32 $0x1480;
	s10 =	simm.s32 $0xFFFFB780;
	[sflag:s8] =	ssyncadd.s32 $0xFFFFD800  }
0xb4: {  	[tilespmem:s0], [sflag:$0x2] =	stream.indirect.gather [hbm4b:s4+s31], $0x80, s31, s31, $0xb8;
	[tilespmem:$0x1EC00] =	vst v63  }
.LBB2_8:
0xb5: {  	_ =	swait.ge [sflag:s1], $0x2800  }
0xb6: {  	[sflag:s1] =	ssyncset.done $0x0  }
0xb7: {  	s12 =	sadd.s32 $0xFFFFFF80, s11;
	[sflag:s1] =	ssyncadd.s32 $0xFFFFD800  }
0xb8: {  	[spmem:s2] =	stream.indirect.scatter.add.f32 [tilespmem:s30], [sflag:$0x3], $0x80, s12, s31, $0xb8;
	[tilespmem:$0x1EC00] =	vst v63  }
0xb9: {  	v2 =	vld [tilespmem:s11+$0xFFFFFF80];
	_ =	sdelay $0x7  }
0xba: {  	[tilespmem:v2+s5+$0x0] =	vst.idx.add.f32.msk $0xffff, v1  }
0xbb: {  	v2 =	vld [tilespmem:s11+$0xFFFFFF90];
	_ =	sdelay $0x7  }
0xbc: {  	[tilespmem:v2+s5+$0x0] =	vst.idx.add.f32.msk $0xffff, v1  }
0xbd: {  	v2 =	vld [tilespmem:s11+$0xFFFFFFA0];
	_ =	sdelay $0x7  }
0xbe: {  	[tilespmem:v2+s5+$0x0] =	vst.idx.add.f32.msk $0xffff, v1  }
0xbf: {  	v2 =	vld [tilespmem:s11+$0xFFFFFFB0];
	_ =	sdelay $0x7  }
0xc0: {  	[tilespmem:v2+s5+$0x0] =	vst.idx.add.f32.msk $0xffff, v1  }
0xc1: {  	v2 =	vld [tilespmem:s11+$0xFFFFFFC0];
	_ =	sdelay $0x7  }
0xc2: {  	[tilespmem:v2+s5+$0x0] =	vst.idx.add.f32.msk $0xffff, v1  }
0xc3: {  	_ =	swait.ge [sflag:s6], $0x2800  }
0xc4: {  	[sflag:s6] =	ssyncset.done $0x0  }
0xc5: {  	[sflag:s6] =	ssyncadd.s32 $0xFFFFD800  }
0xc6: {  	[spmem:s2] =	stream.indirect.scatter.add.f32 [tilespmem:s0], [sflag:$0x4], $0x80, s11, s31, $0xb8;
	[tilespmem:$0x1EC00] =	vst v63  }
0xc7: {  	v2 =	vld [tilespmem:s11+$0x0];
	_ =	sdelay $0x7  }
0xc8: {  	[tilespmem:v2+s5+$0x0] =	vst.idx.add.f32.msk $0xffff, v1  }
0xc9: {  	v2 =	vld [tilespmem:s11+$0x10];
	_ =	sdelay $0x7  }
0xca: {  	[tilespmem:v2+s5+$0x0] =	vst.idx.add.f32.msk $0xffff, v1  }
0xcb: {  	v2 =	vld [tilespmem:s11+$0x20];
	_ =	sdelay $0x7  }
0xcc: {  	[tilespmem:v2+s5+$0x0] =	vst.idx.add.f32.msk $0xffff, v1  }
0xcd: {  	v2 =	vld [tilespmem:s11+$0x30];
	_ =	sdelay $0x7  }
0xce: {  	[tilespmem:v2+s5+$0x0] =	vst.idx.add.f32.msk $0xffff, v1  }
0xcf: {  	v2 =	vld [tilespmem:s11+$0x40];
	_ =	sdelay $0x7  }
0xd0: {  	[tilespmem:v2+s5+$0x0] =	vst.idx.add.f32.msk $0xffff, v1  }
0xd1: {  	_ =	swait.ge [sflag:s7], $0x2800  }
0xd2: {  	s12 =	sshra.s32 s10, $0x2;
	[sflag:s7] =	ssyncset.done $0x0  }
0xd3: {  	p0 =	sne.s32 s10, $0xFFFFFD80;
	s13 =	sadd.s32 $0x12C0, s12;
	[sflag:s7] =	ssyncadd.s32 $0xFFFFD800  }
0xd4: {  	[tilespmem:s30], [sflag:$0x1] =	stream.indirect.gather [hbm4b:s4+s31], $0x80, s13, s31, $0xb8;
	[tilespmem:$0x1EC00] =	vst v63  }
.Ltmp3:
0xd5: {  	_ = 	snop;
	(pc) =	sbr.rel @p0 .LBB2_8-.Ltmp3, $4  }
0xd6: {  	_ =	swait.ge [sflag:s8], $0x2800  }
0xd7: {  	s10 =	sadd.s32 $0x280, s10;
	[sflag:s8] =	ssyncset.done $0x0  }
0xd8: {  	s12 =	sadd.s32 $0x1310, s12;
	s11 =	sadd.s32 $0x100, s11;
	[sflag:s8] =	ssyncadd.s32 $0xFFFFD800  }
0xd9: {  	[tilespmem:s0], [sflag:$0x2] =	stream.indirect.gather [hbm4b:s4+s31], $0x80, s12, s31, $0xb8;
	[tilespmem:$0x1EC00] =	vst v63  }
0xda: {  	_ =	swait.ge [sflag:s1], $0x2800  }
0xdb: {  	[sflag:s1] =	ssyncset.done $0x0  }
0xdc: {  	s10 =	simm.s32 $0x3100;
	[sflag:s1] =	ssyncadd.s32 $0xFFFFD800  }
0xdd: {  	[spmem:s2] =	stream.indirect.scatter.add.f32 [tilespmem:s30], [sflag:$0x3], $0x80, s10, s31, $0xb8;
	[tilespmem:$0x1EC00] =	vst v63  }
0xde: {  	v2 =	vld [tilespmem:$0x3100];
	_ =	sdelay $0x7  }
0xdf: {  	[tilespmem:v2+s5+$0x0] =	vst.idx.add.f32.msk $0xffff, v1  }
0xe0: {  	v2 =	vld [tilespmem:$0x3110];
	_ =	sdelay $0x7  }
0xe1: {  	[tilespmem:v2+s5+$0x0] =	vst.idx.add.f32.msk $0xffff, v1  }
0xe2: {  	v2 =	vld [tilespmem:$0x3120];
	_ =	sdelay $0x7  }
0xe3: {  	[tilespmem:v2+s5+$0x0] =	vst.idx.add.f32.msk $0xffff, v1  }
0xe4: {  	v2 =	vld [tilespmem:$0x3130];
	_ =	sdelay $0x7  }
0xe5: {  	[tilespmem:v2+s5+$0x0] =	vst.idx.add.f32.msk $0xffff, v1  }
0xe6: {  	v2 =	vld [tilespmem:$0x3140];
	_ =	sdelay $0x7  }
0xe7: {  	[tilespmem:v2+s5+$0x0] =	vst.idx.add.f32.msk $0xffff, v1  }
0xe8: {  	_ =	swait.ge [sflag:s6], $0x2800  }
0xe9: {  	[sflag:s6] =	ssyncset.done $0x0  }
0xea: {  	s11 =	simm.s32 $0x3180;
	[sflag:s6] =	ssyncadd.s32 $0xFFFFD800  }
0xeb: {  	[spmem:s2] =	stream.indirect.scatter.add.f32 [tilespmem:s0], [sflag:$0x4], $0x80, s11, s31, $0xb8;
	[tilespmem:$0x1EC00] =	vst v63  }
0xec: {  	v2 =	vld [tilespmem:$0x3180];
	_ =	sdelay $0x7  }
0xed: {  	[tilespmem:v2+s5+$0x0] =	vst.idx.add.f32.msk $0xffff, v1  }
0xee: {  	v2 =	vld [tilespmem:$0x3190];
	_ =	sdelay $0x7  }
0xef: {  	[tilespmem:v2+s5+$0x0] =	vst.idx.add.f32.msk $0xffff, v1  }
0xf0: {  	v2 =	vld [tilespmem:$0x31A0];
	_ =	sdelay $0x7  }
0xf1: {  	[tilespmem:v2+s5+$0x0] =	vst.idx.add.f32.msk $0xffff, v1  }
0xf2: {  	v2 =	vld [tilespmem:$0x31B0];
	_ =	sdelay $0x7  }
0xf3: {  	[tilespmem:v2+s5+$0x0] =	vst.idx.add.f32.msk $0xffff, v1  }
0xf4: {  	v2 =	vld [tilespmem:$0x31C0];
	_ =	sdelay $0x7  }
0xf5: {  	[tilespmem:v2+s5+$0x0] =	vst.idx.add.f32.msk $0xffff, v1  }
0xf6: {  	_ =	swait.ge [sflag:s7], $0x2800  }
0xf7: {  	[sflag:s7] =	ssyncset.done $0x0  }
0xf8: {  	s12 =	simm.s32 $0x12C0;
	[sflag:s7] =	ssyncadd.s32 $0xFFFFD800  }
0xf9: {  	[tilespmem:s30], [sflag:$0x1] =	stream.indirect.gather [hbm4b:s4+s31], $0x80, s12, s31, $0xb8;
	[tilespmem:$0x1EC00] =	vst v63  }
0xfa: {  	_ =	swait.ge [sflag:s1], $0x2800  }
0xfb: {  	[sflag:s1] =	ssyncset.done $0x0  }
0xfc: {  	s13 =	simm.s32 $0x3200;
	[sflag:s1] =	ssyncadd.s32 $0xFFFFD800  }
0xfd: {  	[spmem:s2] =	stream.indirect.scatter.add.f32 [tilespmem:s30], [sflag:$0x3], $0x80, s13, s31, $0xb8;
	[tilespmem:$0x1EC00] =	vst v63  }
0xfe: {  	v2 =	vld [tilespmem:$0x3200];
	_ =	sdelay $0x7  }
0xff: {  	[tilespmem:v2+s5+$0x0] =	vst.idx.add.f32.msk $0xffff, v1  }
0x100: {  	v2 =	vld [tilespmem:$0x3210];
	_ =	sdelay $0x7  }
0x101: {  	[tilespmem:v2+s5+$0x0] =	vst.idx.add.f32.msk $0xffff, v1  }
0x102: {  	v2 =	vld [tilespmem:$0x3220];
	_ =	sdelay $0x7  }
0x103: {  	[tilespmem:v2+s5+$0x0] =	vst.idx.add.f32.msk $0xffff, v1  }
0x104: {  	v2 =	vld [tilespmem:$0x3230];
	_ =	sdelay $0x7  }
0x105: {  	[tilespmem:v2+s5+$0x0] =	vst.idx.add.f32.msk $0xffff, v1  }
0x106: {  	v2 =	vld [tilespmem:$0x3240];
	_ =	sdelay $0x7  }
0x107: {  	[tilespmem:v2+s5+$0x0] =	vst.idx.add.f32.msk $0xffff, v1  }
0x108: {  	_ =	swait.ge [sflag:s8], $0x2800  }
0x109: {  	[sflag:s8] =	ssyncset.done $0x0  }
0x10a: {  	[sflag:s8] =	ssyncadd.s32 $0xFFFFD800  }
0x10b: {  	_ =	swait.ge [sflag:s7], $0x2800  }
0x10c: {  	[sflag:s7] =	ssyncset.done $0x0  }
0x10d: {  	[sflag:s7] =	ssyncadd.s32 $0xFFFFD800  }
0x10e: {  	[bflag:$0x0] =	sbarrier.arrive $0xFFFF  }
0x10f: {  	[tilespmem:s30], [sflag:$0x5] =	stream.linear.gather [spmem:s14], $0x2800, $0x38;
	[tilespmem:$0x1EC00] =	vst v63  }
0x110: {  	_ =	swait.ge [sflag:s28], $0x2800  }
0x111: {  	[sflag:s28] =	ssyncset.done $0x0  }
0x112: {  	s11 =	rddreg [dreg:$0x3];
	[sflag:s28] =	ssyncadd.s32 $0xFFFFD800  }
0x113: {  	[hbm4b:s11+s3] =	stream.linear.scatter [tilespmem:s30], [sflag:$0x5], $0x2800, $0x38;
	[tilespmem:$0x1EC00] =	vst v63  }
0x114: {  	_ =	swait.ge [sflag:s28], $0x2800  }
0x115: {  	[sflag:s28] =	ssyncset.done $0x0  }
0x116: {  	[sflag:s28] =	ssyncadd.s32 $0xFFFFD800  }
0x117: {  	[tilespmem:s30], [sflag:$0x5] =	stream.linear.gather [spmem:s15], $0x2800, $0x38;
	[tilespmem:$0x1EC00] =	vst v63  }
0x118: {  	_ =	swait.ge [sflag:s28], $0x2800  }
0x119: {  	[sflag:s28] =	ssyncset.done $0x0  }
0x11a: {  	s12 =	rddreg [dreg:$0x4];
	[sflag:s28] =	ssyncadd.s32 $0xFFFFD800  }
0x11b: {  	[hbm4b:s12+s3] =	stream.linear.scatter [tilespmem:s30], [sflag:$0x5], $0x2800, $0x38;
	[tilespmem:$0x1EC00] =	vst v63  }
0x11c: {  	_ =	swait.ge [sflag:s28], $0x2800  }
0x11d: {  	[sflag:s28] =	ssyncset.done $0x0  }
0x11e: {  	[sflag:s28] =	ssyncadd.s32 $0xFFFFD800  }
0x11f: {  	[tilespmem:s30], [sflag:$0x5] =	stream.linear.gather [spmem:s16], $0x2800, $0x38;
	[tilespmem:$0x1EC00] =	vst v63  }
0x120: {  	_ =	swait.ge [sflag:s28], $0x2800  }
0x121: {  	[sflag:s28] =	ssyncset.done $0x0  }
0x122: {  	s13 =	rddreg [dreg:$0x5];
	[sflag:s28] =	ssyncadd.s32 $0xFFFFD800  }
0x123: {  	[hbm4b:s13+s3] =	stream.linear.scatter [tilespmem:s30], [sflag:$0x5], $0x2800, $0x38;
	[tilespmem:$0x1EC00] =	vst v63  }
0x124: {  	_ =	swait.ge [sflag:s28], $0x2800  }
0x125: {  	[sflag:s28] =	ssyncset.done $0x0  }
0x126: {  	[sflag:s28] =	ssyncadd.s32 $0xFFFFD800  }
0x127: {  	[tilespmem:s30], [sflag:$0x5] =	stream.linear.gather [spmem:s17], $0x2800, $0x38;
	[tilespmem:$0x1EC00] =	vst v63  }
0x128: {  	_ =	swait.ge [sflag:s28], $0x2800  }
0x129: {  	[sflag:s28] =	ssyncset.done $0x0  }
0x12a: {  	s11 =	rddreg [dreg:$0x6];
	[sflag:s28] =	ssyncadd.s32 $0xFFFFD800  }
0x12b: {  	[hbm4b:s11+s3] =	stream.linear.scatter [tilespmem:s30], [sflag:$0x5], $0x2800, $0x38;
	[tilespmem:$0x1EC00] =	vst v63  }
0x12c: {  	_ =	swait.ge [sflag:s28], $0x2800  }
0x12d: {  	[sflag:s28] =	ssyncset.done $0x0  }
0x12e: {  	[sflag:s28] =	ssyncadd.s32 $0xFFFFD800  }
0x12f: {  	[tilespmem:s30], [sflag:$0x5] =	stream.linear.gather [spmem:s18], $0x2800, $0x38;
	[tilespmem:$0x1EC00] =	vst v63  }
0x130: {  	_ =	swait.ge [sflag:s28], $0x2800  }
0x131: {  	[sflag:s28] =	ssyncset.done $0x0  }
0x132: {  	s12 =	rddreg [dreg:$0x7];
	[sflag:s28] =	ssyncadd.s32 $0xFFFFD800  }
0x133: {  	[hbm4b:s12+s3] =	stream.linear.scatter [tilespmem:s30], [sflag:$0x5], $0x2800, $0x38;
	[tilespmem:$0x1EC00] =	vst v63  }
0x134: {  	_ =	swait.ge [sflag:s28], $0x2800  }
0x135: {  	[sflag:s28] =	ssyncset.done $0x0  }
0x136: {  	[sflag:s28] =	ssyncadd.s32 $0xFFFFD800  }
0x137: {  	[tilespmem:s30], [sflag:$0x5] =	stream.linear.gather [spmem:s19], $0x2800, $0x38;
	[tilespmem:$0x1EC00] =	vst v63  }
0x138: {  	_ =	swait.ge [sflag:s28], $0x2800  }
0x139: {  	[sflag:s28] =	ssyncset.done $0x0  }
0x13a: {  	s13 =	rddreg [dreg:$0x8];
	[sflag:s28] =	ssyncadd.s32 $0xFFFFD800  }
0x13b: {  	[hbm4b:s13+s3] =	stream.linear.scatter [tilespmem:s30], [sflag:$0x5], $0x2800, $0x38;
	[tilespmem:$0x1EC00] =	vst v63  }
0x13c: {  	_ =	swait.ge [sflag:s28], $0x2800  }
0x13d: {  	[sflag:s28] =	ssyncset.done $0x0  }
0x13e: {  	[sflag:s28] =	ssyncadd.s32 $0xFFFFD800  }
0x13f: {  	[tilespmem:s30], [sflag:$0x5] =	stream.linear.gather [spmem:s20], $0x2800, $0x38;
	[tilespmem:$0x1EC00] =	vst v63  }
0x140: {  	_ =	swait.ge [sflag:s28], $0x2800  }
0x141: {  	[sflag:s28] =	ssyncset.done $0x0  }
0x142: {  	s11 =	rddreg [dreg:$0x9];
	[sflag:s28] =	ssyncadd.s32 $0xFFFFD800  }
0x143: {  	[hbm4b:s11+s3] =	stream.linear.scatter [tilespmem:s30], [sflag:$0x5], $0x2800, $0x38;
	[tilespmem:$0x1EC00] =	vst v63  }
0x144: {  	_ =	swait.ge [sflag:s28], $0x2800  }
0x145: {  	[sflag:s28] =	ssyncset.done $0x0  }
0x146: {  	[sflag:s28] =	ssyncadd.s32 $0xFFFFD800  }
0x147: {  	[tilespmem:s30], [sflag:$0x5] =	stream.linear.gather [spmem:s21], $0x2800, $0x38;
	[tilespmem:$0x1EC00] =	vst v63  }
0x148: {  	_ =	swait.ge [sflag:s28], $0x2800  }
0x149: {  	[sflag:s28] =	ssyncset.done $0x0  }
0x14a: {  	s12 =	rddreg [dreg:$0xa];
	[sflag:s28] =	ssyncadd.s32 $0xFFFFD800  }
0x14b: {  	[hbm4b:s12+s3] =	stream.linear.scatter [tilespmem:s30], [sflag:$0x5], $0x2800, $0x38;
	[tilespmem:$0x1EC00] =	vst v63  }
0x14c: {  	s9 =	sadd.s32 $0x1, s9;
	_ =	swait.ge [sflag:s28], $0x2800  }
0x14d: {  	p0 =	sne.s32 s9, s26;
	s13 =	simm.s32 $0x80;
	[sflag:s28] =	ssyncset.done $0x0  }
.Ltmp4:
0x14e: {  	s11 =	simm.s32 $0x400;
	[sflag:s28] =	ssyncadd.s32 $0xFFFFD800;
	(pc) =	sbr.rel @p0 .LBB2_1-.Ltmp4, $4  }
0x14f: {  	[hbm4b:s25+s13] =	stream.strided.scatter [tilespmem:s5], [sflag:$0x5], $0x2800, s11, s13, $0x38;
	[tilespmem:$0x1EC00] =	vst v63  }
0x150: {  	_ =	swait.ge [sflag:s28], $0x2800  }
0x151: {  	[sflag:s28] =	ssyncset.done $0x0  }
0x152: {  	[sflag:s28] =	ssyncadd.s32 $0xFFFFD800  }
0x153: {  	_ =	sfence.sel $0x180000  }
0x154: {  	[bflag:$0x0] =	sbarrier.arrive $0xFFFF  }
0x155: {  	_ =	strace $0x90000047  }
0x156: {  	s0 =	stileid.u32;
	[bflag:$0x2] =	sbarrier.arrive $0xFFFF  }
0x157: {  	p0 =	sne.s32 s0, $0x0;
	s0 =	rddreg [dreg:$0x2]  }
0x158: {  	s0 =	sadd.s32 @!p0 $0x100000, s0  }
0x159: {  	[sflag:s0] =	ssyncadd.tile.s32 @!p0 $0x1;
	_ =	shalt  }
.Lfunc_end2:
_tile_overlayer_lowered:
.L_overlay_start_2:
0x15a: {  	(tag) =	ssettag $0x2  }
0x15b: {  	s0 =	rddreg [dreg:$0x0];
	s2 =	stileid.u32  }
0x15c: {  	s1 =	rddreg [dreg:$0x1];
	p0 =	sne.s32 s2, $0x0  }
0x15d: {  	s3 =	rddreg [dreg:$0x2];
	[bflag:$0x3] =	sbarrier.arrive $0xFFFF;
	s2 =	simm.s32 @!p0 $0x1C05  }
0x15e: {  	[timem:s3], [sflag:s2] =	dma.local @!p0 [hbm:s0], s1  }
0x15f: {  	s0 =	simm.s32 @!p0 $0x5  }
0x160: {  	_ =	swait.ge @!p0 [sflag:s0], s1  }
0x161: {  	s1 =	ssub.s32 @!p0 $0x0, s1;
	[sflag:s0] =	ssyncset.done @!p0 $0x0  }
0x162: {  	[sflag:s0] =	ssyncadd.s32 @!p0 s1  }
0x163: {  	[bflag:$0x3] =	sbarrier.arrive $0xFFFF  }
0x164: {  	_ =	shalt  }

</sc_bundles>
